<compile_context>
chip_gen: v7x
topology: tpu7x:2x2x1
jax: 0.10.2.dev20260603
libtpu: 0.0.44.dev20260713+nightly
codegen_flags: <defaults>
</compile_context>

<pallas_src>
import functools

import jax
import jax.numpy as jnp
from jax import lax
from jax.experimental import pallas as pl
from jax.experimental.pallas import tpu as pltpu
from jax.experimental.pallas import tpu_sc as plsc

N = 10000
E = 320000
D_FEAT = 128
D_EMB = 64
D_HID = 128
STEPS = 4
NUM_GRAPHS = 64

NC = 2
NS = 16
NW = NC * NS
CHUNK = 128
EDGES_PER_W = E // NW
NCHUNK = 79
EPW_PAD = NCHUNK * CHUNK
ROWS_PER_SUB = 632
NPAD = ROWS_PER_SUB * NS

ROW_BLK = 1000
GRID_N = N // ROW_BLK



def _input_body(x_ref, win_ref, wg_ref, h_ref, m_ref):
    h = jnp.tanh(jnp.dot(x_ref[...], win_ref[...],
                         preferred_element_type=jnp.float32))
    h_ref[...] = h
    m_ref[...] = jnp.dot(h, wg_ref[...], preferred_element_type=jnp.float32)


def _input_layer(x, win_pad, wg0):
    return pl.pallas_call(
        _input_body,
        grid=(GRID_N,),
        in_specs=[
            pl.BlockSpec((ROW_BLK, D_FEAT), lambda i: (i, 0)),
            pl.BlockSpec((D_FEAT, D_HID), lambda i: (0, 0)),
            pl.BlockSpec((D_HID, D_HID), lambda i: (0, 0)),
        ],
        out_specs=[
            pl.BlockSpec((ROW_BLK, D_HID), lambda i: (i, 0)),
            pl.BlockSpec((ROW_BLK, D_HID), lambda i: (i, 0)),
        ],
        out_shape=[
            jax.ShapeDtypeStruct((N, D_HID), jnp.float32),
            jax.ShapeDtypeStruct((N, D_HID), jnp.float32),
        ],
    )(x, win_pad, wg0)


def _gru_body(parts_ref, h_ref, wih_ref, whh_ref, bih_ref, bhh_ref, wg_ref,
              hn_ref, mn_ref):
    inp = parts_ref[0] + parts_ref[1]
    h = h_ref[...]
    gi = jnp.dot(inp, wih_ref[...], preferred_element_type=jnp.float32) + bih_ref[...]
    gh = jnp.dot(h, whh_ref[...], preferred_element_type=jnp.float32) + bhh_ref[...]
    i_r = gi[:, 0:D_HID]
    i_z = gi[:, D_HID:2 * D_HID]
    i_n = gi[:, 2 * D_HID:3 * D_HID]
    h_r = gh[:, 0:D_HID]
    h_z = gh[:, D_HID:2 * D_HID]
    h_n = gh[:, 2 * D_HID:3 * D_HID]
    r = jax.nn.sigmoid(i_r + h_r)
    z = jax.nn.sigmoid(i_z + h_z)
    n = jnp.tanh(i_n + r * h_n)
    hn = (1.0 - z) * n + z * h
    hn_ref[...] = hn
    mn_ref[...] = jnp.dot(hn, wg_ref[...], preferred_element_type=jnp.float32)


def _gru_step(parts, h, wih_t, whh_t, bih, bhh, wg_next):
    return pl.pallas_call(
        _gru_body,
        grid=(GRID_N,),
        in_specs=[
            pl.BlockSpec((NC, ROW_BLK, D_HID), lambda i: (0, i, 0)),
            pl.BlockSpec((ROW_BLK, D_HID), lambda i: (i, 0)),
            pl.BlockSpec((D_HID, 3 * D_HID), lambda i: (0, 0)),
            pl.BlockSpec((D_HID, 3 * D_HID), lambda i: (0, 0)),
            pl.BlockSpec((1, 3 * D_HID), lambda i: (0, 0)),
            pl.BlockSpec((1, 3 * D_HID), lambda i: (0, 0)),
            pl.BlockSpec((D_HID, D_HID), lambda i: (0, 0)),
        ],
        out_specs=[
            pl.BlockSpec((ROW_BLK, D_HID), lambda i: (i, 0)),
            pl.BlockSpec((ROW_BLK, D_HID), lambda i: (i, 0)),
        ],
        out_shape=[
            jax.ShapeDtypeStruct((N, D_HID), jnp.float32),
            jax.ShapeDtypeStruct((N, D_HID), jnp.float32),
        ],
    )(parts, h, wih_t, whh_t, bih, bhh, wg_next)


def _pool_body(batch_ref, h_ref, wpred_ref, bpred_ref, out_ref, acc, cnt):
    i = pl.program_id(0)

    @pl.when(i == 0)
    def _():
        acc[...] = jnp.zeros_like(acc)
        cnt[...] = jnp.zeros_like(cnt)

    b = batch_ref[0, 0, :]
    gids = lax.broadcasted_iota(jnp.int32, (ROW_BLK, NUM_GRAPHS), 1)
    p = (b[:, None] == gids).astype(jnp.float32)
    acc[...] += lax.dot_general(p, h_ref[...], (((0,), (0,)), ((), ())),
                                preferred_element_type=jnp.float32)
    cnt[...] += lax.dot_general(p, jnp.ones((ROW_BLK, D_HID), jnp.float32),
                                (((0,), (0,)), ((), ())),
                                preferred_element_type=jnp.float32)

    @pl.when(i == GRID_N - 1)
    def _():
        pooled = acc[...] / jnp.maximum(cnt[...], 1.0)
        pooled = jnp.maximum(pooled, 0.0)
        out_ref[...] = lax.dot_general(
            wpred_ref[...], pooled, (((1,), (1,)), ((), ())),
            preferred_element_type=jnp.float32) + bpred_ref[...]


def _pool(batch3, h, wpred, bpred2):
    return pl.pallas_call(
        _pool_body,
        grid=(GRID_N,),
        in_specs=[
            pl.BlockSpec((1, 1, ROW_BLK), lambda i: (i, 0, 0)),
            pl.BlockSpec((ROW_BLK, D_HID), lambda i: (i, 0)),
            pl.BlockSpec((1, D_HID), lambda i: (0, 0)),
            pl.BlockSpec((1, NUM_GRAPHS), lambda i: (0, 0)),
        ],
        out_specs=pl.BlockSpec((1, NUM_GRAPHS), lambda i: (0, 0)),
        out_shape=jax.ShapeDtypeStruct((1, NUM_GRAPHS), jnp.float32),
        scratch_shapes=[
            pltpu.VMEM((NUM_GRAPHS, D_HID), jnp.float32),
            pltpu.VMEM((NUM_GRAPHS, D_HID), jnp.float32),
        ],
    )(batch3, h, wpred, bpred2)



@functools.lru_cache(maxsize=None)
def _build_sc_spmm():
    mesh = plsc.VectorSubcoreMesh(core_axis_name="c", subcore_axis_name="s")

    @functools.partial(
        pl.kernel,
        out_type=jax.ShapeDtypeStruct((NC, NPAD, D_HID), jnp.float32),
        mesh=mesh,
        scratch_types=[
            pltpu.VMEM((2, CHUNK), jnp.int32),
            pltpu.VMEM((2, CHUNK), jnp.int32),
            pltpu.VMEM((2, CHUNK, D_HID), jnp.float32),
            pltpu.VMEM_SHARED((NPAD, D_HID), jnp.float32),
            pltpu.SemaphoreType.DMA,
            pltpu.SemaphoreType.DMA,
            pltpu.SemaphoreType.DMA,
            pltpu.SemaphoreType.DMA,
        ],
    )
    def sc_spmm(m_hbm, sd_hbm, zeros_hbm, out_hbm,
                sd0, sd1, rows_v, agg_sh,
                gsem0, gsem1, ssem0, ssem1):
        c = lax.axis_index("c")
        s = lax.axis_index("s")
        row0 = s * ROWS_PER_SUB
        sd = (sd0, sd1)
        gsem = (gsem0, gsem1)
        ssem = (ssem0, ssem1)

        def load_idx(j, b):
            pltpu.sync_copy(sd_hbm.at[c, s, j], sd[b])

        def gather(b):
            pltpu.async_copy(m_hbm.at[sd[b].at[0]], rows_v.at[b], gsem[b])

        def gather_wait(b):
            pltpu.make_async_copy(m_hbm.at[sd[b].at[0]], rows_v.at[b],
                                  gsem[b]).wait()

        def scatter(b):
            pltpu.async_copy(rows_v.at[b], agg_sh.at[sd[b].at[1]],
                             ssem[b], add=True)

        def scatter_wait(b):
            pltpu.make_async_copy(rows_v.at[b], agg_sh.at[sd[b].at[1]],
                                  ssem[b]).wait()

        def scatter_sync(b):
            pltpu.sync_copy(rows_v.at[b], agg_sh.at[sd[b].at[1]], add=True)

        pltpu.sync_copy(zeros_hbm, agg_sh.at[pl.ds(row0, ROWS_PER_SUB)])
        plsc.subcore_barrier()

        load_idx(0, 0)
        gather(0)
        load_idx(1, 1)
        gather(1)

        def pair(p, carry):
            j = 2 * p
            gather_wait(0)
            scatter(0)
            load_idx(j + 2, 0)
            scatter_wait(0)
            gather(0)
            gather_wait(1)
            scatter(1)
            load_idx(j + 3, 1)
            scatter_wait(1)
            gather(1)
            return carry

        lax.fori_loop(0, (NCHUNK - 3) // 2, pair, 0)
        gather_wait(0)
        scatter_sync(0)
        load_idx(NCHUNK - 1, 0)
        gather(0)
        gather_wait(1)
        scatter_sync(1)
        gather_wait(0)
        scatter_sync(0)
        plsc.subcore_barrier()
        pltpu.sync_copy(agg_sh.at[pl.ds(row0, ROWS_PER_SUB)],
                        out_hbm.at[c, pl.ds(row0, ROWS_PER_SUB)])

    return sc_spmm


def _sc_spmm(m, sdp, zeros):
    return _build_sc_spmm()(m, sdp, zeros)



def kernel(x, edge_index, batch, W_in, gg_weight, W_ih, W_hh, b_ih, b_hh,
           W_pred, b_pred):
    f32 = jnp.float32
    win_pad = jnp.pad(W_in.T.astype(f32), ((0, 0), (0, D_HID - D_EMB)))
    wih_t = W_ih.T.astype(f32)
    whh_t = W_hh.T.astype(f32)
    bih = b_ih.reshape(1, 3 * D_HID).astype(f32)
    bhh = b_hh.reshape(1, 3 * D_HID).astype(f32)
    bpred2 = jnp.broadcast_to(b_pred.reshape(1, 1),
                              (1, NUM_GRAPHS)).astype(f32)

    src = edge_index[0].reshape(NW, EDGES_PER_W)
    dst = edge_index[1].reshape(NW, EDGES_PER_W)
    pad = EPW_PAD - EDGES_PER_W
    srcp = jnp.pad(src, ((0, 0), (0, pad))).reshape(NC, NS, NCHUNK, 1, CHUNK)
    dstp = jnp.pad(dst, ((0, 0), (0, pad)),
                   constant_values=N).reshape(NC, NS, NCHUNK, 1, CHUNK)
    sdp = jnp.concatenate([srcp, dstp], axis=3)
    zeros = jnp.zeros((ROWS_PER_SUB, D_HID), f32)
    batch3 = batch.reshape(GRID_N, 1, ROW_BLK)

    h, m = _input_layer(x, win_pad, gg_weight[0])
    for i in range(STEPS):
        parts = _sc_spmm(m, sdp, zeros)
        wg_next = gg_weight[i + 1] if i + 1 < STEPS else gg_weight[0]
        h, m = _gru_step(parts, h, wih_t, whh_t, bih, bhh, wg_next)
    out = _pool(batch3, h, W_pred, bpred2)
    return out[0, :]

# --- scband reference (transcript-rebuilt; emitter-appended) ---
"""Pipeline reference for scband-model-11235634446944 (READ-ONLY COPY).

The authoritative reference and input builder live on the scoring server;
editing this copy changes nothing except your own understanding.
"""

import jax, jax.numpy as jnp
import numpy as np

N = 10000
E = 320000
D_FEAT = 128
D_EMB = 64
D_HID = 128
STEPS = 4
NUM_GRAPHS = 64


def setup_inputs(seed: int = 0) -> dict:
    key = jax.random.key(seed)
    ks = jax.random.split(key, 12)
    x = jax.random.normal(ks[0], (N, D_FEAT), dtype=jnp.float32)
    edge_index = jax.random.randint(ks[1], (2, E), 0, N, dtype=jnp.int32)
    batch = jnp.sort(jax.random.randint(ks[2], (N,), 0, NUM_GRAPHS, dtype=jnp.int32))
    # parameters
    W_in = jax.random.normal(ks[3], (D_EMB, D_FEAT), dtype=jnp.float32) * 0.05
    gg_weight = jax.random.normal(ks[4], (STEPS, D_HID, D_HID), dtype=jnp.float32) * 0.05
    W_ih = jax.random.normal(ks[5], (3 * D_HID, D_HID), dtype=jnp.float32) * 0.05
    W_hh = jax.random.normal(ks[6], (3 * D_HID, D_HID), dtype=jnp.float32) * 0.05
    b_ih = jax.random.normal(ks[7], (3 * D_HID,), dtype=jnp.float32) * 0.05
    b_hh = jax.random.normal(ks[8], (3 * D_HID,), dtype=jnp.float32) * 0.05
    W_pred = jax.random.normal(ks[9], (1, D_HID), dtype=jnp.float32) * 0.05
    b_pred = jax.random.normal(ks[10], (1,), dtype=jnp.float32) * 0.05
    return {"x": x, "edge_index": edge_index, "batch": batch, "W_in": W_in,
            "gg_weight": gg_weight, "W_ih": W_ih, "W_hh": W_hh, "b_ih": b_ih,
            "b_hh": b_hh, "W_pred": W_pred, "b_pred": b_pred}


def _gru_cell(inp, h, W_ih, W_hh, b_ih, b_hh):
    gi = inp @ W_ih.T + b_ih
    gh = h @ W_hh.T + b_hh
    i_r, i_z, i_n = jnp.split(gi, 3, axis=1)
    h_r, h_z, h_n = jnp.split(gh, 3, axis=1)
    r = jax.nn.sigmoid(i_r + h_r)
    z = jax.nn.sigmoid(i_z + h_z)
    n = jnp.tanh(i_n + r * h_n)
    return (1.0 - z) * n + z * h


def reference(x, edge_index, batch, W_in, gg_weight, W_ih, W_hh, b_ih, b_hh, W_pred, b_pred):
    # input_layer (Linear, no bias) + tanh
    h = jnp.tanh(x @ W_in.T)  # [N, D_EMB]
    # GatedGraphConv pads input to out_channels with zeros
    h = jnp.pad(h, ((0, 0), (0, D_HID - D_EMB)))  # [N, D_HID]
    src = edge_index[0]
    dst = edge_index[1]
    for i in range(STEPS):
        m = h @ gg_weight[i]                      # [N, D_HID]
        msgs = jnp.take(m, src, axis=0)           # gather per-edge messages
        agg = jax.ops.segment_sum(msgs, dst, num_segments=N)  # scatter-add (aggr='add')
        h = _gru_cell(agg, h, W_ih, W_hh, b_ih, b_hh)
    # global_mean_pool
    sums = jax.ops.segment_sum(h, batch, num_segments=NUM_GRAPHS)
    counts = jax.ops.segment_sum(jnp.ones((N, 1), dtype=jnp.float32), batch, num_segments=NUM_GRAPHS)
    pooled = sums / jnp.maximum(counts, 1.0)
    pooled = jax.nn.relu(pooled)
    out = pooled @ W_pred.T + b_pred              # [NUM_GRAPHS, 1]
    return out.squeeze(1)

if __name__ == "__main__":
    import jax
    _d = setup_inputs()
    print(jax.jit(kernel)(*tuple(_d.values())))

</pallas_src>

<mosaic_0001>
#map = affine_map<(d0, d1) -> (0, 0)>
#map1 = affine_map<(d0, d1) -> (0, 0, 0, 0, 0)>
#map2 = affine_map<(d0, d1) -> (0, 0, 0)>
module attributes {stable_mosaic.version = 14 : i64} {
  func.func @sc_spmm(%arg0: i32, %arg1: i32, %arg2: memref<10000x128xf32, #tpu.memory_space<hbm>>, %arg3: memref<2x16x79x2x128xi32, #tpu.memory_space<hbm>>, %arg4: memref<632x128xf32, #tpu.memory_space<hbm>>, %arg5: memref<2x10112x128xf32, #tpu.memory_space<hbm>>, %arg6: memref<2x128xi32, #tpu.memory_space<vmem>>, %arg7: memref<2x128xi32, #tpu.memory_space<vmem>>, %arg8: memref<2x128x128xf32, #tpu.memory_space<vmem>>, %arg9: memref<10112x128xf32, #tpu.memory_space<vmem_shared>>, %arg10: memref<!tpu.dma_semaphore, #tpu.memory_space<semaphore_mem>>, %arg11: memref<!tpu.dma_semaphore, #tpu.memory_space<semaphore_mem>>, %arg12: memref<!tpu.dma_semaphore, #tpu.memory_space<semaphore_mem>>, %arg13: memref<!tpu.dma_semaphore, #tpu.memory_space<semaphore_mem>>) attributes {dimension_semantics = [#tpu.dimension_semantics<core_parallel>, #tpu.dimension_semantics<subcore_parallel>], iteration_bounds = array<i64: 2, 16>, scalar_prefetch = 0 : i64, scratch_operands = 8 : i64, tpu.core_type = #tpu.core_type<sc_vector_subcore>, window_params = [{transform_indices = #map}, {transform_indices = #map1}, {transform_indices = #map}, {transform_indices = #map2}]} {
    %mul3A = arith.constant 632 : i32
    %mul3A_0 = arith.muli %arg1, %mul3A : i32
    "tpu.region"() ({
      %run_scoped3A_85 = tpu.sem_alloc : memref<!tpu.dma_semaphore, #tpu.memory_space<semaphore_mem>>
      %dma_start3A_86 = arith.constant 0 : i32
      %dma_start3A_87 = tpu.memref_slice %arg9[%mul3A_0, %dma_start3A_86] : memref<10112x128xf32, #tpu.memory_space<vmem_shared>> -> memref<632x128xf32, #tpu.memory_space<vmem_shared>>
      tpu.enqueue_dma source(%arg4 : memref<632x128xf32, #tpu.memory_space<hbm>>) target(%dma_start3A_87 : memref<632x128xf32, #tpu.memory_space<vmem_shared>>) target_semaphore(%run_scoped3A_85 : memref<!tpu.dma_semaphore, #tpu.memory_space<semaphore_mem>>)
      %dma_wait3A_88 = arith.constant 0 : i32
      %dma_wait3A_89 = tpu.memref_slice %arg9[%mul3A_0, %dma_wait3A_88] : memref<10112x128xf32, #tpu.memory_space<vmem_shared>> -> memref<632x128xf32, #tpu.memory_space<vmem_shared>>
      tpu.wait_dma2 semaphore(%run_scoped3A_85 : memref<!tpu.dma_semaphore, #tpu.memory_space<semaphore_mem>>) src(%arg4 : memref<632x128xf32, #tpu.memory_space<hbm>>) dst(%dma_wait3A_89 : memref<632x128xf32, #tpu.memory_space<vmem_shared>>)
      tpu.yield
    }) : () -> ()
    %barrier3A = arith.constant 0 : index
    tpu.barrier barrier_id(%barrier3A)
    %run_scoped3A = arith.constant 0 : i32
    "tpu.region"() ({
      %run_scoped3A_85 = tpu.sem_alloc : memref<!tpu.dma_semaphore, #tpu.memory_space<semaphore_mem>>
      %dma_start3A_86 = arith.constant 0 : i32
      %dma_start3A_87 = arith.constant 0 : i32
      %dma_start3A_88 = tpu.memref_slice %arg3[%arg0, %arg1, %run_scoped3A, %dma_start3A_86, %dma_start3A_87] : memref<2x16x79x2x128xi32, #tpu.memory_space<hbm>> -> memref<1x1x1x2x128xi32, #tpu.memory_space<hbm>>
      %dma_start3A_89 = tpu.memref_squeeze %dma_start3A_88 : memref<1x1x1x2x128xi32, #tpu.memory_space<hbm>> -> memref<2x128xi32, #tpu.memory_space<hbm>>
      %dma_start3A_90 = arith.constant 0 : i32
      %dma_start3A_91 = arith.constant 0 : i32
      %dma_start3A_92 = tpu.memref_slice %arg3[%arg0, %arg1, %run_scoped3A, %dma_start3A_90, %dma_start3A_91] : memref<2x16x79x2x128xi32, #tpu.memory_space<hbm>> -> memref<1x1x1x2x128xi32, #tpu.memory_space<hbm>>
      %dma_start3A_93 = tpu.memref_squeeze %dma_start3A_92 : memref<1x1x1x2x128xi32, #tpu.memory_space<hbm>> -> memref<2x128xi32, #tpu.memory_space<hbm>>
      tpu.enqueue_dma source(%dma_start3A_93 : memref<2x128xi32, #tpu.memory_space<hbm>>) target(%arg6 : memref<2x128xi32, #tpu.memory_space<vmem>>) target_semaphore(%run_scoped3A_85 : memref<!tpu.dma_semaphore, #tpu.memory_space<semaphore_mem>>)
      %dma_wait3A_94 = arith.constant 0 : i32
      %dma_wait3A_95 = arith.constant 0 : i32
      %dma_wait3A_96 = tpu.memref_slice %arg3[%arg0, %arg1, %run_scoped3A, %dma_wait3A_94, %dma_wait3A_95] : memref<2x16x79x2x128xi32, #tpu.memory_space<hbm>> -> memref<1x1x1x2x128xi32, #tpu.memory_space<hbm>>
      %dma_wait3A_97 = tpu.memref_squeeze %dma_wait3A_96 : memref<1x1x1x2x128xi32, #tpu.memory_space<hbm>> -> memref<2x128xi32, #tpu.memory_space<hbm>>
      %dma_wait3A_98 = arith.constant 0 : i32
      %dma_wait3A_99 = arith.constant 0 : i32
      %dma_wait3A_100 = tpu.memref_slice %arg3[%arg0, %arg1, %run_scoped3A, %dma_wait3A_98, %dma_wait3A_99] : memref<2x16x79x2x128xi32, #tpu.memory_space<hbm>> -> memref<1x1x1x2x128xi32, #tpu.memory_space<hbm>>
      %dma_wait3A_101 = tpu.memref_squeeze %dma_wait3A_100 : memref<1x1x1x2x128xi32, #tpu.memory_space<hbm>> -> memref<2x128xi32, #tpu.memory_space<hbm>>
      tpu.wait_dma2 semaphore(%run_scoped3A_85 : memref<!tpu.dma_semaphore, #tpu.memory_space<semaphore_mem>>) src(%dma_wait3A_101 : memref<2x128xi32, #tpu.memory_space<hbm>>) dst(%arg6 : memref<2x128xi32, #tpu.memory_space<vmem>>)
      tpu.yield
    }) : () -> ()
    %dma_start3A = arith.constant 0 : i32
    %dma_start3A_1 = arith.constant 0 : i32
    %dma_start3A_2 = arith.constant 0 : i32
    %dma_start3A_3 = arith.constant 0 : i32
    %dma_start3A_4 = tpu.memref_slice %arg8[%dma_start3A_1, %dma_start3A_2, %dma_start3A_3] : memref<2x128x128xf32, #tpu.memory_space<vmem>> -> memref<1x128x128xf32, #tpu.memory_space<vmem>>
    %dma_start3A_5 = tpu.memref_squeeze %dma_start3A_4 : memref<1x128x128xf32, #tpu.memory_space<vmem>> -> memref<128x128xf32, #tpu.memory_space<vmem>>
    %dma_start3A_6 = arith.constant 0 : i32
    %dma_start3A_7 = tpu.memref_slice %arg6[%dma_start3A, %dma_start3A_6] : memref<2x128xi32, #tpu.memory_space<vmem>> -> memref<1x128xi32, #tpu.memory_space<vmem>>
    %dma_start3A_8 = tpu.memref_squeeze %dma_start3A_7 : memref<1x128xi32, #tpu.memory_space<vmem>> -> memref<128xi32, #tpu.memory_space<vmem>>
    %dma_start3A_9 = arith.constant 0 : i32
    %dma_start3A_10 = arith.constant 0 : i32
    %dma_start3A_11 = tpu.memref_slice %arg2[%dma_start3A_9, %dma_start3A_10] : memref<10000x128xf32, #tpu.memory_space<hbm>> -> memref<10000x128xf32, #tpu.memory_space<hbm>>
    tpu.enqueue_indirect_dma source(%dma_start3A_11 : memref<10000x128xf32, #tpu.memory_space<hbm>>) target(%dma_start3A_5 : memref<128x128xf32, #tpu.memory_space<vmem>>) offsets(%dma_start3A_8 : memref<128xi32, #tpu.memory_space<vmem>>) semaphore(%arg10 : memref<!tpu.dma_semaphore, #tpu.memory_space<semaphore_mem>>)
    %run_scoped3A_12 = arith.constant 1 : i32
    "tpu.region"() ({
      %run_scoped3A_85 = tpu.sem_alloc : memref<!tpu.dma_semaphore, #tpu.memory_space<semaphore_mem>>
      %dma_start3A_86 = arith.constant 0 : i32
      %dma_start3A_87 = arith.constant 0 : i32
      %dma_start3A_88 = tpu.memref_slice %arg3[%arg0, %arg1, %run_scoped3A_12, %dma_start3A_86, %dma_start3A_87] : memref<2x16x79x2x128xi32, #tpu.memory_space<hbm>> -> memref<1x1x1x2x128xi32, #tpu.memory_space<hbm>>
      %dma_start3A_89 = tpu.memref_squeeze %dma_start3A_88 : memref<1x1x1x2x128xi32, #tpu.memory_space<hbm>> -> memref<2x128xi32, #tpu.memory_space<hbm>>
      %dma_start3A_90 = arith.constant 0 : i32
      %dma_start3A_91 = arith.constant 0 : i32
      %dma_start3A_92 = tpu.memref_slice %arg3[%arg0, %arg1, %run_scoped3A_12, %dma_start3A_90, %dma_start3A_91] : memref<2x16x79x2x128xi32, #tpu.memory_space<hbm>> -> memref<1x1x1x2x128xi32, #tpu.memory_space<hbm>>
      %dma_start3A_93 = tpu.memref_squeeze %dma_start3A_92 : memref<1x1x1x2x128xi32, #tpu.memory_space<hbm>> -> memref<2x128xi32, #tpu.memory_space<hbm>>
      tpu.enqueue_dma source(%dma_start3A_93 : memref<2x128xi32, #tpu.memory_space<hbm>>) target(%arg7 : memref<2x128xi32, #tpu.memory_space<vmem>>) target_semaphore(%run_scoped3A_85 : memref<!tpu.dma_semaphore, #tpu.memory_space<semaphore_mem>>)
      %dma_wait3A_94 = arith.constant 0 : i32
      %dma_wait3A_95 = arith.constant 0 : i32
      %dma_wait3A_96 = tpu.memref_slice %arg3[%arg0, %arg1, %run_scoped3A_12, %dma_wait3A_94, %dma_wait3A_95] : memref<2x16x79x2x128xi32, #tpu.memory_space<hbm>> -> memref<1x1x1x2x128xi32, #tpu.memory_space<hbm>>
      %dma_wait3A_97 = tpu.memref_squeeze %dma_wait3A_96 : memref<1x1x1x2x128xi32, #tpu.memory_space<hbm>> -> memref<2x128xi32, #tpu.memory_space<hbm>>
      %dma_wait3A_98 = arith.constant 0 : i32
      %dma_wait3A_99 = arith.constant 0 : i32
      %dma_wait3A_100 = tpu.memref_slice %arg3[%arg0, %arg1, %run_scoped3A_12, %dma_wait3A_98, %dma_wait3A_99] : memref<2x16x79x2x128xi32, #tpu.memory_space<hbm>> -> memref<1x1x1x2x128xi32, #tpu.memory_space<hbm>>
      %dma_wait3A_101 = tpu.memref_squeeze %dma_wait3A_100 : memref<1x1x1x2x128xi32, #tpu.memory_space<hbm>> -> memref<2x128xi32, #tpu.memory_space<hbm>>
      tpu.wait_dma2 semaphore(%run_scoped3A_85 : memref<!tpu.dma_semaphore, #tpu.memory_space<semaphore_mem>>) src(%dma_wait3A_101 : memref<2x128xi32, #tpu.memory_space<hbm>>) dst(%arg7 : memref<2x128xi32, #tpu.memory_space<vmem>>)
      tpu.yield
    }) : () -> ()
    %dma_start3A_13 = arith.constant 0 : i32
    %dma_start3A_14 = arith.constant 1 : i32
    %dma_start3A_15 = arith.constant 0 : i32
    %dma_start3A_16 = arith.constant 0 : i32
    %dma_start3A_17 = tpu.memref_slice %arg8[%dma_start3A_14, %dma_start3A_15, %dma_start3A_16] : memref<2x128x128xf32, #tpu.memory_space<vmem>> -> memref<1x128x128xf32, #tpu.memory_space<vmem>>
    %dma_start3A_18 = tpu.memref_squeeze %dma_start3A_17 : memref<1x128x128xf32, #tpu.memory_space<vmem>> -> memref<128x128xf32, #tpu.memory_space<vmem>>
    %dma_start3A_19 = arith.constant 0 : i32
    %dma_start3A_20 = tpu.memref_slice %arg7[%dma_start3A_13, %dma_start3A_19] : memref<2x128xi32, #tpu.memory_space<vmem>> -> memref<1x128xi32, #tpu.memory_space<vmem>>
    %dma_start3A_21 = tpu.memref_squeeze %dma_start3A_20 : memref<1x128xi32, #tpu.memory_space<vmem>> -> memref<128xi32, #tpu.memory_space<vmem>>
    %dma_start3A_22 = arith.constant 0 : i32
    %dma_start3A_23 = arith.constant 0 : i32
    %dma_start3A_24 = tpu.memref_slice %arg2[%dma_start3A_22, %dma_start3A_23] : memref<10000x128xf32, #tpu.memory_space<hbm>> -> memref<10000x128xf32, #tpu.memory_space<hbm>>
    tpu.enqueue_indirect_dma source(%dma_start3A_24 : memref<10000x128xf32, #tpu.memory_space<hbm>>) target(%dma_start3A_18 : memref<128x128xf32, #tpu.memory_space<vmem>>) offsets(%dma_start3A_21 : memref<128xi32, #tpu.memory_space<vmem>>) semaphore(%arg11 : memref<!tpu.dma_semaphore, #tpu.memory_space<semaphore_mem>>)
    %scan3A = arith.constant 0 : i32
    %scan3A_25 = arith.constant 0 : i32
    %scan3A_26 = arith.constant 38 : i32
    %scan3A_27 = arith.addi %scan3A_25, %scan3A_26 : i32
    %scan3A_28 = arith.constant 1 : i32
    scf.for %scan3A_85 = %scan3A_25 to %scan3A_27 step %scan3A_28  : i32 {
      %mul3A_86 = arith.constant 2 : i32
      %mul3A_87 = arith.muli %mul3A_86, %scan3A_85 : i32
      %dma_wait3A_88 = arith.constant 0 : i32
      %dma_wait3A_89 = arith.constant 0 : i32
      %dma_wait3A_90 = arith.constant 0 : i32
      %dma_wait3A_91 = arith.constant 0 : i32
      %dma_wait3A_92 = tpu.memref_slice %arg8[%dma_wait3A_89, %dma_wait3A_90, %dma_wait3A_91] : memref<2x128x128xf32, #tpu.memory_space<vmem>> -> memref<1x128x128xf32, #tpu.memory_space<vmem>>
      %dma_wait3A_93 = tpu.memref_squeeze %dma_wait3A_92 : memref<1x128x128xf32, #tpu.memory_space<vmem>> -> memref<128x128xf32, #tpu.memory_space<vmem>>
      %dma_wait3A_94 = arith.constant 0 : i32
      %dma_wait3A_95 = tpu.memref_slice %arg6[%dma_wait3A_88, %dma_wait3A_94] : memref<2x128xi32, #tpu.memory_space<vmem>> -> memref<1x128xi32, #tpu.memory_space<vmem>>
      %dma_wait3A_96 = tpu.memref_squeeze %dma_wait3A_95 : memref<1x128xi32, #tpu.memory_space<vmem>> -> memref<128xi32, #tpu.memory_space<vmem>>
      %dma_wait3A_97 = arith.constant 0 : i32
      %dma_wait3A_98 = arith.constant 0 : i32
      %dma_wait3A_99 = tpu.memref_slice %arg2[%dma_wait3A_97, %dma_wait3A_98] : memref<10000x128xf32, #tpu.memory_space<hbm>> -> memref<10000x128xf32, #tpu.memory_space<hbm>>
      tpu.wait_indirect_dma semaphore(%arg10 : memref<!tpu.dma_semaphore, #tpu.memory_space<semaphore_mem>>) src(%dma_wait3A_99 : memref<10000x128xf32, #tpu.memory_space<hbm>>) dst(%dma_wait3A_93 : memref<128x128xf32, #tpu.memory_space<vmem>>)
      %dma_start3A_100 = arith.constant 0 : i32
      %dma_start3A_101 = arith.constant 1 : i32
      %dma_start3A_102 = arith.constant 0 : i32
      %dma_start3A_103 = arith.constant 0 : i32
      %dma_start3A_104 = tpu.memref_slice %arg8[%dma_start3A_100, %dma_start3A_102, %dma_start3A_103] : memref<2x128x128xf32, #tpu.memory_space<vmem>> -> memref<1x128x128xf32, #tpu.memory_space<vmem>>
      %dma_start3A_105 = tpu.memref_squeeze %dma_start3A_104 : memref<1x128x128xf32, #tpu.memory_space<vmem>> -> memref<128x128xf32, #tpu.memory_space<vmem>>
      %dma_start3A_106 = arith.constant 0 : i32
      %dma_start3A_107 = tpu.memref_slice %arg6[%dma_start3A_101, %dma_start3A_106] : memref<2x128xi32, #tpu.memory_space<vmem>> -> memref<1x128xi32, #tpu.memory_space<vmem>>
      %dma_start3A_108 = tpu.memref_squeeze %dma_start3A_107 : memref<1x128xi32, #tpu.memory_space<vmem>> -> memref<128xi32, #tpu.memory_space<vmem>>
      %dma_start3A_109 = arith.constant 0 : i32
      %dma_start3A_110 = arith.constant 0 : i32
      %dma_start3A_111 = tpu.memref_slice %arg9[%dma_start3A_109, %dma_start3A_110] : memref<10112x128xf32, #tpu.memory_space<vmem_shared>> -> memref<10112x128xf32, #tpu.memory_space<vmem_shared>>
      tpu.enqueue_indirect_dma source(%dma_start3A_105 : memref<128x128xf32, #tpu.memory_space<vmem>>) target(%dma_start3A_111 : memref<10112x128xf32, #tpu.memory_space<vmem_shared>>) offsets(%dma_start3A_108 : memref<128xi32, #tpu.memory_space<vmem>>) semaphore(%arg12 : memref<!tpu.dma_semaphore, #tpu.memory_space<semaphore_mem>>) {add = true}
      %add3A = arith.constant 2 : i32
      %add3A_112 = arith.addi %mul3A_87, %add3A : i32
      "tpu.region"() ({
        %run_scoped3A_187 = tpu.sem_alloc : memref<!tpu.dma_semaphore, #tpu.memory_space<semaphore_mem>>
        %dma_start3A_188 = arith.constant 0 : i32
        %dma_start3A_189 = arith.constant 0 : i32
        %dma_start3A_190 = tpu.memref_slice %arg3[%arg0, %arg1, %add3A_112, %dma_start3A_188, %dma_start3A_189] : memref<2x16x79x2x128xi32, #tpu.memory_space<hbm>> -> memref<1x1x1x2x128xi32, #tpu.memory_space<hbm>>
        %dma_start3A_191 = tpu.memref_squeeze %dma_start3A_190 : memref<1x1x1x2x128xi32, #tpu.memory_space<hbm>> -> memref<2x128xi32, #tpu.memory_space<hbm>>
        %dma_start3A_192 = arith.constant 0 : i32
        %dma_start3A_193 = arith.constant 0 : i32
        %dma_start3A_194 = tpu.memref_slice %arg3[%arg0, %arg1, %add3A_112, %dma_start3A_192, %dma_start3A_193] : memref<2x16x79x2x128xi32, #tpu.memory_space<hbm>> -> memref<1x1x1x2x128xi32, #tpu.memory_space<hbm>>
        %dma_start3A_195 = tpu.memref_squeeze %dma_start3A_194 : memref<1x1x1x2x128xi32, #tpu.memory_space<hbm>> -> memref<2x128xi32, #tpu.memory_space<hbm>>
        tpu.enqueue_dma source(%dma_start3A_195 : memref<2x128xi32, #tpu.memory_space<hbm>>) target(%arg6 : memref<2x128xi32, #tpu.memory_space<vmem>>) target_semaphore(%run_scoped3A_187 : memref<!tpu.dma_semaphore, #tpu.memory_space<semaphore_mem>>)
        %dma_wait3A_196 = arith.constant 0 : i32
        %dma_wait3A_197 = arith.constant 0 : i32
        %dma_wait3A_198 = tpu.memref_slice %arg3[%arg0, %arg1, %add3A_112, %dma_wait3A_196, %dma_wait3A_197] : memref<2x16x79x2x128xi32, #tpu.memory_space<hbm>> -> memref<1x1x1x2x128xi32, #tpu.memory_space<hbm>>
        %dma_wait3A_199 = tpu.memref_squeeze %dma_wait3A_198 : memref<1x1x1x2x128xi32, #tpu.memory_space<hbm>> -> memref<2x128xi32, #tpu.memory_space<hbm>>
        %dma_wait3A_200 = arith.constant 0 : i32
        %dma_wait3A_201 = arith.constant 0 : i32
        %dma_wait3A_202 = tpu.memref_slice %arg3[%arg0, %arg1, %add3A_112, %dma_wait3A_200, %dma_wait3A_201] : memref<2x16x79x2x128xi32, #tpu.memory_space<hbm>> -> memref<1x1x1x2x128xi32, #tpu.memory_space<hbm>>
        %dma_wait3A_203 = tpu.memref_squeeze %dma_wait3A_202 : memref<1x1x1x2x128xi32, #tpu.memory_space<hbm>> -> memref<2x128xi32, #tpu.memory_space<hbm>>
        tpu.wait_dma2 semaphore(%run_scoped3A_187 : memref<!tpu.dma_semaphore, #tpu.memory_space<semaphore_mem>>) src(%dma_wait3A_203 : memref<2x128xi32, #tpu.memory_space<hbm>>) dst(%arg6 : memref<2x128xi32, #tpu.memory_space<vmem>>)
        tpu.yield
      }) : () -> ()
      %dma_wait3A_113 = arith.constant 0 : i32
      %dma_wait3A_114 = arith.constant 1 : i32
      %dma_wait3A_115 = arith.constant 0 : i32
      %dma_wait3A_116 = arith.constant 0 : i32
      %dma_wait3A_117 = tpu.memref_slice %arg8[%dma_wait3A_113, %dma_wait3A_115, %dma_wait3A_116] : memref<2x128x128xf32, #tpu.memory_space<vmem>> -> memref<1x128x128xf32, #tpu.memory_space<vmem>>
      %dma_wait3A_118 = tpu.memref_squeeze %dma_wait3A_117 : memref<1x128x128xf32, #tpu.memory_space<vmem>> -> memref<128x128xf32, #tpu.memory_space<vmem>>
      %dma_wait3A_119 = arith.constant 0 : i32
      %dma_wait3A_120 = tpu.memref_slice %arg6[%dma_wait3A_114, %dma_wait3A_119] : memref<2x128xi32, #tpu.memory_space<vmem>> -> memref<1x128xi32, #tpu.memory_space<vmem>>
      %dma_wait3A_121 = tpu.memref_squeeze %dma_wait3A_120 : memref<1x128xi32, #tpu.memory_space<vmem>> -> memref<128xi32, #tpu.memory_space<vmem>>
      %dma_wait3A_122 = arith.constant 0 : i32
      %dma_wait3A_123 = arith.constant 0 : i32
      %dma_wait3A_124 = tpu.memref_slice %arg9[%dma_wait3A_122, %dma_wait3A_123] : memref<10112x128xf32, #tpu.memory_space<vmem_shared>> -> memref<10112x128xf32, #tpu.memory_space<vmem_shared>>
      tpu.wait_indirect_dma semaphore(%arg12 : memref<!tpu.dma_semaphore, #tpu.memory_space<semaphore_mem>>) src(%dma_wait3A_118 : memref<128x128xf32, #tpu.memory_space<vmem>>) dst(%dma_wait3A_124 : memref<10112x128xf32, #tpu.memory_space<vmem_shared>>)
      %dma_start3A_125 = arith.constant 0 : i32
      %dma_start3A_126 = arith.constant 0 : i32
      %dma_start3A_127 = arith.constant 0 : i32
      %dma_start3A_128 = arith.constant 0 : i32
      %dma_start3A_129 = tpu.memref_slice %arg8[%dma_start3A_126, %dma_start3A_127, %dma_start3A_128] : memref<2x128x128xf32, #tpu.memory_space<vmem>> -> memref<1x128x128xf32, #tpu.memory_space<vmem>>
      %dma_start3A_130 = tpu.memref_squeeze %dma_start3A_129 : memref<1x128x128xf32, #tpu.memory_space<vmem>> -> memref<128x128xf32, #tpu.memory_space<vmem>>
      %dma_start3A_131 = arith.constant 0 : i32
      %dma_start3A_132 = tpu.memref_slice %arg6[%dma_start3A_125, %dma_start3A_131] : memref<2x128xi32, #tpu.memory_space<vmem>> -> memref<1x128xi32, #tpu.memory_space<vmem>>
      %dma_start3A_133 = tpu.memref_squeeze %dma_start3A_132 : memref<1x128xi32, #tpu.memory_space<vmem>> -> memref<128xi32, #tpu.memory_space<vmem>>
      %dma_start3A_134 = arith.constant 0 : i32
      %dma_start3A_135 = arith.constant 0 : i32
      %dma_start3A_136 = tpu.memref_slice %arg2[%dma_start3A_134, %dma_start3A_135] : memref<10000x128xf32, #tpu.memory_space<hbm>> -> memref<10000x128xf32, #tpu.memory_space<hbm>>
      tpu.enqueue_indirect_dma source(%dma_start3A_136 : memref<10000x128xf32, #tpu.memory_space<hbm>>) target(%dma_start3A_130 : memref<128x128xf32, #tpu.memory_space<vmem>>) offsets(%dma_start3A_133 : memref<128xi32, #tpu.memory_space<vmem>>) semaphore(%arg10 : memref<!tpu.dma_semaphore, #tpu.memory_space<semaphore_mem>>)
      %dma_wait3A_137 = arith.constant 0 : i32
      %dma_wait3A_138 = arith.constant 1 : i32
      %dma_wait3A_139 = arith.constant 0 : i32
      %dma_wait3A_140 = arith.constant 0 : i32
      %dma_wait3A_141 = tpu.memref_slice %arg8[%dma_wait3A_138, %dma_wait3A_139, %dma_wait3A_140] : memref<2x128x128xf32, #tpu.memory_space<vmem>> -> memref<1x128x128xf32, #tpu.memory_space<vmem>>
      %dma_wait3A_142 = tpu.memref_squeeze %dma_wait3A_141 : memref<1x128x128xf32, #tpu.memory_space<vmem>> -> memref<128x128xf32, #tpu.memory_space<vmem>>
      %dma_wait3A_143 = arith.constant 0 : i32
      %dma_wait3A_144 = tpu.memref_slice %arg7[%dma_wait3A_137, %dma_wait3A_143] : memref<2x128xi32, #tpu.memory_space<vmem>> -> memref<1x128xi32, #tpu.memory_space<vmem>>
      %dma_wait3A_145 = tpu.memref_squeeze %dma_wait3A_144 : memref<1x128xi32, #tpu.memory_space<vmem>> -> memref<128xi32, #tpu.memory_space<vmem>>
      %dma_wait3A_146 = arith.constant 0 : i32
      %dma_wait3A_147 = arith.constant 0 : i32
      %dma_wait3A_148 = tpu.memref_slice %arg2[%dma_wait3A_146, %dma_wait3A_147] : memref<10000x128xf32, #tpu.memory_space<hbm>> -> memref<10000x128xf32, #tpu.memory_space<hbm>>
      tpu.wait_indirect_dma semaphore(%arg11 : memref<!tpu.dma_semaphore, #tpu.memory_space<semaphore_mem>>) src(%dma_wait3A_148 : memref<10000x128xf32, #tpu.memory_space<hbm>>) dst(%dma_wait3A_142 : memref<128x128xf32, #tpu.memory_space<vmem>>)
      %dma_start3A_149 = arith.constant 1 : i32
      %dma_start3A_150 = arith.constant 1 : i32
      %dma_start3A_151 = arith.constant 0 : i32
      %dma_start3A_152 = arith.constant 0 : i32
      %dma_start3A_153 = tpu.memref_slice %arg8[%dma_start3A_149, %dma_start3A_151, %dma_start3A_152] : memref<2x128x128xf32, #tpu.memory_space<vmem>> -> memref<1x128x128xf32, #tpu.memory_space<vmem>>
      %dma_start3A_154 = tpu.memref_squeeze %dma_start3A_153 : memref<1x128x128xf32, #tpu.memory_space<vmem>> -> memref<128x128xf32, #tpu.memory_space<vmem>>
      %dma_start3A_155 = arith.constant 0 : i32
      %dma_start3A_156 = tpu.memref_slice %arg7[%dma_start3A_150, %dma_start3A_155] : memref<2x128xi32, #tpu.memory_space<vmem>> -> memref<1x128xi32, #tpu.memory_space<vmem>>
      %dma_start3A_157 = tpu.memref_squeeze %dma_start3A_156 : memref<1x128xi32, #tpu.memory_space<vmem>> -> memref<128xi32, #tpu.memory_space<vmem>>
      %dma_start3A_158 = arith.constant 0 : i32
      %dma_start3A_159 = arith.constant 0 : i32
      %dma_start3A_160 = tpu.memref_slice %arg9[%dma_start3A_158, %dma_start3A_159] : memref<10112x128xf32, #tpu.memory_space<vmem_shared>> -> memref<10112x128xf32, #tpu.memory_space<vmem_shared>>
      tpu.enqueue_indirect_dma source(%dma_start3A_154 : memref<128x128xf32, #tpu.memory_space<vmem>>) target(%dma_start3A_160 : memref<10112x128xf32, #tpu.memory_space<vmem_shared>>) offsets(%dma_start3A_157 : memref<128xi32, #tpu.memory_space<vmem>>) semaphore(%arg13 : memref<!tpu.dma_semaphore, #tpu.memory_space<semaphore_mem>>) {add = true}
      %add3A_161 = arith.constant 3 : i32
      %add3A_162 = arith.addi %mul3A_87, %add3A_161 : i32
      "tpu.region"() ({
        %run_scoped3A_187 = tpu.sem_alloc : memref<!tpu.dma_semaphore, #tpu.memory_space<semaphore_mem>>
        %dma_start3A_188 = arith.constant 0 : i32
        %dma_start3A_189 = arith.constant 0 : i32
        %dma_start3A_190 = tpu.memref_slice %arg3[%arg0, %arg1, %add3A_162, %dma_start3A_188, %dma_start3A_189] : memref<2x16x79x2x128xi32, #tpu.memory_space<hbm>> -> memref<1x1x1x2x128xi32, #tpu.memory_space<hbm>>
        %dma_start3A_191 = tpu.memref_squeeze %dma_start3A_190 : memref<1x1x1x2x128xi32, #tpu.memory_space<hbm>> -> memref<2x128xi32, #tpu.memory_space<hbm>>
        %dma_start3A_192 = arith.constant 0 : i32
        %dma_start3A_193 = arith.constant 0 : i32
        %dma_start3A_194 = tpu.memref_slice %arg3[%arg0, %arg1, %add3A_162, %dma_start3A_192, %dma_start3A_193] : memref<2x16x79x2x128xi32, #tpu.memory_space<hbm>> -> memref<1x1x1x2x128xi32, #tpu.memory_space<hbm>>
        %dma_start3A_195 = tpu.memref_squeeze %dma_start3A_194 : memref<1x1x1x2x128xi32, #tpu.memory_space<hbm>> -> memref<2x128xi32, #tpu.memory_space<hbm>>
        tpu.enqueue_dma source(%dma_start3A_195 : memref<2x128xi32, #tpu.memory_space<hbm>>) target(%arg7 : memref<2x128xi32, #tpu.memory_space<vmem>>) target_semaphore(%run_scoped3A_187 : memref<!tpu.dma_semaphore, #tpu.memory_space<semaphore_mem>>)
        %dma_wait3A_196 = arith.constant 0 : i32
        %dma_wait3A_197 = arith.constant 0 : i32
        %dma_wait3A_198 = tpu.memref_slice %arg3[%arg0, %arg1, %add3A_162, %dma_wait3A_196, %dma_wait3A_197] : memref<2x16x79x2x128xi32, #tpu.memory_space<hbm>> -> memref<1x1x1x2x128xi32, #tpu.memory_space<hbm>>
        %dma_wait3A_199 = tpu.memref_squeeze %dma_wait3A_198 : memref<1x1x1x2x128xi32, #tpu.memory_space<hbm>> -> memref<2x128xi32, #tpu.memory_space<hbm>>
        %dma_wait3A_200 = arith.constant 0 : i32
        %dma_wait3A_201 = arith.constant 0 : i32
        %dma_wait3A_202 = tpu.memref_slice %arg3[%arg0, %arg1, %add3A_162, %dma_wait3A_200, %dma_wait3A_201] : memref<2x16x79x2x128xi32, #tpu.memory_space<hbm>> -> memref<1x1x1x2x128xi32, #tpu.memory_space<hbm>>
        %dma_wait3A_203 = tpu.memref_squeeze %dma_wait3A_202 : memref<1x1x1x2x128xi32, #tpu.memory_space<hbm>> -> memref<2x128xi32, #tpu.memory_space<hbm>>
        tpu.wait_dma2 semaphore(%run_scoped3A_187 : memref<!tpu.dma_semaphore, #tpu.memory_space<semaphore_mem>>) src(%dma_wait3A_203 : memref<2x128xi32, #tpu.memory_space<hbm>>) dst(%arg7 : memref<2x128xi32, #tpu.memory_space<vmem>>)
        tpu.yield
      }) : () -> ()
      %dma_wait3A_163 = arith.constant 1 : i32
      %dma_wait3A_164 = arith.constant 1 : i32
      %dma_wait3A_165 = arith.constant 0 : i32
      %dma_wait3A_166 = arith.constant 0 : i32
      %dma_wait3A_167 = tpu.memref_slice %arg8[%dma_wait3A_163, %dma_wait3A_165, %dma_wait3A_166] : memref<2x128x128xf32, #tpu.memory_space<vmem>> -> memref<1x128x128xf32, #tpu.memory_space<vmem>>
      %dma_wait3A_168 = tpu.memref_squeeze %dma_wait3A_167 : memref<1x128x128xf32, #tpu.memory_space<vmem>> -> memref<128x128xf32, #tpu.memory_space<vmem>>
      %dma_wait3A_169 = arith.constant 0 : i32
      %dma_wait3A_170 = tpu.memref_slice %arg7[%dma_wait3A_164, %dma_wait3A_169] : memref<2x128xi32, #tpu.memory_space<vmem>> -> memref<1x128xi32, #tpu.memory_space<vmem>>
      %dma_wait3A_171 = tpu.memref_squeeze %dma_wait3A_170 : memref<1x128xi32, #tpu.memory_space<vmem>> -> memref<128xi32, #tpu.memory_space<vmem>>
      %dma_wait3A_172 = arith.constant 0 : i32
      %dma_wait3A_173 = arith.constant 0 : i32
      %dma_wait3A_174 = tpu.memref_slice %arg9[%dma_wait3A_172, %dma_wait3A_173] : memref<10112x128xf32, #tpu.memory_space<vmem_shared>> -> memref<10112x128xf32, #tpu.memory_space<vmem_shared>>
      tpu.wait_indirect_dma semaphore(%arg13 : memref<!tpu.dma_semaphore, #tpu.memory_space<semaphore_mem>>) src(%dma_wait3A_168 : memref<128x128xf32, #tpu.memory_space<vmem>>) dst(%dma_wait3A_174 : memref<10112x128xf32, #tpu.memory_space<vmem_shared>>)
      %dma_start3A_175 = arith.constant 0 : i32
      %dma_start3A_176 = arith.constant 1 : i32
      %dma_start3A_177 = arith.constant 0 : i32
      %dma_start3A_178 = arith.constant 0 : i32
      %dma_start3A_179 = tpu.memref_slice %arg8[%dma_start3A_176, %dma_start3A_177, %dma_start3A_178] : memref<2x128x128xf32, #tpu.memory_space<vmem>> -> memref<1x128x128xf32, #tpu.memory_space<vmem>>
      %dma_start3A_180 = tpu.memref_squeeze %dma_start3A_179 : memref<1x128x128xf32, #tpu.memory_space<vmem>> -> memref<128x128xf32, #tpu.memory_space<vmem>>
      %dma_start3A_181 = arith.constant 0 : i32
      %dma_start3A_182 = tpu.memref_slice %arg7[%dma_start3A_175, %dma_start3A_181] : memref<2x128xi32, #tpu.memory_space<vmem>> -> memref<1x128xi32, #tpu.memory_space<vmem>>
      %dma_start3A_183 = tpu.memref_squeeze %dma_start3A_182 : memref<1x128xi32, #tpu.memory_space<vmem>> -> memref<128xi32, #tpu.memory_space<vmem>>
      %dma_start3A_184 = arith.constant 0 : i32
      %dma_start3A_185 = arith.constant 0 : i32
      %dma_start3A_186 = tpu.memref_slice %arg2[%dma_start3A_184, %dma_start3A_185] : memref<10000x128xf32, #tpu.memory_space<hbm>> -> memref<10000x128xf32, #tpu.memory_space<hbm>>
      tpu.enqueue_indirect_dma source(%dma_start3A_186 : memref<10000x128xf32, #tpu.memory_space<hbm>>) target(%dma_start3A_180 : memref<128x128xf32, #tpu.memory_space<vmem>>) offsets(%dma_start3A_183 : memref<128xi32, #tpu.memory_space<vmem>>) semaphore(%arg11 : memref<!tpu.dma_semaphore, #tpu.memory_space<semaphore_mem>>)
    }
    %scan3A_29 = arith.constant 38 : i32
    %dma_wait3A = arith.constant 0 : i32
    %dma_wait3A_30 = arith.constant 0 : i32
    %dma_wait3A_31 = arith.constant 0 : i32
    %dma_wait3A_32 = arith.constant 0 : i32
    %dma_wait3A_33 = tpu.memref_slice %arg8[%dma_wait3A_30, %dma_wait3A_31, %dma_wait3A_32] : memref<2x128x128xf32, #tpu.memory_space<vmem>> -> memref<1x128x128xf32, #tpu.memory_space<vmem>>
    %dma_wait3A_34 = tpu.memref_squeeze %dma_wait3A_33 : memref<1x128x128xf32, #tpu.memory_space<vmem>> -> memref<128x128xf32, #tpu.memory_space<vmem>>
    %dma_wait3A_35 = arith.constant 0 : i32
    %dma_wait3A_36 = tpu.memref_slice %arg6[%dma_wait3A, %dma_wait3A_35] : memref<2x128xi32, #tpu.memory_space<vmem>> -> memref<1x128xi32, #tpu.memory_space<vmem>>
    %dma_wait3A_37 = tpu.memref_squeeze %dma_wait3A_36 : memref<1x128xi32, #tpu.memory_space<vmem>> -> memref<128xi32, #tpu.memory_space<vmem>>
    %dma_wait3A_38 = arith.constant 0 : i32
    %dma_wait3A_39 = arith.constant 0 : i32
    %dma_wait3A_40 = tpu.memref_slice %arg2[%dma_wait3A_38, %dma_wait3A_39] : memref<10000x128xf32, #tpu.memory_space<hbm>> -> memref<10000x128xf32, #tpu.memory_space<hbm>>
    tpu.wait_indirect_dma semaphore(%arg10 : memref<!tpu.dma_semaphore, #tpu.memory_space<semaphore_mem>>) src(%dma_wait3A_40 : memref<10000x128xf32, #tpu.memory_space<hbm>>) dst(%dma_wait3A_34 : memref<128x128xf32, #tpu.memory_space<vmem>>)
    %run_scoped3A_41 = arith.constant 0 : i32
    %run_scoped3A_42 = arith.constant 1 : i32
    "tpu.region"() ({
      %run_scoped3A_85 = tpu.sem_alloc : memref<!tpu.dma_semaphore, #tpu.memory_space<semaphore_mem>>
      %dma_start3A_86 = arith.constant 0 : i32
      %dma_start3A_87 = arith.constant 0 : i32
      %dma_start3A_88 = tpu.memref_slice %arg8[%run_scoped3A_41, %dma_start3A_86, %dma_start3A_87] : memref<2x128x128xf32, #tpu.memory_space<vmem>> -> memref<1x128x128xf32, #tpu.memory_space<vmem>>
      %dma_start3A_89 = tpu.memref_squeeze %dma_start3A_88 : memref<1x128x128xf32, #tpu.memory_space<vmem>> -> memref<128x128xf32, #tpu.memory_space<vmem>>
      %dma_start3A_90 = arith.constant 0 : i32
      %dma_start3A_91 = tpu.memref_slice %arg6[%run_scoped3A_42, %dma_start3A_90] : memref<2x128xi32, #tpu.memory_space<vmem>> -> memref<1x128xi32, #tpu.memory_space<vmem>>
      %dma_start3A_92 = tpu.memref_squeeze %dma_start3A_91 : memref<1x128xi32, #tpu.memory_space<vmem>> -> memref<128xi32, #tpu.memory_space<vmem>>
      %dma_start3A_93 = arith.constant 0 : i32
      %dma_start3A_94 = arith.constant 0 : i32
      %dma_start3A_95 = tpu.memref_slice %arg9[%dma_start3A_93, %dma_start3A_94] : memref<10112x128xf32, #tpu.memory_space<vmem_shared>> -> memref<10112x128xf32, #tpu.memory_space<vmem_shared>>
      tpu.enqueue_indirect_dma source(%dma_start3A_89 : memref<128x128xf32, #tpu.memory_space<vmem>>) target(%dma_start3A_95 : memref<10112x128xf32, #tpu.memory_space<vmem_shared>>) offsets(%dma_start3A_92 : memref<128xi32, #tpu.memory_space<vmem>>) semaphore(%run_scoped3A_85 : memref<!tpu.dma_semaphore, #tpu.memory_space<semaphore_mem>>) {add = true}
      %dma_wait3A_96 = arith.constant 0 : i32
      %dma_wait3A_97 = arith.constant 0 : i32
      %dma_wait3A_98 = tpu.memref_slice %arg8[%run_scoped3A_41, %dma_wait3A_96, %dma_wait3A_97] : memref<2x128x128xf32, #tpu.memory_space<vmem>> -> memref<1x128x128xf32, #tpu.memory_space<vmem>>
      %dma_wait3A_99 = tpu.memref_squeeze %dma_wait3A_98 : memref<1x128x128xf32, #tpu.memory_space<vmem>> -> memref<128x128xf32, #tpu.memory_space<vmem>>
      %dma_wait3A_100 = arith.constant 0 : i32
      %dma_wait3A_101 = tpu.memref_slice %arg6[%run_scoped3A_42, %dma_wait3A_100] : memref<2x128xi32, #tpu.memory_space<vmem>> -> memref<1x128xi32, #tpu.memory_space<vmem>>
      %dma_wait3A_102 = tpu.memref_squeeze %dma_wait3A_101 : memref<1x128xi32, #tpu.memory_space<vmem>> -> memref<128xi32, #tpu.memory_space<vmem>>
      %dma_wait3A_103 = arith.constant 0 : i32
      %dma_wait3A_104 = arith.constant 0 : i32
      %dma_wait3A_105 = tpu.memref_slice %arg9[%dma_wait3A_103, %dma_wait3A_104] : memref<10112x128xf32, #tpu.memory_space<vmem_shared>> -> memref<10112x128xf32, #tpu.memory_space<vmem_shared>>
      tpu.wait_indirect_dma semaphore(%run_scoped3A_85 : memref<!tpu.dma_semaphore, #tpu.memory_space<semaphore_mem>>) src(%dma_wait3A_99 : memref<128x128xf32, #tpu.memory_space<vmem>>) dst(%dma_wait3A_105 : memref<10112x128xf32, #tpu.memory_space<vmem_shared>>)
      tpu.yield
    }) : () -> ()
    %run_scoped3A_43 = arith.constant 78 : i32
    "tpu.region"() ({
      %run_scoped3A_85 = tpu.sem_alloc : memref<!tpu.dma_semaphore, #tpu.memory_space<semaphore_mem>>
      %dma_start3A_86 = arith.constant 0 : i32
      %dma_start3A_87 = arith.constant 0 : i32
      %dma_start3A_88 = tpu.memref_slice %arg3[%arg0, %arg1, %run_scoped3A_43, %dma_start3A_86, %dma_start3A_87] : memref<2x16x79x2x128xi32, #tpu.memory_space<hbm>> -> memref<1x1x1x2x128xi32, #tpu.memory_space<hbm>>
      %dma_start3A_89 = tpu.memref_squeeze %dma_start3A_88 : memref<1x1x1x2x128xi32, #tpu.memory_space<hbm>> -> memref<2x128xi32, #tpu.memory_space<hbm>>
      %dma_start3A_90 = arith.constant 0 : i32
      %dma_start3A_91 = arith.constant 0 : i32
      %dma_start3A_92 = tpu.memref_slice %arg3[%arg0, %arg1, %run_scoped3A_43, %dma_start3A_90, %dma_start3A_91] : memref<2x16x79x2x128xi32, #tpu.memory_space<hbm>> -> memref<1x1x1x2x128xi32, #tpu.memory_space<hbm>>
      %dma_start3A_93 = tpu.memref_squeeze %dma_start3A_92 : memref<1x1x1x2x128xi32, #tpu.memory_space<hbm>> -> memref<2x128xi32, #tpu.memory_space<hbm>>
      tpu.enqueue_dma source(%dma_start3A_93 : memref<2x128xi32, #tpu.memory_space<hbm>>) target(%arg6 : memref<2x128xi32, #tpu.memory_space<vmem>>) target_semaphore(%run_scoped3A_85 : memref<!tpu.dma_semaphore, #tpu.memory_space<semaphore_mem>>)
      %dma_wait3A_94 = arith.constant 0 : i32
      %dma_wait3A_95 = arith.constant 0 : i32
      %dma_wait3A_96 = tpu.memref_slice %arg3[%arg0, %arg1, %run_scoped3A_43, %dma_wait3A_94, %dma_wait3A_95] : memref<2x16x79x2x128xi32, #tpu.memory_space<hbm>> -> memref<1x1x1x2x128xi32, #tpu.memory_space<hbm>>
      %dma_wait3A_97 = tpu.memref_squeeze %dma_wait3A_96 : memref<1x1x1x2x128xi32, #tpu.memory_space<hbm>> -> memref<2x128xi32, #tpu.memory_space<hbm>>
      %dma_wait3A_98 = arith.constant 0 : i32
      %dma_wait3A_99 = arith.constant 0 : i32
      %dma_wait3A_100 = tpu.memref_slice %arg3[%arg0, %arg1, %run_scoped3A_43, %dma_wait3A_98, %dma_wait3A_99] : memref<2x16x79x2x128xi32, #tpu.memory_space<hbm>> -> memref<1x1x1x2x128xi32, #tpu.memory_space<hbm>>
      %dma_wait3A_101 = tpu.memref_squeeze %dma_wait3A_100 : memref<1x1x1x2x128xi32, #tpu.memory_space<hbm>> -> memref<2x128xi32, #tpu.memory_space<hbm>>
      tpu.wait_dma2 semaphore(%run_scoped3A_85 : memref<!tpu.dma_semaphore, #tpu.memory_space<semaphore_mem>>) src(%dma_wait3A_101 : memref<2x128xi32, #tpu.memory_space<hbm>>) dst(%arg6 : memref<2x128xi32, #tpu.memory_space<vmem>>)
      tpu.yield
    }) : () -> ()
    %dma_start3A_44 = arith.constant 0 : i32
    %dma_start3A_45 = arith.constant 0 : i32
    %dma_start3A_46 = arith.constant 0 : i32
    %dma_start3A_47 = arith.constant 0 : i32
    %dma_start3A_48 = tpu.memref_slice %arg8[%dma_start3A_45, %dma_start3A_46, %dma_start3A_47] : memref<2x128x128xf32, #tpu.memory_space<vmem>> -> memref<1x128x128xf32, #tpu.memory_space<vmem>>
    %dma_start3A_49 = tpu.memref_squeeze %dma_start3A_48 : memref<1x128x128xf32, #tpu.memory_space<vmem>> -> memref<128x128xf32, #tpu.memory_space<vmem>>
    %dma_start3A_50 = arith.constant 0 : i32
    %dma_start3A_51 = tpu.memref_slice %arg6[%dma_start3A_44, %dma_start3A_50] : memref<2x128xi32, #tpu.memory_space<vmem>> -> memref<1x128xi32, #tpu.memory_space<vmem>>
    %dma_start3A_52 = tpu.memref_squeeze %dma_start3A_51 : memref<1x128xi32, #tpu.memory_space<vmem>> -> memref<128xi32, #tpu.memory_space<vmem>>
    %dma_start3A_53 = arith.constant 0 : i32
    %dma_start3A_54 = arith.constant 0 : i32
    %dma_start3A_55 = tpu.memref_slice %arg2[%dma_start3A_53, %dma_start3A_54] : memref<10000x128xf32, #tpu.memory_space<hbm>> -> memref<10000x128xf32, #tpu.memory_space<hbm>>
    tpu.enqueue_indirect_dma source(%dma_start3A_55 : memref<10000x128xf32, #tpu.memory_space<hbm>>) target(%dma_start3A_49 : memref<128x128xf32, #tpu.memory_space<vmem>>) offsets(%dma_start3A_52 : memref<128xi32, #tpu.memory_space<vmem>>) semaphore(%arg10 : memref<!tpu.dma_semaphore, #tpu.memory_space<semaphore_mem>>)
    %dma_wait3A_56 = arith.constant 0 : i32
    %dma_wait3A_57 = arith.constant 1 : i32
    %dma_wait3A_58 = arith.constant 0 : i32
    %dma_wait3A_59 = arith.constant 0 : i32
    %dma_wait3A_60 = tpu.memref_slice %arg8[%dma_wait3A_57, %dma_wait3A_58, %dma_wait3A_59] : memref<2x128x128xf32, #tpu.memory_space<vmem>> -> memref<1x128x128xf32, #tpu.memory_space<vmem>>
    %dma_wait3A_61 = tpu.memref_squeeze %dma_wait3A_60 : memref<1x128x128xf32, #tpu.memory_space<vmem>> -> memref<128x128xf32, #tpu.memory_space<vmem>>
    %dma_wait3A_62 = arith.constant 0 : i32
    %dma_wait3A_63 = tpu.memref_slice %arg7[%dma_wait3A_56, %dma_wait3A_62] : memref<2x128xi32, #tpu.memory_space<vmem>> -> memref<1x128xi32, #tpu.memory_space<vmem>>
    %dma_wait3A_64 = tpu.memref_squeeze %dma_wait3A_63 : memref<1x128xi32, #tpu.memory_space<vmem>> -> memref<128xi32, #tpu.memory_space<vmem>>
    %dma_wait3A_65 = arith.constant 0 : i32
    %dma_wait3A_66 = arith.constant 0 : i32
    %dma_wait3A_67 = tpu.memref_slice %arg2[%dma_wait3A_65, %dma_wait3A_66] : memref<10000x128xf32, #tpu.memory_space<hbm>> -> memref<10000x128xf32, #tpu.memory_space<hbm>>
    tpu.wait_indirect_dma semaphore(%arg11 : memref<!tpu.dma_semaphore, #tpu.memory_space<semaphore_mem>>) src(%dma_wait3A_67 : memref<10000x128xf32, #tpu.memory_space<hbm>>) dst(%dma_wait3A_61 : memref<128x128xf32, #tpu.memory_space<vmem>>)
    %run_scoped3A_68 = arith.constant 1 : i32
    %run_scoped3A_69 = arith.constant 1 : i32
    "tpu.region"() ({
      %run_scoped3A_85 = tpu.sem_alloc : memref<!tpu.dma_semaphore, #tpu.memory_space<semaphore_mem>>
      %dma_start3A_86 = arith.constant 0 : i32
      %dma_start3A_87 = arith.constant 0 : i32
      %dma_start3A_88 = tpu.memref_slice %arg8[%run_scoped3A_68, %dma_start3A_86, %dma_start3A_87] : memref<2x128x128xf32, #tpu.memory_space<vmem>> -> memref<1x128x128xf32, #tpu.memory_space<vmem>>
      %dma_start3A_89 = tpu.memref_squeeze %dma_start3A_88 : memref<1x128x128xf32, #tpu.memory_space<vmem>> -> memref<128x128xf32, #tpu.memory_space<vmem>>
      %dma_start3A_90 = arith.constant 0 : i32
      %dma_start3A_91 = tpu.memref_slice %arg7[%run_scoped3A_69, %dma_start3A_90] : memref<2x128xi32, #tpu.memory_space<vmem>> -> memref<1x128xi32, #tpu.memory_space<vmem>>
      %dma_start3A_92 = tpu.memref_squeeze %dma_start3A_91 : memref<1x128xi32, #tpu.memory_space<vmem>> -> memref<128xi32, #tpu.memory_space<vmem>>
      %dma_start3A_93 = arith.constant 0 : i32
      %dma_start3A_94 = arith.constant 0 : i32
      %dma_start3A_95 = tpu.memref_slice %arg9[%dma_start3A_93, %dma_start3A_94] : memref<10112x128xf32, #tpu.memory_space<vmem_shared>> -> memref<10112x128xf32, #tpu.memory_space<vmem_shared>>
      tpu.enqueue_indirect_dma source(%dma_start3A_89 : memref<128x128xf32, #tpu.memory_space<vmem>>) target(%dma_start3A_95 : memref<10112x128xf32, #tpu.memory_space<vmem_shared>>) offsets(%dma_start3A_92 : memref<128xi32, #tpu.memory_space<vmem>>) semaphore(%run_scoped3A_85 : memref<!tpu.dma_semaphore, #tpu.memory_space<semaphore_mem>>) {add = true}
      %dma_wait3A_96 = arith.constant 0 : i32
      %dma_wait3A_97 = arith.constant 0 : i32
      %dma_wait3A_98 = tpu.memref_slice %arg8[%run_scoped3A_68, %dma_wait3A_96, %dma_wait3A_97] : memref<2x128x128xf32, #tpu.memory_space<vmem>> -> memref<1x128x128xf32, #tpu.memory_space<vmem>>
      %dma_wait3A_99 = tpu.memref_squeeze %dma_wait3A_98 : memref<1x128x128xf32, #tpu.memory_space<vmem>> -> memref<128x128xf32, #tpu.memory_space<vmem>>
      %dma_wait3A_100 = arith.constant 0 : i32
      %dma_wait3A_101 = tpu.memref_slice %arg7[%run_scoped3A_69, %dma_wait3A_100] : memref<2x128xi32, #tpu.memory_space<vmem>> -> memref<1x128xi32, #tpu.memory_space<vmem>>
      %dma_wait3A_102 = tpu.memref_squeeze %dma_wait3A_101 : memref<1x128xi32, #tpu.memory_space<vmem>> -> memref<128xi32, #tpu.memory_space<vmem>>
      %dma_wait3A_103 = arith.constant 0 : i32
      %dma_wait3A_104 = arith.constant 0 : i32
      %dma_wait3A_105 = tpu.memref_slice %arg9[%dma_wait3A_103, %dma_wait3A_104] : memref<10112x128xf32, #tpu.memory_space<vmem_shared>> -> memref<10112x128xf32, #tpu.memory_space<vmem_shared>>
      tpu.wait_indirect_dma semaphore(%run_scoped3A_85 : memref<!tpu.dma_semaphore, #tpu.memory_space<semaphore_mem>>) src(%dma_wait3A_99 : memref<128x128xf32, #tpu.memory_space<vmem>>) dst(%dma_wait3A_105 : memref<10112x128xf32, #tpu.memory_space<vmem_shared>>)
      tpu.yield
    }) : () -> ()
    %dma_wait3A_70 = arith.constant 0 : i32
    %dma_wait3A_71 = arith.constant 0 : i32
    %dma_wait3A_72 = arith.constant 0 : i32
    %dma_wait3A_73 = arith.constant 0 : i32
    %dma_wait3A_74 = tpu.memref_slice %arg8[%dma_wait3A_71, %dma_wait3A_72, %dma_wait3A_73] : memref<2x128x128xf32, #tpu.memory_space<vmem>> -> memref<1x128x128xf32, #tpu.memory_space<vmem>>
    %dma_wait3A_75 = tpu.memref_squeeze %dma_wait3A_74 : memref<1x128x128xf32, #tpu.memory_space<vmem>> -> memref<128x128xf32, #tpu.memory_space<vmem>>
    %dma_wait3A_76 = arith.constant 0 : i32
    %dma_wait3A_77 = tpu.memref_slice %arg6[%dma_wait3A_70, %dma_wait3A_76] : memref<2x128xi32, #tpu.memory_space<vmem>> -> memref<1x128xi32, #tpu.memory_space<vmem>>
    %dma_wait3A_78 = tpu.memref_squeeze %dma_wait3A_77 : memref<1x128xi32, #tpu.memory_space<vmem>> -> memref<128xi32, #tpu.memory_space<vmem>>
    %dma_wait3A_79 = arith.constant 0 : i32
    %dma_wait3A_80 = arith.constant 0 : i32
    %dma_wait3A_81 = tpu.memref_slice %arg2[%dma_wait3A_79, %dma_wait3A_80] : memref<10000x128xf32, #tpu.memory_space<hbm>> -> memref<10000x128xf32, #tpu.memory_space<hbm>>
    tpu.wait_indirect_dma semaphore(%arg10 : memref<!tpu.dma_semaphore, #tpu.memory_space<semaphore_mem>>) src(%dma_wait3A_81 : memref<10000x128xf32, #tpu.memory_space<hbm>>) dst(%dma_wait3A_75 : memref<128x128xf32, #tpu.memory_space<vmem>>)
    %run_scoped3A_82 = arith.constant 0 : i32
    %run_scoped3A_83 = arith.constant 1 : i32
    "tpu.region"() ({
      %run_scoped3A_85 = tpu.sem_alloc : memref<!tpu.dma_semaphore, #tpu.memory_space<semaphore_mem>>
      %dma_start3A_86 = arith.constant 0 : i32
      %dma_start3A_87 = arith.constant 0 : i32
      %dma_start3A_88 = tpu.memref_slice %arg8[%run_scoped3A_82, %dma_start3A_86, %dma_start3A_87] : memref<2x128x128xf32, #tpu.memory_space<vmem>> -> memref<1x128x128xf32, #tpu.memory_space<vmem>>
      %dma_start3A_89 = tpu.memref_squeeze %dma_start3A_88 : memref<1x128x128xf32, #tpu.memory_space<vmem>> -> memref<128x128xf32, #tpu.memory_space<vmem>>
      %dma_start3A_90 = arith.constant 0 : i32
      %dma_start3A_91 = tpu.memref_slice %arg6[%run_scoped3A_83, %dma_start3A_90] : memref<2x128xi32, #tpu.memory_space<vmem>> -> memref<1x128xi32, #tpu.memory_space<vmem>>
      %dma_start3A_92 = tpu.memref_squeeze %dma_start3A_91 : memref<1x128xi32, #tpu.memory_space<vmem>> -> memref<128xi32, #tpu.memory_space<vmem>>
      %dma_start3A_93 = arith.constant 0 : i32
      %dma_start3A_94 = arith.constant 0 : i32
      %dma_start3A_95 = tpu.memref_slice %arg9[%dma_start3A_93, %dma_start3A_94] : memref<10112x128xf32, #tpu.memory_space<vmem_shared>> -> memref<10112x128xf32, #tpu.memory_space<vmem_shared>>
      tpu.enqueue_indirect_dma source(%dma_start3A_89 : memref<128x128xf32, #tpu.memory_space<vmem>>) target(%dma_start3A_95 : memref<10112x128xf32, #tpu.memory_space<vmem_shared>>) offsets(%dma_start3A_92 : memref<128xi32, #tpu.memory_space<vmem>>) semaphore(%run_scoped3A_85 : memref<!tpu.dma_semaphore, #tpu.memory_space<semaphore_mem>>) {add = true}
      %dma_wait3A_96 = arith.constant 0 : i32
      %dma_wait3A_97 = arith.constant 0 : i32
      %dma_wait3A_98 = tpu.memref_slice %arg8[%run_scoped3A_82, %dma_wait3A_96, %dma_wait3A_97] : memref<2x128x128xf32, #tpu.memory_space<vmem>> -> memref<1x128x128xf32, #tpu.memory_space<vmem>>
      %dma_wait3A_99 = tpu.memref_squeeze %dma_wait3A_98 : memref<1x128x128xf32, #tpu.memory_space<vmem>> -> memref<128x128xf32, #tpu.memory_space<vmem>>
      %dma_wait3A_100 = arith.constant 0 : i32
      %dma_wait3A_101 = tpu.memref_slice %arg6[%run_scoped3A_83, %dma_wait3A_100] : memref<2x128xi32, #tpu.memory_space<vmem>> -> memref<1x128xi32, #tpu.memory_space<vmem>>
      %dma_wait3A_102 = tpu.memref_squeeze %dma_wait3A_101 : memref<1x128xi32, #tpu.memory_space<vmem>> -> memref<128xi32, #tpu.memory_space<vmem>>
      %dma_wait3A_103 = arith.constant 0 : i32
      %dma_wait3A_104 = arith.constant 0 : i32
      %dma_wait3A_105 = tpu.memref_slice %arg9[%dma_wait3A_103, %dma_wait3A_104] : memref<10112x128xf32, #tpu.memory_space<vmem_shared>> -> memref<10112x128xf32, #tpu.memory_space<vmem_shared>>
      tpu.wait_indirect_dma semaphore(%run_scoped3A_85 : memref<!tpu.dma_semaphore, #tpu.memory_space<semaphore_mem>>) src(%dma_wait3A_99 : memref<128x128xf32, #tpu.memory_space<vmem>>) dst(%dma_wait3A_105 : memref<10112x128xf32, #tpu.memory_space<vmem_shared>>)
      tpu.yield
    }) : () -> ()
    %barrier3A_84 = arith.constant 0 : index
    tpu.barrier barrier_id(%barrier3A_84)
    "tpu.region"() ({
      %run_scoped3A_85 = tpu.sem_alloc : memref<!tpu.dma_semaphore, #tpu.memory_space<semaphore_mem>>
      %dma_start3A_86 = arith.constant 0 : i32
      %dma_start3A_87 = tpu.memref_slice %arg5[%arg0, %mul3A_0, %dma_start3A_86] : memref<2x10112x128xf32, #tpu.memory_space<hbm>> -> memref<1x632x128xf32, #tpu.memory_space<hbm>>
      %dma_start3A_88 = tpu.memref_squeeze %dma_start3A_87 : memref<1x632x128xf32, #tpu.memory_space<hbm>> -> memref<632x128xf32, #tpu.memory_space<hbm>>
      %dma_start3A_89 = arith.constant 0 : i32
      %dma_start3A_90 = tpu.memref_slice %arg9[%mul3A_0, %dma_start3A_89] : memref<10112x128xf32, #tpu.memory_space<vmem_shared>> -> memref<632x128xf32, #tpu.memory_space<vmem_shared>>
      tpu.enqueue_dma source(%dma_start3A_90 : memref<632x128xf32, #tpu.memory_space<vmem_shared>>) target(%dma_start3A_88 : memref<632x128xf32, #tpu.memory_space<hbm>>) target_semaphore(%run_scoped3A_85 : memref<!tpu.dma_semaphore, #tpu.memory_space<semaphore_mem>>)
      %dma_wait3A_91 = arith.constant 0 : i32
      %dma_wait3A_92 = tpu.memref_slice %arg5[%arg0, %mul3A_0, %dma_wait3A_91] : memref<2x10112x128xf32, #tpu.memory_space<hbm>> -> memref<1x632x128xf32, #tpu.memory_space<hbm>>
      %dma_wait3A_93 = tpu.memref_squeeze %dma_wait3A_92 : memref<1x632x128xf32, #tpu.memory_space<hbm>> -> memref<632x128xf32, #tpu.memory_space<hbm>>
      %dma_wait3A_94 = arith.constant 0 : i32
      %dma_wait3A_95 = tpu.memref_slice %arg9[%mul3A_0, %dma_wait3A_94] : memref<10112x128xf32, #tpu.memory_space<vmem_shared>> -> memref<632x128xf32, #tpu.memory_space<vmem_shared>>
      tpu.wait_dma2 semaphore(%run_scoped3A_85 : memref<!tpu.dma_semaphore, #tpu.memory_space<semaphore_mem>>) src(%dma_wait3A_95 : memref<632x128xf32, #tpu.memory_space<vmem_shared>>) dst(%dma_wait3A_93 : memref<632x128xf32, #tpu.memory_space<hbm>>)
      tpu.yield
    }) : () -> ()
    return
  }
}

#map = affine_map<(d0, d1) -> (0, 0)>
#map1 = affine_map<(d0, d1) -> (0, 0, 0, 0, 0)>
#map2 = affine_map<(d0, d1) -> (0, 0, 0)>
module attributes {stable_mosaic.version = 14 : i64} {
  func.func @sc_spmm(%arg0: i32, %arg1: i32, %arg2: memref<10000x128xf32, #tpu.memory_space<hbm>>, %arg3: memref<2x16x79x2x128xi32, #tpu.memory_space<hbm>>, %arg4: memref<632x128xf32, #tpu.memory_space<hbm>>, %arg5: memref<2x10112x128xf32, #tpu.memory_space<hbm>>, %arg6: memref<2x128xi32, #tpu.memory_space<vmem>>, %arg7: memref<2x128xi32, #tpu.memory_space<vmem>>, %arg8: memref<2x128x128xf32, #tpu.memory_space<vmem>>, %arg9: memref<10112x128xf32, #tpu.memory_space<vmem_shared>>, %arg10: memref<!tpu.dma_semaphore, #tpu.memory_space<semaphore_mem>>, %arg11: memref<!tpu.dma_semaphore, #tpu.memory_space<semaphore_mem>>, %arg12: memref<!tpu.dma_semaphore, #tpu.memory_space<semaphore_mem>>, %arg13: memref<!tpu.dma_semaphore, #tpu.memory_space<semaphore_mem>>) attributes {dimension_semantics = [#tpu.dimension_semantics<core_parallel>, #tpu.dimension_semantics<subcore_parallel>], iteration_bounds = array<i64: 2, 16>, scalar_prefetch = 0 : i64, scratch_operands = 8 : i64, tpu.core_type = #tpu.core_type<sc_vector_subcore>, window_params = [{transform_indices = #map}, {transform_indices = #map1}, {transform_indices = #map}, {transform_indices = #map2}]} {
    %mul3A = arith.constant 632 : i32
    %mul3A_0 = arith.muli %arg1, %mul3A : i32
    "tpu.region"() ({
      %run_scoped3A_85 = tpu.sem_alloc : memref<!tpu.dma_semaphore, #tpu.memory_space<semaphore_mem>>
      %dma_start3A_86 = arith.constant 0 : i32
      %dma_start3A_87 = tpu.memref_slice %arg9[%mul3A_0, %dma_start3A_86] : memref<10112x128xf32, #tpu.memory_space<vmem_shared>> -> memref<632x128xf32, #tpu.memory_space<vmem_shared>>
      tpu.enqueue_dma source(%arg4 : memref<632x128xf32, #tpu.memory_space<hbm>>) target(%dma_start3A_87 : memref<632x128xf32, #tpu.memory_space<vmem_shared>>) target_semaphore(%run_scoped3A_85 : memref<!tpu.dma_semaphore, #tpu.memory_space<semaphore_mem>>)
      %dma_wait3A_88 = arith.constant 0 : i32
      %dma_wait3A_89 = tpu.memref_slice %arg9[%mul3A_0, %dma_wait3A_88] : memref<10112x128xf32, #tpu.memory_space<vmem_shared>> -> memref<632x128xf32, #tpu.memory_space<vmem_shared>>
      tpu.wait_dma2 semaphore(%run_scoped3A_85 : memref<!tpu.dma_semaphore, #tpu.memory_space<semaphore_mem>>) src(%arg4 : memref<632x128xf32, #tpu.memory_space<hbm>>) dst(%dma_wait3A_89 : memref<632x128xf32, #tpu.memory_space<vmem_shared>>)
      tpu.yield
    }) : () -> ()
    %barrier3A = arith.constant 0 : index
    tpu.barrier barrier_id(%barrier3A)
    %run_scoped3A = arith.constant 0 : i32
    "tpu.region"() ({
      %run_scoped3A_85 = tpu.sem_alloc : memref<!tpu.dma_semaphore, #tpu.memory_space<semaphore_mem>>
      %dma_start3A_86 = arith.constant 0 : i32
      %dma_start3A_87 = arith.constant 0 : i32
      %dma_start3A_88 = tpu.memref_slice %arg3[%arg0, %arg1, %run_scoped3A, %dma_start3A_86, %dma_start3A_87] : memref<2x16x79x2x128xi32, #tpu.memory_space<hbm>> -> memref<1x1x1x2x128xi32, #tpu.memory_space<hbm>>
      %dma_start3A_89 = tpu.memref_squeeze %dma_start3A_88 : memref<1x1x1x2x128xi32, #tpu.memory_space<hbm>> -> memref<2x128xi32, #tpu.memory_space<hbm>>
      %dma_start3A_90 = arith.constant 0 : i32
      %dma_start3A_91 = arith.constant 0 : i32
      %dma_start3A_92 = tpu.memref_slice %arg3[%arg0, %arg1, %run_scoped3A, %dma_start3A_90, %dma_start3A_91] : memref<2x16x79x2x128xi32, #tpu.memory_space<hbm>> -> memref<1x1x1x2x128xi32, #tpu.memory_space<hbm>>
      %dma_start3A_93 = tpu.memref_squeeze %dma_start3A_92 : memref<1x1x1x2x128xi32, #tpu.memory_space<hbm>> -> memref<2x128xi32, #tpu.memory_space<hbm>>
      tpu.enqueue_dma source(%dma_start3A_93 : memref<2x128xi32, #tpu.memory_space<hbm>>) target(%arg6 : memref<2x128xi32, #tpu.memory_space<vmem>>) target_semaphore(%run_scoped3A_85 : memref<!tpu.dma_semaphore, #tpu.memory_space<semaphore_mem>>)
      %dma_wait3A_94 = arith.constant 0 : i32
      %dma_wait3A_95 = arith.constant 0 : i32
      %dma_wait3A_96 = tpu.memref_slice %arg3[%arg0, %arg1, %run_scoped3A, %dma_wait3A_94, %dma_wait3A_95] : memref<2x16x79x2x128xi32, #tpu.memory_space<hbm>> -> memref<1x1x1x2x128xi32, #tpu.memory_space<hbm>>
      %dma_wait3A_97 = tpu.memref_squeeze %dma_wait3A_96 : memref<1x1x1x2x128xi32, #tpu.memory_space<hbm>> -> memref<2x128xi32, #tpu.memory_space<hbm>>
      %dma_wait3A_98 = arith.constant 0 : i32
      %dma_wait3A_99 = arith.constant 0 : i32
      %dma_wait3A_100 = tpu.memref_slice %arg3[%arg0, %arg1, %run_scoped3A, %dma_wait3A_98, %dma_wait3A_99] : memref<2x16x79x2x128xi32, #tpu.memory_space<hbm>> -> memref<1x1x1x2x128xi32, #tpu.memory_space<hbm>>
      %dma_wait3A_101 = tpu.memref_squeeze %dma_wait3A_100 : memref<1x1x1x2x128xi32, #tpu.memory_space<hbm>> -> memref<2x128xi32, #tpu.memory_space<hbm>>
      tpu.wait_dma2 semaphore(%run_scoped3A_85 : memref<!tpu.dma_semaphore, #tpu.memory_space<semaphore_mem>>) src(%dma_wait3A_101 : memref<2x128xi32, #tpu.memory_space<hbm>>) dst(%arg6 : memref<2x128xi32, #tpu.memory_space<vmem>>)
      tpu.yield
    }) : () -> ()
    %dma_start3A = arith.constant 0 : i32
    %dma_start3A_1 = arith.constant 0 : i32
    %dma_start3A_2 = arith.constant 0 : i32
    %dma_start3A_3 = arith.constant 0 : i32
    %dma_start3A_4 = tpu.memref_slice %arg8[%dma_start3A_1, %dma_start3A_2, %dma_start3A_3] : memref<2x128x128xf32, #tpu.memory_space<vmem>> -> memref<1x128x128xf32, #tpu.memory_space<vmem>>
    %dma_start3A_5 = tpu.memref_squeeze %dma_start3A_4 : memref<1x128x128xf32, #tpu.memory_space<vmem>> -> memref<128x128xf32, #tpu.memory_space<vmem>>
    %dma_start3A_6 = arith.constant 0 : i32
    %dma_start3A_7 = tpu.memref_slice %arg6[%dma_start3A, %dma_start3A_6] : memref<2x128xi32, #tpu.memory_space<vmem>> -> memref<1x128xi32, #tpu.memory_space<vmem>>
    %dma_start3A_8 = tpu.memref_squeeze %dma_start3A_7 : memref<1x128xi32, #tpu.memory_space<vmem>> -> memref<128xi32, #tpu.memory_space<vmem>>
    %dma_start3A_9 = arith.constant 0 : i32
    %dma_start3A_10 = arith.constant 0 : i32
    %dma_start3A_11 = tpu.memref_slice %arg2[%dma_start3A_9, %dma_start3A_10] : memref<10000x128xf32, #tpu.memory_space<hbm>> -> memref<10000x128xf32, #tpu.memory_space<hbm>>
    tpu.enqueue_indirect_dma source(%dma_start3A_11 : memref<10000x128xf32, #tpu.memory_space<hbm>>) target(%dma_start3A_5 : memref<128x128xf32, #tpu.memory_space<vmem>>) offsets(%dma_start3A_8 : memref<128xi32, #tpu.memory_space<vmem>>) semaphore(%arg10 : memref<!tpu.dma_semaphore, #tpu.memory_space<semaphore_mem>>)
    %run_scoped3A_12 = arith.constant 1 : i32
    "tpu.region"() ({
      %run_scoped3A_85 = tpu.sem_alloc : memref<!tpu.dma_semaphore, #tpu.memory_space<semaphore_mem>>
      %dma_start3A_86 = arith.constant 0 : i32
      %dma_start3A_87 = arith.constant 0 : i32
      %dma_start3A_88 = tpu.memref_slice %arg3[%arg0, %arg1, %run_scoped3A_12, %dma_start3A_86, %dma_start3A_87] : memref<2x16x79x2x128xi32, #tpu.memory_space<hbm>> -> memref<1x1x1x2x128xi32, #tpu.memory_space<hbm>>
      %dma_start3A_89 = tpu.memref_squeeze %dma_start3A_88 : memref<1x1x1x2x128xi32, #tpu.memory_space<hbm>> -> memref<2x128xi32, #tpu.memory_space<hbm>>
      %dma_start3A_90 = arith.constant 0 : i32
      %dma_start3A_91 = arith.constant 0 : i32
      %dma_start3A_92 = tpu.memref_slice %arg3[%arg0, %arg1, %run_scoped3A_12, %dma_start3A_90, %dma_start3A_91] : memref<2x16x79x2x128xi32, #tpu.memory_space<hbm>> -> memref<1x1x1x2x128xi32, #tpu.memory_space<hbm>>
      %dma_start3A_93 = tpu.memref_squeeze %dma_start3A_92 : memref<1x1x1x2x128xi32, #tpu.memory_space<hbm>> -> memref<2x128xi32, #tpu.memory_space<hbm>>
      tpu.enqueue_dma source(%dma_start3A_93 : memref<2x128xi32, #tpu.memory_space<hbm>>) target(%arg7 : memref<2x128xi32, #tpu.memory_space<vmem>>) target_semaphore(%run_scoped3A_85 : memref<!tpu.dma_semaphore, #tpu.memory_space<semaphore_mem>>)
      %dma_wait3A_94 = arith.constant 0 : i32
      %dma_wait3A_95 = arith.constant 0 : i32
      %dma_wait3A_96 = tpu.memref_slice %arg3[%arg0, %arg1, %run_scoped3A_12, %dma_wait3A_94, %dma_wait3A_95] : memref<2x16x79x2x128xi32, #tpu.memory_space<hbm>> -> memref<1x1x1x2x128xi32, #tpu.memory_space<hbm>>
      %dma_wait3A_97 = tpu.memref_squeeze %dma_wait3A_96 : memref<1x1x1x2x128xi32, #tpu.memory_space<hbm>> -> memref<2x128xi32, #tpu.memory_space<hbm>>
      %dma_wait3A_98 = arith.constant 0 : i32
      %dma_wait3A_99 = arith.constant 0 : i32
      %dma_wait3A_100 = tpu.memref_slice %arg3[%arg0, %arg1, %run_scoped3A_12, %dma_wait3A_98, %dma_wait3A_99] : memref<2x16x79x2x128xi32, #tpu.memory_space<hbm>> -> memref<1x1x1x2x128xi32, #tpu.memory_space<hbm>>
      %dma_wait3A_101 = tpu.memref_squeeze %dma_wait3A_100 : memref<1x1x1x2x128xi32, #tpu.memory_space<hbm>> -> memref<2x128xi32, #tpu.memory_space<hbm>>
      tpu.wait_dma2 semaphore(%run_scoped3A_85 : memref<!tpu.dma_semaphore, #tpu.memory_space<semaphore_mem>>) src(%dma_wait3A_101 : memref<2x128xi32, #tpu.memory_space<hbm>>) dst(%arg7 : memref<2x128xi32, #tpu.memory_space<vmem>>)
      tpu.yield
    }) : () -> ()
    %dma_start3A_13 = arith.constant 0 : i32
    %dma_start3A_14 = arith.constant 1 : i32
    %dma_start3A_15 = arith.constant 0 : i32
    %dma_start3A_16 = arith.constant 0 : i32
    %dma_start3A_17 = tpu.memref_slice %arg8[%dma_start3A_14, %dma_start3A_15, %dma_start3A_16] : memref<2x128x128xf32, #tpu.memory_space<vmem>> -> memref<1x128x128xf32, #tpu.memory_space<vmem>>
    %dma_start3A_18 = tpu.memref_squeeze %dma_start3A_17 : memref<1x128x128xf32, #tpu.memory_space<vmem>> -> memref<128x128xf32, #tpu.memory_space<vmem>>
    %dma_start3A_19 = arith.constant 0 : i32
    %dma_start3A_20 = tpu.memref_slice %arg7[%dma_start3A_13, %dma_start3A_19] : memref<2x128xi32, #tpu.memory_space<vmem>> -> memref<1x128xi32, #tpu.memory_space<vmem>>
    %dma_start3A_21 = tpu.memref_squeeze %dma_start3A_20 : memref<1x128xi32, #tpu.memory_space<vmem>> -> memref<128xi32, #tpu.memory_space<vmem>>
    %dma_start3A_22 = arith.constant 0 : i32
    %dma_start3A_23 = arith.constant 0 : i32
    %dma_start3A_24 = tpu.memref_slice %arg2[%dma_start3A_22, %dma_start3A_23] : memref<10000x128xf32, #tpu.memory_space<hbm>> -> memref<10000x128xf32, #tpu.memory_space<hbm>>
    tpu.enqueue_indirect_dma source(%dma_start3A_24 : memref<10000x128xf32, #tpu.memory_space<hbm>>) target(%dma_start3A_18 : memref<128x128xf32, #tpu.memory_space<vmem>>) offsets(%dma_start3A_21 : memref<128xi32, #tpu.memory_space<vmem>>) semaphore(%arg11 : memref<!tpu.dma_semaphore, #tpu.memory_space<semaphore_mem>>)
    %scan3A = arith.constant 0 : i32
    %scan3A_25 = arith.constant 0 : i32
    %scan3A_26 = arith.constant 38 : i32
    %scan3A_27 = arith.addi %scan3A_25, %scan3A_26 : i32
    %scan3A_28 = arith.constant 1 : i32
    scf.for %scan3A_85 = %scan3A_25 to %scan3A_27 step %scan3A_28  : i32 {
      %mul3A_86 = arith.constant 2 : i32
      %mul3A_87 = arith.muli %mul3A_86, %scan3A_85 : i32
      %dma_wait3A_88 = arith.constant 0 : i32
      %dma_wait3A_89 = arith.constant 0 : i32
      %dma_wait3A_90 = arith.constant 0 : i32
      %dma_wait3A_91 = arith.constant 0 : i32
      %dma_wait3A_92 = tpu.memref_slice %arg8[%dma_wait3A_89, %dma_wait3A_90, %dma_wait3A_91] : memref<2x128x128xf32, #tpu.memory_space<vmem>> -> memref<1x128x128xf32, #tpu.memory_space<vmem>>
      %dma_wait3A_93 = tpu.memref_squeeze %dma_wait3A_92 : memref<1x128x128xf32, #tpu.memory_space<vmem>> -> memref<128x128xf32, #tpu.memory_space<vmem>>
      %dma_wait3A_94 = arith.constant 0 : i32
      %dma_wait3A_95 = tpu.memref_slice %arg6[%dma_wait3A_88, %dma_wait3A_94] : memref<2x128xi32, #tpu.memory_space<vmem>> -> memref<1x128xi32, #tpu.memory_space<vmem>>
      %dma_wait3A_96 = tpu.memref_squeeze %dma_wait3A_95 : memref<1x128xi32, #tpu.memory_space<vmem>> -> memref<128xi32, #tpu.memory_space<vmem>>
      %dma_wait3A_97 = arith.constant 0 : i32
      %dma_wait3A_98 = arith.constant 0 : i32
      %dma_wait3A_99 = tpu.memref_slice %arg2[%dma_wait3A_97, %dma_wait3A_98] : memref<10000x128xf32, #tpu.memory_space<hbm>> -> memref<10000x128xf32, #tpu.memory_space<hbm>>
      tpu.wait_indirect_dma semaphore(%arg10 : memref<!tpu.dma_semaphore, #tpu.memory_space<semaphore_mem>>) src(%dma_wait3A_99 : memref<10000x128xf32, #tpu.memory_space<hbm>>) dst(%dma_wait3A_93 : memref<128x128xf32, #tpu.memory_space<vmem>>)
      %dma_start3A_100 = arith.constant 0 : i32
      %dma_start3A_101 = arith.constant 1 : i32
      %dma_start3A_102 = arith.constant 0 : i32
      %dma_start3A_103 = arith.constant 0 : i32
      %dma_start3A_104 = tpu.memref_slice %arg8[%dma_start3A_100, %dma_start3A_102, %dma_start3A_103] : memref<2x128x128xf32, #tpu.memory_space<vmem>> -> memref<1x128x128xf32, #tpu.memory_space<vmem>>
      %dma_start3A_105 = tpu.memref_squeeze %dma_start3A_104 : memref<1x128x128xf32, #tpu.memory_space<vmem>> -> memref<128x128xf32, #tpu.memory_space<vmem>>
      %dma_start3A_106 = arith.constant 0 : i32
      %dma_start3A_107 = tpu.memref_slice %arg6[%dma_start3A_101, %dma_start3A_106] : memref<2x128xi32, #tpu.memory_space<vmem>> -> memref<1x128xi32, #tpu.memory_space<vmem>>
      %dma_start3A_108 = tpu.memref_squeeze %dma_start3A_107 : memref<1x128xi32, #tpu.memory_space<vmem>> -> memref<128xi32, #tpu.memory_space<vmem>>
      %dma_start3A_109 = arith.constant 0 : i32
      %dma_start3A_110 = arith.constant 0 : i32
      %dma_start3A_111 = tpu.memref_slice %arg9[%dma_start3A_109, %dma_start3A_110] : memref<10112x128xf32, #tpu.memory_space<vmem_shared>> -> memref<10112x128xf32, #tpu.memory_space<vmem_shared>>
      tpu.enqueue_indirect_dma source(%dma_start3A_105 : memref<128x128xf32, #tpu.memory_space<vmem>>) target(%dma_start3A_111 : memref<10112x128xf32, #tpu.memory_space<vmem_shared>>) offsets(%dma_start3A_108 : memref<128xi32, #tpu.memory_space<vmem>>) semaphore(%arg12 : memref<!tpu.dma_semaphore, #tpu.memory_space<semaphore_mem>>) {add = true}
      %add3A = arith.constant 2 : i32
      %add3A_112 = arith.addi %mul3A_87, %add3A : i32
      "tpu.region"() ({
        %run_scoped3A_187 = tpu.sem_alloc : memref<!tpu.dma_semaphore, #tpu.memory_space<semaphore_mem>>
        %dma_start3A_188 = arith.constant 0 : i32
        %dma_start3A_189 = arith.constant 0 : i32
        %dma_start3A_190 = tpu.memref_slice %arg3[%arg0, %arg1, %add3A_112, %dma_start3A_188, %dma_start3A_189] : memref<2x16x79x2x128xi32, #tpu.memory_space<hbm>> -> memref<1x1x1x2x128xi32, #tpu.memory_space<hbm>>
        %dma_start3A_191 = tpu.memref_squeeze %dma_start3A_190 : memref<1x1x1x2x128xi32, #tpu.memory_space<hbm>> -> memref<2x128xi32, #tpu.memory_space<hbm>>
        %dma_start3A_192 = arith.constant 0 : i32
        %dma_start3A_193 = arith.constant 0 : i32
        %dma_start3A_194 = tpu.memref_slice %arg3[%arg0, %arg1, %add3A_112, %dma_start3A_192, %dma_start3A_193] : memref<2x16x79x2x128xi32, #tpu.memory_space<hbm>> -> memref<1x1x1x2x128xi32, #tpu.memory_space<hbm>>
        %dma_start3A_195 = tpu.memref_squeeze %dma_start3A_194 : memref<1x1x1x2x128xi32, #tpu.memory_space<hbm>> -> memref<2x128xi32, #tpu.memory_space<hbm>>
        tpu.enqueue_dma source(%dma_start3A_195 : memref<2x128xi32, #tpu.memory_space<hbm>>) target(%arg6 : memref<2x128xi32, #tpu.memory_space<vmem>>) target_semaphore(%run_scoped3A_187 : memref<!tpu.dma_semaphore, #tpu.memory_space<semaphore_mem>>)
        %dma_wait3A_196 = arith.constant 0 : i32
        %dma_wait3A_197 = arith.constant 0 : i32
        %dma_wait3A_198 = tpu.memref_slice %arg3[%arg0, %arg1, %add3A_112, %dma_wait3A_196, %dma_wait3A_197] : memref<2x16x79x2x128xi32, #tpu.memory_space<hbm>> -> memref<1x1x1x2x128xi32, #tpu.memory_space<hbm>>
        %dma_wait3A_199 = tpu.memref_squeeze %dma_wait3A_198 : memref<1x1x1x2x128xi32, #tpu.memory_space<hbm>> -> memref<2x128xi32, #tpu.memory_space<hbm>>
        %dma_wait3A_200 = arith.constant 0 : i32
        %dma_wait3A_201 = arith.constant 0 : i32
        %dma_wait3A_202 = tpu.memref_slice %arg3[%arg0, %arg1, %add3A_112, %dma_wait3A_200, %dma_wait3A_201] : memref<2x16x79x2x128xi32, #tpu.memory_space<hbm>> -> memref<1x1x1x2x128xi32, #tpu.memory_space<hbm>>
        %dma_wait3A_203 = tpu.memref_squeeze %dma_wait3A_202 : memref<1x1x1x2x128xi32, #tpu.memory_space<hbm>> -> memref<2x128xi32, #tpu.memory_space<hbm>>
        tpu.wait_dma2 semaphore(%run_scoped3A_187 : memref<!tpu.dma_semaphore, #tpu.memory_space<semaphore_mem>>) src(%dma_wait3A_203 : memref<2x128xi32, #tpu.memory_space<hbm>>) dst(%arg6 : memref<2x128xi32, #tpu.memory_space<vmem>>)
        tpu.yield
      }) : () -> ()
      %dma_wait3A_113 = arith.constant 0 : i32
      %dma_wait3A_114 = arith.constant 1 : i32
      %dma_wait3A_115 = arith.constant 0 : i32
      %dma_wait3A_116 = arith.constant 0 : i32
      %dma_wait3A_117 = tpu.memref_slice %arg8[%dma_wait3A_113, %dma_wait3A_115, %dma_wait3A_116] : memref<2x128x128xf32, #tpu.memory_space<vmem>> -> memref<1x128x128xf32, #tpu.memory_space<vmem>>
      %dma_wait3A_118 = tpu.memref_squeeze %dma_wait3A_117 : memref<1x128x128xf32, #tpu.memory_space<vmem>> -> memref<128x128xf32, #tpu.memory_space<vmem>>
      %dma_wait3A_119 = arith.constant 0 : i32
      %dma_wait3A_120 = tpu.memref_slice %arg6[%dma_wait3A_114, %dma_wait3A_119] : memref<2x128xi32, #tpu.memory_space<vmem>> -> memref<1x128xi32, #tpu.memory_space<vmem>>
      %dma_wait3A_121 = tpu.memref_squeeze %dma_wait3A_120 : memref<1x128xi32, #tpu.memory_space<vmem>> -> memref<128xi32, #tpu.memory_space<vmem>>
      %dma_wait3A_122 = arith.constant 0 : i32
      %dma_wait3A_123 = arith.constant 0 : i32
      %dma_wait3A_124 = tpu.memref_slice %arg9[%dma_wait3A_122, %dma_wait3A_123] : memref<10112x128xf32, #tpu.memory_space<vmem_shared>> -> memref<10112x128xf32, #tpu.memory_space<vmem_shared>>
      tpu.wait_indirect_dma semaphore(%arg12 : memref<!tpu.dma_semaphore, #tpu.memory_space<semaphore_mem>>) src(%dma_wait3A_118 : memref<128x128xf32, #tpu.memory_space<vmem>>) dst(%dma_wait3A_124 : memref<10112x128xf32, #tpu.memory_space<vmem_shared>>)
      %dma_start3A_125 = arith.constant 0 : i32
      %dma_start3A_126 = arith.constant 0 : i32
      %dma_start3A_127 = arith.constant 0 : i32
      %dma_start3A_128 = arith.constant 0 : i32
      %dma_start3A_129 = tpu.memref_slice %arg8[%dma_start3A_126, %dma_start3A_127, %dma_start3A_128] : memref<2x128x128xf32, #tpu.memory_space<vmem>> -> memref<1x128x128xf32, #tpu.memory_space<vmem>>
      %dma_start3A_130 = tpu.memref_squeeze %dma_start3A_129 : memref<1x128x128xf32, #tpu.memory_space<vmem>> -> memref<128x128xf32, #tpu.memory_space<vmem>>
      %dma_start3A_131 = arith.constant 0 : i32
      %dma_start3A_132 = tpu.memref_slice %arg6[%dma_start3A_125, %dma_start3A_131] : memref<2x128xi32, #tpu.memory_space<vmem>> -> memref<1x128xi32, #tpu.memory_space<vmem>>
      %dma_start3A_133 = tpu.memref_squeeze %dma_start3A_132 : memref<1x128xi32, #tpu.memory_space<vmem>> -> memref<128xi32, #tpu.memory_space<vmem>>
      %dma_start3A_134 = arith.constant 0 : i32
      %dma_start3A_135 = arith.constant 0 : i32
      %dma_start3A_136 = tpu.memref_slice %arg2[%dma_start3A_134, %dma_start3A_135] : memref<10000x128xf32, #tpu.memory_space<hbm>> -> memref<10000x128xf32, #tpu.memory_space<hbm>>
      tpu.enqueue_indirect_dma source(%dma_start3A_136 : memref<10000x128xf32, #tpu.memory_space<hbm>>) target(%dma_start3A_130 : memref<128x128xf32, #tpu.memory_space<vmem>>) offsets(%dma_start3A_133 : memref<128xi32, #tpu.memory_space<vmem>>) semaphore(%arg10 : memref<!tpu.dma_semaphore, #tpu.memory_space<semaphore_mem>>)
      %dma_wait3A_137 = arith.constant 0 : i32
      %dma_wait3A_138 = arith.constant 1 : i32
      %dma_wait3A_139 = arith.constant 0 : i32
      %dma_wait3A_140 = arith.constant 0 : i32
      %dma_wait3A_141 = tpu.memref_slice %arg8[%dma_wait3A_138, %dma_wait3A_139, %dma_wait3A_140] : memref<2x128x128xf32, #tpu.memory_space<vmem>> -> memref<1x128x128xf32, #tpu.memory_space<vmem>>
      %dma_wait3A_142 = tpu.memref_squeeze %dma_wait3A_141 : memref<1x128x128xf32, #tpu.memory_space<vmem>> -> memref<128x128xf32, #tpu.memory_space<vmem>>
      %dma_wait3A_143 = arith.constant 0 : i32
      %dma_wait3A_144 = tpu.memref_slice %arg7[%dma_wait3A_137, %dma_wait3A_143] : memref<2x128xi32, #tpu.memory_space<vmem>> -> memref<1x128xi32, #tpu.memory_space<vmem>>
      %dma_wait3A_145 = tpu.memref_squeeze %dma_wait3A_144 : memref<1x128xi32, #tpu.memory_space<vmem>> -> memref<128xi32, #tpu.memory_space<vmem>>
      %dma_wait3A_146 = arith.constant 0 : i32
      %dma_wait3A_147 = arith.constant 0 : i32
      %dma_wait3A_148 = tpu.memref_slice %arg2[%dma_wait3A_146, %dma_wait3A_147] : memref<10000x128xf32, #tpu.memory_space<hbm>> -> memref<10000x128xf32, #tpu.memory_space<hbm>>
      tpu.wait_indirect_dma semaphore(%arg11 : memref<!tpu.dma_semaphore, #tpu.memory_space<semaphore_mem>>) src(%dma_wait3A_148 : memref<10000x128xf32, #tpu.memory_space<hbm>>) dst(%dma_wait3A_142 : memref<128x128xf32, #tpu.memory_space<vmem>>)
      %dma_start3A_149 = arith.constant 1 : i32
      %dma_start3A_150 = arith.constant 1 : i32
      %dma_start3A_151 = arith.constant 0 : i32
      %dma_start3A_152 = arith.constant 0 : i32
      %dma_start3A_153 = tpu.memref_slice %arg8[%dma_start3A_149, %dma_start3A_151, %dma_start3A_152] : memref<2x128x128xf32, #tpu.memory_space<vmem>> -> memref<1x128x128xf32, #tpu.memory_space<vmem>>
      %dma_start3A_154 = tpu.memref_squeeze %dma_start3A_153 : memref<1x128x128xf32, #tpu.memory_space<vmem>> -> memref<128x128xf32, #tpu.memory_space<vmem>>
      %dma_start3A_155 = arith.constant 0 : i32
      %dma_start3A_156 = tpu.memref_slice %arg7[%dma_start3A_150, %dma_start3A_155] : memref<2x128xi32, #tpu.memory_space<vmem>> -> memref<1x128xi32, #tpu.memory_space<vmem>>
      %dma_start3A_157 = tpu.memref_squeeze %dma_start3A_156 : memref<1x128xi32, #tpu.memory_space<vmem>> -> memref<128xi32, #tpu.memory_space<vmem>>
      %dma_start3A_158 = arith.constant 0 : i32
      %dma_start3A_159 = arith.constant 0 : i32
      %dma_start3A_160 = tpu.memref_slice %arg9[%dma_start3A_158, %dma_start3A_159] : memref<10112x128xf32, #tpu.memory_space<vmem_shared>> -> memref<10112x128xf32, #tpu.memory_space<vmem_shared>>
      tpu.enqueue_indirect_dma source(%dma_start3A_154 : memref<128x128xf32, #tpu.memory_space<vmem>>) target(%dma_start3A_160 : memref<10112x128xf32, #tpu.memory_space<vmem_shared>>) offsets(%dma_start3A_157 : memref<128xi32, #tpu.memory_space<vmem>>) semaphore(%arg13 : memref<!tpu.dma_semaphore, #tpu.memory_space<semaphore_mem>>) {add = true}
      %add3A_161 = arith.constant 3 : i32
      %add3A_162 = arith.addi %mul3A_87, %add3A_161 : i32
      "tpu.region"() ({
        %run_scoped3A_187 = tpu.sem_alloc : memref<!tpu.dma_semaphore, #tpu.memory_space<semaphore_mem>>
        %dma_start3A_188 = arith.constant 0 : i32
        %dma_start3A_189 = arith.constant 0 : i32
        %dma_start3A_190 = tpu.memref_slice %arg3[%arg0, %arg1, %add3A_162, %dma_start3A_188, %dma_start3A_189] : memref<2x16x79x2x128xi32, #tpu.memory_space<hbm>> -> memref<1x1x1x2x128xi32, #tpu.memory_space<hbm>>
        %dma_start3A_191 = tpu.memref_squeeze %dma_start3A_190 : memref<1x1x1x2x128xi32, #tpu.memory_space<hbm>> -> memref<2x128xi32, #tpu.memory_space<hbm>>
        %dma_start3A_192 = arith.constant 0 : i32
        %dma_start3A_193 = arith.constant 0 : i32
        %dma_start3A_194 = tpu.memref_slice %arg3[%arg0, %arg1, %add3A_162, %dma_start3A_192, %dma_start3A_193] : memref<2x16x79x2x128xi32, #tpu.memory_space<hbm>> -> memref<1x1x1x2x128xi32, #tpu.memory_space<hbm>>
        %dma_start3A_195 = tpu.memref_squeeze %dma_start3A_194 : memref<1x1x1x2x128xi32, #tpu.memory_space<hbm>> -> memref<2x128xi32, #tpu.memory_space<hbm>>
        tpu.enqueue_dma source(%dma_start3A_195 : memref<2x128xi32, #tpu.memory_space<hbm>>) target(%arg7 : memref<2x128xi32, #tpu.memory_space<vmem>>) target_semaphore(%run_scoped3A_187 : memref<!tpu.dma_semaphore, #tpu.memory_space<semaphore_mem>>)
        %dma_wait3A_196 = arith.constant 0 : i32
        %dma_wait3A_197 = arith.constant 0 : i32
        %dma_wait3A_198 = tpu.memref_slice %arg3[%arg0, %arg1, %add3A_162, %dma_wait3A_196, %dma_wait3A_197] : memref<2x16x79x2x128xi32, #tpu.memory_space<hbm>> -> memref<1x1x1x2x128xi32, #tpu.memory_space<hbm>>
        %dma_wait3A_199 = tpu.memref_squeeze %dma_wait3A_198 : memref<1x1x1x2x128xi32, #tpu.memory_space<hbm>> -> memref<2x128xi32, #tpu.memory_space<hbm>>
        %dma_wait3A_200 = arith.constant 0 : i32
        %dma_wait3A_201 = arith.constant 0 : i32
        %dma_wait3A_202 = tpu.memref_slice %arg3[%arg0, %arg1, %add3A_162, %dma_wait3A_200, %dma_wait3A_201] : memref<2x16x79x2x128xi32, #tpu.memory_space<hbm>> -> memref<1x1x1x2x128xi32, #tpu.memory_space<hbm>>
        %dma_wait3A_203 = tpu.memref_squeeze %dma_wait3A_202 : memref<1x1x1x2x128xi32, #tpu.memory_space<hbm>> -> memref<2x128xi32, #tpu.memory_space<hbm>>
        tpu.wait_dma2 semaphore(%run_scoped3A_187 : memref<!tpu.dma_semaphore, #tpu.memory_space<semaphore_mem>>) src(%dma_wait3A_203 : memref<2x128xi32, #tpu.memory_space<hbm>>) dst(%arg7 : memref<2x128xi32, #tpu.memory_space<vmem>>)
        tpu.yield
      }) : () -> ()
      %dma_wait3A_163 = arith.constant 1 : i32
      %dma_wait3A_164 = arith.constant 1 : i32
      %dma_wait3A_165 = arith.constant 0 : i32
      %dma_wait3A_166 = arith.constant 0 : i32
      %dma_wait3A_167 = tpu.memref_slice %arg8[%dma_wait3A_163, %dma_wait3A_165, %dma_wait3A_166] : memref<2x128x128xf32, #tpu.memory_space<vmem>> -> memref<1x128x128xf32, #tpu.memory_space<vmem>>
      %dma_wait3A_168 = tpu.memref_squeeze %dma_wait3A_167 : memref<1x128x128xf32, #tpu.memory_space<vmem>> -> memref<128x128xf32, #tpu.memory_space<vmem>>
      %dma_wait3A_169 = arith.constant 0 : i32
      %dma_wait3A_170 = tpu.memref_slice %arg7[%dma_wait3A_164, %dma_wait3A_169] : memref<2x128xi32, #tpu.memory_space<vmem>> -> memref<1x128xi32, #tpu.memory_space<vmem>>
      %dma_wait3A_171 = tpu.memref_squeeze %dma_wait3A_170 : memref<1x128xi32, #tpu.memory_space<vmem>> -> memref<128xi32, #tpu.memory_space<vmem>>
      %dma_wait3A_172 = arith.constant 0 : i32
      %dma_wait3A_173 = arith.constant 0 : i32
      %dma_wait3A_174 = tpu.memref_slice %arg9[%dma_wait3A_172, %dma_wait3A_173] : memref<10112x128xf32, #tpu.memory_space<vmem_shared>> -> memref<10112x128xf32, #tpu.memory_space<vmem_shared>>
      tpu.wait_indirect_dma semaphore(%arg13 : memref<!tpu.dma_semaphore, #tpu.memory_space<semaphore_mem>>) src(%dma_wait3A_168 : memref<128x128xf32, #tpu.memory_space<vmem>>) dst(%dma_wait3A_174 : memref<10112x128xf32, #tpu.memory_space<vmem_shared>>)
      %dma_start3A_175 = arith.constant 0 : i32
      %dma_start3A_176 = arith.constant 1 : i32
      %dma_start3A_177 = arith.constant 0 : i32
      %dma_start3A_178 = arith.constant 0 : i32
      %dma_start3A_179 = tpu.memref_slice %arg8[%dma_start3A_176, %dma_start3A_177, %dma_start3A_178] : memref<2x128x128xf32, #tpu.memory_space<vmem>> -> memref<1x128x128xf32, #tpu.memory_space<vmem>>
      %dma_start3A_180 = tpu.memref_squeeze %dma_start3A_179 : memref<1x128x128xf32, #tpu.memory_space<vmem>> -> memref<128x128xf32, #tpu.memory_space<vmem>>
      %dma_start3A_181 = arith.constant 0 : i32
      %dma_start3A_182 = tpu.memref_slice %arg7[%dma_start3A_175, %dma_start3A_181] : memref<2x128xi32, #tpu.memory_space<vmem>> -> memref<1x128xi32, #tpu.memory_space<vmem>>
      %dma_start3A_183 = tpu.memref_squeeze %dma_start3A_182 : memref<1x128xi32, #tpu.memory_space<vmem>> -> memref<128xi32, #tpu.memory_space<vmem>>
      %dma_start3A_184 = arith.constant 0 : i32
      %dma_start3A_185 = arith.constant 0 : i32
      %dma_start3A_186 = tpu.memref_slice %arg2[%dma_start3A_184, %dma_start3A_185] : memref<10000x128xf32, #tpu.memory_space<hbm>> -> memref<10000x128xf32, #tpu.memory_space<hbm>>
      tpu.enqueue_indirect_dma source(%dma_start3A_186 : memref<10000x128xf32, #tpu.memory_space<hbm>>) target(%dma_start3A_180 : memref<128x128xf32, #tpu.memory_space<vmem>>) offsets(%dma_start3A_183 : memref<128xi32, #tpu.memory_space<vmem>>) semaphore(%arg11 : memref<!tpu.dma_semaphore, #tpu.memory_space<semaphore_mem>>)
    }
    %scan3A_29 = arith.constant 38 : i32
    %dma_wait3A = arith.constant 0 : i32
    %dma_wait3A_30 = arith.constant 0 : i32
    %dma_wait3A_31 = arith.constant 0 : i32
    %dma_wait3A_32 = arith.constant 0 : i32
    %dma_wait3A_33 = tpu.memref_slice %arg8[%dma_wait3A_30, %dma_wait3A_31, %dma_wait3A_32] : memref<2x128x128xf32, #tpu.memory_space<vmem>> -> memref<1x128x128xf32, #tpu.memory_space<vmem>>
    %dma_wait3A_34 = tpu.memref_squeeze %dma_wait3A_33 : memref<1x128x128xf32, #tpu.memory_space<vmem>> -> memref<128x128xf32, #tpu.memory_space<vmem>>
    %dma_wait3A_35 = arith.constant 0 : i32
    %dma_wait3A_36 = tpu.memref_slice %arg6[%dma_wait3A, %dma_wait3A_35] : memref<2x128xi32, #tpu.memory_space<vmem>> -> memref<1x128xi32, #tpu.memory_space<vmem>>
    %dma_wait3A_37 = tpu.memref_squeeze %dma_wait3A_36 : memref<1x128xi32, #tpu.memory_space<vmem>> -> memref<128xi32, #tpu.memory_space<vmem>>
    %dma_wait3A_38 = arith.constant 0 : i32
    %dma_wait3A_39 = arith.constant 0 : i32
    %dma_wait3A_40 = tpu.memref_slice %arg2[%dma_wait3A_38, %dma_wait3A_39] : memref<10000x128xf32, #tpu.memory_space<hbm>> -> memref<10000x128xf32, #tpu.memory_space<hbm>>
    tpu.wait_indirect_dma semaphore(%arg10 : memref<!tpu.dma_semaphore, #tpu.memory_space<semaphore_mem>>) src(%dma_wait3A_40 : memref<10000x128xf32, #tpu.memory_space<hbm>>) dst(%dma_wait3A_34 : memref<128x128xf32, #tpu.memory_space<vmem>>)
    %run_scoped3A_41 = arith.constant 0 : i32
    %run_scoped3A_42 = arith.constant 1 : i32
    "tpu.region"() ({
      %run_scoped3A_85 = tpu.sem_alloc : memref<!tpu.dma_semaphore, #tpu.memory_space<semaphore_mem>>
      %dma_start3A_86 = arith.constant 0 : i32
      %dma_start3A_87 = arith.constant 0 : i32
      %dma_start3A_88 = tpu.memref_slice %arg8[%run_scoped3A_41, %dma_start3A_86, %dma_start3A_87] : memref<2x128x128xf32, #tpu.memory_space<vmem>> -> memref<1x128x128xf32, #tpu.memory_space<vmem>>
      %dma_start3A_89 = tpu.memref_squeeze %dma_start3A_88 : memref<1x128x128xf32, #tpu.memory_space<vmem>> -> memref<128x128xf32, #tpu.memory_space<vmem>>
      %dma_start3A_90 = arith.constant 0 : i32
      %dma_start3A_91 = tpu.memref_slice %arg6[%run_scoped3A_42, %dma_start3A_90] : memref<2x128xi32, #tpu.memory_space<vmem>> -> memref<1x128xi32, #tpu.memory_space<vmem>>
      %dma_start3A_92 = tpu.memref_squeeze %dma_start3A_91 : memref<1x128xi32, #tpu.memory_space<vmem>> -> memref<128xi32, #tpu.memory_space<vmem>>
      %dma_start3A_93 = arith.constant 0 : i32
      %dma_start3A_94 = arith.constant 0 : i32
      %dma_start3A_95 = tpu.memref_slice %arg9[%dma_start3A_93, %dma_start3A_94] : memref<10112x128xf32, #tpu.memory_space<vmem_shared>> -> memref<10112x128xf32, #tpu.memory_space<vmem_shared>>
      tpu.enqueue_indirect_dma source(%dma_start3A_89 : memref<128x128xf32, #tpu.memory_space<vmem>>) target(%dma_start3A_95 : memref<10112x128xf32, #tpu.memory_space<vmem_shared>>) offsets(%dma_start3A_92 : memref<128xi32, #tpu.memory_space<vmem>>) semaphore(%run_scoped3A_85 : memref<!tpu.dma_semaphore, #tpu.memory_space<semaphore_mem>>) {add = true}
      %dma_wait3A_96 = arith.constant 0 : i32
      %dma_wait3A_97 = arith.constant 0 : i32
      %dma_wait3A_98 = tpu.memref_slice %arg8[%run_scoped3A_41, %dma_wait3A_96, %dma_wait3A_97] : memref<2x128x128xf32, #tpu.memory_space<vmem>> -> memref<1x128x128xf32, #tpu.memory_space<vmem>>
      %dma_wait3A_99 = tpu.memref_squeeze %dma_wait3A_98 : memref<1x128x128xf32, #tpu.memory_space<vmem>> -> memref<128x128xf32, #tpu.memory_space<vmem>>
      %dma_wait3A_100 = arith.constant 0 : i32
      %dma_wait3A_101 = tpu.memref_slice %arg6[%run_scoped3A_42, %dma_wait3A_100] : memref<2x128xi32, #tpu.memory_space<vmem>> -> memref<1x128xi32, #tpu.memory_space<vmem>>
      %dma_wait3A_102 = tpu.memref_squeeze %dma_wait3A_101 : memref<1x128xi32, #tpu.memory_space<vmem>> -> memref<128xi32, #tpu.memory_space<vmem>>
      %dma_wait3A_103 = arith.constant 0 : i32
      %dma_wait3A_104 = arith.constant 0 : i32
      %dma_wait3A_105 = tpu.memref_slice %arg9[%dma_wait3A_103, %dma_wait3A_104] : memref<10112x128xf32, #tpu.memory_space<vmem_shared>> -> memref<10112x128xf32, #tpu.memory_space<vmem_shared>>
      tpu.wait_indirect_dma semaphore(%run_scoped3A_85 : memref<!tpu.dma_semaphore, #tpu.memory_space<semaphore_mem>>) src(%dma_wait3A_99 : memref<128x128xf32, #tpu.memory_space<vmem>>) dst(%dma_wait3A_105 : memref<10112x128xf32, #tpu.memory_space<vmem_shared>>)
      tpu.yield
    }) : () -> ()
    %run_scoped3A_43 = arith.constant 78 : i32
    "tpu.region"() ({
      %run_scoped3A_85 = tpu.sem_alloc : memref<!tpu.dma_semaphore, #tpu.memory_space<semaphore_mem>>
      %dma_start3A_86 = arith.constant 0 : i32
      %dma_start3A_87 = arith.constant 0 : i32
      %dma_start3A_88 = tpu.memref_slice %arg3[%arg0, %arg1, %run_scoped3A_43, %dma_start3A_86, %dma_start3A_87] : memref<2x16x79x2x128xi32, #tpu.memory_space<hbm>> -> memref<1x1x1x2x128xi32, #tpu.memory_space<hbm>>
      %dma_start3A_89 = tpu.memref_squeeze %dma_start3A_88 : memref<1x1x1x2x128xi32, #tpu.memory_space<hbm>> -> memref<2x128xi32, #tpu.memory_space<hbm>>
      %dma_start3A_90 = arith.constant 0 : i32
      %dma_start3A_91 = arith.constant 0 : i32
      %dma_start3A_92 = tpu.memref_slice %arg3[%arg0, %arg1, %run_scoped3A_43, %dma_start3A_90, %dma_start3A_91] : memref<2x16x79x2x128xi32, #tpu.memory_space<hbm>> -> memref<1x1x1x2x128xi32, #tpu.memory_space<hbm>>
      %dma_start3A_93 = tpu.memref_squeeze %dma_start3A_92 : memref<1x1x1x2x128xi32, #tpu.memory_space<hbm>> -> memref<2x128xi32, #tpu.memory_space<hbm>>
      tpu.enqueue_dma source(%dma_start3A_93 : memref<2x128xi32, #tpu.memory_space<hbm>>) target(%arg6 : memref<2x128xi32, #tpu.memory_space<vmem>>) target_semaphore(%run_scoped3A_85 : memref<!tpu.dma_semaphore, #tpu.memory_space<semaphore_mem>>)
      %dma_wait3A_94 = arith.constant 0 : i32
      %dma_wait3A_95 = arith.constant 0 : i32
      %dma_wait3A_96 = tpu.memref_slice %arg3[%arg0, %arg1, %run_scoped3A_43, %dma_wait3A_94, %dma_wait3A_95] : memref<2x16x79x2x128xi32, #tpu.memory_space<hbm>> -> memref<1x1x1x2x128xi32, #tpu.memory_space<hbm>>
      %dma_wait3A_97 = tpu.memref_squeeze %dma_wait3A_96 : memref<1x1x1x2x128xi32, #tpu.memory_space<hbm>> -> memref<2x128xi32, #tpu.memory_space<hbm>>
      %dma_wait3A_98 = arith.constant 0 : i32
      %dma_wait3A_99 = arith.constant 0 : i32
      %dma_wait3A_100 = tpu.memref_slice %arg3[%arg0, %arg1, %run_scoped3A_43, %dma_wait3A_98, %dma_wait3A_99] : memref<2x16x79x2x128xi32, #tpu.memory_space<hbm>> -> memref<1x1x1x2x128xi32, #tpu.memory_space<hbm>>
      %dma_wait3A_101 = tpu.memref_squeeze %dma_wait3A_100 : memref<1x1x1x2x128xi32, #tpu.memory_space<hbm>> -> memref<2x128xi32, #tpu.memory_space<hbm>>
      tpu.wait_dma2 semaphore(%run_scoped3A_85 : memref<!tpu.dma_semaphore, #tpu.memory_space<semaphore_mem>>) src(%dma_wait3A_101 : memref<2x128xi32, #tpu.memory_space<hbm>>) dst(%arg6 : memref<2x128xi32, #tpu.memory_space<vmem>>)
      tpu.yield
    }) : () -> ()
    %dma_start3A_44 = arith.constant 0 : i32
    %dma_start3A_45 = arith.constant 0 : i32
    %dma_start3A_46 = arith.constant 0 : i32
    %dma_start3A_47 = arith.constant 0 : i32
    %dma_start3A_48 = tpu.memref_slice %arg8[%dma_start3A_45, %dma_start3A_46, %dma_start3A_47] : memref<2x128x128xf32, #tpu.memory_space<vmem>> -> memref<1x128x128xf32, #tpu.memory_space<vmem>>
    %dma_start3A_49 = tpu.memref_squeeze %dma_start3A_48 : memref<1x128x128xf32, #tpu.memory_space<vmem>> -> memref<128x128xf32, #tpu.memory_space<vmem>>
    %dma_start3A_50 = arith.constant 0 : i32
    %dma_start3A_51 = tpu.memref_slice %arg6[%dma_start3A_44, %dma_start3A_50] : memref<2x128xi32, #tpu.memory_space<vmem>> -> memref<1x128xi32, #tpu.memory_space<vmem>>
    %dma_start3A_52 = tpu.memref_squeeze %dma_start3A_51 : memref<1x128xi32, #tpu.memory_space<vmem>> -> memref<128xi32, #tpu.memory_space<vmem>>
    %dma_start3A_53 = arith.constant 0 : i32
    %dma_start3A_54 = arith.constant 0 : i32
    %dma_start3A_55 = tpu.memref_slice %arg2[%dma_start3A_53, %dma_start3A_54] : memref<10000x128xf32, #tpu.memory_space<hbm>> -> memref<10000x128xf32, #tpu.memory_space<hbm>>
    tpu.enqueue_indirect_dma source(%dma_start3A_55 : memref<10000x128xf32, #tpu.memory_space<hbm>>) target(%dma_start3A_49 : memref<128x128xf32, #tpu.memory_space<vmem>>) offsets(%dma_start3A_52 : memref<128xi32, #tpu.memory_space<vmem>>) semaphore(%arg10 : memref<!tpu.dma_semaphore, #tpu.memory_space<semaphore_mem>>)
    %dma_wait3A_56 = arith.constant 0 : i32
    %dma_wait3A_57 = arith.constant 1 : i32
    %dma_wait3A_58 = arith.constant 0 : i32
    %dma_wait3A_59 = arith.constant 0 : i32
    %dma_wait3A_60 = tpu.memref_slice %arg8[%dma_wait3A_57, %dma_wait3A_58, %dma_wait3A_59] : memref<2x128x128xf32, #tpu.memory_space<vmem>> -> memref<1x128x128xf32, #tpu.memory_space<vmem>>
    %dma_wait3A_61 = tpu.memref_squeeze %dma_wait3A_60 : memref<1x128x128xf32, #tpu.memory_space<vmem>> -> memref<128x128xf32, #tpu.memory_space<vmem>>
    %dma_wait3A_62 = arith.constant 0 : i32
    %dma_wait3A_63 = tpu.memref_slice %arg7[%dma_wait3A_56, %dma_wait3A_62] : memref<2x128xi32, #tpu.memory_space<vmem>> -> memref<1x128xi32, #tpu.memory_space<vmem>>
    %dma_wait3A_64 = tpu.memref_squeeze %dma_wait3A_63 : memref<1x128xi32, #tpu.memory_space<vmem>> -> memref<128xi32, #tpu.memory_space<vmem>>
    %dma_wait3A_65 = arith.constant 0 : i32
    %dma_wait3A_66 = arith.constant 0 : i32
    %dma_wait3A_67 = tpu.memref_slice %arg2[%dma_wait3A_65, %dma_wait3A_66] : memref<10000x128xf32, #tpu.memory_space<hbm>> -> memref<10000x128xf32, #tpu.memory_space<hbm>>
    tpu.wait_indirect_dma semaphore(%arg11 : memref<!tpu.dma_semaphore, #tpu.memory_space<semaphore_mem>>) src(%dma_wait3A_67 : memref<10000x128xf32, #tpu.memory_space<hbm>>) dst(%dma_wait3A_61 : memref<128x128xf32, #tpu.memory_space<vmem>>)
    %run_scoped3A_68 = arith.constant 1 : i32
    %run_scoped3A_69 = arith.constant 1 : i32
    "tpu.region"() ({
      %run_scoped3A_85 = tpu.sem_alloc : memref<!tpu.dma_semaphore, #tpu.memory_space<semaphore_mem>>
      %dma_start3A_86 = arith.constant 0 : i32
      %dma_start3A_87 = arith.constant 0 : i32
      %dma_start3A_88 = tpu.memref_slice %arg8[%run_scoped3A_68, %dma_start3A_86, %dma_start3A_87] : memref<2x128x128xf32, #tpu.memory_space<vmem>> -> memref<1x128x128xf32, #tpu.memory_space<vmem>>
      %dma_start3A_89 = tpu.memref_squeeze %dma_start3A_88 : memref<1x128x128xf32, #tpu.memory_space<vmem>> -> memref<128x128xf32, #tpu.memory_space<vmem>>
      %dma_start3A_90 = arith.constant 0 : i32
      %dma_start3A_91 = tpu.memref_slice %arg7[%run_scoped3A_69, %dma_start3A_90] : memref<2x128xi32, #tpu.memory_space<vmem>> -> memref<1x128xi32, #tpu.memory_space<vmem>>
      %dma_start3A_92 = tpu.memref_squeeze %dma_start3A_91 : memref<1x128xi32, #tpu.memory_space<vmem>> -> memref<128xi32, #tpu.memory_space<vmem>>
      %dma_start3A_93 = arith.constant 0 : i32
      %dma_start3A_94 = arith.constant 0 : i32
      %dma_start3A_95 = tpu.memref_slice %arg9[%dma_start3A_93, %dma_start3A_94] : memref<10112x128xf32, #tpu.memory_space<vmem_shared>> -> memref<10112x128xf32, #tpu.memory_space<vmem_shared>>
      tpu.enqueue_indirect_dma source(%dma_start3A_89 : memref<128x128xf32, #tpu.memory_space<vmem>>) target(%dma_start3A_95 : memref<10112x128xf32, #tpu.memory_space<vmem_shared>>) offsets(%dma_start3A_92 : memref<128xi32, #tpu.memory_space<vmem>>) semaphore(%run_scoped3A_85 : memref<!tpu.dma_semaphore, #tpu.memory_space<semaphore_mem>>) {add = true}
      %dma_wait3A_96 = arith.constant 0 : i32
      %dma_wait3A_97 = arith.constant 0 : i32
      %dma_wait3A_98 = tpu.memref_slice %arg8[%run_scoped3A_68, %dma_wait3A_96, %dma_wait3A_97] : memref<2x128x128xf32, #tpu.memory_space<vmem>> -> memref<1x128x128xf32, #tpu.memory_space<vmem>>
      %dma_wait3A_99 = tpu.memref_squeeze %dma_wait3A_98 : memref<1x128x128xf32, #tpu.memory_space<vmem>> -> memref<128x128xf32, #tpu.memory_space<vmem>>
      %dma_wait3A_100 = arith.constant 0 : i32
      %dma_wait3A_101 = tpu.memref_slice %arg7[%run_scoped3A_69, %dma_wait3A_100] : memref<2x128xi32, #tpu.memory_space<vmem>> -> memref<1x128xi32, #tpu.memory_space<vmem>>
      %dma_wait3A_102 = tpu.memref_squeeze %dma_wait3A_101 : memref<1x128xi32, #tpu.memory_space<vmem>> -> memref<128xi32, #tpu.memory_space<vmem>>
      %dma_wait3A_103 = arith.constant 0 : i32
      %dma_wait3A_104 = arith.constant 0 : i32
      %dma_wait3A_105 = tpu.memref_slice %arg9[%dma_wait3A_103, %dma_wait3A_104] : memref<10112x128xf32, #tpu.memory_space<vmem_shared>> -> memref<10112x128xf32, #tpu.memory_space<vmem_shared>>
      tpu.wait_indirect_dma semaphore(%run_scoped3A_85 : memref<!tpu.dma_semaphore, #tpu.memory_space<semaphore_mem>>) src(%dma_wait3A_99 : memref<128x128xf32, #tpu.memory_space<vmem>>) dst(%dma_wait3A_105 : memref<10112x128xf32, #tpu.memory_space<vmem_shared>>)
      tpu.yield
    }) : () -> ()
    %dma_wait3A_70 = arith.constant 0 : i32
    %dma_wait3A_71 = arith.constant 0 : i32
    %dma_wait3A_72 = arith.constant 0 : i32
    %dma_wait3A_73 = arith.constant 0 : i32
    %dma_wait3A_74 = tpu.memref_slice %arg8[%dma_wait3A_71, %dma_wait3A_72, %dma_wait3A_73] : memref<2x128x128xf32, #tpu.memory_space<vmem>> -> memref<1x128x128xf32, #tpu.memory_space<vmem>>
    %dma_wait3A_75 = tpu.memref_squeeze %dma_wait3A_74 : memref<1x128x128xf32, #tpu.memory_space<vmem>> -> memref<128x128xf32, #tpu.memory_space<vmem>>
    %dma_wait3A_76 = arith.constant 0 : i32
    %dma_wait3A_77 = tpu.memref_slice %arg6[%dma_wait3A_70, %dma_wait3A_76] : memref<2x128xi32, #tpu.memory_space<vmem>> -> memref<1x128xi32, #tpu.memory_space<vmem>>
    %dma_wait3A_78 = tpu.memref_squeeze %dma_wait3A_77 : memref<1x128xi32, #tpu.memory_space<vmem>> -> memref<128xi32, #tpu.memory_space<vmem>>
    %dma_wait3A_79 = arith.constant 0 : i32
    %dma_wait3A_80 = arith.constant 0 : i32
    %dma_wait3A_81 = tpu.memref_slice %arg2[%dma_wait3A_79, %dma_wait3A_80] : memref<10000x128xf32, #tpu.memory_space<hbm>> -> memref<10000x128xf32, #tpu.memory_space<hbm>>
    tpu.wait_indirect_dma semaphore(%arg10 : memref<!tpu.dma_semaphore, #tpu.memory_space<semaphore_mem>>) src(%dma_wait3A_81 : memref<10000x128xf32, #tpu.memory_space<hbm>>) dst(%dma_wait3A_75 : memref<128x128xf32, #tpu.memory_space<vmem>>)
    %run_scoped3A_82 = arith.constant 0 : i32
    %run_scoped3A_83 = arith.constant 1 : i32
    "tpu.region"() ({
      %run_scoped3A_85 = tpu.sem_alloc : memref<!tpu.dma_semaphore, #tpu.memory_space<semaphore_mem>>
      %dma_start3A_86 = arith.constant 0 : i32
      %dma_start3A_87 = arith.constant 0 : i32
      %dma_start3A_88 = tpu.memref_slice %arg8[%run_scoped3A_82, %dma_start3A_86, %dma_start3A_87] : memref<2x128x128xf32, #tpu.memory_space<vmem>> -> memref<1x128x128xf32, #tpu.memory_space<vmem>>
      %dma_start3A_89 = tpu.memref_squeeze %dma_start3A_88 : memref<1x128x128xf32, #tpu.memory_space<vmem>> -> memref<128x128xf32, #tpu.memory_space<vmem>>
      %dma_start3A_90 = arith.constant 0 : i32
      %dma_start3A_91 = tpu.memref_slice %arg6[%run_scoped3A_83, %dma_start3A_90] : memref<2x128xi32, #tpu.memory_space<vmem>> -> memref<1x128xi32, #tpu.memory_space<vmem>>
      %dma_start3A_92 = tpu.memref_squeeze %dma_start3A_91 : memref<1x128xi32, #tpu.memory_space<vmem>> -> memref<128xi32, #tpu.memory_space<vmem>>
      %dma_start3A_93 = arith.constant 0 : i32
      %dma_start3A_94 = arith.constant 0 : i32
      %dma_start3A_95 = tpu.memref_slice %arg9[%dma_start3A_93, %dma_start3A_94] : memref<10112x128xf32, #tpu.memory_space<vmem_shared>> -> memref<10112x128xf32, #tpu.memory_space<vmem_shared>>
      tpu.enqueue_indirect_dma source(%dma_start3A_89 : memref<128x128xf32, #tpu.memory_space<vmem>>) target(%dma_start3A_95 : memref<10112x128xf32, #tpu.memory_space<vmem_shared>>) offsets(%dma_start3A_92 : memref<128xi32, #tpu.memory_space<vmem>>) semaphore(%run_scoped3A_85 : memref<!tpu.dma_semaphore, #tpu.memory_space<semaphore_mem>>) {add = true}
      %dma_wait3A_96 = arith.constant 0 : i32
      %dma_wait3A_97 = arith.constant 0 : i32
      %dma_wait3A_98 = tpu.memref_slice %arg8[%run_scoped3A_82, %dma_wait3A_96, %dma_wait3A_97] : memref<2x128x128xf32, #tpu.memory_space<vmem>> -> memref<1x128x128xf32, #tpu.memory_space<vmem>>
      %dma_wait3A_99 = tpu.memref_squeeze %dma_wait3A_98 : memref<1x128x128xf32, #tpu.memory_space<vmem>> -> memref<128x128xf32, #tpu.memory_space<vmem>>
      %dma_wait3A_100 = arith.constant 0 : i32
      %dma_wait3A_101 = tpu.memref_slice %arg6[%run_scoped3A_83, %dma_wait3A_100] : memref<2x128xi32, #tpu.memory_space<vmem>> -> memref<1x128xi32, #tpu.memory_space<vmem>>
      %dma_wait3A_102 = tpu.memref_squeeze %dma_wait3A_101 : memref<1x128xi32, #tpu.memory_space<vmem>> -> memref<128xi32, #tpu.memory_space<vmem>>
      %dma_wait3A_103 = arith.constant 0 : i32
      %dma_wait3A_104 = arith.constant 0 : i32
      %dma_wait3A_105 = tpu.memref_slice %arg9[%dma_wait3A_103, %dma_wait3A_104] : memref<10112x128xf32, #tpu.memory_space<vmem_shared>> -> memref<10112x128xf32, #tpu.memory_space<vmem_shared>>
      tpu.wait_indirect_dma semaphore(%run_scoped3A_85 : memref<!tpu.dma_semaphore, #tpu.memory_space<semaphore_mem>>) src(%dma_wait3A_99 : memref<128x128xf32, #tpu.memory_space<vmem>>) dst(%dma_wait3A_105 : memref<10112x128xf32, #tpu.memory_space<vmem_shared>>)
      tpu.yield
    }) : () -> ()
    %barrier3A_84 = arith.constant 0 : index
    tpu.barrier barrier_id(%barrier3A_84)
    "tpu.region"() ({
      %run_scoped3A_85 = tpu.sem_alloc : memref<!tpu.dma_semaphore, #tpu.memory_space<semaphore_mem>>
      %dma_start3A_86 = arith.constant 0 : i32
      %dma_start3A_87 = tpu.memref_slice %arg5[%arg0, %mul3A_0, %dma_start3A_86] : memref<2x10112x128xf32, #tpu.memory_space<hbm>> -> memref<1x632x128xf32, #tpu.memory_space<hbm>>
      %dma_start3A_88 = tpu.memref_squeeze %dma_start3A_87 : memref<1x632x128xf32, #tpu.memory_space<hbm>> -> memref<632x128xf32, #tpu.memory_space<hbm>>
      %dma_start3A_89 = arith.constant 0 : i32
      %dma_start3A_90 = tpu.memref_slice %arg9[%mul3A_0, %dma_start3A_89] : memref<10112x128xf32, #tpu.memory_space<vmem_shared>> -> memref<632x128xf32, #tpu.memory_space<vmem_shared>>
      tpu.enqueue_dma source(%dma_start3A_90 : memref<632x128xf32, #tpu.memory_space<vmem_shared>>) target(%dma_start3A_88 : memref<632x128xf32, #tpu.memory_space<hbm>>) target_semaphore(%run_scoped3A_85 : memref<!tpu.dma_semaphore, #tpu.memory_space<semaphore_mem>>)
      %dma_wait3A_91 = arith.constant 0 : i32
      %dma_wait3A_92 = tpu.memref_slice %arg5[%arg0, %mul3A_0, %dma_wait3A_91] : memref<2x10112x128xf32, #tpu.memory_space<hbm>> -> memref<1x632x128xf32, #tpu.memory_space<hbm>>
      %dma_wait3A_93 = tpu.memref_squeeze %dma_wait3A_92 : memref<1x632x128xf32, #tpu.memory_space<hbm>> -> memref<632x128xf32, #tpu.memory_space<hbm>>
      %dma_wait3A_94 = arith.constant 0 : i32
      %dma_wait3A_95 = tpu.memref_slice %arg9[%mul3A_0, %dma_wait3A_94] : memref<10112x128xf32, #tpu.memory_space<vmem_shared>> -> memref<632x128xf32, #tpu.memory_space<vmem_shared>>
      tpu.wait_dma2 semaphore(%run_scoped3A_85 : memref<!tpu.dma_semaphore, #tpu.memory_space<semaphore_mem>>) src(%dma_wait3A_95 : memref<632x128xf32, #tpu.memory_space<vmem_shared>>) dst(%dma_wait3A_93 : memref<632x128xf32, #tpu.memory_space<hbm>>)
      tpu.yield
    }) : () -> ()
    return
  }
}

#map = affine_map<(d0, d1) -> (0, 0)>
#map1 = affine_map<(d0, d1) -> (0, 0, 0, 0, 0)>
#map2 = affine_map<(d0, d1) -> (0, 0, 0)>
module attributes {stable_mosaic.version = 14 : i64} {
  func.func @sc_spmm(%arg0: i32, %arg1: i32, %arg2: memref<10000x128xf32, #tpu.memory_space<hbm>>, %arg3: memref<2x16x79x2x128xi32, #tpu.memory_space<hbm>>, %arg4: memref<632x128xf32, #tpu.memory_space<hbm>>, %arg5: memref<2x10112x128xf32, #tpu.memory_space<hbm>>, %arg6: memref<2x128xi32, #tpu.memory_space<vmem>>, %arg7: memref<2x128xi32, #tpu.memory_space<vmem>>, %arg8: memref<2x128x128xf32, #tpu.memory_space<vmem>>, %arg9: memref<10112x128xf32, #tpu.memory_space<vmem_shared>>, %arg10: memref<!tpu.dma_semaphore, #tpu.memory_space<semaphore_mem>>, %arg11: memref<!tpu.dma_semaphore, #tpu.memory_space<semaphore_mem>>, %arg12: memref<!tpu.dma_semaphore, #tpu.memory_space<semaphore_mem>>, %arg13: memref<!tpu.dma_semaphore, #tpu.memory_space<semaphore_mem>>) attributes {dimension_semantics = [#tpu.dimension_semantics<core_parallel>, #tpu.dimension_semantics<subcore_parallel>], iteration_bounds = array<i64: 2, 16>, scalar_prefetch = 0 : i64, scratch_operands = 8 : i64, tpu.core_type = #tpu.core_type<sc_vector_subcore>, window_params = [{transform_indices = #map}, {transform_indices = #map1}, {transform_indices = #map}, {transform_indices = #map2}]} {
    %mul3A = arith.constant 632 : i32
    %mul3A_0 = arith.muli %arg1, %mul3A : i32
    "tpu.region"() ({
      %run_scoped3A_85 = tpu.sem_alloc : memref<!tpu.dma_semaphore, #tpu.memory_space<semaphore_mem>>
      %dma_start3A_86 = arith.constant 0 : i32
      %dma_start3A_87 = tpu.memref_slice %arg9[%mul3A_0, %dma_start3A_86] : memref<10112x128xf32, #tpu.memory_space<vmem_shared>> -> memref<632x128xf32, #tpu.memory_space<vmem_shared>>
      tpu.enqueue_dma source(%arg4 : memref<632x128xf32, #tpu.memory_space<hbm>>) target(%dma_start3A_87 : memref<632x128xf32, #tpu.memory_space<vmem_shared>>) target_semaphore(%run_scoped3A_85 : memref<!tpu.dma_semaphore, #tpu.memory_space<semaphore_mem>>)
      %dma_wait3A_88 = arith.constant 0 : i32
      %dma_wait3A_89 = tpu.memref_slice %arg9[%mul3A_0, %dma_wait3A_88] : memref<10112x128xf32, #tpu.memory_space<vmem_shared>> -> memref<632x128xf32, #tpu.memory_space<vmem_shared>>
      tpu.wait_dma2 semaphore(%run_scoped3A_85 : memref<!tpu.dma_semaphore, #tpu.memory_space<semaphore_mem>>) src(%arg4 : memref<632x128xf32, #tpu.memory_space<hbm>>) dst(%dma_wait3A_89 : memref<632x128xf32, #tpu.memory_space<vmem_shared>>)
      tpu.yield
    }) : () -> ()
    %barrier3A = arith.constant 0 : index
    tpu.barrier barrier_id(%barrier3A)
    %run_scoped3A = arith.constant 0 : i32
    "tpu.region"() ({
      %run_scoped3A_85 = tpu.sem_alloc : memref<!tpu.dma_semaphore, #tpu.memory_space<semaphore_mem>>
      %dma_start3A_86 = arith.constant 0 : i32
      %dma_start3A_87 = arith.constant 0 : i32
      %dma_start3A_88 = tpu.memref_slice %arg3[%arg0, %arg1, %run_scoped3A, %dma_start3A_86, %dma_start3A_87] : memref<2x16x79x2x128xi32, #tpu.memory_space<hbm>> -> memref<1x1x1x2x128xi32, #tpu.memory_space<hbm>>
      %dma_start3A_89 = tpu.memref_squeeze %dma_start3A_88 : memref<1x1x1x2x128xi32, #tpu.memory_space<hbm>> -> memref<2x128xi32, #tpu.memory_space<hbm>>
      %dma_start3A_90 = arith.constant 0 : i32
      %dma_start3A_91 = arith.constant 0 : i32
      %dma_start3A_92 = tpu.memref_slice %arg3[%arg0, %arg1, %run_scoped3A, %dma_start3A_90, %dma_start3A_91] : memref<2x16x79x2x128xi32, #tpu.memory_space<hbm>> -> memref<1x1x1x2x128xi32, #tpu.memory_space<hbm>>
      %dma_start3A_93 = tpu.memref_squeeze %dma_start3A_92 : memref<1x1x1x2x128xi32, #tpu.memory_space<hbm>> -> memref<2x128xi32, #tpu.memory_space<hbm>>
      tpu.enqueue_dma source(%dma_start3A_93 : memref<2x128xi32, #tpu.memory_space<hbm>>) target(%arg6 : memref<2x128xi32, #tpu.memory_space<vmem>>) target_semaphore(%run_scoped3A_85 : memref<!tpu.dma_semaphore, #tpu.memory_space<semaphore_mem>>)
      %dma_wait3A_94 = arith.constant 0 : i32
      %dma_wait3A_95 = arith.constant 0 : i32
      %dma_wait3A_96 = tpu.memref_slice %arg3[%arg0, %arg1, %run_scoped3A, %dma_wait3A_94, %dma_wait3A_95] : memref<2x16x79x2x128xi32, #tpu.memory_space<hbm>> -> memref<1x1x1x2x128xi32, #tpu.memory_space<hbm>>
      %dma_wait3A_97 = tpu.memref_squeeze %dma_wait3A_96 : memref<1x1x1x2x128xi32, #tpu.memory_space<hbm>> -> memref<2x128xi32, #tpu.memory_space<hbm>>
      %dma_wait3A_98 = arith.constant 0 : i32
      %dma_wait3A_99 = arith.constant 0 : i32
      %dma_wait3A_100 = tpu.memref_slice %arg3[%arg0, %arg1, %run_scoped3A, %dma_wait3A_98, %dma_wait3A_99] : memref<2x16x79x2x128xi32, #tpu.memory_space<hbm>> -> memref<1x1x1x2x128xi32, #tpu.memory_space<hbm>>
      %dma_wait3A_101 = tpu.memref_squeeze %dma_wait3A_100 : memref<1x1x1x2x128xi32, #tpu.memory_space<hbm>> -> memref<2x128xi32, #tpu.memory_space<hbm>>
      tpu.wait_dma2 semaphore(%run_scoped3A_85 : memref<!tpu.dma_semaphore, #tpu.memory_space<semaphore_mem>>) src(%dma_wait3A_101 : memref<2x128xi32, #tpu.memory_space<hbm>>) dst(%arg6 : memref<2x128xi32, #tpu.memory_space<vmem>>)
      tpu.yield
    }) : () -> ()
    %dma_start3A = arith.constant 0 : i32
    %dma_start3A_1 = arith.constant 0 : i32
    %dma_start3A_2 = arith.constant 0 : i32
    %dma_start3A_3 = arith.constant 0 : i32
    %dma_start3A_4 = tpu.memref_slice %arg8[%dma_start3A_1, %dma_start3A_2, %dma_start3A_3] : memref<2x128x128xf32, #tpu.memory_space<vmem>> -> memref<1x128x128xf32, #tpu.memory_space<vmem>>
    %dma_start3A_5 = tpu.memref_squeeze %dma_start3A_4 : memref<1x128x128xf32, #tpu.memory_space<vmem>> -> memref<128x128xf32, #tpu.memory_space<vmem>>
    %dma_start3A_6 = arith.constant 0 : i32
    %dma_start3A_7 = tpu.memref_slice %arg6[%dma_start3A, %dma_start3A_6] : memref<2x128xi32, #tpu.memory_space<vmem>> -> memref<1x128xi32, #tpu.memory_space<vmem>>
    %dma_start3A_8 = tpu.memref_squeeze %dma_start3A_7 : memref<1x128xi32, #tpu.memory_space<vmem>> -> memref<128xi32, #tpu.memory_space<vmem>>
    %dma_start3A_9 = arith.constant 0 : i32
    %dma_start3A_10 = arith.constant 0 : i32
    %dma_start3A_11 = tpu.memref_slice %arg2[%dma_start3A_9, %dma_start3A_10] : memref<10000x128xf32, #tpu.memory_space<hbm>> -> memref<10000x128xf32, #tpu.memory_space<hbm>>
    tpu.enqueue_indirect_dma source(%dma_start3A_11 : memref<10000x128xf32, #tpu.memory_space<hbm>>) target(%dma_start3A_5 : memref<128x128xf32, #tpu.memory_space<vmem>>) offsets(%dma_start3A_8 : memref<128xi32, #tpu.memory_space<vmem>>) semaphore(%arg10 : memref<!tpu.dma_semaphore, #tpu.memory_space<semaphore_mem>>)
    %run_scoped3A_12 = arith.constant 1 : i32
    "tpu.region"() ({
      %run_scoped3A_85 = tpu.sem_alloc : memref<!tpu.dma_semaphore, #tpu.memory_space<semaphore_mem>>
      %dma_start3A_86 = arith.constant 0 : i32
      %dma_start3A_87 = arith.constant 0 : i32
      %dma_start3A_88 = tpu.memref_slice %arg3[%arg0, %arg1, %run_scoped3A_12, %dma_start3A_86, %dma_start3A_87] : memref<2x16x79x2x128xi32, #tpu.memory_space<hbm>> -> memref<1x1x1x2x128xi32, #tpu.memory_space<hbm>>
      %dma_start3A_89 = tpu.memref_squeeze %dma_start3A_88 : memref<1x1x1x2x128xi32, #tpu.memory_space<hbm>> -> memref<2x128xi32, #tpu.memory_space<hbm>>
      %dma_start3A_90 = arith.constant 0 : i32
      %dma_start3A_91 = arith.constant 0 : i32
      %dma_start3A_92 = tpu.memref_slice %arg3[%arg0, %arg1, %run_scoped3A_12, %dma_start3A_90, %dma_start3A_91] : memref<2x16x79x2x128xi32, #tpu.memory_space<hbm>> -> memref<1x1x1x2x128xi32, #tpu.memory_space<hbm>>
      %dma_start3A_93 = tpu.memref_squeeze %dma_start3A_92 : memref<1x1x1x2x128xi32, #tpu.memory_space<hbm>> -> memref<2x128xi32, #tpu.memory_space<hbm>>
      tpu.enqueue_dma source(%dma_start3A_93 : memref<2x128xi32, #tpu.memory_space<hbm>>) target(%arg7 : memref<2x128xi32, #tpu.memory_space<vmem>>) target_semaphore(%run_scoped3A_85 : memref<!tpu.dma_semaphore, #tpu.memory_space<semaphore_mem>>)
      %dma_wait3A_94 = arith.constant 0 : i32
      %dma_wait3A_95 = arith.constant 0 : i32
      %dma_wait3A_96 = tpu.memref_slice %arg3[%arg0, %arg1, %run_scoped3A_12, %dma_wait3A_94, %dma_wait3A_95] : memref<2x16x79x2x128xi32, #tpu.memory_space<hbm>> -> memref<1x1x1x2x128xi32, #tpu.memory_space<hbm>>
      %dma_wait3A_97 = tpu.memref_squeeze %dma_wait3A_96 : memref<1x1x1x2x128xi32, #tpu.memory_space<hbm>> -> memref<2x128xi32, #tpu.memory_space<hbm>>
      %dma_wait3A_98 = arith.constant 0 : i32
      %dma_wait3A_99 = arith.constant 0 : i32
      %dma_wait3A_100 = tpu.memref_slice %arg3[%arg0, %arg1, %run_scoped3A_12, %dma_wait3A_98, %dma_wait3A_99] : memref<2x16x79x2x128xi32, #tpu.memory_space<hbm>> -> memref<1x1x1x2x128xi32, #tpu.memory_space<hbm>>
      %dma_wait3A_101 = tpu.memref_squeeze %dma_wait3A_100 : memref<1x1x1x2x128xi32, #tpu.memory_space<hbm>> -> memref<2x128xi32, #tpu.memory_space<hbm>>
      tpu.wait_dma2 semaphore(%run_scoped3A_85 : memref<!tpu.dma_semaphore, #tpu.memory_space<semaphore_mem>>) src(%dma_wait3A_101 : memref<2x128xi32, #tpu.memory_space<hbm>>) dst(%arg7 : memref<2x128xi32, #tpu.memory_space<vmem>>)
      tpu.yield
    }) : () -> ()
    %dma_start3A_13 = arith.constant 0 : i32
    %dma_start3A_14 = arith.constant 1 : i32
    %dma_start3A_15 = arith.constant 0 : i32
    %dma_start3A_16 = arith.constant 0 : i32
    %dma_start3A_17 = tpu.memref_slice %arg8[%dma_start3A_14, %dma_start3A_15, %dma_start3A_16] : memref<2x128x128xf32, #tpu.memory_space<vmem>> -> memref<1x128x128xf32, #tpu.memory_space<vmem>>
    %dma_start3A_18 = tpu.memref_squeeze %dma_start3A_17 : memref<1x128x128xf32, #tpu.memory_space<vmem>> -> memref<128x128xf32, #tpu.memory_space<vmem>>
    %dma_start3A_19 = arith.constant 0 : i32
    %dma_start3A_20 = tpu.memref_slice %arg7[%dma_start3A_13, %dma_start3A_19] : memref<2x128xi32, #tpu.memory_space<vmem>> -> memref<1x128xi32, #tpu.memory_space<vmem>>
    %dma_start3A_21 = tpu.memref_squeeze %dma_start3A_20 : memref<1x128xi32, #tpu.memory_space<vmem>> -> memref<128xi32, #tpu.memory_space<vmem>>
    %dma_start3A_22 = arith.constant 0 : i32
    %dma_start3A_23 = arith.constant 0 : i32
    %dma_start3A_24 = tpu.memref_slice %arg2[%dma_start3A_22, %dma_start3A_23] : memref<10000x128xf32, #tpu.memory_space<hbm>> -> memref<10000x128xf32, #tpu.memory_space<hbm>>
    tpu.enqueue_indirect_dma source(%dma_start3A_24 : memref<10000x128xf32, #tpu.memory_space<hbm>>) target(%dma_start3A_18 : memref<128x128xf32, #tpu.memory_space<vmem>>) offsets(%dma_start3A_21 : memref<128xi32, #tpu.memory_space<vmem>>) semaphore(%arg11 : memref<!tpu.dma_semaphore, #tpu.memory_space<semaphore_mem>>)
    %scan3A = arith.constant 0 : i32
    %scan3A_25 = arith.constant 0 : i32
    %scan3A_26 = arith.constant 38 : i32
    %scan3A_27 = arith.addi %scan3A_25, %scan3A_26 : i32
    %scan3A_28 = arith.constant 1 : i32
    scf.for %scan3A_85 = %scan3A_25 to %scan3A_27 step %scan3A_28  : i32 {
      %mul3A_86 = arith.constant 2 : i32
      %mul3A_87 = arith.muli %mul3A_86, %scan3A_85 : i32
      %dma_wait3A_88 = arith.constant 0 : i32
      %dma_wait3A_89 = arith.constant 0 : i32
      %dma_wait3A_90 = arith.constant 0 : i32
      %dma_wait3A_91 = arith.constant 0 : i32
      %dma_wait3A_92 = tpu.memref_slice %arg8[%dma_wait3A_89, %dma_wait3A_90, %dma_wait3A_91] : memref<2x128x128xf32, #tpu.memory_space<vmem>> -> memref<1x128x128xf32, #tpu.memory_space<vmem>>
      %dma_wait3A_93 = tpu.memref_squeeze %dma_wait3A_92 : memref<1x128x128xf32, #tpu.memory_space<vmem>> -> memref<128x128xf32, #tpu.memory_space<vmem>>
      %dma_wait3A_94 = arith.constant 0 : i32
      %dma_wait3A_95 = tpu.memref_slice %arg6[%dma_wait3A_88, %dma_wait3A_94] : memref<2x128xi32, #tpu.memory_space<vmem>> -> memref<1x128xi32, #tpu.memory_space<vmem>>
      %dma_wait3A_96 = tpu.memref_squeeze %dma_wait3A_95 : memref<1x128xi32, #tpu.memory_space<vmem>> -> memref<128xi32, #tpu.memory_space<vmem>>
      %dma_wait3A_97 = arith.constant 0 : i32
      %dma_wait3A_98 = arith.constant 0 : i32
      %dma_wait3A_99 = tpu.memref_slice %arg2[%dma_wait3A_97, %dma_wait3A_98] : memref<10000x128xf32, #tpu.memory_space<hbm>> -> memref<10000x128xf32, #tpu.memory_space<hbm>>
      tpu.wait_indirect_dma semaphore(%arg10 : memref<!tpu.dma_semaphore, #tpu.memory_space<semaphore_mem>>) src(%dma_wait3A_99 : memref<10000x128xf32, #tpu.memory_space<hbm>>) dst(%dma_wait3A_93 : memref<128x128xf32, #tpu.memory_space<vmem>>)
      %dma_start3A_100 = arith.constant 0 : i32
      %dma_start3A_101 = arith.constant 1 : i32
      %dma_start3A_102 = arith.constant 0 : i32
      %dma_start3A_103 = arith.constant 0 : i32
      %dma_start3A_104 = tpu.memref_slice %arg8[%dma_start3A_100, %dma_start3A_102, %dma_start3A_103] : memref<2x128x128xf32, #tpu.memory_space<vmem>> -> memref<1x128x128xf32, #tpu.memory_space<vmem>>
      %dma_start3A_105 = tpu.memref_squeeze %dma_start3A_104 : memref<1x128x128xf32, #tpu.memory_space<vmem>> -> memref<128x128xf32, #tpu.memory_space<vmem>>
      %dma_start3A_106 = arith.constant 0 : i32
      %dma_start3A_107 = tpu.memref_slice %arg6[%dma_start3A_101, %dma_start3A_106] : memref<2x128xi32, #tpu.memory_space<vmem>> -> memref<1x128xi32, #tpu.memory_space<vmem>>
      %dma_start3A_108 = tpu.memref_squeeze %dma_start3A_107 : memref<1x128xi32, #tpu.memory_space<vmem>> -> memref<128xi32, #tpu.memory_space<vmem>>
      %dma_start3A_109 = arith.constant 0 : i32
      %dma_start3A_110 = arith.constant 0 : i32
      %dma_start3A_111 = tpu.memref_slice %arg9[%dma_start3A_109, %dma_start3A_110] : memref<10112x128xf32, #tpu.memory_space<vmem_shared>> -> memref<10112x128xf32, #tpu.memory_space<vmem_shared>>
      tpu.enqueue_indirect_dma source(%dma_start3A_105 : memref<128x128xf32, #tpu.memory_space<vmem>>) target(%dma_start3A_111 : memref<10112x128xf32, #tpu.memory_space<vmem_shared>>) offsets(%dma_start3A_108 : memref<128xi32, #tpu.memory_space<vmem>>) semaphore(%arg12 : memref<!tpu.dma_semaphore, #tpu.memory_space<semaphore_mem>>) {add = true}
      %add3A = arith.constant 2 : i32
      %add3A_112 = arith.addi %mul3A_87, %add3A : i32
      "tpu.region"() ({
        %run_scoped3A_187 = tpu.sem_alloc : memref<!tpu.dma_semaphore, #tpu.memory_space<semaphore_mem>>
        %dma_start3A_188 = arith.constant 0 : i32
        %dma_start3A_189 = arith.constant 0 : i32
        %dma_start3A_190 = tpu.memref_slice %arg3[%arg0, %arg1, %add3A_112, %dma_start3A_188, %dma_start3A_189] : memref<2x16x79x2x128xi32, #tpu.memory_space<hbm>> -> memref<1x1x1x2x128xi32, #tpu.memory_space<hbm>>
        %dma_start3A_191 = tpu.memref_squeeze %dma_start3A_190 : memref<1x1x1x2x128xi32, #tpu.memory_space<hbm>> -> memref<2x128xi32, #tpu.memory_space<hbm>>
        %dma_start3A_192 = arith.constant 0 : i32
        %dma_start3A_193 = arith.constant 0 : i32
        %dma_start3A_194 = tpu.memref_slice %arg3[%arg0, %arg1, %add3A_112, %dma_start3A_192, %dma_start3A_193] : memref<2x16x79x2x128xi32, #tpu.memory_space<hbm>> -> memref<1x1x1x2x128xi32, #tpu.memory_space<hbm>>
        %dma_start3A_195 = tpu.memref_squeeze %dma_start3A_194 : memref<1x1x1x2x128xi32, #tpu.memory_space<hbm>> -> memref<2x128xi32, #tpu.memory_space<hbm>>
        tpu.enqueue_dma source(%dma_start3A_195 : memref<2x128xi32, #tpu.memory_space<hbm>>) target(%arg6 : memref<2x128xi32, #tpu.memory_space<vmem>>) target_semaphore(%run_scoped3A_187 : memref<!tpu.dma_semaphore, #tpu.memory_space<semaphore_mem>>)
        %dma_wait3A_196 = arith.constant 0 : i32
        %dma_wait3A_197 = arith.constant 0 : i32
        %dma_wait3A_198 = tpu.memref_slice %arg3[%arg0, %arg1, %add3A_112, %dma_wait3A_196, %dma_wait3A_197] : memref<2x16x79x2x128xi32, #tpu.memory_space<hbm>> -> memref<1x1x1x2x128xi32, #tpu.memory_space<hbm>>
        %dma_wait3A_199 = tpu.memref_squeeze %dma_wait3A_198 : memref<1x1x1x2x128xi32, #tpu.memory_space<hbm>> -> memref<2x128xi32, #tpu.memory_space<hbm>>
        %dma_wait3A_200 = arith.constant 0 : i32
        %dma_wait3A_201 = arith.constant 0 : i32
        %dma_wait3A_202 = tpu.memref_slice %arg3[%arg0, %arg1, %add3A_112, %dma_wait3A_200, %dma_wait3A_201] : memref<2x16x79x2x128xi32, #tpu.memory_space<hbm>> -> memref<1x1x1x2x128xi32, #tpu.memory_space<hbm>>
        %dma_wait3A_203 = tpu.memref_squeeze %dma_wait3A_202 : memref<1x1x1x2x128xi32, #tpu.memory_space<hbm>> -> memref<2x128xi32, #tpu.memory_space<hbm>>
        tpu.wait_dma2 semaphore(%run_scoped3A_187 : memref<!tpu.dma_semaphore, #tpu.memory_space<semaphore_mem>>) src(%dma_wait3A_203 : memref<2x128xi32, #tpu.memory_space<hbm>>) dst(%arg6 : memref<2x128xi32, #tpu.memory_space<vmem>>)
        tpu.yield
      }) : () -> ()
      %dma_wait3A_113 = arith.constant 0 : i32
      %dma_wait3A_114 = arith.constant 1 : i32
      %dma_wait3A_115 = arith.constant 0 : i32
      %dma_wait3A_116 = arith.constant 0 : i32
      %dma_wait3A_117 = tpu.memref_slice %arg8[%dma_wait3A_113, %dma_wait3A_115, %dma_wait3A_116] : memref<2x128x128xf32, #tpu.memory_space<vmem>> -> memref<1x128x128xf32, #tpu.memory_space<vmem>>
      %dma_wait3A_118 = tpu.memref_squeeze %dma_wait3A_117 : memref<1x128x128xf32, #tpu.memory_space<vmem>> -> memref<128x128xf32, #tpu.memory_space<vmem>>
      %dma_wait3A_119 = arith.constant 0 : i32
      %dma_wait3A_120 = tpu.memref_slice %arg6[%dma_wait3A_114, %dma_wait3A_119] : memref<2x128xi32, #tpu.memory_space<vmem>> -> memref<1x128xi32, #tpu.memory_space<vmem>>
      %dma_wait3A_121 = tpu.memref_squeeze %dma_wait3A_120 : memref<1x128xi32, #tpu.memory_space<vmem>> -> memref<128xi32, #tpu.memory_space<vmem>>
      %dma_wait3A_122 = arith.constant 0 : i32
      %dma_wait3A_123 = arith.constant 0 : i32
      %dma_wait3A_124 = tpu.memref_slice %arg9[%dma_wait3A_122, %dma_wait3A_123] : memref<10112x128xf32, #tpu.memory_space<vmem_shared>> -> memref<10112x128xf32, #tpu.memory_space<vmem_shared>>
      tpu.wait_indirect_dma semaphore(%arg12 : memref<!tpu.dma_semaphore, #tpu.memory_space<semaphore_mem>>) src(%dma_wait3A_118 : memref<128x128xf32, #tpu.memory_space<vmem>>) dst(%dma_wait3A_124 : memref<10112x128xf32, #tpu.memory_space<vmem_shared>>)
      %dma_start3A_125 = arith.constant 0 : i32
      %dma_start3A_126 = arith.constant 0 : i32
      %dma_start3A_127 = arith.constant 0 : i32
      %dma_start3A_128 = arith.constant 0 : i32
      %dma_start3A_129 = tpu.memref_slice %arg8[%dma_start3A_126, %dma_start3A_127, %dma_start3A_128] : memref<2x128x128xf32, #tpu.memory_space<vmem>> -> memref<1x128x128xf32, #tpu.memory_space<vmem>>
      %dma_start3A_130 = tpu.memref_squeeze %dma_start3A_129 : memref<1x128x128xf32, #tpu.memory_space<vmem>> -> memref<128x128xf32, #tpu.memory_space<vmem>>
      %dma_start3A_131 = arith.constant 0 : i32
      %dma_start3A_132 = tpu.memref_slice %arg6[%dma_start3A_125, %dma_start3A_131] : memref<2x128xi32, #tpu.memory_space<vmem>> -> memref<1x128xi32, #tpu.memory_space<vmem>>
      %dma_start3A_133 = tpu.memref_squeeze %dma_start3A_132 : memref<1x128xi32, #tpu.memory_space<vmem>> -> memref<128xi32, #tpu.memory_space<vmem>>
      %dma_start3A_134 = arith.constant 0 : i32
      %dma_start3A_135 = arith.constant 0 : i32
      %dma_start3A_136 = tpu.memref_slice %arg2[%dma_start3A_134, %dma_start3A_135] : memref<10000x128xf32, #tpu.memory_space<hbm>> -> memref<10000x128xf32, #tpu.memory_space<hbm>>
      tpu.enqueue_indirect_dma source(%dma_start3A_136 : memref<10000x128xf32, #tpu.memory_space<hbm>>) target(%dma_start3A_130 : memref<128x128xf32, #tpu.memory_space<vmem>>) offsets(%dma_start3A_133 : memref<128xi32, #tpu.memory_space<vmem>>) semaphore(%arg10 : memref<!tpu.dma_semaphore, #tpu.memory_space<semaphore_mem>>)
      %dma_wait3A_137 = arith.constant 0 : i32
      %dma_wait3A_138 = arith.constant 1 : i32
      %dma_wait3A_139 = arith.constant 0 : i32
      %dma_wait3A_140 = arith.constant 0 : i32
      %dma_wait3A_141 = tpu.memref_slice %arg8[%dma_wait3A_138, %dma_wait3A_139, %dma_wait3A_140] : memref<2x128x128xf32, #tpu.memory_space<vmem>> -> memref<1x128x128xf32, #tpu.memory_space<vmem>>
      %dma_wait3A_142 = tpu.memref_squeeze %dma_wait3A_141 : memref<1x128x128xf32, #tpu.memory_space<vmem>> -> memref<128x128xf32, #tpu.memory_space<vmem>>
      %dma_wait3A_143 = arith.constant 0 : i32
      %dma_wait3A_144 = tpu.memref_slice %arg7[%dma_wait3A_137, %dma_wait3A_143] : memref<2x128xi32, #tpu.memory_space<vmem>> -> memref<1x128xi32, #tpu.memory_space<vmem>>
      %dma_wait3A_145 = tpu.memref_squeeze %dma_wait3A_144 : memref<1x128xi32, #tpu.memory_space<vmem>> -> memref<128xi32, #tpu.memory_space<vmem>>
      %dma_wait3A_146 = arith.constant 0 : i32
      %dma_wait3A_147 = arith.constant 0 : i32
      %dma_wait3A_148 = tpu.memref_slice %arg2[%dma_wait3A_146, %dma_wait3A_147] : memref<10000x128xf32, #tpu.memory_space<hbm>> -> memref<10000x128xf32, #tpu.memory_space<hbm>>
      tpu.wait_indirect_dma semaphore(%arg11 : memref<!tpu.dma_semaphore, #tpu.memory_space<semaphore_mem>>) src(%dma_wait3A_148 : memref<10000x128xf32, #tpu.memory_space<hbm>>) dst(%dma_wait3A_142 : memref<128x128xf32, #tpu.memory_space<vmem>>)
      %dma_start3A_149 = arith.constant 1 : i32
      %dma_start3A_150 = arith.constant 1 : i32
      %dma_start3A_151 = arith.constant 0 : i32
      %dma_start3A_152 = arith.constant 0 : i32
      %dma_start3A_153 = tpu.memref_slice %arg8[%dma_start3A_149, %dma_start3A_151, %dma_start3A_152] : memref<2x128x128xf32, #tpu.memory_space<vmem>> -> memref<1x128x128xf32, #tpu.memory_space<vmem>>
      %dma_start3A_154 = tpu.memref_squeeze %dma_start3A_153 : memref<1x128x128xf32, #tpu.memory_space<vmem>> -> memref<128x128xf32, #tpu.memory_space<vmem>>
      %dma_start3A_155 = arith.constant 0 : i32
      %dma_start3A_156 = tpu.memref_slice %arg7[%dma_start3A_150, %dma_start3A_155] : memref<2x128xi32, #tpu.memory_space<vmem>> -> memref<1x128xi32, #tpu.memory_space<vmem>>
      %dma_start3A_157 = tpu.memref_squeeze %dma_start3A_156 : memref<1x128xi32, #tpu.memory_space<vmem>> -> memref<128xi32, #tpu.memory_space<vmem>>
      %dma_start3A_158 = arith.constant 0 : i32
      %dma_start3A_159 = arith.constant 0 : i32
      %dma_start3A_160 = tpu.memref_slice %arg9[%dma_start3A_158, %dma_start3A_159] : memref<10112x128xf32, #tpu.memory_space<vmem_shared>> -> memref<10112x128xf32, #tpu.memory_space<vmem_shared>>
      tpu.enqueue_indirect_dma source(%dma_start3A_154 : memref<128x128xf32, #tpu.memory_space<vmem>>) target(%dma_start3A_160 : memref<10112x128xf32, #tpu.memory_space<vmem_shared>>) offsets(%dma_start3A_157 : memref<128xi32, #tpu.memory_space<vmem>>) semaphore(%arg13 : memref<!tpu.dma_semaphore, #tpu.memory_space<semaphore_mem>>) {add = true}
      %add3A_161 = arith.constant 3 : i32
      %add3A_162 = arith.addi %mul3A_87, %add3A_161 : i32
      "tpu.region"() ({
        %run_scoped3A_187 = tpu.sem_alloc : memref<!tpu.dma_semaphore, #tpu.memory_space<semaphore_mem>>
        %dma_start3A_188 = arith.constant 0 : i32
        %dma_start3A_189 = arith.constant 0 : i32
        %dma_start3A_190 = tpu.memref_slice %arg3[%arg0, %arg1, %add3A_162, %dma_start3A_188, %dma_start3A_189] : memref<2x16x79x2x128xi32, #tpu.memory_space<hbm>> -> memref<1x1x1x2x128xi32, #tpu.memory_space<hbm>>
        %dma_start3A_191 = tpu.memref_squeeze %dma_start3A_190 : memref<1x1x1x2x128xi32, #tpu.memory_space<hbm>> -> memref<2x128xi32, #tpu.memory_space<hbm>>
        %dma_start3A_192 = arith.constant 0 : i32
        %dma_start3A_193 = arith.constant 0 : i32
        %dma_start3A_194 = tpu.memref_slice %arg3[%arg0, %arg1, %add3A_162, %dma_start3A_192, %dma_start3A_193] : memref<2x16x79x2x128xi32, #tpu.memory_space<hbm>> -> memref<1x1x1x2x128xi32, #tpu.memory_space<hbm>>
        %dma_start3A_195 = tpu.memref_squeeze %dma_start3A_194 : memref<1x1x1x2x128xi32, #tpu.memory_space<hbm>> -> memref<2x128xi32, #tpu.memory_space<hbm>>
        tpu.enqueue_dma source(%dma_start3A_195 : memref<2x128xi32, #tpu.memory_space<hbm>>) target(%arg7 : memref<2x128xi32, #tpu.memory_space<vmem>>) target_semaphore(%run_scoped3A_187 : memref<!tpu.dma_semaphore, #tpu.memory_space<semaphore_mem>>)
        %dma_wait3A_196 = arith.constant 0 : i32
        %dma_wait3A_197 = arith.constant 0 : i32
        %dma_wait3A_198 = tpu.memref_slice %arg3[%arg0, %arg1, %add3A_162, %dma_wait3A_196, %dma_wait3A_197] : memref<2x16x79x2x128xi32, #tpu.memory_space<hbm>> -> memref<1x1x1x2x128xi32, #tpu.memory_space<hbm>>
        %dma_wait3A_199 = tpu.memref_squeeze %dma_wait3A_198 : memref<1x1x1x2x128xi32, #tpu.memory_space<hbm>> -> memref<2x128xi32, #tpu.memory_space<hbm>>
        %dma_wait3A_200 = arith.constant 0 : i32
        %dma_wait3A_201 = arith.constant 0 : i32
        %dma_wait3A_202 = tpu.memref_slice %arg3[%arg0, %arg1, %add3A_162, %dma_wait3A_200, %dma_wait3A_201] : memref<2x16x79x2x128xi32, #tpu.memory_space<hbm>> -> memref<1x1x1x2x128xi32, #tpu.memory_space<hbm>>
        %dma_wait3A_203 = tpu.memref_squeeze %dma_wait3A_202 : memref<1x1x1x2x128xi32, #tpu.memory_space<hbm>> -> memref<2x128xi32, #tpu.memory_space<hbm>>
        tpu.wait_dma2 semaphore(%run_scoped3A_187 : memref<!tpu.dma_semaphore, #tpu.memory_space<semaphore_mem>>) src(%dma_wait3A_203 : memref<2x128xi32, #tpu.memory_space<hbm>>) dst(%arg7 : memref<2x128xi32, #tpu.memory_space<vmem>>)
        tpu.yield
      }) : () -> ()
      %dma_wait3A_163 = arith.constant 1 : i32
      %dma_wait3A_164 = arith.constant 1 : i32
      %dma_wait3A_165 = arith.constant 0 : i32
      %dma_wait3A_166 = arith.constant 0 : i32
      %dma_wait3A_167 = tpu.memref_slice %arg8[%dma_wait3A_163, %dma_wait3A_165, %dma_wait3A_166] : memref<2x128x128xf32, #tpu.memory_space<vmem>> -> memref<1x128x128xf32, #tpu.memory_space<vmem>>
      %dma_wait3A_168 = tpu.memref_squeeze %dma_wait3A_167 : memref<1x128x128xf32, #tpu.memory_space<vmem>> -> memref<128x128xf32, #tpu.memory_space<vmem>>
      %dma_wait3A_169 = arith.constant 0 : i32
      %dma_wait3A_170 = tpu.memref_slice %arg7[%dma_wait3A_164, %dma_wait3A_169] : memref<2x128xi32, #tpu.memory_space<vmem>> -> memref<1x128xi32, #tpu.memory_space<vmem>>
      %dma_wait3A_171 = tpu.memref_squeeze %dma_wait3A_170 : memref<1x128xi32, #tpu.memory_space<vmem>> -> memref<128xi32, #tpu.memory_space<vmem>>
      %dma_wait3A_172 = arith.constant 0 : i32
      %dma_wait3A_173 = arith.constant 0 : i32
      %dma_wait3A_174 = tpu.memref_slice %arg9[%dma_wait3A_172, %dma_wait3A_173] : memref<10112x128xf32, #tpu.memory_space<vmem_shared>> -> memref<10112x128xf32, #tpu.memory_space<vmem_shared>>
      tpu.wait_indirect_dma semaphore(%arg13 : memref<!tpu.dma_semaphore, #tpu.memory_space<semaphore_mem>>) src(%dma_wait3A_168 : memref<128x128xf32, #tpu.memory_space<vmem>>) dst(%dma_wait3A_174 : memref<10112x128xf32, #tpu.memory_space<vmem_shared>>)
      %dma_start3A_175 = arith.constant 0 : i32
      %dma_start3A_176 = arith.constant 1 : i32
      %dma_start3A_177 = arith.constant 0 : i32
      %dma_start3A_178 = arith.constant 0 : i32
      %dma_start3A_179 = tpu.memref_slice %arg8[%dma_start3A_176, %dma_start3A_177, %dma_start3A_178] : memref<2x128x128xf32, #tpu.memory_space<vmem>> -> memref<1x128x128xf32, #tpu.memory_space<vmem>>
      %dma_start3A_180 = tpu.memref_squeeze %dma_start3A_179 : memref<1x128x128xf32, #tpu.memory_space<vmem>> -> memref<128x128xf32, #tpu.memory_space<vmem>>
      %dma_start3A_181 = arith.constant 0 : i32
      %dma_start3A_182 = tpu.memref_slice %arg7[%dma_start3A_175, %dma_start3A_181] : memref<2x128xi32, #tpu.memory_space<vmem>> -> memref<1x128xi32, #tpu.memory_space<vmem>>
      %dma_start3A_183 = tpu.memref_squeeze %dma_start3A_182 : memref<1x128xi32, #tpu.memory_space<vmem>> -> memref<128xi32, #tpu.memory_space<vmem>>
      %dma_start3A_184 = arith.constant 0 : i32
      %dma_start3A_185 = arith.constant 0 : i32
      %dma_start3A_186 = tpu.memref_slice %arg2[%dma_start3A_184, %dma_start3A_185] : memref<10000x128xf32, #tpu.memory_space<hbm>> -> memref<10000x128xf32, #tpu.memory_space<hbm>>
      tpu.enqueue_indirect_dma source(%dma_start3A_186 : memref<10000x128xf32, #tpu.memory_space<hbm>>) target(%dma_start3A_180 : memref<128x128xf32, #tpu.memory_space<vmem>>) offsets(%dma_start3A_183 : memref<128xi32, #tpu.memory_space<vmem>>) semaphore(%arg11 : memref<!tpu.dma_semaphore, #tpu.memory_space<semaphore_mem>>)
    }
    %scan3A_29 = arith.constant 38 : i32
    %dma_wait3A = arith.constant 0 : i32
    %dma_wait3A_30 = arith.constant 0 : i32
    %dma_wait3A_31 = arith.constant 0 : i32
    %dma_wait3A_32 = arith.constant 0 : i32
    %dma_wait3A_33 = tpu.memref_slice %arg8[%dma_wait3A_30, %dma_wait3A_31, %dma_wait3A_32] : memref<2x128x128xf32, #tpu.memory_space<vmem>> -> memref<1x128x128xf32, #tpu.memory_space<vmem>>
    %dma_wait3A_34 = tpu.memref_squeeze %dma_wait3A_33 : memref<1x128x128xf32, #tpu.memory_space<vmem>> -> memref<128x128xf32, #tpu.memory_space<vmem>>
    %dma_wait3A_35 = arith.constant 0 : i32
    %dma_wait3A_36 = tpu.memref_slice %arg6[%dma_wait3A, %dma_wait3A_35] : memref<2x128xi32, #tpu.memory_space<vmem>> -> memref<1x128xi32, #tpu.memory_space<vmem>>
    %dma_wait3A_37 = tpu.memref_squeeze %dma_wait3A_36 : memref<1x128xi32, #tpu.memory_space<vmem>> -> memref<128xi32, #tpu.memory_space<vmem>>
    %dma_wait3A_38 = arith.constant 0 : i32
    %dma_wait3A_39 = arith.constant 0 : i32
    %dma_wait3A_40 = tpu.memref_slice %arg2[%dma_wait3A_38, %dma_wait3A_39] : memref<10000x128xf32, #tpu.memory_space<hbm>> -> memref<10000x128xf32, #tpu.memory_space<hbm>>
    tpu.wait_indirect_dma semaphore(%arg10 : memref<!tpu.dma_semaphore, #tpu.memory_space<semaphore_mem>>) src(%dma_wait3A_40 : memref<10000x128xf32, #tpu.memory_space<hbm>>) dst(%dma_wait3A_34 : memref<128x128xf32, #tpu.memory_space<vmem>>)
    %run_scoped3A_41 = arith.constant 0 : i32
    %run_scoped3A_42 = arith.constant 1 : i32
    "tpu.region"() ({
      %run_scoped3A_85 = tpu.sem_alloc : memref<!tpu.dma_semaphore, #tpu.memory_space<semaphore_mem>>
      %dma_start3A_86 = arith.constant 0 : i32
      %dma_start3A_87 = arith.constant 0 : i32
      %dma_start3A_88 = tpu.memref_slice %arg8[%run_scoped3A_41, %dma_start3A_86, %dma_start3A_87] : memref<2x128x128xf32, #tpu.memory_space<vmem>> -> memref<1x128x128xf32, #tpu.memory_space<vmem>>
      %dma_start3A_89 = tpu.memref_squeeze %dma_start3A_88 : memref<1x128x128xf32, #tpu.memory_space<vmem>> -> memref<128x128xf32, #tpu.memory_space<vmem>>
      %dma_start3A_90 = arith.constant 0 : i32
      %dma_start3A_91 = tpu.memref_slice %arg6[%run_scoped3A_42, %dma_start3A_90] : memref<2x128xi32, #tpu.memory_space<vmem>> -> memref<1x128xi32, #tpu.memory_space<vmem>>
      %dma_start3A_92 = tpu.memref_squeeze %dma_start3A_91 : memref<1x128xi32, #tpu.memory_space<vmem>> -> memref<128xi32, #tpu.memory_space<vmem>>
      %dma_start3A_93 = arith.constant 0 : i32
      %dma_start3A_94 = arith.constant 0 : i32
      %dma_start3A_95 = tpu.memref_slice %arg9[%dma_start3A_93, %dma_start3A_94] : memref<10112x128xf32, #tpu.memory_space<vmem_shared>> -> memref<10112x128xf32, #tpu.memory_space<vmem_shared>>
      tpu.enqueue_indirect_dma source(%dma_start3A_89 : memref<128x128xf32, #tpu.memory_space<vmem>>) target(%dma_start3A_95 : memref<10112x128xf32, #tpu.memory_space<vmem_shared>>) offsets(%dma_start3A_92 : memref<128xi32, #tpu.memory_space<vmem>>) semaphore(%run_scoped3A_85 : memref<!tpu.dma_semaphore, #tpu.memory_space<semaphore_mem>>) {add = true}
      %dma_wait3A_96 = arith.constant 0 : i32
      %dma_wait3A_97 = arith.constant 0 : i32
      %dma_wait3A_98 = tpu.memref_slice %arg8[%run_scoped3A_41, %dma_wait3A_96, %dma_wait3A_97] : memref<2x128x128xf32, #tpu.memory_space<vmem>> -> memref<1x128x128xf32, #tpu.memory_space<vmem>>
      %dma_wait3A_99 = tpu.memref_squeeze %dma_wait3A_98 : memref<1x128x128xf32, #tpu.memory_space<vmem>> -> memref<128x128xf32, #tpu.memory_space<vmem>>
      %dma_wait3A_100 = arith.constant 0 : i32
      %dma_wait3A_101 = tpu.memref_slice %arg6[%run_scoped3A_42, %dma_wait3A_100] : memref<2x128xi32, #tpu.memory_space<vmem>> -> memref<1x128xi32, #tpu.memory_space<vmem>>
      %dma_wait3A_102 = tpu.memref_squeeze %dma_wait3A_101 : memref<1x128xi32, #tpu.memory_space<vmem>> -> memref<128xi32, #tpu.memory_space<vmem>>
      %dma_wait3A_103 = arith.constant 0 : i32
      %dma_wait3A_104 = arith.constant 0 : i32
      %dma_wait3A_105 = tpu.memref_slice %arg9[%dma_wait3A_103, %dma_wait3A_104] : memref<10112x128xf32, #tpu.memory_space<vmem_shared>> -> memref<10112x128xf32, #tpu.memory_space<vmem_shared>>
      tpu.wait_indirect_dma semaphore(%run_scoped3A_85 : memref<!tpu.dma_semaphore, #tpu.memory_space<semaphore_mem>>) src(%dma_wait3A_99 : memref<128x128xf32, #tpu.memory_space<vmem>>) dst(%dma_wait3A_105 : memref<10112x128xf32, #tpu.memory_space<vmem_shared>>)
      tpu.yield
    }) : () -> ()
    %run_scoped3A_43 = arith.constant 78 : i32
    "tpu.region"() ({
      %run_scoped3A_85 = tpu.sem_alloc : memref<!tpu.dma_semaphore, #tpu.memory_space<semaphore_mem>>
      %dma_start3A_86 = arith.constant 0 : i32
      %dma_start3A_87 = arith.constant 0 : i32
      %dma_start3A_88 = tpu.memref_slice %arg3[%arg0, %arg1, %run_scoped3A_43, %dma_start3A_86, %dma_start3A_87] : memref<2x16x79x2x128xi32, #tpu.memory_space<hbm>> -> memref<1x1x1x2x128xi32, #tpu.memory_space<hbm>>
      %dma_start3A_89 = tpu.memref_squeeze %dma_start3A_88 : memref<1x1x1x2x128xi32, #tpu.memory_space<hbm>> -> memref<2x128xi32, #tpu.memory_space<hbm>>
      %dma_start3A_90 = arith.constant 0 : i32
      %dma_start3A_91 = arith.constant 0 : i32
      %dma_start3A_92 = tpu.memref_slice %arg3[%arg0, %arg1, %run_scoped3A_43, %dma_start3A_90, %dma_start3A_91] : memref<2x16x79x2x128xi32, #tpu.memory_space<hbm>> -> memref<1x1x1x2x128xi32, #tpu.memory_space<hbm>>
      %dma_start3A_93 = tpu.memref_squeeze %dma_start3A_92 : memref<1x1x1x2x128xi32, #tpu.memory_space<hbm>> -> memref<2x128xi32, #tpu.memory_space<hbm>>
      tpu.enqueue_dma source(%dma_start3A_93 : memref<2x128xi32, #tpu.memory_space<hbm>>) target(%arg6 : memref<2x128xi32, #tpu.memory_space<vmem>>) target_semaphore(%run_scoped3A_85 : memref<!tpu.dma_semaphore, #tpu.memory_space<semaphore_mem>>)
      %dma_wait3A_94 = arith.constant 0 : i32
      %dma_wait3A_95 = arith.constant 0 : i32
      %dma_wait3A_96 = tpu.memref_slice %arg3[%arg0, %arg1, %run_scoped3A_43, %dma_wait3A_94, %dma_wait3A_95] : memref<2x16x79x2x128xi32, #tpu.memory_space<hbm>> -> memref<1x1x1x2x128xi32, #tpu.memory_space<hbm>>
      %dma_wait3A_97 = tpu.memref_squeeze %dma_wait3A_96 : memref<1x1x1x2x128xi32, #tpu.memory_space<hbm>> -> memref<2x128xi32, #tpu.memory_space<hbm>>
      %dma_wait3A_98 = arith.constant 0 : i32
      %dma_wait3A_99 = arith.constant 0 : i32
      %dma_wait3A_100 = tpu.memref_slice %arg3[%arg0, %arg1, %run_scoped3A_43, %dma_wait3A_98, %dma_wait3A_99] : memref<2x16x79x2x128xi32, #tpu.memory_space<hbm>> -> memref<1x1x1x2x128xi32, #tpu.memory_space<hbm>>
      %dma_wait3A_101 = tpu.memref_squeeze %dma_wait3A_100 : memref<1x1x1x2x128xi32, #tpu.memory_space<hbm>> -> memref<2x128xi32, #tpu.memory_space<hbm>>
      tpu.wait_dma2 semaphore(%run_scoped3A_85 : memref<!tpu.dma_semaphore, #tpu.memory_space<semaphore_mem>>) src(%dma_wait3A_101 : memref<2x128xi32, #tpu.memory_space<hbm>>) dst(%arg6 : memref<2x128xi32, #tpu.memory_space<vmem>>)
      tpu.yield
    }) : () -> ()
    %dma_start3A_44 = arith.constant 0 : i32
    %dma_start3A_45 = arith.constant 0 : i32
    %dma_start3A_46 = arith.constant 0 : i32
    %dma_start3A_47 = arith.constant 0 : i32
    %dma_start3A_48 = tpu.memref_slice %arg8[%dma_start3A_45, %dma_start3A_46, %dma_start3A_47] : memref<2x128x128xf32, #tpu.memory_space<vmem>> -> memref<1x128x128xf32, #tpu.memory_space<vmem>>
    %dma_start3A_49 = tpu.memref_squeeze %dma_start3A_48 : memref<1x128x128xf32, #tpu.memory_space<vmem>> -> memref<128x128xf32, #tpu.memory_space<vmem>>
    %dma_start3A_50 = arith.constant 0 : i32
    %dma_start3A_51 = tpu.memref_slice %arg6[%dma_start3A_44, %dma_start3A_50] : memref<2x128xi32, #tpu.memory_space<vmem>> -> memref<1x128xi32, #tpu.memory_space<vmem>>
    %dma_start3A_52 = tpu.memref_squeeze %dma_start3A_51 : memref<1x128xi32, #tpu.memory_space<vmem>> -> memref<128xi32, #tpu.memory_space<vmem>>
    %dma_start3A_53 = arith.constant 0 : i32
    %dma_start3A_54 = arith.constant 0 : i32
    %dma_start3A_55 = tpu.memref_slice %arg2[%dma_start3A_53, %dma_start3A_54] : memref<10000x128xf32, #tpu.memory_space<hbm>> -> memref<10000x128xf32, #tpu.memory_space<hbm>>
    tpu.enqueue_indirect_dma source(%dma_start3A_55 : memref<10000x128xf32, #tpu.memory_space<hbm>>) target(%dma_start3A_49 : memref<128x128xf32, #tpu.memory_space<vmem>>) offsets(%dma_start3A_52 : memref<128xi32, #tpu.memory_space<vmem>>) semaphore(%arg10 : memref<!tpu.dma_semaphore, #tpu.memory_space<semaphore_mem>>)
    %dma_wait3A_56 = arith.constant 0 : i32
    %dma_wait3A_57 = arith.constant 1 : i32
    %dma_wait3A_58 = arith.constant 0 : i32
    %dma_wait3A_59 = arith.constant 0 : i32
    %dma_wait3A_60 = tpu.memref_slice %arg8[%dma_wait3A_57, %dma_wait3A_58, %dma_wait3A_59] : memref<2x128x128xf32, #tpu.memory_space<vmem>> -> memref<1x128x128xf32, #tpu.memory_space<vmem>>
    %dma_wait3A_61 = tpu.memref_squeeze %dma_wait3A_60 : memref<1x128x128xf32, #tpu.memory_space<vmem>> -> memref<128x128xf32, #tpu.memory_space<vmem>>
    %dma_wait3A_62 = arith.constant 0 : i32
    %dma_wait3A_63 = tpu.memref_slice %arg7[%dma_wait3A_56, %dma_wait3A_62] : memref<2x128xi32, #tpu.memory_space<vmem>> -> memref<1x128xi32, #tpu.memory_space<vmem>>
    %dma_wait3A_64 = tpu.memref_squeeze %dma_wait3A_63 : memref<1x128xi32, #tpu.memory_space<vmem>> -> memref<128xi32, #tpu.memory_space<vmem>>
    %dma_wait3A_65 = arith.constant 0 : i32
    %dma_wait3A_66 = arith.constant 0 : i32
    %dma_wait3A_67 = tpu.memref_slice %arg2[%dma_wait3A_65, %dma_wait3A_66] : memref<10000x128xf32, #tpu.memory_space<hbm>> -> memref<10000x128xf32, #tpu.memory_space<hbm>>
    tpu.wait_indirect_dma semaphore(%arg11 : memref<!tpu.dma_semaphore, #tpu.memory_space<semaphore_mem>>) src(%dma_wait3A_67 : memref<10000x128xf32, #tpu.memory_space<hbm>>) dst(%dma_wait3A_61 : memref<128x128xf32, #tpu.memory_space<vmem>>)
    %run_scoped3A_68 = arith.constant 1 : i32
    %run_scoped3A_69 = arith.constant 1 : i32
    "tpu.region"() ({
      %run_scoped3A_85 = tpu.sem_alloc : memref<!tpu.dma_semaphore, #tpu.memory_space<semaphore_mem>>
      %dma_start3A_86 = arith.constant 0 : i32
      %dma_start3A_87 = arith.constant 0 : i32
      %dma_start3A_88 = tpu.memref_slice %arg8[%run_scoped3A_68, %dma_start3A_86, %dma_start3A_87] : memref<2x128x128xf32, #tpu.memory_space<vmem>> -> memref<1x128x128xf32, #tpu.memory_space<vmem>>
      %dma_start3A_89 = tpu.memref_squeeze %dma_start3A_88 : memref<1x128x128xf32, #tpu.memory_space<vmem>> -> memref<128x128xf32, #tpu.memory_space<vmem>>
      %dma_start3A_90 = arith.constant 0 : i32
      %dma_start3A_91 = tpu.memref_slice %arg7[%run_scoped3A_69, %dma_start3A_90] : memref<2x128xi32, #tpu.memory_space<vmem>> -> memref<1x128xi32, #tpu.memory_space<vmem>>
      %dma_start3A_92 = tpu.memref_squeeze %dma_start3A_91 : memref<1x128xi32, #tpu.memory_space<vmem>> -> memref<128xi32, #tpu.memory_space<vmem>>
      %dma_start3A_93 = arith.constant 0 : i32
      %dma_start3A_94 = arith.constant 0 : i32
      %dma_start3A_95 = tpu.memref_slice %arg9[%dma_start3A_93, %dma_start3A_94] : memref<10112x128xf32, #tpu.memory_space<vmem_shared>> -> memref<10112x128xf32, #tpu.memory_space<vmem_shared>>
      tpu.enqueue_indirect_dma source(%dma_start3A_89 : memref<128x128xf32, #tpu.memory_space<vmem>>) target(%dma_start3A_95 : memref<10112x128xf32, #tpu.memory_space<vmem_shared>>) offsets(%dma_start3A_92 : memref<128xi32, #tpu.memory_space<vmem>>) semaphore(%run_scoped3A_85 : memref<!tpu.dma_semaphore, #tpu.memory_space<semaphore_mem>>) {add = true}
      %dma_wait3A_96 = arith.constant 0 : i32
      %dma_wait3A_97 = arith.constant 0 : i32
      %dma_wait3A_98 = tpu.memref_slice %arg8[%run_scoped3A_68, %dma_wait3A_96, %dma_wait3A_97] : memref<2x128x128xf32, #tpu.memory_space<vmem>> -> memref<1x128x128xf32, #tpu.memory_space<vmem>>
      %dma_wait3A_99 = tpu.memref_squeeze %dma_wait3A_98 : memref<1x128x128xf32, #tpu.memory_space<vmem>> -> memref<128x128xf32, #tpu.memory_space<vmem>>
      %dma_wait3A_100 = arith.constant 0 : i32
      %dma_wait3A_101 = tpu.memref_slice %arg7[%run_scoped3A_69, %dma_wait3A_100] : memref<2x128xi32, #tpu.memory_space<vmem>> -> memref<1x128xi32, #tpu.memory_space<vmem>>
      %dma_wait3A_102 = tpu.memref_squeeze %dma_wait3A_101 : memref<1x128xi32, #tpu.memory_space<vmem>> -> memref<128xi32, #tpu.memory_space<vmem>>
      %dma_wait3A_103 = arith.constant 0 : i32
      %dma_wait3A_104 = arith.constant 0 : i32
      %dma_wait3A_105 = tpu.memref_slice %arg9[%dma_wait3A_103, %dma_wait3A_104] : memref<10112x128xf32, #tpu.memory_space<vmem_shared>> -> memref<10112x128xf32, #tpu.memory_space<vmem_shared>>
      tpu.wait_indirect_dma semaphore(%run_scoped3A_85 : memref<!tpu.dma_semaphore, #tpu.memory_space<semaphore_mem>>) src(%dma_wait3A_99 : memref<128x128xf32, #tpu.memory_space<vmem>>) dst(%dma_wait3A_105 : memref<10112x128xf32, #tpu.memory_space<vmem_shared>>)
      tpu.yield
    }) : () -> ()
    %dma_wait3A_70 = arith.constant 0 : i32
    %dma_wait3A_71 = arith.constant 0 : i32
    %dma_wait3A_72 = arith.constant 0 : i32
    %dma_wait3A_73 = arith.constant 0 : i32
    %dma_wait3A_74 = tpu.memref_slice %arg8[%dma_wait3A_71, %dma_wait3A_72, %dma_wait3A_73] : memref<2x128x128xf32, #tpu.memory_space<vmem>> -> memref<1x128x128xf32, #tpu.memory_space<vmem>>
    %dma_wait3A_75 = tpu.memref_squeeze %dma_wait3A_74 : memref<1x128x128xf32, #tpu.memory_space<vmem>> -> memref<128x128xf32, #tpu.memory_space<vmem>>
    %dma_wait3A_76 = arith.constant 0 : i32
    %dma_wait3A_77 = tpu.memref_slice %arg6[%dma_wait3A_70, %dma_wait3A_76] : memref<2x128xi32, #tpu.memory_space<vmem>> -> memref<1x128xi32, #tpu.memory_space<vmem>>
    %dma_wait3A_78 = tpu.memref_squeeze %dma_wait3A_77 : memref<1x128xi32, #tpu.memory_space<vmem>> -> memref<128xi32, #tpu.memory_space<vmem>>
    %dma_wait3A_79 = arith.constant 0 : i32
    %dma_wait3A_80 = arith.constant 0 : i32
    %dma_wait3A_81 = tpu.memref_slice %arg2[%dma_wait3A_79, %dma_wait3A_80] : memref<10000x128xf32, #tpu.memory_space<hbm>> -> memref<10000x128xf32, #tpu.memory_space<hbm>>
    tpu.wait_indirect_dma semaphore(%arg10 : memref<!tpu.dma_semaphore, #tpu.memory_space<semaphore_mem>>) src(%dma_wait3A_81 : memref<10000x128xf32, #tpu.memory_space<hbm>>) dst(%dma_wait3A_75 : memref<128x128xf32, #tpu.memory_space<vmem>>)
    %run_scoped3A_82 = arith.constant 0 : i32
    %run_scoped3A_83 = arith.constant 1 : i32
    "tpu.region"() ({
      %run_scoped3A_85 = tpu.sem_alloc : memref<!tpu.dma_semaphore, #tpu.memory_space<semaphore_mem>>
      %dma_start3A_86 = arith.constant 0 : i32
      %dma_start3A_87 = arith.constant 0 : i32
      %dma_start3A_88 = tpu.memref_slice %arg8[%run_scoped3A_82, %dma_start3A_86, %dma_start3A_87] : memref<2x128x128xf32, #tpu.memory_space<vmem>> -> memref<1x128x128xf32, #tpu.memory_space<vmem>>
      %dma_start3A_89 = tpu.memref_squeeze %dma_start3A_88 : memref<1x128x128xf32, #tpu.memory_space<vmem>> -> memref<128x128xf32, #tpu.memory_space<vmem>>
      %dma_start3A_90 = arith.constant 0 : i32
      %dma_start3A_91 = tpu.memref_slice %arg6[%run_scoped3A_83, %dma_start3A_90] : memref<2x128xi32, #tpu.memory_space<vmem>> -> memref<1x128xi32, #tpu.memory_space<vmem>>
      %dma_start3A_92 = tpu.memref_squeeze %dma_start3A_91 : memref<1x128xi32, #tpu.memory_space<vmem>> -> memref<128xi32, #tpu.memory_space<vmem>>
      %dma_start3A_93 = arith.constant 0 : i32
      %dma_start3A_94 = arith.constant 0 : i32
      %dma_start3A_95 = tpu.memref_slice %arg9[%dma_start3A_93, %dma_start3A_94] : memref<10112x128xf32, #tpu.memory_space<vmem_shared>> -> memref<10112x128xf32, #tpu.memory_space<vmem_shared>>
      tpu.enqueue_indirect_dma source(%dma_start3A_89 : memref<128x128xf32, #tpu.memory_space<vmem>>) target(%dma_start3A_95 : memref<10112x128xf32, #tpu.memory_space<vmem_shared>>) offsets(%dma_start3A_92 : memref<128xi32, #tpu.memory_space<vmem>>) semaphore(%run_scoped3A_85 : memref<!tpu.dma_semaphore, #tpu.memory_space<semaphore_mem>>) {add = true}
      %dma_wait3A_96 = arith.constant 0 : i32
      %dma_wait3A_97 = arith.constant 0 : i32
      %dma_wait3A_98 = tpu.memref_slice %arg8[%run_scoped3A_82, %dma_wait3A_96, %dma_wait3A_97] : memref<2x128x128xf32, #tpu.memory_space<vmem>> -> memref<1x128x128xf32, #tpu.memory_space<vmem>>
      %dma_wait3A_99 = tpu.memref_squeeze %dma_wait3A_98 : memref<1x128x128xf32, #tpu.memory_space<vmem>> -> memref<128x128xf32, #tpu.memory_space<vmem>>
      %dma_wait3A_100 = arith.constant 0 : i32
      %dma_wait3A_101 = tpu.memref_slice %arg6[%run_scoped3A_83, %dma_wait3A_100] : memref<2x128xi32, #tpu.memory_space<vmem>> -> memref<1x128xi32, #tpu.memory_space<vmem>>
      %dma_wait3A_102 = tpu.memref_squeeze %dma_wait3A_101 : memref<1x128xi32, #tpu.memory_space<vmem>> -> memref<128xi32, #tpu.memory_space<vmem>>
      %dma_wait3A_103 = arith.constant 0 : i32
      %dma_wait3A_104 = arith.constant 0 : i32
      %dma_wait3A_105 = tpu.memref_slice %arg9[%dma_wait3A_103, %dma_wait3A_104] : memref<10112x128xf32, #tpu.memory_space<vmem_shared>> -> memref<10112x128xf32, #tpu.memory_space<vmem_shared>>
      tpu.wait_indirect_dma semaphore(%run_scoped3A_85 : memref<!tpu.dma_semaphore, #tpu.memory_space<semaphore_mem>>) src(%dma_wait3A_99 : memref<128x128xf32, #tpu.memory_space<vmem>>) dst(%dma_wait3A_105 : memref<10112x128xf32, #tpu.memory_space<vmem_shared>>)
      tpu.yield
    }) : () -> ()
    %barrier3A_84 = arith.constant 0 : index
    tpu.barrier barrier_id(%barrier3A_84)
    "tpu.region"() ({
      %run_scoped3A_85 = tpu.sem_alloc : memref<!tpu.dma_semaphore, #tpu.memory_space<semaphore_mem>>
      %dma_start3A_86 = arith.constant 0 : i32
      %dma_start3A_87 = tpu.memref_slice %arg5[%arg0, %mul3A_0, %dma_start3A_86] : memref<2x10112x128xf32, #tpu.memory_space<hbm>> -> memref<1x632x128xf32, #tpu.memory_space<hbm>>
      %dma_start3A_88 = tpu.memref_squeeze %dma_start3A_87 : memref<1x632x128xf32, #tpu.memory_space<hbm>> -> memref<632x128xf32, #tpu.memory_space<hbm>>
      %dma_start3A_89 = arith.constant 0 : i32
      %dma_start3A_90 = tpu.memref_slice %arg9[%mul3A_0, %dma_start3A_89] : memref<10112x128xf32, #tpu.memory_space<vmem_shared>> -> memref<632x128xf32, #tpu.memory_space<vmem_shared>>
      tpu.enqueue_dma source(%dma_start3A_90 : memref<632x128xf32, #tpu.memory_space<vmem_shared>>) target(%dma_start3A_88 : memref<632x128xf32, #tpu.memory_space<hbm>>) target_semaphore(%run_scoped3A_85 : memref<!tpu.dma_semaphore, #tpu.memory_space<semaphore_mem>>)
      %dma_wait3A_91 = arith.constant 0 : i32
      %dma_wait3A_92 = tpu.memref_slice %arg5[%arg0, %mul3A_0, %dma_wait3A_91] : memref<2x10112x128xf32, #tpu.memory_space<hbm>> -> memref<1x632x128xf32, #tpu.memory_space<hbm>>
      %dma_wait3A_93 = tpu.memref_squeeze %dma_wait3A_92 : memref<1x632x128xf32, #tpu.memory_space<hbm>> -> memref<632x128xf32, #tpu.memory_space<hbm>>
      %dma_wait3A_94 = arith.constant 0 : i32
      %dma_wait3A_95 = tpu.memref_slice %arg9[%mul3A_0, %dma_wait3A_94] : memref<10112x128xf32, #tpu.memory_space<vmem_shared>> -> memref<632x128xf32, #tpu.memory_space<vmem_shared>>
      tpu.wait_dma2 semaphore(%run_scoped3A_85 : memref<!tpu.dma_semaphore, #tpu.memory_space<semaphore_mem>>) src(%dma_wait3A_95 : memref<632x128xf32, #tpu.memory_space<vmem_shared>>) dst(%dma_wait3A_93 : memref<632x128xf32, #tpu.memory_space<hbm>>)
      tpu.yield
    }) : () -> ()
    return
  }
}

#map = affine_map<(d0, d1) -> (0, 0)>
#map1 = affine_map<(d0, d1) -> (0, 0, 0, 0, 0)>
#map2 = affine_map<(d0, d1) -> (0, 0, 0)>
module attributes {stable_mosaic.version = 14 : i64} {
  func.func @sc_spmm(%arg0: i32, %arg1: i32, %arg2: memref<10000x128xf32, #tpu.memory_space<hbm>>, %arg3: memref<2x16x79x2x128xi32, #tpu.memory_space<hbm>>, %arg4: memref<632x128xf32, #tpu.memory_space<hbm>>, %arg5: memref<2x10112x128xf32, #tpu.memory_space<hbm>>, %arg6: memref<2x128xi32, #tpu.memory_space<vmem>>, %arg7: memref<2x128xi32, #tpu.memory_space<vmem>>, %arg8: memref<2x128x128xf32, #tpu.memory_space<vmem>>, %arg9: memref<10112x128xf32, #tpu.memory_space<vmem_shared>>, %arg10: memref<!tpu.dma_semaphore, #tpu.memory_space<semaphore_mem>>, %arg11: memref<!tpu.dma_semaphore, #tpu.memory_space<semaphore_mem>>, %arg12: memref<!tpu.dma_semaphore, #tpu.memory_space<semaphore_mem>>, %arg13: memref<!tpu.dma_semaphore, #tpu.memory_space<semaphore_mem>>) attributes {dimension_semantics = [#tpu.dimension_semantics<core_parallel>, #tpu.dimension_semantics<subcore_parallel>], iteration_bounds = array<i64: 2, 16>, scalar_prefetch = 0 : i64, scratch_operands = 8 : i64, tpu.core_type = #tpu.core_type<sc_vector_subcore>, window_params = [{transform_indices = #map}, {transform_indices = #map1}, {transform_indices = #map}, {transform_indices = #map2}]} {
    %mul3A = arith.constant 632 : i32
    %mul3A_0 = arith.muli %arg1, %mul3A : i32
    "tpu.region"() ({
      %run_scoped3A_85 = tpu.sem_alloc : memref<!tpu.dma_semaphore, #tpu.memory_space<semaphore_mem>>
      %dma_start3A_86 = arith.constant 0 : i32
      %dma_start3A_87 = tpu.memref_slice %arg9[%mul3A_0, %dma_start3A_86] : memref<10112x128xf32, #tpu.memory_space<vmem_shared>> -> memref<632x128xf32, #tpu.memory_space<vmem_shared>>
      tpu.enqueue_dma source(%arg4 : memref<632x128xf32, #tpu.memory_space<hbm>>) target(%dma_start3A_87 : memref<632x128xf32, #tpu.memory_space<vmem_shared>>) target_semaphore(%run_scoped3A_85 : memref<!tpu.dma_semaphore, #tpu.memory_space<semaphore_mem>>)
      %dma_wait3A_88 = arith.constant 0 : i32
      %dma_wait3A_89 = tpu.memref_slice %arg9[%mul3A_0, %dma_wait3A_88] : memref<10112x128xf32, #tpu.memory_space<vmem_shared>> -> memref<632x128xf32, #tpu.memory_space<vmem_shared>>
      tpu.wait_dma2 semaphore(%run_scoped3A_85 : memref<!tpu.dma_semaphore, #tpu.memory_space<semaphore_mem>>) src(%arg4 : memref<632x128xf32, #tpu.memory_space<hbm>>) dst(%dma_wait3A_89 : memref<632x128xf32, #tpu.memory_space<vmem_shared>>)
      tpu.yield
    }) : () -> ()
    %barrier3A = arith.constant 0 : index
    tpu.barrier barrier_id(%barrier3A)
    %run_scoped3A = arith.constant 0 : i32
    "tpu.region"() ({
      %run_scoped3A_85 = tpu.sem_alloc : memref<!tpu.dma_semaphore, #tpu.memory_space<semaphore_mem>>
      %dma_start3A_86 = arith.constant 0 : i32
      %dma_start3A_87 = arith.constant 0 : i32
      %dma_start3A_88 = tpu.memref_slice %arg3[%arg0, %arg1, %run_scoped3A, %dma_start3A_86, %dma_start3A_87] : memref<2x16x79x2x128xi32, #tpu.memory_space<hbm>> -> memref<1x1x1x2x128xi32, #tpu.memory_space<hbm>>
      %dma_start3A_89 = tpu.memref_squeeze %dma_start3A_88 : memref<1x1x1x2x128xi32, #tpu.memory_space<hbm>> -> memref<2x128xi32, #tpu.memory_space<hbm>>
      %dma_start3A_90 = arith.constant 0 : i32
      %dma_start3A_91 = arith.constant 0 : i32
      %dma_start3A_92 = tpu.memref_slice %arg3[%arg0, %arg1, %run_scoped3A, %dma_start3A_90, %dma_start3A_91] : memref<2x16x79x2x128xi32, #tpu.memory_space<hbm>> -> memref<1x1x1x2x128xi32, #tpu.memory_space<hbm>>
      %dma_start3A_93 = tpu.memref_squeeze %dma_start3A_92 : memref<1x1x1x2x128xi32, #tpu.memory_space<hbm>> -> memref<2x128xi32, #tpu.memory_space<hbm>>
      tpu.enqueue_dma source(%dma_start3A_93 : memref<2x128xi32, #tpu.memory_space<hbm>>) target(%arg6 : memref<2x128xi32, #tpu.memory_space<vmem>>) target_semaphore(%run_scoped3A_85 : memref<!tpu.dma_semaphore, #tpu.memory_space<semaphore_mem>>)
      %dma_wait3A_94 = arith.constant 0 : i32
      %dma_wait3A_95 = arith.constant 0 : i32
      %dma_wait3A_96 = tpu.memref_slice %arg3[%arg0, %arg1, %run_scoped3A, %dma_wait3A_94, %dma_wait3A_95] : memref<2x16x79x2x128xi32, #tpu.memory_space<hbm>> -> memref<1x1x1x2x128xi32, #tpu.memory_space<hbm>>
      %dma_wait3A_97 = tpu.memref_squeeze %dma_wait3A_96 : memref<1x1x1x2x128xi32, #tpu.memory_space<hbm>> -> memref<2x128xi32, #tpu.memory_space<hbm>>
      %dma_wait3A_98 = arith.constant 0 : i32
      %dma_wait3A_99 = arith.constant 0 : i32
      %dma_wait3A_100 = tpu.memref_slice %arg3[%arg0, %arg1, %run_scoped3A, %dma_wait3A_98, %dma_wait3A_99] : memref<2x16x79x2x128xi32, #tpu.memory_space<hbm>> -> memref<1x1x1x2x128xi32, #tpu.memory_space<hbm>>
      %dma_wait3A_101 = tpu.memref_squeeze %dma_wait3A_100 : memref<1x1x1x2x128xi32, #tpu.memory_space<hbm>> -> memref<2x128xi32, #tpu.memory_space<hbm>>
      tpu.wait_dma2 semaphore(%run_scoped3A_85 : memref<!tpu.dma_semaphore, #tpu.memory_space<semaphore_mem>>) src(%dma_wait3A_101 : memref<2x128xi32, #tpu.memory_space<hbm>>) dst(%arg6 : memref<2x128xi32, #tpu.memory_space<vmem>>)
      tpu.yield
    }) : () -> ()
    %dma_start3A = arith.constant 0 : i32
    %dma_start3A_1 = arith.constant 0 : i32
    %dma_start3A_2 = arith.constant 0 : i32
    %dma_start3A_3 = arith.constant 0 : i32
    %dma_start3A_4 = tpu.memref_slice %arg8[%dma_start3A_1, %dma_start3A_2, %dma_start3A_3] : memref<2x128x128xf32, #tpu.memory_space<vmem>> -> memref<1x128x128xf32, #tpu.memory_space<vmem>>
    %dma_start3A_5 = tpu.memref_squeeze %dma_start3A_4 : memref<1x128x128xf32, #tpu.memory_space<vmem>> -> memref<128x128xf32, #tpu.memory_space<vmem>>
    %dma_start3A_6 = arith.constant 0 : i32
    %dma_start3A_7 = tpu.memref_slice %arg6[%dma_start3A, %dma_start3A_6] : memref<2x128xi32, #tpu.memory_space<vmem>> -> memref<1x128xi32, #tpu.memory_space<vmem>>
    %dma_start3A_8 = tpu.memref_squeeze %dma_start3A_7 : memref<1x128xi32, #tpu.memory_space<vmem>> -> memref<128xi32, #tpu.memory_space<vmem>>
    %dma_start3A_9 = arith.constant 0 : i32
    %dma_start3A_10 = arith.constant 0 : i32
    %dma_start3A_11 = tpu.memref_slice %arg2[%dma_start3A_9, %dma_start3A_10] : memref<10000x128xf32, #tpu.memory_space<hbm>> -> memref<10000x128xf32, #tpu.memory_space<hbm>>
    tpu.enqueue_indirect_dma source(%dma_start3A_11 : memref<10000x128xf32, #tpu.memory_space<hbm>>) target(%dma_start3A_5 : memref<128x128xf32, #tpu.memory_space<vmem>>) offsets(%dma_start3A_8 : memref<128xi32, #tpu.memory_space<vmem>>) semaphore(%arg10 : memref<!tpu.dma_semaphore, #tpu.memory_space<semaphore_mem>>)
    %run_scoped3A_12 = arith.constant 1 : i32
    "tpu.region"() ({
      %run_scoped3A_85 = tpu.sem_alloc : memref<!tpu.dma_semaphore, #tpu.memory_space<semaphore_mem>>
      %dma_start3A_86 = arith.constant 0 : i32
      %dma_start3A_87 = arith.constant 0 : i32
      %dma_start3A_88 = tpu.memref_slice %arg3[%arg0, %arg1, %run_scoped3A_12, %dma_start3A_86, %dma_start3A_87] : memref<2x16x79x2x128xi32, #tpu.memory_space<hbm>> -> memref<1x1x1x2x128xi32, #tpu.memory_space<hbm>>
      %dma_start3A_89 = tpu.memref_squeeze %dma_start3A_88 : memref<1x1x1x2x128xi32, #tpu.memory_space<hbm>> -> memref<2x128xi32, #tpu.memory_space<hbm>>
      %dma_start3A_90 = arith.constant 0 : i32
      %dma_start3A_91 = arith.constant 0 : i32
      %dma_start3A_92 = tpu.memref_slice %arg3[%arg0, %arg1, %run_scoped3A_12, %dma_start3A_90, %dma_start3A_91] : memref<2x16x79x2x128xi32, #tpu.memory_space<hbm>> -> memref<1x1x1x2x128xi32, #tpu.memory_space<hbm>>
      %dma_start3A_93 = tpu.memref_squeeze %dma_start3A_92 : memref<1x1x1x2x128xi32, #tpu.memory_space<hbm>> -> memref<2x128xi32, #tpu.memory_space<hbm>>
      tpu.enqueue_dma source(%dma_start3A_93 : memref<2x128xi32, #tpu.memory_space<hbm>>) target(%arg7 : memref<2x128xi32, #tpu.memory_space<vmem>>) target_semaphore(%run_scoped3A_85 : memref<!tpu.dma_semaphore, #tpu.memory_space<semaphore_mem>>)
      %dma_wait3A_94 = arith.constant 0 : i32
      %dma_wait3A_95 = arith.constant 0 : i32
      %dma_wait3A_96 = tpu.memref_slice %arg3[%arg0, %arg1, %run_scoped3A_12, %dma_wait3A_94, %dma_wait3A_95] : memref<2x16x79x2x128xi32, #tpu.memory_space<hbm>> -> memref<1x1x1x2x128xi32, #tpu.memory_space<hbm>>
      %dma_wait3A_97 = tpu.memref_squeeze %dma_wait3A_96 : memref<1x1x1x2x128xi32, #tpu.memory_space<hbm>> -> memref<2x128xi32, #tpu.memory_space<hbm>>
      %dma_wait3A_98 = arith.constant 0 : i32
      %dma_wait3A_99 = arith.constant 0 : i32
      %dma_wait3A_100 = tpu.memref_slice %arg3[%arg0, %arg1, %run_scoped3A_12, %dma_wait3A_98, %dma_wait3A_99] : memref<2x16x79x2x128xi32, #tpu.memory_space<hbm>> -> memref<1x1x1x2x128xi32, #tpu.memory_space<hbm>>
      %dma_wait3A_101 = tpu.memref_squeeze %dma_wait3A_100 : memref<1x1x1x2x128xi32, #tpu.memory_space<hbm>> -> memref<2x128xi32, #tpu.memory_space<hbm>>
      tpu.wait_dma2 semaphore(%run_scoped3A_85 : memref<!tpu.dma_semaphore, #tpu.memory_space<semaphore_mem>>) src(%dma_wait3A_101 : memref<2x128xi32, #tpu.memory_space<hbm>>) dst(%arg7 : memref<2x128xi32, #tpu.memory_space<vmem>>)
      tpu.yield
    }) : () -> ()
    %dma_start3A_13 = arith.constant 0 : i32
    %dma_start3A_14 = arith.constant 1 : i32
    %dma_start3A_15 = arith.constant 0 : i32
    %dma_start3A_16 = arith.constant 0 : i32
    %dma_start3A_17 = tpu.memref_slice %arg8[%dma_start3A_14, %dma_start3A_15, %dma_start3A_16] : memref<2x128x128xf32, #tpu.memory_space<vmem>> -> memref<1x128x128xf32, #tpu.memory_space<vmem>>
    %dma_start3A_18 = tpu.memref_squeeze %dma_start3A_17 : memref<1x128x128xf32, #tpu.memory_space<vmem>> -> memref<128x128xf32, #tpu.memory_space<vmem>>
    %dma_start3A_19 = arith.constant 0 : i32
    %dma_start3A_20 = tpu.memref_slice %arg7[%dma_start3A_13, %dma_start3A_19] : memref<2x128xi32, #tpu.memory_space<vmem>> -> memref<1x128xi32, #tpu.memory_space<vmem>>
    %dma_start3A_21 = tpu.memref_squeeze %dma_start3A_20 : memref<1x128xi32, #tpu.memory_space<vmem>> -> memref<128xi32, #tpu.memory_space<vmem>>
    %dma_start3A_22 = arith.constant 0 : i32
    %dma_start3A_23 = arith.constant 0 : i32
    %dma_start3A_24 = tpu.memref_slice %arg2[%dma_start3A_22, %dma_start3A_23] : memref<10000x128xf32, #tpu.memory_space<hbm>> -> memref<10000x128xf32, #tpu.memory_space<hbm>>
    tpu.enqueue_indirect_dma source(%dma_start3A_24 : memref<10000x128xf32, #tpu.memory_space<hbm>>) target(%dma_start3A_18 : memref<128x128xf32, #tpu.memory_space<vmem>>) offsets(%dma_start3A_21 : memref<128xi32, #tpu.memory_space<vmem>>) semaphore(%arg11 : memref<!tpu.dma_semaphore, #tpu.memory_space<semaphore_mem>>)
    %scan3A = arith.constant 0 : i32
    %scan3A_25 = arith.constant 0 : i32
    %scan3A_26 = arith.constant 38 : i32
    %scan3A_27 = arith.addi %scan3A_25, %scan3A_26 : i32
    %scan3A_28 = arith.constant 1 : i32
    scf.for %scan3A_85 = %scan3A_25 to %scan3A_27 step %scan3A_28  : i32 {
      %mul3A_86 = arith.constant 2 : i32
      %mul3A_87 = arith.muli %mul3A_86, %scan3A_85 : i32
      %dma_wait3A_88 = arith.constant 0 : i32
      %dma_wait3A_89 = arith.constant 0 : i32
      %dma_wait3A_90 = arith.constant 0 : i32
      %dma_wait3A_91 = arith.constant 0 : i32
      %dma_wait3A_92 = tpu.memref_slice %arg8[%dma_wait3A_89, %dma_wait3A_90, %dma_wait3A_91] : memref<2x128x128xf32, #tpu.memory_space<vmem>> -> memref<1x128x128xf32, #tpu.memory_space<vmem>>
      %dma_wait3A_93 = tpu.memref_squeeze %dma_wait3A_92 : memref<1x128x128xf32, #tpu.memory_space<vmem>> -> memref<128x128xf32, #tpu.memory_space<vmem>>
      %dma_wait3A_94 = arith.constant 0 : i32
      %dma_wait3A_95 = tpu.memref_slice %arg6[%dma_wait3A_88, %dma_wait3A_94] : memref<2x128xi32, #tpu.memory_space<vmem>> -> memref<1x128xi32, #tpu.memory_space<vmem>>
      %dma_wait3A_96 = tpu.memref_squeeze %dma_wait3A_95 : memref<1x128xi32, #tpu.memory_space<vmem>> -> memref<128xi32, #tpu.memory_space<vmem>>
      %dma_wait3A_97 = arith.constant 0 : i32
      %dma_wait3A_98 = arith.constant 0 : i32
      %dma_wait3A_99 = tpu.memref_slice %arg2[%dma_wait3A_97, %dma_wait3A_98] : memref<10000x128xf32, #tpu.memory_space<hbm>> -> memref<10000x128xf32, #tpu.memory_space<hbm>>
      tpu.wait_indirect_dma semaphore(%arg10 : memref<!tpu.dma_semaphore, #tpu.memory_space<semaphore_mem>>) src(%dma_wait3A_99 : memref<10000x128xf32, #tpu.memory_space<hbm>>) dst(%dma_wait3A_93 : memref<128x128xf32, #tpu.memory_space<vmem>>)
      %dma_start3A_100 = arith.constant 0 : i32
      %dma_start3A_101 = arith.constant 1 : i32
      %dma_start3A_102 = arith.constant 0 : i32
      %dma_start3A_103 = arith.constant 0 : i32
      %dma_start3A_104 = tpu.memref_slice %arg8[%dma_start3A_100, %dma_start3A_102, %dma_start3A_103] : memref<2x128x128xf32, #tpu.memory_space<vmem>> -> memref<1x128x128xf32, #tpu.memory_space<vmem>>
      %dma_start3A_105 = tpu.memref_squeeze %dma_start3A_104 : memref<1x128x128xf32, #tpu.memory_space<vmem>> -> memref<128x128xf32, #tpu.memory_space<vmem>>
      %dma_start3A_106 = arith.constant 0 : i32
      %dma_start3A_107 = tpu.memref_slice %arg6[%dma_start3A_101, %dma_start3A_106] : memref<2x128xi32, #tpu.memory_space<vmem>> -> memref<1x128xi32, #tpu.memory_space<vmem>>
      %dma_start3A_108 = tpu.memref_squeeze %dma_start3A_107 : memref<1x128xi32, #tpu.memory_space<vmem>> -> memref<128xi32, #tpu.memory_space<vmem>>
      %dma_start3A_109 = arith.constant 0 : i32
      %dma_start3A_110 = arith.constant 0 : i32
      %dma_start3A_111 = tpu.memref_slice %arg9[%dma_start3A_109, %dma_start3A_110] : memref<10112x128xf32, #tpu.memory_space<vmem_shared>> -> memref<10112x128xf32, #tpu.memory_space<vmem_shared>>
      tpu.enqueue_indirect_dma source(%dma_start3A_105 : memref<128x128xf32, #tpu.memory_space<vmem>>) target(%dma_start3A_111 : memref<10112x128xf32, #tpu.memory_space<vmem_shared>>) offsets(%dma_start3A_108 : memref<128xi32, #tpu.memory_space<vmem>>) semaphore(%arg12 : memref<!tpu.dma_semaphore, #tpu.memory_space<semaphore_mem>>) {add = true}
      %add3A = arith.constant 2 : i32
      %add3A_112 = arith.addi %mul3A_87, %add3A : i32
      "tpu.region"() ({
        %run_scoped3A_187 = tpu.sem_alloc : memref<!tpu.dma_semaphore, #tpu.memory_space<semaphore_mem>>
        %dma_start3A_188 = arith.constant 0 : i32
        %dma_start3A_189 = arith.constant 0 : i32
        %dma_start3A_190 = tpu.memref_slice %arg3[%arg0, %arg1, %add3A_112, %dma_start3A_188, %dma_start3A_189] : memref<2x16x79x2x128xi32, #tpu.memory_space<hbm>> -> memref<1x1x1x2x128xi32, #tpu.memory_space<hbm>>
        %dma_start3A_191 = tpu.memref_squeeze %dma_start3A_190 : memref<1x1x1x2x128xi32, #tpu.memory_space<hbm>> -> memref<2x128xi32, #tpu.memory_space<hbm>>
        %dma_start3A_192 = arith.constant 0 : i32
        %dma_start3A_193 = arith.constant 0 : i32
        %dma_start3A_194 = tpu.memref_slice %arg3[%arg0, %arg1, %add3A_112, %dma_start3A_192, %dma_start3A_193] : memref<2x16x79x2x128xi32, #tpu.memory_space<hbm>> -> memref<1x1x1x2x128xi32, #tpu.memory_space<hbm>>
        %dma_start3A_195 = tpu.memref_squeeze %dma_start3A_194 : memref<1x1x1x2x128xi32, #tpu.memory_space<hbm>> -> memref<2x128xi32, #tpu.memory_space<hbm>>
        tpu.enqueue_dma source(%dma_start3A_195 : memref<2x128xi32, #tpu.memory_space<hbm>>) target(%arg6 : memref<2x128xi32, #tpu.memory_space<vmem>>) target_semaphore(%run_scoped3A_187 : memref<!tpu.dma_semaphore, #tpu.memory_space<semaphore_mem>>)
        %dma_wait3A_196 = arith.constant 0 : i32
        %dma_wait3A_197 = arith.constant 0 : i32
        %dma_wait3A_198 = tpu.memref_slice %arg3[%arg0, %arg1, %add3A_112, %dma_wait3A_196, %dma_wait3A_197] : memref<2x16x79x2x128xi32, #tpu.memory_space<hbm>> -> memref<1x1x1x2x128xi32, #tpu.memory_space<hbm>>
        %dma_wait3A_199 = tpu.memref_squeeze %dma_wait3A_198 : memref<1x1x1x2x128xi32, #tpu.memory_space<hbm>> -> memref<2x128xi32, #tpu.memory_space<hbm>>
        %dma_wait3A_200 = arith.constant 0 : i32
        %dma_wait3A_201 = arith.constant 0 : i32
        %dma_wait3A_202 = tpu.memref_slice %arg3[%arg0, %arg1, %add3A_112, %dma_wait3A_200, %dma_wait3A_201] : memref<2x16x79x2x128xi32, #tpu.memory_space<hbm>> -> memref<1x1x1x2x128xi32, #tpu.memory_space<hbm>>
        %dma_wait3A_203 = tpu.memref_squeeze %dma_wait3A_202 : memref<1x1x1x2x128xi32, #tpu.memory_space<hbm>> -> memref<2x128xi32, #tpu.memory_space<hbm>>
        tpu.wait_dma2 semaphore(%run_scoped3A_187 : memref<!tpu.dma_semaphore, #tpu.memory_space<semaphore_mem>>) src(%dma_wait3A_203 : memref<2x128xi32, #tpu.memory_space<hbm>>) dst(%arg6 : memref<2x128xi32, #tpu.memory_space<vmem>>)
        tpu.yield
      }) : () -> ()
      %dma_wait3A_113 = arith.constant 0 : i32
      %dma_wait3A_114 = arith.constant 1 : i32
      %dma_wait3A_115 = arith.constant 0 : i32
      %dma_wait3A_116 = arith.constant 0 : i32
      %dma_wait3A_117 = tpu.memref_slice %arg8[%dma_wait3A_113, %dma_wait3A_115, %dma_wait3A_116] : memref<2x128x128xf32, #tpu.memory_space<vmem>> -> memref<1x128x128xf32, #tpu.memory_space<vmem>>
      %dma_wait3A_118 = tpu.memref_squeeze %dma_wait3A_117 : memref<1x128x128xf32, #tpu.memory_space<vmem>> -> memref<128x128xf32, #tpu.memory_space<vmem>>
      %dma_wait3A_119 = arith.constant 0 : i32
      %dma_wait3A_120 = tpu.memref_slice %arg6[%dma_wait3A_114, %dma_wait3A_119] : memref<2x128xi32, #tpu.memory_space<vmem>> -> memref<1x128xi32, #tpu.memory_space<vmem>>
      %dma_wait3A_121 = tpu.memref_squeeze %dma_wait3A_120 : memref<1x128xi32, #tpu.memory_space<vmem>> -> memref<128xi32, #tpu.memory_space<vmem>>
      %dma_wait3A_122 = arith.constant 0 : i32
      %dma_wait3A_123 = arith.constant 0 : i32
      %dma_wait3A_124 = tpu.memref_slice %arg9[%dma_wait3A_122, %dma_wait3A_123] : memref<10112x128xf32, #tpu.memory_space<vmem_shared>> -> memref<10112x128xf32, #tpu.memory_space<vmem_shared>>
      tpu.wait_indirect_dma semaphore(%arg12 : memref<!tpu.dma_semaphore, #tpu.memory_space<semaphore_mem>>) src(%dma_wait3A_118 : memref<128x128xf32, #tpu.memory_space<vmem>>) dst(%dma_wait3A_124 : memref<10112x128xf32, #tpu.memory_space<vmem_shared>>)
      %dma_start3A_125 = arith.constant 0 : i32
      %dma_start3A_126 = arith.constant 0 : i32
      %dma_start3A_127 = arith.constant 0 : i32
      %dma_start3A_128 = arith.constant 0 : i32
      %dma_start3A_129 = tpu.memref_slice %arg8[%dma_start3A_126, %dma_start3A_127, %dma_start3A_128] : memref<2x128x128xf32, #tpu.memory_space<vmem>> -> memref<1x128x128xf32, #tpu.memory_space<vmem>>
      %dma_start3A_130 = tpu.memref_squeeze %dma_start3A_129 : memref<1x128x128xf32, #tpu.memory_space<vmem>> -> memref<128x128xf32, #tpu.memory_space<vmem>>
      %dma_start3A_131 = arith.constant 0 : i32
      %dma_start3A_132 = tpu.memref_slice %arg6[%dma_start3A_125, %dma_start3A_131] : memref<2x128xi32, #tpu.memory_space<vmem>> -> memref<1x128xi32, #tpu.memory_space<vmem>>
      %dma_start3A_133 = tpu.memref_squeeze %dma_start3A_132 : memref<1x128xi32, #tpu.memory_space<vmem>> -> memref<128xi32, #tpu.memory_space<vmem>>
      %dma_start3A_134 = arith.constant 0 : i32
      %dma_start3A_135 = arith.constant 0 : i32
      %dma_start3A_136 = tpu.memref_slice %arg2[%dma_start3A_134, %dma_start3A_135] : memref<10000x128xf32, #tpu.memory_space<hbm>> -> memref<10000x128xf32, #tpu.memory_space<hbm>>
      tpu.enqueue_indirect_dma source(%dma_start3A_136 : memref<10000x128xf32, #tpu.memory_space<hbm>>) target(%dma_start3A_130 : memref<128x128xf32, #tpu.memory_space<vmem>>) offsets(%dma_start3A_133 : memref<128xi32, #tpu.memory_space<vmem>>) semaphore(%arg10 : memref<!tpu.dma_semaphore, #tpu.memory_space<semaphore_mem>>)
      %dma_wait3A_137 = arith.constant 0 : i32
      %dma_wait3A_138 = arith.constant 1 : i32
      %dma_wait3A_139 = arith.constant 0 : i32
      %dma_wait3A_140 = arith.constant 0 : i32
      %dma_wait3A_141 = tpu.memref_slice %arg8[%dma_wait3A_138, %dma_wait3A_139, %dma_wait3A_140] : memref<2x128x128xf32, #tpu.memory_space<vmem>> -> memref<1x128x128xf32, #tpu.memory_space<vmem>>
      %dma_wait3A_142 = tpu.memref_squeeze %dma_wait3A_141 : memref<1x128x128xf32, #tpu.memory_space<vmem>> -> memref<128x128xf32, #tpu.memory_space<vmem>>
      %dma_wait3A_143 = arith.constant 0 : i32
      %dma_wait3A_144 = tpu.memref_slice %arg7[%dma_wait3A_137, %dma_wait3A_143] : memref<2x128xi32, #tpu.memory_space<vmem>> -> memref<1x128xi32, #tpu.memory_space<vmem>>
      %dma_wait3A_145 = tpu.memref_squeeze %dma_wait3A_144 : memref<1x128xi32, #tpu.memory_space<vmem>> -> memref<128xi32, #tpu.memory_space<vmem>>
      %dma_wait3A_146 = arith.constant 0 : i32
      %dma_wait3A_147 = arith.constant 0 : i32
      %dma_wait3A_148 = tpu.memref_slice %arg2[%dma_wait3A_146, %dma_wait3A_147] : memref<10000x128xf32, #tpu.memory_space<hbm>> -> memref<10000x128xf32, #tpu.memory_space<hbm>>
      tpu.wait_indirect_dma semaphore(%arg11 : memref<!tpu.dma_semaphore, #tpu.memory_space<semaphore_mem>>) src(%dma_wait3A_148 : memref<10000x128xf32, #tpu.memory_space<hbm>>) dst(%dma_wait3A_142 : memref<128x128xf32, #tpu.memory_space<vmem>>)
      %dma_start3A_149 = arith.constant 1 : i32
      %dma_start3A_150 = arith.constant 1 : i32
      %dma_start3A_151 = arith.constant 0 : i32
      %dma_start3A_152 = arith.constant 0 : i32
      %dma_start3A_153 = tpu.memref_slice %arg8[%dma_start3A_149, %dma_start3A_151, %dma_start3A_152] : memref<2x128x128xf32, #tpu.memory_space<vmem>> -> memref<1x128x128xf32, #tpu.memory_space<vmem>>
      %dma_start3A_154 = tpu.memref_squeeze %dma_start3A_153 : memref<1x128x128xf32, #tpu.memory_space<vmem>> -> memref<128x128xf32, #tpu.memory_space<vmem>>
      %dma_start3A_155 = arith.constant 0 : i32
      %dma_start3A_156 = tpu.memref_slice %arg7[%dma_start3A_150, %dma_start3A_155] : memref<2x128xi32, #tpu.memory_space<vmem>> -> memref<1x128xi32, #tpu.memory_space<vmem>>
      %dma_start3A_157 = tpu.memref_squeeze %dma_start3A_156 : memref<1x128xi32, #tpu.memory_space<vmem>> -> memref<128xi32, #tpu.memory_space<vmem>>
      %dma_start3A_158 = arith.constant 0 : i32
      %dma_start3A_159 = arith.constant 0 : i32
      %dma_start3A_160 = tpu.memref_slice %arg9[%dma_start3A_158, %dma_start3A_159] : memref<10112x128xf32, #tpu.memory_space<vmem_shared>> -> memref<10112x128xf32, #tpu.memory_space<vmem_shared>>
      tpu.enqueue_indirect_dma source(%dma_start3A_154 : memref<128x128xf32, #tpu.memory_space<vmem>>) target(%dma_start3A_160 : memref<10112x128xf32, #tpu.memory_space<vmem_shared>>) offsets(%dma_start3A_157 : memref<128xi32, #tpu.memory_space<vmem>>) semaphore(%arg13 : memref<!tpu.dma_semaphore, #tpu.memory_space<semaphore_mem>>) {add = true}
      %add3A_161 = arith.constant 3 : i32
      %add3A_162 = arith.addi %mul3A_87, %add3A_161 : i32
      "tpu.region"() ({
        %run_scoped3A_187 = tpu.sem_alloc : memref<!tpu.dma_semaphore, #tpu.memory_space<semaphore_mem>>
        %dma_start3A_188 = arith.constant 0 : i32
        %dma_start3A_189 = arith.constant 0 : i32
        %dma_start3A_190 = tpu.memref_slice %arg3[%arg0, %arg1, %add3A_162, %dma_start3A_188, %dma_start3A_189] : memref<2x16x79x2x128xi32, #tpu.memory_space<hbm>> -> memref<1x1x1x2x128xi32, #tpu.memory_space<hbm>>
        %dma_start3A_191 = tpu.memref_squeeze %dma_start3A_190 : memref<1x1x1x2x128xi32, #tpu.memory_space<hbm>> -> memref<2x128xi32, #tpu.memory_space<hbm>>
        %dma_start3A_192 = arith.constant 0 : i32
        %dma_start3A_193 = arith.constant 0 : i32
        %dma_start3A_194 = tpu.memref_slice %arg3[%arg0, %arg1, %add3A_162, %dma_start3A_192, %dma_start3A_193] : memref<2x16x79x2x128xi32, #tpu.memory_space<hbm>> -> memref<1x1x1x2x128xi32, #tpu.memory_space<hbm>>
        %dma_start3A_195 = tpu.memref_squeeze %dma_start3A_194 : memref<1x1x1x2x128xi32, #tpu.memory_space<hbm>> -> memref<2x128xi32, #tpu.memory_space<hbm>>
        tpu.enqueue_dma source(%dma_start3A_195 : memref<2x128xi32, #tpu.memory_space<hbm>>) target(%arg7 : memref<2x128xi32, #tpu.memory_space<vmem>>) target_semaphore(%run_scoped3A_187 : memref<!tpu.dma_semaphore, #tpu.memory_space<semaphore_mem>>)
        %dma_wait3A_196 = arith.constant 0 : i32
        %dma_wait3A_197 = arith.constant 0 : i32
        %dma_wait3A_198 = tpu.memref_slice %arg3[%arg0, %arg1, %add3A_162, %dma_wait3A_196, %dma_wait3A_197] : memref<2x16x79x2x128xi32, #tpu.memory_space<hbm>> -> memref<1x1x1x2x128xi32, #tpu.memory_space<hbm>>
        %dma_wait3A_199 = tpu.memref_squeeze %dma_wait3A_198 : memref<1x1x1x2x128xi32, #tpu.memory_space<hbm>> -> memref<2x128xi32, #tpu.memory_space<hbm>>
        %dma_wait3A_200 = arith.constant 0 : i32
        %dma_wait3A_201 = arith.constant 0 : i32
        %dma_wait3A_202 = tpu.memref_slice %arg3[%arg0, %arg1, %add3A_162, %dma_wait3A_200, %dma_wait3A_201] : memref<2x16x79x2x128xi32, #tpu.memory_space<hbm>> -> memref<1x1x1x2x128xi32, #tpu.memory_space<hbm>>
        %dma_wait3A_203 = tpu.memref_squeeze %dma_wait3A_202 : memref<1x1x1x2x128xi32, #tpu.memory_space<hbm>> -> memref<2x128xi32, #tpu.memory_space<hbm>>
        tpu.wait_dma2 semaphore(%run_scoped3A_187 : memref<!tpu.dma_semaphore, #tpu.memory_space<semaphore_mem>>) src(%dma_wait3A_203 : memref<2x128xi32, #tpu.memory_space<hbm>>) dst(%arg7 : memref<2x128xi32, #tpu.memory_space<vmem>>)
        tpu.yield
      }) : () -> ()
      %dma_wait3A_163 = arith.constant 1 : i32
      %dma_wait3A_164 = arith.constant 1 : i32
      %dma_wait3A_165 = arith.constant 0 : i32
      %dma_wait3A_166 = arith.constant 0 : i32
      %dma_wait3A_167 = tpu.memref_slice %arg8[%dma_wait3A_163, %dma_wait3A_165, %dma_wait3A_166] : memref<2x128x128xf32, #tpu.memory_space<vmem>> -> memref<1x128x128xf32, #tpu.memory_space<vmem>>
      %dma_wait3A_168 = tpu.memref_squeeze %dma_wait3A_167 : memref<1x128x128xf32, #tpu.memory_space<vmem>> -> memref<128x128xf32, #tpu.memory_space<vmem>>
      %dma_wait3A_169 = arith.constant 0 : i32
      %dma_wait3A_170 = tpu.memref_slice %arg7[%dma_wait3A_164, %dma_wait3A_169] : memref<2x128xi32, #tpu.memory_space<vmem>> -> memref<1x128xi32, #tpu.memory_space<vmem>>
      %dma_wait3A_171 = tpu.memref_squeeze %dma_wait3A_170 : memref<1x128xi32, #tpu.memory_space<vmem>> -> memref<128xi32, #tpu.memory_space<vmem>>
      %dma_wait3A_172 = arith.constant 0 : i32
      %dma_wait3A_173 = arith.constant 0 : i32
      %dma_wait3A_174 = tpu.memref_slice %arg9[%dma_wait3A_172, %dma_wait3A_173] : memref<10112x128xf32, #tpu.memory_space<vmem_shared>> -> memref<10112x128xf32, #tpu.memory_space<vmem_shared>>
      tpu.wait_indirect_dma semaphore(%arg13 : memref<!tpu.dma_semaphore, #tpu.memory_space<semaphore_mem>>) src(%dma_wait3A_168 : memref<128x128xf32, #tpu.memory_space<vmem>>) dst(%dma_wait3A_174 : memref<10112x128xf32, #tpu.memory_space<vmem_shared>>)
      %dma_start3A_175 = arith.constant 0 : i32
      %dma_start3A_176 = arith.constant 1 : i32
      %dma_start3A_177 = arith.constant 0 : i32
      %dma_start3A_178 = arith.constant 0 : i32
      %dma_start3A_179 = tpu.memref_slice %arg8[%dma_start3A_176, %dma_start3A_177, %dma_start3A_178] : memref<2x128x128xf32, #tpu.memory_space<vmem>> -> memref<1x128x128xf32, #tpu.memory_space<vmem>>
      %dma_start3A_180 = tpu.memref_squeeze %dma_start3A_179 : memref<1x128x128xf32, #tpu.memory_space<vmem>> -> memref<128x128xf32, #tpu.memory_space<vmem>>
      %dma_start3A_181 = arith.constant 0 : i32
      %dma_start3A_182 = tpu.memref_slice %arg7[%dma_start3A_175, %dma_start3A_181] : memref<2x128xi32, #tpu.memory_space<vmem>> -> memref<1x128xi32, #tpu.memory_space<vmem>>
      %dma_start3A_183 = tpu.memref_squeeze %dma_start3A_182 : memref<1x128xi32, #tpu.memory_space<vmem>> -> memref<128xi32, #tpu.memory_space<vmem>>
      %dma_start3A_184 = arith.constant 0 : i32
      %dma_start3A_185 = arith.constant 0 : i32
      %dma_start3A_186 = tpu.memref_slice %arg2[%dma_start3A_184, %dma_start3A_185] : memref<10000x128xf32, #tpu.memory_space<hbm>> -> memref<10000x128xf32, #tpu.memory_space<hbm>>
      tpu.enqueue_indirect_dma source(%dma_start3A_186 : memref<10000x128xf32, #tpu.memory_space<hbm>>) target(%dma_start3A_180 : memref<128x128xf32, #tpu.memory_space<vmem>>) offsets(%dma_start3A_183 : memref<128xi32, #tpu.memory_space<vmem>>) semaphore(%arg11 : memref<!tpu.dma_semaphore, #tpu.memory_space<semaphore_mem>>)
    }
    %scan3A_29 = arith.constant 38 : i32
    %dma_wait3A = arith.constant 0 : i32
    %dma_wait3A_30 = arith.constant 0 : i32
    %dma_wait3A_31 = arith.constant 0 : i32
    %dma_wait3A_32 = arith.constant 0 : i32
    %dma_wait3A_33 = tpu.memref_slice %arg8[%dma_wait3A_30, %dma_wait3A_31, %dma_wait3A_32] : memref<2x128x128xf32, #tpu.memory_space<vmem>> -> memref<1x128x128xf32, #tpu.memory_space<vmem>>
    %dma_wait3A_34 = tpu.memref_squeeze %dma_wait3A_33 : memref<1x128x128xf32, #tpu.memory_space<vmem>> -> memref<128x128xf32, #tpu.memory_space<vmem>>
    %dma_wait3A_35 = arith.constant 0 : i32
    %dma_wait3A_36 = tpu.memref_slice %arg6[%dma_wait3A, %dma_wait3A_35] : memref<2x128xi32, #tpu.memory_space<vmem>> -> memref<1x128xi32, #tpu.memory_space<vmem>>
    %dma_wait3A_37 = tpu.memref_squeeze %dma_wait3A_36 : memref<1x128xi32, #tpu.memory_space<vmem>> -> memref<128xi32, #tpu.memory_space<vmem>>
    %dma_wait3A_38 = arith.constant 0 : i32
    %dma_wait3A_39 = arith.constant 0 : i32
    %dma_wait3A_40 = tpu.memref_slice %arg2[%dma_wait3A_38, %dma_wait3A_39] : memref<10000x128xf32, #tpu.memory_space<hbm>> -> memref<10000x128xf32, #tpu.memory_space<hbm>>
    tpu.wait_indirect_dma semaphore(%arg10 : memref<!tpu.dma_semaphore, #tpu.memory_space<semaphore_mem>>) src(%dma_wait3A_40 : memref<10000x128xf32, #tpu.memory_space<hbm>>) dst(%dma_wait3A_34 : memref<128x128xf32, #tpu.memory_space<vmem>>)
    %run_scoped3A_41 = arith.constant 0 : i32
    %run_scoped3A_42 = arith.constant 1 : i32
    "tpu.region"() ({
      %run_scoped3A_85 = tpu.sem_alloc : memref<!tpu.dma_semaphore, #tpu.memory_space<semaphore_mem>>
      %dma_start3A_86 = arith.constant 0 : i32
      %dma_start3A_87 = arith.constant 0 : i32
      %dma_start3A_88 = tpu.memref_slice %arg8[%run_scoped3A_41, %dma_start3A_86, %dma_start3A_87] : memref<2x128x128xf32, #tpu.memory_space<vmem>> -> memref<1x128x128xf32, #tpu.memory_space<vmem>>
      %dma_start3A_89 = tpu.memref_squeeze %dma_start3A_88 : memref<1x128x128xf32, #tpu.memory_space<vmem>> -> memref<128x128xf32, #tpu.memory_space<vmem>>
      %dma_start3A_90 = arith.constant 0 : i32
      %dma_start3A_91 = tpu.memref_slice %arg6[%run_scoped3A_42, %dma_start3A_90] : memref<2x128xi32, #tpu.memory_space<vmem>> -> memref<1x128xi32, #tpu.memory_space<vmem>>
      %dma_start3A_92 = tpu.memref_squeeze %dma_start3A_91 : memref<1x128xi32, #tpu.memory_space<vmem>> -> memref<128xi32, #tpu.memory_space<vmem>>
      %dma_start3A_93 = arith.constant 0 : i32
      %dma_start3A_94 = arith.constant 0 : i32
      %dma_start3A_95 = tpu.memref_slice %arg9[%dma_start3A_93, %dma_start3A_94] : memref<10112x128xf32, #tpu.memory_space<vmem_shared>> -> memref<10112x128xf32, #tpu.memory_space<vmem_shared>>
      tpu.enqueue_indirect_dma source(%dma_start3A_89 : memref<128x128xf32, #tpu.memory_space<vmem>>) target(%dma_start3A_95 : memref<10112x128xf32, #tpu.memory_space<vmem_shared>>) offsets(%dma_start3A_92 : memref<128xi32, #tpu.memory_space<vmem>>) semaphore(%run_scoped3A_85 : memref<!tpu.dma_semaphore, #tpu.memory_space<semaphore_mem>>) {add = true}
      %dma_wait3A_96 = arith.constant 0 : i32
      %dma_wait3A_97 = arith.constant 0 : i32
      %dma_wait3A_98 = tpu.memref_slice %arg8[%run_scoped3A_41, %dma_wait3A_96, %dma_wait3A_97] : memref<2x128x128xf32, #tpu.memory_space<vmem>> -> memref<1x128x128xf32, #tpu.memory_space<vmem>>
      %dma_wait3A_99 = tpu.memref_squeeze %dma_wait3A_98 : memref<1x128x128xf32, #tpu.memory_space<vmem>> -> memref<128x128xf32, #tpu.memory_space<vmem>>
      %dma_wait3A_100 = arith.constant 0 : i32
      %dma_wait3A_101 = tpu.memref_slice %arg6[%run_scoped3A_42, %dma_wait3A_100] : memref<2x128xi32, #tpu.memory_space<vmem>> -> memref<1x128xi32, #tpu.memory_space<vmem>>
      %dma_wait3A_102 = tpu.memref_squeeze %dma_wait3A_101 : memref<1x128xi32, #tpu.memory_space<vmem>> -> memref<128xi32, #tpu.memory_space<vmem>>
      %dma_wait3A_103 = arith.constant 0 : i32
      %dma_wait3A_104 = arith.constant 0 : i32
      %dma_wait3A_105 = tpu.memref_slice %arg9[%dma_wait3A_103, %dma_wait3A_104] : memref<10112x128xf32, #tpu.memory_space<vmem_shared>> -> memref<10112x128xf32, #tpu.memory_space<vmem_shared>>
      tpu.wait_indirect_dma semaphore(%run_scoped3A_85 : memref<!tpu.dma_semaphore, #tpu.memory_space<semaphore_mem>>) src(%dma_wait3A_99 : memref<128x128xf32, #tpu.memory_space<vmem>>) dst(%dma_wait3A_105 : memref<10112x128xf32, #tpu.memory_space<vmem_shared>>)
      tpu.yield
    }) : () -> ()
    %run_scoped3A_43 = arith.constant 78 : i32
    "tpu.region"() ({
      %run_scoped3A_85 = tpu.sem_alloc : memref<!tpu.dma_semaphore, #tpu.memory_space<semaphore_mem>>
      %dma_start3A_86 = arith.constant 0 : i32
      %dma_start3A_87 = arith.constant 0 : i32
      %dma_start3A_88 = tpu.memref_slice %arg3[%arg0, %arg1, %run_scoped3A_43, %dma_start3A_86, %dma_start3A_87] : memref<2x16x79x2x128xi32, #tpu.memory_space<hbm>> -> memref<1x1x1x2x128xi32, #tpu.memory_space<hbm>>
      %dma_start3A_89 = tpu.memref_squeeze %dma_start3A_88 : memref<1x1x1x2x128xi32, #tpu.memory_space<hbm>> -> memref<2x128xi32, #tpu.memory_space<hbm>>
      %dma_start3A_90 = arith.constant 0 : i32
      %dma_start3A_91 = arith.constant 0 : i32
      %dma_start3A_92 = tpu.memref_slice %arg3[%arg0, %arg1, %run_scoped3A_43, %dma_start3A_90, %dma_start3A_91] : memref<2x16x79x2x128xi32, #tpu.memory_space<hbm>> -> memref<1x1x1x2x128xi32, #tpu.memory_space<hbm>>
      %dma_start3A_93 = tpu.memref_squeeze %dma_start3A_92 : memref<1x1x1x2x128xi32, #tpu.memory_space<hbm>> -> memref<2x128xi32, #tpu.memory_space<hbm>>
      tpu.enqueue_dma source(%dma_start3A_93 : memref<2x128xi32, #tpu.memory_space<hbm>>) target(%arg6 : memref<2x128xi32, #tpu.memory_space<vmem>>) target_semaphore(%run_scoped3A_85 : memref<!tpu.dma_semaphore, #tpu.memory_space<semaphore_mem>>)
      %dma_wait3A_94 = arith.constant 0 : i32
      %dma_wait3A_95 = arith.constant 0 : i32
      %dma_wait3A_96 = tpu.memref_slice %arg3[%arg0, %arg1, %run_scoped3A_43, %dma_wait3A_94, %dma_wait3A_95] : memref<2x16x79x2x128xi32, #tpu.memory_space<hbm>> -> memref<1x1x1x2x128xi32, #tpu.memory_space<hbm>>
      %dma_wait3A_97 = tpu.memref_squeeze %dma_wait3A_96 : memref<1x1x1x2x128xi32, #tpu.memory_space<hbm>> -> memref<2x128xi32, #tpu.memory_space<hbm>>
      %dma_wait3A_98 = arith.constant 0 : i32
      %dma_wait3A_99 = arith.constant 0 : i32
      %dma_wait3A_100 = tpu.memref_slice %arg3[%arg0, %arg1, %run_scoped3A_43, %dma_wait3A_98, %dma_wait3A_99] : memref<2x16x79x2x128xi32, #tpu.memory_space<hbm>> -> memref<1x1x1x2x128xi32, #tpu.memory_space<hbm>>
      %dma_wait3A_101 = tpu.memref_squeeze %dma_wait3A_100 : memref<1x1x1x2x128xi32, #tpu.memory_space<hbm>> -> memref<2x128xi32, #tpu.memory_space<hbm>>
      tpu.wait_dma2 semaphore(%run_scoped3A_85 : memref<!tpu.dma_semaphore, #tpu.memory_space<semaphore_mem>>) src(%dma_wait3A_101 : memref<2x128xi32, #tpu.memory_space<hbm>>) dst(%arg6 : memref<2x128xi32, #tpu.memory_space<vmem>>)
      tpu.yield
    }) : () -> ()
    %dma_start3A_44 = arith.constant 0 : i32
    %dma_start3A_45 = arith.constant 0 : i32
    %dma_start3A_46 = arith.constant 0 : i32
    %dma_start3A_47 = arith.constant 0 : i32
    %dma_start3A_48 = tpu.memref_slice %arg8[%dma_start3A_45, %dma_start3A_46, %dma_start3A_47] : memref<2x128x128xf32, #tpu.memory_space<vmem>> -> memref<1x128x128xf32, #tpu.memory_space<vmem>>
    %dma_start3A_49 = tpu.memref_squeeze %dma_start3A_48 : memref<1x128x128xf32, #tpu.memory_space<vmem>> -> memref<128x128xf32, #tpu.memory_space<vmem>>
    %dma_start3A_50 = arith.constant 0 : i32
    %dma_start3A_51 = tpu.memref_slice %arg6[%dma_start3A_44, %dma_start3A_50] : memref<2x128xi32, #tpu.memory_space<vmem>> -> memref<1x128xi32, #tpu.memory_space<vmem>>
    %dma_start3A_52 = tpu.memref_squeeze %dma_start3A_51 : memref<1x128xi32, #tpu.memory_space<vmem>> -> memref<128xi32, #tpu.memory_space<vmem>>
    %dma_start3A_53 = arith.constant 0 : i32
    %dma_start3A_54 = arith.constant 0 : i32
    %dma_start3A_55 = tpu.memref_slice %arg2[%dma_start3A_53, %dma_start3A_54] : memref<10000x128xf32, #tpu.memory_space<hbm>> -> memref<10000x128xf32, #tpu.memory_space<hbm>>
    tpu.enqueue_indirect_dma source(%dma_start3A_55 : memref<10000x128xf32, #tpu.memory_space<hbm>>) target(%dma_start3A_49 : memref<128x128xf32, #tpu.memory_space<vmem>>) offsets(%dma_start3A_52 : memref<128xi32, #tpu.memory_space<vmem>>) semaphore(%arg10 : memref<!tpu.dma_semaphore, #tpu.memory_space<semaphore_mem>>)
    %dma_wait3A_56 = arith.constant 0 : i32
    %dma_wait3A_57 = arith.constant 1 : i32
    %dma_wait3A_58 = arith.constant 0 : i32
    %dma_wait3A_59 = arith.constant 0 : i32
    %dma_wait3A_60 = tpu.memref_slice %arg8[%dma_wait3A_57, %dma_wait3A_58, %dma_wait3A_59] : memref<2x128x128xf32, #tpu.memory_space<vmem>> -> memref<1x128x128xf32, #tpu.memory_space<vmem>>
    %dma_wait3A_61 = tpu.memref_squeeze %dma_wait3A_60 : memref<1x128x128xf32, #tpu.memory_space<vmem>> -> memref<128x128xf32, #tpu.memory_space<vmem>>
    %dma_wait3A_62 = arith.constant 0 : i32
    %dma_wait3A_63 = tpu.memref_slice %arg7[%dma_wait3A_56, %dma_wait3A_62] : memref<2x128xi32, #tpu.memory_space<vmem>> -> memref<1x128xi32, #tpu.memory_space<vmem>>
    %dma_wait3A_64 = tpu.memref_squeeze %dma_wait3A_63 : memref<1x128xi32, #tpu.memory_space<vmem>> -> memref<128xi32, #tpu.memory_space<vmem>>
    %dma_wait3A_65 = arith.constant 0 : i32
    %dma_wait3A_66 = arith.constant 0 : i32
    %dma_wait3A_67 = tpu.memref_slice %arg2[%dma_wait3A_65, %dma_wait3A_66] : memref<10000x128xf32, #tpu.memory_space<hbm>> -> memref<10000x128xf32, #tpu.memory_space<hbm>>
    tpu.wait_indirect_dma semaphore(%arg11 : memref<!tpu.dma_semaphore, #tpu.memory_space<semaphore_mem>>) src(%dma_wait3A_67 : memref<10000x128xf32, #tpu.memory_space<hbm>>) dst(%dma_wait3A_61 : memref<128x128xf32, #tpu.memory_space<vmem>>)
    %run_scoped3A_68 = arith.constant 1 : i32
    %run_scoped3A_69 = arith.constant 1 : i32
    "tpu.region"() ({
      %run_scoped3A_85 = tpu.sem_alloc : memref<!tpu.dma_semaphore, #tpu.memory_space<semaphore_mem>>
      %dma_start3A_86 = arith.constant 0 : i32
      %dma_start3A_87 = arith.constant 0 : i32
      %dma_start3A_88 = tpu.memref_slice %arg8[%run_scoped3A_68, %dma_start3A_86, %dma_start3A_87] : memref<2x128x128xf32, #tpu.memory_space<vmem>> -> memref<1x128x128xf32, #tpu.memory_space<vmem>>
      %dma_start3A_89 = tpu.memref_squeeze %dma_start3A_88 : memref<1x128x128xf32, #tpu.memory_space<vmem>> -> memref<128x128xf32, #tpu.memory_space<vmem>>
      %dma_start3A_90 = arith.constant 0 : i32
      %dma_start3A_91 = tpu.memref_slice %arg7[%run_scoped3A_69, %dma_start3A_90] : memref<2x128xi32, #tpu.memory_space<vmem>> -> memref<1x128xi32, #tpu.memory_space<vmem>>
      %dma_start3A_92 = tpu.memref_squeeze %dma_start3A_91 : memref<1x128xi32, #tpu.memory_space<vmem>> -> memref<128xi32, #tpu.memory_space<vmem>>
      %dma_start3A_93 = arith.constant 0 : i32
      %dma_start3A_94 = arith.constant 0 : i32
      %dma_start3A_95 = tpu.memref_slice %arg9[%dma_start3A_93, %dma_start3A_94] : memref<10112x128xf32, #tpu.memory_space<vmem_shared>> -> memref<10112x128xf32, #tpu.memory_space<vmem_shared>>
      tpu.enqueue_indirect_dma source(%dma_start3A_89 : memref<128x128xf32, #tpu.memory_space<vmem>>) target(%dma_start3A_95 : memref<10112x128xf32, #tpu.memory_space<vmem_shared>>) offsets(%dma_start3A_92 : memref<128xi32, #tpu.memory_space<vmem>>) semaphore(%run_scoped3A_85 : memref<!tpu.dma_semaphore, #tpu.memory_space<semaphore_mem>>) {add = true}
      %dma_wait3A_96 = arith.constant 0 : i32
      %dma_wait3A_97 = arith.constant 0 : i32
      %dma_wait3A_98 = tpu.memref_slice %arg8[%run_scoped3A_68, %dma_wait3A_96, %dma_wait3A_97] : memref<2x128x128xf32, #tpu.memory_space<vmem>> -> memref<1x128x128xf32, #tpu.memory_space<vmem>>
      %dma_wait3A_99 = tpu.memref_squeeze %dma_wait3A_98 : memref<1x128x128xf32, #tpu.memory_space<vmem>> -> memref<128x128xf32, #tpu.memory_space<vmem>>
      %dma_wait3A_100 = arith.constant 0 : i32
      %dma_wait3A_101 = tpu.memref_slice %arg7[%run_scoped3A_69, %dma_wait3A_100] : memref<2x128xi32, #tpu.memory_space<vmem>> -> memref<1x128xi32, #tpu.memory_space<vmem>>
      %dma_wait3A_102 = tpu.memref_squeeze %dma_wait3A_101 : memref<1x128xi32, #tpu.memory_space<vmem>> -> memref<128xi32, #tpu.memory_space<vmem>>
      %dma_wait3A_103 = arith.constant 0 : i32
      %dma_wait3A_104 = arith.constant 0 : i32
      %dma_wait3A_105 = tpu.memref_slice %arg9[%dma_wait3A_103, %dma_wait3A_104] : memref<10112x128xf32, #tpu.memory_space<vmem_shared>> -> memref<10112x128xf32, #tpu.memory_space<vmem_shared>>
      tpu.wait_indirect_dma semaphore(%run_scoped3A_85 : memref<!tpu.dma_semaphore, #tpu.memory_space<semaphore_mem>>) src(%dma_wait3A_99 : memref<128x128xf32, #tpu.memory_space<vmem>>) dst(%dma_wait3A_105 : memref<10112x128xf32, #tpu.memory_space<vmem_shared>>)
      tpu.yield
    }) : () -> ()
    %dma_wait3A_70 = arith.constant 0 : i32
    %dma_wait3A_71 = arith.constant 0 : i32
    %dma_wait3A_72 = arith.constant 0 : i32
    %dma_wait3A_73 = arith.constant 0 : i32
    %dma_wait3A_74 = tpu.memref_slice %arg8[%dma_wait3A_71, %dma_wait3A_72, %dma_wait3A_73] : memref<2x128x128xf32, #tpu.memory_space<vmem>> -> memref<1x128x128xf32, #tpu.memory_space<vmem>>
    %dma_wait3A_75 = tpu.memref_squeeze %dma_wait3A_74 : memref<1x128x128xf32, #tpu.memory_space<vmem>> -> memref<128x128xf32, #tpu.memory_space<vmem>>
    %dma_wait3A_76 = arith.constant 0 : i32
    %dma_wait3A_77 = tpu.memref_slice %arg6[%dma_wait3A_70, %dma_wait3A_76] : memref<2x128xi32, #tpu.memory_space<vmem>> -> memref<1x128xi32, #tpu.memory_space<vmem>>
    %dma_wait3A_78 = tpu.memref_squeeze %dma_wait3A_77 : memref<1x128xi32, #tpu.memory_space<vmem>> -> memref<128xi32, #tpu.memory_space<vmem>>
    %dma_wait3A_79 = arith.constant 0 : i32
    %dma_wait3A_80 = arith.constant 0 : i32
    %dma_wait3A_81 = tpu.memref_slice %arg2[%dma_wait3A_79, %dma_wait3A_80] : memref<10000x128xf32, #tpu.memory_space<hbm>> -> memref<10000x128xf32, #tpu.memory_space<hbm>>
    tpu.wait_indirect_dma semaphore(%arg10 : memref<!tpu.dma_semaphore, #tpu.memory_space<semaphore_mem>>) src(%dma_wait3A_81 : memref<10000x128xf32, #tpu.memory_space<hbm>>) dst(%dma_wait3A_75 : memref<128x128xf32, #tpu.memory_space<vmem>>)
    %run_scoped3A_82 = arith.constant 0 : i32
    %run_scoped3A_83 = arith.constant 1 : i32
    "tpu.region"() ({
      %run_scoped3A_85 = tpu.sem_alloc : memref<!tpu.dma_semaphore, #tpu.memory_space<semaphore_mem>>
      %dma_start3A_86 = arith.constant 0 : i32
      %dma_start3A_87 = arith.constant 0 : i32
      %dma_start3A_88 = tpu.memref_slice %arg8[%run_scoped3A_82, %dma_start3A_86, %dma_start3A_87] : memref<2x128x128xf32, #tpu.memory_space<vmem>> -> memref<1x128x128xf32, #tpu.memory_space<vmem>>
      %dma_start3A_89 = tpu.memref_squeeze %dma_start3A_88 : memref<1x128x128xf32, #tpu.memory_space<vmem>> -> memref<128x128xf32, #tpu.memory_space<vmem>>
      %dma_start3A_90 = arith.constant 0 : i32
      %dma_start3A_91 = tpu.memref_slice %arg6[%run_scoped3A_83, %dma_start3A_90] : memref<2x128xi32, #tpu.memory_space<vmem>> -> memref<1x128xi32, #tpu.memory_space<vmem>>
      %dma_start3A_92 = tpu.memref_squeeze %dma_start3A_91 : memref<1x128xi32, #tpu.memory_space<vmem>> -> memref<128xi32, #tpu.memory_space<vmem>>
      %dma_start3A_93 = arith.constant 0 : i32
      %dma_start3A_94 = arith.constant 0 : i32
      %dma_start3A_95 = tpu.memref_slice %arg9[%dma_start3A_93, %dma_start3A_94] : memref<10112x128xf32, #tpu.memory_space<vmem_shared>> -> memref<10112x128xf32, #tpu.memory_space<vmem_shared>>
      tpu.enqueue_indirect_dma source(%dma_start3A_89 : memref<128x128xf32, #tpu.memory_space<vmem>>) target(%dma_start3A_95 : memref<10112x128xf32, #tpu.memory_space<vmem_shared>>) offsets(%dma_start3A_92 : memref<128xi32, #tpu.memory_space<vmem>>) semaphore(%run_scoped3A_85 : memref<!tpu.dma_semaphore, #tpu.memory_space<semaphore_mem>>) {add = true}
      %dma_wait3A_96 = arith.constant 0 : i32
      %dma_wait3A_97 = arith.constant 0 : i32
      %dma_wait3A_98 = tpu.memref_slice %arg8[%run_scoped3A_82, %dma_wait3A_96, %dma_wait3A_97] : memref<2x128x128xf32, #tpu.memory_space<vmem>> -> memref<1x128x128xf32, #tpu.memory_space<vmem>>
      %dma_wait3A_99 = tpu.memref_squeeze %dma_wait3A_98 : memref<1x128x128xf32, #tpu.memory_space<vmem>> -> memref<128x128xf32, #tpu.memory_space<vmem>>
      %dma_wait3A_100 = arith.constant 0 : i32
      %dma_wait3A_101 = tpu.memref_slice %arg6[%run_scoped3A_83, %dma_wait3A_100] : memref<2x128xi32, #tpu.memory_space<vmem>> -> memref<1x128xi32, #tpu.memory_space<vmem>>
      %dma_wait3A_102 = tpu.memref_squeeze %dma_wait3A_101 : memref<1x128xi32, #tpu.memory_space<vmem>> -> memref<128xi32, #tpu.memory_space<vmem>>
      %dma_wait3A_103 = arith.constant 0 : i32
      %dma_wait3A_104 = arith.constant 0 : i32
      %dma_wait3A_105 = tpu.memref_slice %arg9[%dma_wait3A_103, %dma_wait3A_104] : memref<10112x128xf32, #tpu.memory_space<vmem_shared>> -> memref<10112x128xf32, #tpu.memory_space<vmem_shared>>
      tpu.wait_indirect_dma semaphore(%run_scoped3A_85 : memref<!tpu.dma_semaphore, #tpu.memory_space<semaphore_mem>>) src(%dma_wait3A_99 : memref<128x128xf32, #tpu.memory_space<vmem>>) dst(%dma_wait3A_105 : memref<10112x128xf32, #tpu.memory_space<vmem_shared>>)
      tpu.yield
    }) : () -> ()
    %barrier3A_84 = arith.constant 0 : index
    tpu.barrier barrier_id(%barrier3A_84)
    "tpu.region"() ({
      %run_scoped3A_85 = tpu.sem_alloc : memref<!tpu.dma_semaphore, #tpu.memory_space<semaphore_mem>>
      %dma_start3A_86 = arith.constant 0 : i32
      %dma_start3A_87 = tpu.memref_slice %arg5[%arg0, %mul3A_0, %dma_start3A_86] : memref<2x10112x128xf32, #tpu.memory_space<hbm>> -> memref<1x632x128xf32, #tpu.memory_space<hbm>>
      %dma_start3A_88 = tpu.memref_squeeze %dma_start3A_87 : memref<1x632x128xf32, #tpu.memory_space<hbm>> -> memref<632x128xf32, #tpu.memory_space<hbm>>
      %dma_start3A_89 = arith.constant 0 : i32
      %dma_start3A_90 = tpu.memref_slice %arg9[%mul3A_0, %dma_start3A_89] : memref<10112x128xf32, #tpu.memory_space<vmem_shared>> -> memref<632x128xf32, #tpu.memory_space<vmem_shared>>
      tpu.enqueue_dma source(%dma_start3A_90 : memref<632x128xf32, #tpu.memory_space<vmem_shared>>) target(%dma_start3A_88 : memref<632x128xf32, #tpu.memory_space<hbm>>) target_semaphore(%run_scoped3A_85 : memref<!tpu.dma_semaphore, #tpu.memory_space<semaphore_mem>>)
      %dma_wait3A_91 = arith.constant 0 : i32
      %dma_wait3A_92 = tpu.memref_slice %arg5[%arg0, %mul3A_0, %dma_wait3A_91] : memref<2x10112x128xf32, #tpu.memory_space<hbm>> -> memref<1x632x128xf32, #tpu.memory_space<hbm>>
      %dma_wait3A_93 = tpu.memref_squeeze %dma_wait3A_92 : memref<1x632x128xf32, #tpu.memory_space<hbm>> -> memref<632x128xf32, #tpu.memory_space<hbm>>
      %dma_wait3A_94 = arith.constant 0 : i32
      %dma_wait3A_95 = tpu.memref_slice %arg9[%mul3A_0, %dma_wait3A_94] : memref<10112x128xf32, #tpu.memory_space<vmem_shared>> -> memref<632x128xf32, #tpu.memory_space<vmem_shared>>
      tpu.wait_dma2 semaphore(%run_scoped3A_85 : memref<!tpu.dma_semaphore, #tpu.memory_space<semaphore_mem>>) src(%dma_wait3A_95 : memref<632x128xf32, #tpu.memory_space<vmem_shared>>) dst(%dma_wait3A_93 : memref<632x128xf32, #tpu.memory_space<hbm>>)
      tpu.yield
    }) : () -> ()
    return
  }
}

module attributes {stable_mosaic.version = 14 : i64} {
  func.func @_input_body(%arg0: i32, %arg1: memref<1000x128xf32, #tpu.memory_space<vmem>>, %arg2: memref<128x128xf32, #tpu.memory_space<vmem>>, %arg3: memref<128x128xf32, #tpu.memory_space<vmem>>, %arg4: memref<1000x128xf32, #tpu.memory_space<vmem>>, %arg5: memref<1000x128xf32, #tpu.memory_space<vmem>>) attributes {dimension_semantics = [#tpu.dimension_semantics<arbitrary>], iteration_bounds = array<i64: 10>, scalar_prefetch = 0 : i64, scratch_operands = 0 : i64, tpu.core_type = #tpu.core_type<tc>, window_params = [{transform_indices = @transform_0, window_bounds = array<i64: 1000, 128>}, {pipeline_mode = #tpu.pipeline_mode<synchronous>, transform_indices = @transform_1, window_bounds = array<i64: 128, 128>}, {pipeline_mode = #tpu.pipeline_mode<synchronous>, transform_indices = @transform_2, window_bounds = array<i64: 128, 128>}, {transform_indices = @transform_3, window_bounds = array<i64: 1000, 128>}, {transform_indices = @transform_4, window_bounds = array<i64: 1000, 128>}]} {
    %get3A = arith.constant 0 : index
    %get3A_0 = arith.constant 0 : index
    %get3A_1 = vector.load %arg1[%get3A, %get3A_0] : memref<1000x128xf32, #tpu.memory_space<vmem>>, vector<1000x128xf32>
    %get3A_2 = arith.constant 0 : index
    %get3A_3 = arith.constant 0 : index
    %get3A_4 = vector.load %arg2[%get3A_2, %get3A_3] : memref<128x128xf32, #tpu.memory_space<vmem>>, vector<128x128xf32>
    %dot_general3A = arith.constant dense<0.000000e+00> : vector<1000x128xf32>
    %dot_general3A_5 = tpu.matmul %get3A_1, %get3A_4, %dot_general3A {dimension_numbers = #tpu.dot_dimension_numbers<[1], [0], [0], [1], [0, 0, 1, 1], [], []>, transpose_lhs_hint = false} : vector<1000x128xf32>, vector<128x128xf32>, vector<1000x128xf32> -> vector<1000x128xf32>
    %tanh3A = math.tanh %dot_general3A_5 : vector<1000x128xf32>
    %swap3A = arith.constant 0 : index
    %swap3A_6 = arith.constant 0 : index
    %swap3A_7 = vector.load %arg4[%swap3A, %swap3A_6] : memref<1000x128xf32, #tpu.memory_space<vmem>>, vector<1000x128xf32>
    tpu.vector_store %arg4[%swap3A, %swap3A_6], %tanh3A {strides = array<i32>} : memref<1000x128xf32, #tpu.memory_space<vmem>>, vector<1000x128xf32>,
    %get3A_8 = arith.constant 0 : index
    %get3A_9 = arith.constant 0 : index
    %get3A_10 = vector.load %arg3[%get3A_8, %get3A_9] : memref<128x128xf32, #tpu.memory_space<vmem>>, vector<128x128xf32>
    %dot_general3A_11 = arith.constant dense<0.000000e+00> : vector<1000x128xf32>
    %dot_general3A_12 = tpu.matmul %tanh3A, %get3A_10, %dot_general3A_11 {dimension_numbers = #tpu.dot_dimension_numbers<[1], [0], [0], [1], [0, 0, 1, 1], [], []>, transpose_lhs_hint = false} : vector<1000x128xf32>, vector<128x128xf32>, vector<1000x128xf32> -> vector<1000x128xf32>
    %swap3A_13 = arith.constant 0 : index
    %swap3A_14 = arith.constant 0 : index
    %swap3A_15 = vector.load %arg5[%swap3A_13, %swap3A_14] : memref<1000x128xf32, #tpu.memory_space<vmem>>, vector<1000x128xf32>
    tpu.vector_store %arg5[%swap3A_13, %swap3A_14], %dot_general3A_12 {strides = array<i32>} : memref<1000x128xf32, #tpu.memory_space<vmem>>, vector<1000x128xf32>,
    return
  }
  func.func @transform_0(%arg0: i32) -> (i32, i32) {
    %c0_i32 = arith.constant 0 : i32
    %c0_i32_0 = arith.constant 0 : i32
    return %arg0, %c0_i32 : i32, i32
  }
  func.func @transform_1(%arg0: i32) -> (i32, i32) {
    %c0_i32 = arith.constant 0 : i32
    %c0_i32_0 = arith.constant 0 : i32
    %c0_i32_1 = arith.constant 0 : i32
    return %c0_i32, %c0_i32_0 : i32, i32
  }
  func.func @transform_2(%arg0: i32) -> (i32, i32) {
    %c0_i32 = arith.constant 0 : i32
    %c0_i32_0 = arith.constant 0 : i32
    %c0_i32_1 = arith.constant 0 : i32
    return %c0_i32, %c0_i32_0 : i32, i32
  }
  func.func @transform_3(%arg0: i32) -> (i32, i32) {
    %c0_i32 = arith.constant 0 : i32
    %c0_i32_0 = arith.constant 0 : i32
    return %arg0, %c0_i32 : i32, i32
  }
  func.func @transform_4(%arg0: i32) -> (i32, i32) {
    %c0_i32 = arith.constant 0 : i32
    %c0_i32_0 = arith.constant 0 : i32
    return %arg0, %c0_i32 : i32, i32
  }
}

module attributes {stable_mosaic.version = 14 : i64} {
  func.func @_gru_body(%arg0: i32, %arg1: memref<2x1000x128xf32, #tpu.memory_space<vmem>>, %arg2: memref<1000x128xf32, #tpu.memory_space<vmem>>, %arg3: memref<128x384xf32, #tpu.memory_space<vmem>>, %arg4: memref<128x384xf32, #tpu.memory_space<vmem>>, %arg5: memref<1x384xf32, #tpu.memory_space<vmem>>, %arg6: memref<1x384xf32, #tpu.memory_space<vmem>>, %arg7: memref<128x128xf32, #tpu.memory_space<vmem>>, %arg8: memref<1000x128xf32, #tpu.memory_space<vmem>>, %arg9: memref<1000x128xf32, #tpu.memory_space<vmem>>) attributes {dimension_semantics = [#tpu.dimension_semantics<arbitrary>], iteration_bounds = array<i64: 10>, scalar_prefetch = 0 : i64, scratch_operands = 0 : i64, tpu.core_type = #tpu.core_type<tc>, window_params = [{transform_indices = @transform_0, window_bounds = array<i64: 2, 1000, 128>}, {transform_indices = @transform_1, window_bounds = array<i64: 1000, 128>}, {pipeline_mode = #tpu.pipeline_mode<synchronous>, transform_indices = @transform_2, window_bounds = array<i64: 128, 384>}, {pipeline_mode = #tpu.pipeline_mode<synchronous>, transform_indices = @transform_3, window_bounds = array<i64: 128, 384>}, {pipeline_mode = #tpu.pipeline_mode<synchronous>, transform_indices = @transform_4, window_bounds = array<i64: 1, 384>}, {pipeline_mode = #tpu.pipeline_mode<synchronous>, transform_indices = @transform_5, window_bounds = array<i64: 1, 384>}, {pipeline_mode = #tpu.pipeline_mode<synchronous>, transform_indices = @transform_6, window_bounds = array<i64: 128, 128>}, {transform_indices = @transform_7, window_bounds = array<i64: 1000, 128>}, {transform_indices = @transform_8, window_bounds = array<i64: 1000, 128>}]} {
    %get3A = arith.constant 0 : index
    %get3A_0 = arith.constant 0 : index
    %get3A_1 = arith.constant 0 : index
    %get3A_2 = vector.load %arg1[%get3A, %get3A_0, %get3A_1] : memref<2x1000x128xf32, #tpu.memory_space<vmem>>, vector<1x1000x128xf32>
    %get3A_3 = vector.shape_cast %get3A_2 : vector<1x1000x128xf32> to vector<1000x128xf32>
    %get3A_4 = arith.constant 1 : index
    %get3A_5 = arith.constant 0 : index
    %get3A_6 = arith.constant 0 : index
    %get3A_7 = vector.load %arg1[%get3A_4, %get3A_5, %get3A_6] : memref<2x1000x128xf32, #tpu.memory_space<vmem>>, vector<1x1000x128xf32>
    %get3A_8 = vector.shape_cast %get3A_7 : vector<1x1000x128xf32> to vector<1000x128xf32>
    %add3A = arith.addf %get3A_3, %get3A_8 : vector<1000x128xf32>
    %get3A_9 = arith.constant 0 : index
    %get3A_10 = arith.constant 0 : index
    %get3A_11 = vector.load %arg2[%get3A_9, %get3A_10] : memref<1000x128xf32, #tpu.memory_space<vmem>>, vector<1000x128xf32>
    %get3A_12 = arith.constant 0 : index
    %get3A_13 = arith.constant 0 : index
    %get3A_14 = vector.load %arg3[%get3A_12, %get3A_13] : memref<128x384xf32, #tpu.memory_space<vmem>>, vector<128x384xf32>
    %dot_general3A = arith.constant dense<0.000000e+00> : vector<1000x384xf32>
    %dot_general3A_15 = tpu.matmul %add3A, %get3A_14, %dot_general3A {dimension_numbers = #tpu.dot_dimension_numbers<[1], [0], [0], [1], [0, 0, 1, 1], [], []>, transpose_lhs_hint = false} : vector<1000x128xf32>, vector<128x384xf32>, vector<1000x384xf32> -> vector<1000x384xf32>
    %get3A_16 = arith.constant 0 : index
    %get3A_17 = arith.constant 0 : index
    %get3A_18 = vector.load %arg5[%get3A_16, %get3A_17] : memref<1x384xf32, #tpu.memory_space<vmem>>, vector<1x384xf32>
    %add3A_19 = vector.broadcast %get3A_18 : vector<1x384xf32> to vector<1000x384xf32>
    %add3A_20 = arith.addf %dot_general3A_15, %add3A_19 : vector<1000x384xf32>
    %get3A_21 = arith.constant 0 : index
    %get3A_22 = arith.constant 0 : index
    %get3A_23 = vector.load %arg4[%get3A_21, %get3A_22] : memref<128x384xf32, #tpu.memory_space<vmem>>, vector<128x384xf32>
    %dot_general3A_24 = arith.constant dense<0.000000e+00> : vector<1000x384xf32>
    %dot_general3A_25 = tpu.matmul %get3A_11, %get3A_23, %dot_general3A_24 {dimension_numbers = #tpu.dot_dimension_numbers<[1], [0], [0], [1], [0, 0, 1, 1], [], []>, transpose_lhs_hint = false} : vector<1000x128xf32>, vector<128x384xf32>, vector<1000x384xf32> -> vector<1000x384xf32>
    %get3A_26 = arith.constant 0 : index
    %get3A_27 = arith.constant 0 : index
    %get3A_28 = vector.load %arg6[%get3A_26, %get3A_27] : memref<1x384xf32, #tpu.memory_space<vmem>>, vector<1x384xf32>
    %add3A_29 = vector.broadcast %get3A_28 : vector<1x384xf32> to vector<1000x384xf32>
    %add3A_30 = arith.addf %dot_general3A_25, %add3A_29 : vector<1000x384xf32>
    %slice3A = vector.extract_strided_slice %add3A_20 {offsets = [0, 0], sizes = [1000, 128], strides = [1, 1]} : vector<1000x384xf32> to vector<1000x128xf32>
    %slice3A_31 = vector.extract_strided_slice %add3A_20 {offsets = [0, 128], sizes = [1000, 128], strides = [1, 1]} : vector<1000x384xf32> to vector<1000x128xf32>
    %slice3A_32 = vector.extract_strided_slice %add3A_20 {offsets = [0, 256], sizes = [1000, 128], strides = [1, 1]} : vector<1000x384xf32> to vector<1000x128xf32>
    %slice3A_33 = vector.extract_strided_slice %add3A_30 {offsets = [0, 0], sizes = [1000, 128], strides = [1, 1]} : vector<1000x384xf32> to vector<1000x128xf32>
    %slice3A_34 = vector.extract_strided_slice %add3A_30 {offsets = [0, 128], sizes = [1000, 128], strides = [1, 1]} : vector<1000x384xf32> to vector<1000x128xf32>
    %slice3A_35 = vector.extract_strided_slice %add3A_30 {offsets = [0, 256], sizes = [1000, 128], strides = [1, 1]} : vector<1000x384xf32> to vector<1000x128xf32>
    %add3A_36 = arith.addf %slice3A, %slice3A_33 : vector<1000x128xf32>
    %logistic3A = arith.negf %add3A_36 : vector<1000x128xf32>
    %logistic3A_37 = math.exp %logistic3A : vector<1000x128xf32>
    %logistic3A_38 = arith.constant 1.000000e+00 : f32
    %logistic3A_39 = vector.broadcast %logistic3A_38 : f32 to vector<1000x128xf32>
    %logistic3A_40 = arith.addf %logistic3A_39, %logistic3A_37 : vector<1000x128xf32>
    %logistic3A_41 = arith.divf %logistic3A_39, %logistic3A_40 : vector<1000x128xf32>
    %add3A_42 = arith.addf %slice3A_31, %slice3A_34 : vector<1000x128xf32>
    %logistic3A_43 = arith.negf %add3A_42 : vector<1000x128xf32>
    %logistic3A_44 = math.exp %logistic3A_43 : vector<1000x128xf32>
    %logistic3A_45 = arith.constant 1.000000e+00 : f32
    %logistic3A_46 = vector.broadcast %logistic3A_45 : f32 to vector<1000x128xf32>
    %logistic3A_47 = arith.addf %logistic3A_46, %logistic3A_44 : vector<1000x128xf32>
    %logistic3A_48 = arith.divf %logistic3A_46, %logistic3A_47 : vector<1000x128xf32>
    %mul3A = arith.mulf %logistic3A_41, %slice3A_35 : vector<1000x128xf32>
    %add3A_49 = arith.addf %slice3A_32, %mul3A : vector<1000x128xf32>
    %tanh3A = math.tanh %add3A_49 : vector<1000x128xf32>
    %sub3A = arith.constant 1.000000e+00 : f32
    %sub3A_50 = vector.broadcast %sub3A : f32 to vector<1000x128xf32>
    %sub3A_51 = arith.subf %sub3A_50, %logistic3A_48 : vector<1000x128xf32>
    %mul3A_52 = arith.mulf %sub3A_51, %tanh3A : vector<1000x128xf32>
    %mul3A_53 = arith.mulf %logistic3A_48, %get3A_11 : vector<1000x128xf32>
    %add3A_54 = arith.addf %mul3A_52, %mul3A_53 : vector<1000x128xf32>
    %swap3A = arith.constant 0 : index
    %swap3A_55 = arith.constant 0 : index
    %swap3A_56 = vector.load %arg8[%swap3A, %swap3A_55] : memref<1000x128xf32, #tpu.memory_space<vmem>>, vector<1000x128xf32>
    tpu.vector_store %arg8[%swap3A, %swap3A_55], %add3A_54 {strides = array<i32>} : memref<1000x128xf32, #tpu.memory_space<vmem>>, vector<1000x128xf32>,
    %get3A_57 = arith.constant 0 : index
    %get3A_58 = arith.constant 0 : index
    %get3A_59 = vector.load %arg7[%get3A_57, %get3A_58] : memref<128x128xf32, #tpu.memory_space<vmem>>, vector<128x128xf32>
    %dot_general3A_60 = arith.constant dense<0.000000e+00> : vector<1000x128xf32>
    %dot_general3A_61 = tpu.matmul %add3A_54, %get3A_59, %dot_general3A_60 {dimension_numbers = #tpu.dot_dimension_numbers<[1], [0], [0], [1], [0, 0, 1, 1], [], []>, transpose_lhs_hint = false} : vector<1000x128xf32>, vector<128x128xf32>, vector<1000x128xf32> -> vector<1000x128xf32>
    %swap3A_62 = arith.constant 0 : index
    %swap3A_63 = arith.constant 0 : index
    %swap3A_64 = vector.load %arg9[%swap3A_62, %swap3A_63] : memref<1000x128xf32, #tpu.memory_space<vmem>>, vector<1000x128xf32>
    tpu.vector_store %arg9[%swap3A_62, %swap3A_63], %dot_general3A_61 {strides = array<i32>} : memref<1000x128xf32, #tpu.memory_space<vmem>>, vector<1000x128xf32>,
    return
  }
  func.func @transform_0(%arg0: i32) -> (i32, i32, i32) {
    %c0_i32 = arith.constant 0 : i32
    %c0_i32_0 = arith.constant 0 : i32
    %c0_i32_1 = arith.constant 0 : i32
    return %c0_i32, %arg0, %c0_i32_0 : i32, i32, i32
  }
  func.func @transform_1(%arg0: i32) -> (i32, i32) {
    %c0_i32 = arith.constant 0 : i32
    %c0_i32_0 = arith.constant 0 : i32
    return %arg0, %c0_i32 : i32, i32
  }
  func.func @transform_2(%arg0: i32) -> (i32, i32) {
    %c0_i32 = arith.constant 0 : i32
    %c0_i32_0 = arith.constant 0 : i32
    %c0_i32_1 = arith.constant 0 : i32
    return %c0_i32, %c0_i32_0 : i32, i32
  }
  func.func @transform_3(%arg0: i32) -> (i32, i32) {
    %c0_i32 = arith.constant 0 : i32
    %c0_i32_0 = arith.constant 0 : i32
    %c0_i32_1 = arith.constant 0 : i32
    return %c0_i32, %c0_i32_0 : i32, i32
  }
  func.func @transform_4(%arg0: i32) -> (i32, i32) {
    %c0_i32 = arith.constant 0 : i32
    %c0_i32_0 = arith.constant 0 : i32
    %c0_i32_1 = arith.constant 0 : i32
    return %c0_i32, %c0_i32_0 : i32, i32
  }
  func.func @transform_5(%arg0: i32) -> (i32, i32) {
    %c0_i32 = arith.constant 0 : i32
    %c0_i32_0 = arith.constant 0 : i32
    %c0_i32_1 = arith.constant 0 : i32
    return %c0_i32, %c0_i32_0 : i32, i32
  }
  func.func @transform_6(%arg0: i32) -> (i32, i32) {
    %c0_i32 = arith.constant 0 : i32
    %c0_i32_0 = arith.constant 0 : i32
    %c0_i32_1 = arith.constant 0 : i32
    return %c0_i32, %c0_i32_0 : i32, i32
  }
  func.func @transform_7(%arg0: i32) -> (i32, i32) {
    %c0_i32 = arith.constant 0 : i32
    %c0_i32_0 = arith.constant 0 : i32
    return %arg0, %c0_i32 : i32, i32
  }
  func.func @transform_8(%arg0: i32) -> (i32, i32) {
    %c0_i32 = arith.constant 0 : i32
    %c0_i32_0 = arith.constant 0 : i32
    return %arg0, %c0_i32 : i32, i32
  }
}

module attributes {stable_mosaic.version = 14 : i64} {
  func.func @_pool_body(%arg0: i32, %arg1: memref<1x1x1000xi32, #tpu.memory_space<vmem>>, %arg2: memref<1000x128xf32, #tpu.memory_space<vmem>>, %arg3: memref<1x128xf32, #tpu.memory_space<vmem>>, %arg4: memref<1x64xf32, #tpu.memory_space<vmem>>, %arg5: memref<1x64xf32, #tpu.memory_space<vmem>>, %arg6: memref<64x128xf32, #tpu.memory_space<vmem>>, %arg7: memref<64x128xf32, #tpu.memory_space<vmem>>) attributes {dimension_semantics = [#tpu.dimension_semantics<arbitrary>], iteration_bounds = array<i64: 10>, scalar_prefetch = 0 : i64, scratch_operands = 2 : i64, tpu.core_type = #tpu.core_type<tc>, window_params = [{transform_indices = @transform_0, window_bounds = array<i64: 1, 1, 1000>}, {transform_indices = @transform_1, window_bounds = array<i64: 1000, 128>}, {pipeline_mode = #tpu.pipeline_mode<synchronous>, transform_indices = @transform_2, window_bounds = array<i64: 1, 128>}, {pipeline_mode = #tpu.pipeline_mode<synchronous>, transform_indices = @transform_3, window_bounds = array<i64: 1, 64>}, {pipeline_mode = #tpu.pipeline_mode<synchronous>, transform_indices = @transform_4, window_bounds = array<i64: 1, 64>}]} {
    %eq3A = arith.constant 0 : i32
    %eq3A_0 = arith.cmpi eq, %arg0, %eq3A : i32
    %convert_element_type3A = arith.extui %eq3A_0 : i1 to i32
    %cond3A = arith.constant 0 : i32
    %cond3A_1 = arith.cmpi ne, %convert_element_type3A, %cond3A : i32
    scf.if %cond3A_1 {
      %broadcast_in_dim3A_35 = arith.constant 0.000000e+00 : f32
      %broadcast_in_dim3A_36 = vector.broadcast %broadcast_in_dim3A_35 : f32 to vector<64x128xf32>
      %swap3A_37 = arith.constant 0 : index
      %swap3A_38 = arith.constant 0 : index
      %swap3A_39 = vector.load %arg6[%swap3A_37, %swap3A_38] : memref<64x128xf32, #tpu.memory_space<vmem>>, vector<64x128xf32>
      tpu.vector_store %arg6[%swap3A_37, %swap3A_38], %broadcast_in_dim3A_36 {strides = array<i32>} : memref<64x128xf32, #tpu.memory_space<vmem>>, vector<64x128xf32>,
      %broadcast_in_dim3A_40 = arith.constant 0.000000e+00 : f32
      %broadcast_in_dim3A_41 = vector.broadcast %broadcast_in_dim3A_40 : f32 to vector<64x128xf32>
      %swap3A_42 = arith.constant 0 : index
      %swap3A_43 = arith.constant 0 : index
      %swap3A_44 = vector.load %arg7[%swap3A_42, %swap3A_43] : memref<64x128xf32, #tpu.memory_space<vmem>>, vector<64x128xf32>
      tpu.vector_store %arg7[%swap3A_42, %swap3A_43], %broadcast_in_dim3A_41 {strides = array<i32>} : memref<64x128xf32, #tpu.memory_space<vmem>>, vector<64x128xf32>,
    } else {
    }
    %get3A = arith.constant 0 : index
    %get3A_2 = arith.constant 0 : index
    %get3A_3 = arith.constant 0 : index
    %get3A_4 = vector.load %arg1[%get3A, %get3A_2, %get3A_3] : memref<1x1x1000xi32, #tpu.memory_space<vmem>>, vector<1x1x1000xi32>
    %get3A_5 = vector.shape_cast %get3A_4 : vector<1x1x1000xi32> to vector<1000xi32>
    %iota3A = tpu.iota {dimensions = array<i32: 1>} : vector<1000x64xi32>
    %broadcast_in_dim3A = vector.shape_cast %get3A_5 : vector<1000xi32> to vector<1000x1xi32>
    %eq3A_6 = vector.broadcast %broadcast_in_dim3A : vector<1000x1xi32> to vector<1000x64xi32>
    %eq3A_7 = arith.cmpi eq, %eq3A_6, %iota3A : vector<1000x64xi32>
    %convert_element_type3A_8 = arith.extui %eq3A_7 : vector<1000x64xi1> to vector<1000x64xi32>
    %convert_element_type3A_9 = arith.sitofp %convert_element_type3A_8 : vector<1000x64xi32> to vector<1000x64xf32>
    %get3A_10 = arith.constant 0 : index
    %get3A_11 = arith.constant 0 : index
    %get3A_12 = vector.load %arg6[%get3A_10, %get3A_11] : memref<64x128xf32, #tpu.memory_space<vmem>>, vector<64x128xf32>
    %get3A_13 = arith.constant 0 : index
    %get3A_14 = arith.constant 0 : index
    %get3A_15 = vector.load %arg2[%get3A_13, %get3A_14] : memref<1000x128xf32, #tpu.memory_space<vmem>>, vector<1000x128xf32>
    %dot_general3A = arith.constant dense<0.000000e+00> : vector<64x128xf32>
    %dot_general3A_16 = tpu.matmul %convert_element_type3A_9, %get3A_15, %dot_general3A {dimension_numbers = #tpu.dot_dimension_numbers<[0], [0], [1], [1], [0, 1, 1, 1], [], []>, transpose_lhs_hint = false} : vector<1000x64xf32>, vector<1000x128xf32>, vector<64x128xf32> -> vector<64x128xf32>
    %add3A = arith.addf %get3A_12, %dot_general3A_16 : vector<64x128xf32>
    %swap3A = arith.constant 0 : index
    %swap3A_17 = arith.constant 0 : index
    %swap3A_18 = vector.load %arg6[%swap3A, %swap3A_17] : memref<64x128xf32, #tpu.memory_space<vmem>>, vector<64x128xf32>
    tpu.vector_store %arg6[%swap3A, %swap3A_17], %add3A {strides = array<i32>} : memref<64x128xf32, #tpu.memory_space<vmem>>, vector<64x128xf32>,
    %get3A_19 = arith.constant 0 : index
    %get3A_20 = arith.constant 0 : index
    %get3A_21 = vector.load %arg7[%get3A_19, %get3A_20] : memref<64x128xf32, #tpu.memory_space<vmem>>, vector<64x128xf32>
    %broadcast_in_dim3A_22 = arith.constant 1.000000e+00 : f32
    %broadcast_in_dim3A_23 = vector.broadcast %broadcast_in_dim3A_22 : f32 to vector<1000x128xf32>
    %dot_general3A_24 = arith.constant dense<0.000000e+00> : vector<64x128xf32>
    %dot_general3A_25 = tpu.matmul %convert_element_type3A_9, %broadcast_in_dim3A_23, %dot_general3A_24 {dimension_numbers = #tpu.dot_dimension_numbers<[0], [0], [1], [1], [0, 1, 1, 1], [], []>, transpose_lhs_hint = false} : vector<1000x64xf32>, vector<1000x128xf32>, vector<64x128xf32> -> vector<64x128xf32>
    %add3A_26 = arith.addf %get3A_21, %dot_general3A_25 : vector<64x128xf32>
    %swap3A_27 = arith.constant 0 : index
    %swap3A_28 = arith.constant 0 : index
    %swap3A_29 = vector.load %arg7[%swap3A_27, %swap3A_28] : memref<64x128xf32, #tpu.memory_space<vmem>>, vector<64x128xf32>
    tpu.vector_store %arg7[%swap3A_27, %swap3A_28], %add3A_26 {strides = array<i32>} : memref<64x128xf32, #tpu.memory_space<vmem>>, vector<64x128xf32>,
    %eq3A_30 = arith.constant 9 : i32
    %eq3A_31 = arith.cmpi eq, %arg0, %eq3A_30 : i32
    %convert_element_type3A_32 = arith.extui %eq3A_31 : i1 to i32
    %cond3A_33 = arith.constant 0 : i32
    %cond3A_34 = arith.cmpi ne, %convert_element_type3A_32, %cond3A_33 : i32
    scf.if %cond3A_34 {
      %get3A_35 = arith.constant 0 : index
      %get3A_36 = arith.constant 0 : index
      %get3A_37 = vector.load %arg6[%get3A_35, %get3A_36] : memref<64x128xf32, #tpu.memory_space<vmem>>, vector<64x128xf32>
      %get3A_38 = arith.constant 0 : index
      %get3A_39 = arith.constant 0 : index
      %get3A_40 = vector.load %arg7[%get3A_38, %get3A_39] : memref<64x128xf32, #tpu.memory_space<vmem>>, vector<64x128xf32>
      %max3A = arith.constant 1.000000e+00 : f32
      %max3A_41 = vector.broadcast %max3A : f32 to vector<64x128xf32>
      %max3A_42 = arith.maximumf %get3A_40, %max3A_41 : vector<64x128xf32>
      %div3A = arith.divf %get3A_37, %max3A_42 : vector<64x128xf32>
      %max3A_43 = arith.constant 0.000000e+00 : f32
      %max3A_44 = vector.broadcast %max3A_43 : f32 to vector<64x128xf32>
      %max3A_45 = arith.maximumf %div3A, %max3A_44 : vector<64x128xf32>
      %get3A_46 = arith.constant 0 : index
      %get3A_47 = arith.constant 0 : index
      %get3A_48 = vector.load %arg3[%get3A_46, %get3A_47] : memref<1x128xf32, #tpu.memory_space<vmem>>, vector<1x128xf32>
      %dot_general3A_49 = arith.constant dense<0.000000e+00> : vector<1x64xf32>
      %dot_general3A_50 = tpu.matmul %get3A_48, %max3A_45, %dot_general3A_49 {dimension_numbers = #tpu.dot_dimension_numbers<[1], [1], [0], [0], [0, 0, 1, 0], [], []>, transpose_lhs_hint = false} : vector<1x128xf32>, vector<64x128xf32>, vector<1x64xf32> -> vector<1x64xf32>
      %get3A_51 = arith.constant 0 : index
      %get3A_52 = arith.constant 0 : index
      %get3A_53 = vector.load %arg4[%get3A_51, %get3A_52] : memref<1x64xf32, #tpu.memory_space<vmem>>, vector<1x64xf32>
      %add3A_54 = arith.addf %dot_general3A_50, %get3A_53 : vector<1x64xf32>
      %swap3A_55 = arith.constant 0 : index
      %swap3A_56 = arith.constant 0 : index
      %swap3A_57 = vector.load %arg5[%swap3A_55, %swap3A_56] : memref<1x64xf32, #tpu.memory_space<vmem>>, vector<1x64xf32>
      tpu.vector_store %arg5[%swap3A_55, %swap3A_56], %add3A_54 {strides = array<i32>} : memref<1x64xf32, #tpu.memory_space<vmem>>, vector<1x64xf32>,
    } else {
    }
    return
  }
  func.func @transform_0(%arg0: i32) -> (i32, i32, i32) {
    %c0_i32 = arith.constant 0 : i32
    %c0_i32_0 = arith.constant 0 : i32
    %c0_i32_1 = arith.constant 0 : i32
    return %arg0, %c0_i32, %c0_i32_0 : i32, i32, i32
  }
  func.func @transform_1(%arg0: i32) -> (i32, i32) {
    %c0_i32 = arith.constant 0 : i32
    %c0_i32_0 = arith.constant 0 : i32
    return %arg0, %c0_i32 : i32, i32
  }
  func.func @transform_2(%arg0: i32) -> (i32, i32) {
    %c0_i32 = arith.constant 0 : i32
    %c0_i32_0 = arith.constant 0 : i32
    %c0_i32_1 = arith.constant 0 : i32
    return %c0_i32, %c0_i32_0 : i32, i32
  }
  func.func @transform_3(%arg0: i32) -> (i32, i32) {
    %c0_i32 = arith.constant 0 : i32
    %c0_i32_0 = arith.constant 0 : i32
    %c0_i32_1 = arith.constant 0 : i32
    return %c0_i32, %c0_i32_0 : i32, i32
  }
  func.func @transform_4(%arg0: i32) -> (i32, i32) {
    %c0_i32 = arith.constant 0 : i32
    %c0_i32_0 = arith.constant 0 : i32
    %c0_i32_1 = arith.constant 0 : i32
    return %c0_i32, %c0_i32_0 : i32, i32
  }
}

module attributes {stable_mosaic.version = 14 : i64} {
  func.func @_gru_body(%arg0: i32, %arg1: memref<2x1000x128xf32, #tpu.memory_space<vmem>>, %arg2: memref<1000x128xf32, #tpu.memory_space<vmem>>, %arg3: memref<128x384xf32, #tpu.memory_space<vmem>>, %arg4: memref<128x384xf32, #tpu.memory_space<vmem>>, %arg5: memref<1x384xf32, #tpu.memory_space<vmem>>, %arg6: memref<1x384xf32, #tpu.memory_space<vmem>>, %arg7: memref<128x128xf32, #tpu.memory_space<vmem>>, %arg8: memref<1000x128xf32, #tpu.memory_space<vmem>>, %arg9: memref<1000x128xf32, #tpu.memory_space<vmem>>) attributes {dimension_semantics = [#tpu.dimension_semantics<arbitrary>], iteration_bounds = array<i64: 10>, scalar_prefetch = 0 : i64, scratch_operands = 0 : i64, tpu.core_type = #tpu.core_type<tc>, window_params = [{transform_indices = @transform_0, window_bounds = array<i64: 2, 1000, 128>}, {transform_indices = @transform_1, window_bounds = array<i64: 1000, 128>}, {pipeline_mode = #tpu.pipeline_mode<synchronous>, transform_indices = @transform_2, window_bounds = array<i64: 128, 384>}, {pipeline_mode = #tpu.pipeline_mode<synchronous>, transform_indices = @transform_3, window_bounds = array<i64: 128, 384>}, {pipeline_mode = #tpu.pipeline_mode<synchronous>, transform_indices = @transform_4, window_bounds = array<i64: 1, 384>}, {pipeline_mode = #tpu.pipeline_mode<synchronous>, transform_indices = @transform_5, window_bounds = array<i64: 1, 384>}, {pipeline_mode = #tpu.pipeline_mode<synchronous>, transform_indices = @transform_6, window_bounds = array<i64: 128, 128>}, {transform_indices = @transform_7, window_bounds = array<i64: 1000, 128>}, {transform_indices = @transform_8, window_bounds = array<i64: 1000, 128>}]} {
    %get3A = arith.constant 0 : index
    %get3A_0 = arith.constant 0 : index
    %get3A_1 = arith.constant 0 : index
    %get3A_2 = vector.load %arg1[%get3A, %get3A_0, %get3A_1] : memref<2x1000x128xf32, #tpu.memory_space<vmem>>, vector<1x1000x128xf32>
    %get3A_3 = vector.shape_cast %get3A_2 : vector<1x1000x128xf32> to vector<1000x128xf32>
    %get3A_4 = arith.constant 1 : index
    %get3A_5 = arith.constant 0 : index
    %get3A_6 = arith.constant 0 : index
    %get3A_7 = vector.load %arg1[%get3A_4, %get3A_5, %get3A_6] : memref<2x1000x128xf32, #tpu.memory_space<vmem>>, vector<1x1000x128xf32>
    %get3A_8 = vector.shape_cast %get3A_7 : vector<1x1000x128xf32> to vector<1000x128xf32>
    %add3A = arith.addf %get3A_3, %get3A_8 : vector<1000x128xf32>
    %get3A_9 = arith.constant 0 : index
    %get3A_10 = arith.constant 0 : index
    %get3A_11 = vector.load %arg2[%get3A_9, %get3A_10] : memref<1000x128xf32, #tpu.memory_space<vmem>>, vector<1000x128xf32>
    %get3A_12 = arith.constant 0 : index
    %get3A_13 = arith.constant 0 : index
    %get3A_14 = vector.load %arg3[%get3A_12, %get3A_13] : memref<128x384xf32, #tpu.memory_space<vmem>>, vector<128x384xf32>
    %dot_general3A = arith.constant dense<0.000000e+00> : vector<1000x384xf32>
    %dot_general3A_15 = tpu.matmul %add3A, %get3A_14, %dot_general3A {dimension_numbers = #tpu.dot_dimension_numbers<[1], [0], [0], [1], [0, 0, 1, 1], [], []>, transpose_lhs_hint = false} : vector<1000x128xf32>, vector<128x384xf32>, vector<1000x384xf32> -> vector<1000x384xf32>
    %get3A_16 = arith.constant 0 : index
    %get3A_17 = arith.constant 0 : index
    %get3A_18 = vector.load %arg5[%get3A_16, %get3A_17] : memref<1x384xf32, #tpu.memory_space<vmem>>, vector<1x384xf32>
    %add3A_19 = vector.broadcast %get3A_18 : vector<1x384xf32> to vector<1000x384xf32>
    %add3A_20 = arith.addf %dot_general3A_15, %add3A_19 : vector<1000x384xf32>
    %get3A_21 = arith.constant 0 : index
    %get3A_22 = arith.constant 0 : index
    %get3A_23 = vector.load %arg4[%get3A_21, %get3A_22] : memref<128x384xf32, #tpu.memory_space<vmem>>, vector<128x384xf32>
    %dot_general3A_24 = arith.constant dense<0.000000e+00> : vector<1000x384xf32>
    %dot_general3A_25 = tpu.matmul %get3A_11, %get3A_23, %dot_general3A_24 {dimension_numbers = #tpu.dot_dimension_numbers<[1], [0], [0], [1], [0, 0, 1, 1], [], []>, transpose_lhs_hint = false} : vector<1000x128xf32>, vector<128x384xf32>, vector<1000x384xf32> -> vector<1000x384xf32>
    %get3A_26 = arith.constant 0 : index
    %get3A_27 = arith.constant 0 : index
    %get3A_28 = vector.load %arg6[%get3A_26, %get3A_27] : memref<1x384xf32, #tpu.memory_space<vmem>>, vector<1x384xf32>
    %add3A_29 = vector.broadcast %get3A_28 : vector<1x384xf32> to vector<1000x384xf32>
    %add3A_30 = arith.addf %dot_general3A_25, %add3A_29 : vector<1000x384xf32>
    %slice3A = vector.extract_strided_slice %add3A_20 {offsets = [0, 0], sizes = [1000, 128], strides = [1, 1]} : vector<1000x384xf32> to vector<1000x128xf32>
    %slice3A_31 = vector.extract_strided_slice %add3A_20 {offsets = [0, 128], sizes = [1000, 128], strides = [1, 1]} : vector<1000x384xf32> to vector<1000x128xf32>
    %slice3A_32 = vector.extract_strided_slice %add3A_20 {offsets = [0, 256], sizes = [1000, 128], strides = [1, 1]} : vector<1000x384xf32> to vector<1000x128xf32>
    %slice3A_33 = vector.extract_strided_slice %add3A_30 {offsets = [0, 0], sizes = [1000, 128], strides = [1, 1]} : vector<1000x384xf32> to vector<1000x128xf32>
    %slice3A_34 = vector.extract_strided_slice %add3A_30 {offsets = [0, 128], sizes = [1000, 128], strides = [1, 1]} : vector<1000x384xf32> to vector<1000x128xf32>
    %slice3A_35 = vector.extract_strided_slice %add3A_30 {offsets = [0, 256], sizes = [1000, 128], strides = [1, 1]} : vector<1000x384xf32> to vector<1000x128xf32>
    %add3A_36 = arith.addf %slice3A, %slice3A_33 : vector<1000x128xf32>
    %logistic3A = arith.negf %add3A_36 : vector<1000x128xf32>
    %logistic3A_37 = math.exp %logistic3A : vector<1000x128xf32>
    %logistic3A_38 = arith.constant 1.000000e+00 : f32
    %logistic3A_39 = vector.broadcast %logistic3A_38 : f32 to vector<1000x128xf32>
    %logistic3A_40 = arith.addf %logistic3A_39, %logistic3A_37 : vector<1000x128xf32>
    %logistic3A_41 = arith.divf %logistic3A_39, %logistic3A_40 : vector<1000x128xf32>
    %add3A_42 = arith.addf %slice3A_31, %slice3A_34 : vector<1000x128xf32>
    %logistic3A_43 = arith.negf %add3A_42 : vector<1000x128xf32>
    %logistic3A_44 = math.exp %logistic3A_43 : vector<1000x128xf32>
    %logistic3A_45 = arith.constant 1.000000e+00 : f32
    %logistic3A_46 = vector.broadcast %logistic3A_45 : f32 to vector<1000x128xf32>
    %logistic3A_47 = arith.addf %logistic3A_46, %logistic3A_44 : vector<1000x128xf32>
    %logistic3A_48 = arith.divf %logistic3A_46, %logistic3A_47 : vector<1000x128xf32>
    %mul3A = arith.mulf %logistic3A_41, %slice3A_35 : vector<1000x128xf32>
    %add3A_49 = arith.addf %slice3A_32, %mul3A : vector<1000x128xf32>
    %tanh3A = math.tanh %add3A_49 : vector<1000x128xf32>
    %sub3A = arith.constant 1.000000e+00 : f32
    %sub3A_50 = vector.broadcast %sub3A : f32 to vector<1000x128xf32>
    %sub3A_51 = arith.subf %sub3A_50, %logistic3A_48 : vector<1000x128xf32>
    %mul3A_52 = arith.mulf %sub3A_51, %tanh3A : vector<1000x128xf32>
    %mul3A_53 = arith.mulf %logistic3A_48, %get3A_11 : vector<1000x128xf32>
    %add3A_54 = arith.addf %mul3A_52, %mul3A_53 : vector<1000x128xf32>
    %swap3A = arith.constant 0 : index
    %swap3A_55 = arith.constant 0 : index
    %swap3A_56 = vector.load %arg8[%swap3A, %swap3A_55] : memref<1000x128xf32, #tpu.memory_space<vmem>>, vector<1000x128xf32>
    tpu.vector_store %arg8[%swap3A, %swap3A_55], %add3A_54 {strides = array<i32>} : memref<1000x128xf32, #tpu.memory_space<vmem>>, vector<1000x128xf32>,
    %get3A_57 = arith.constant 0 : index
    %get3A_58 = arith.constant 0 : index
    %get3A_59 = vector.load %arg7[%get3A_57, %get3A_58] : memref<128x128xf32, #tpu.memory_space<vmem>>, vector<128x128xf32>
    %dot_general3A_60 = arith.constant dense<0.000000e+00> : vector<1000x128xf32>
    %dot_general3A_61 = tpu.matmul %add3A_54, %get3A_59, %dot_general3A_60 {dimension_numbers = #tpu.dot_dimension_numbers<[1], [0], [0], [1], [0, 0, 1, 1], [], []>, transpose_lhs_hint = false} : vector<1000x128xf32>, vector<128x128xf32>, vector<1000x128xf32> -> vector<1000x128xf32>
    %swap3A_62 = arith.constant 0 : index
    %swap3A_63 = arith.constant 0 : index
    %swap3A_64 = vector.load %arg9[%swap3A_62, %swap3A_63] : memref<1000x128xf32, #tpu.memory_space<vmem>>, vector<1000x128xf32>
    tpu.vector_store %arg9[%swap3A_62, %swap3A_63], %dot_general3A_61 {strides = array<i32>} : memref<1000x128xf32, #tpu.memory_space<vmem>>, vector<1000x128xf32>,
    return
  }
  func.func @transform_0(%arg0: i32) -> (i32, i32, i32) {
    %c0_i32 = arith.constant 0 : i32
    %c0_i32_0 = arith.constant 0 : i32
    %c0_i32_1 = arith.constant 0 : i32
    return %c0_i32, %arg0, %c0_i32_0 : i32, i32, i32
  }
  func.func @transform_1(%arg0: i32) -> (i32, i32) {
    %c0_i32 = arith.constant 0 : i32
    %c0_i32_0 = arith.constant 0 : i32
    return %arg0, %c0_i32 : i32, i32
  }
  func.func @transform_2(%arg0: i32) -> (i32, i32) {
    %c0_i32 = arith.constant 0 : i32
    %c0_i32_0 = arith.constant 0 : i32
    %c0_i32_1 = arith.constant 0 : i32
    return %c0_i32, %c0_i32_0 : i32, i32
  }
  func.func @transform_3(%arg0: i32) -> (i32, i32) {
    %c0_i32 = arith.constant 0 : i32
    %c0_i32_0 = arith.constant 0 : i32
    %c0_i32_1 = arith.constant 0 : i32
    return %c0_i32, %c0_i32_0 : i32, i32
  }
  func.func @transform_4(%arg0: i32) -> (i32, i32) {
    %c0_i32 = arith.constant 0 : i32
    %c0_i32_0 = arith.constant 0 : i32
    %c0_i32_1 = arith.constant 0 : i32
    return %c0_i32, %c0_i32_0 : i32, i32
  }
  func.func @transform_5(%arg0: i32) -> (i32, i32) {
    %c0_i32 = arith.constant 0 : i32
    %c0_i32_0 = arith.constant 0 : i32
    %c0_i32_1 = arith.constant 0 : i32
    return %c0_i32, %c0_i32_0 : i32, i32
  }
  func.func @transform_6(%arg0: i32) -> (i32, i32) {
    %c0_i32 = arith.constant 0 : i32
    %c0_i32_0 = arith.constant 0 : i32
    %c0_i32_1 = arith.constant 0 : i32
    return %c0_i32, %c0_i32_0 : i32, i32
  }
  func.func @transform_7(%arg0: i32) -> (i32, i32) {
    %c0_i32 = arith.constant 0 : i32
    %c0_i32_0 = arith.constant 0 : i32
    return %arg0, %c0_i32 : i32, i32
  }
  func.func @transform_8(%arg0: i32) -> (i32, i32) {
    %c0_i32 = arith.constant 0 : i32
    %c0_i32_0 = arith.constant 0 : i32
    return %arg0, %c0_i32 : i32, i32
  }
}

</mosaic_0001>

<sc_bundles>
// kernel: kernel.12.cloned.1.call-start
scs
__scs_entry_jumppad:
0x0: {  	(pc) =	sbr.rel $0x88, $3  }
0x1: {  	(tag) =	ssettag $0x0;
	lr =	simm.s32 $0x1  }
0x2: {  	[smem:$0x3F96] =	sst lr;
	_ =	strace $0xD0000000  }
0x3: {  	_ = 	snop  }
0x4: {  	_ = 	snop  }
0x5: {  	_ = 	snop  }
0x6: {  	_ = 	snop  }
0x7: {  	_ = 	snop  }
__scs_overlays_trampoline_lowered:
0x8: {  	[smem:$0x3FA5] =	sst s0  }
0x9: {  	[smem:$0x3FA6] =	sst s1  }
0xa: {  	[smem:$0x3FA7] =	sst s2  }
0xb: {  	[smem:$0x3FA8] =	sst s3  }
0xc: {  	[smem:$0x3FA9] =	sst s4  }
0xd: {  	[smem:$0x3FAA] =	sst s5  }
0xe: {  	[smem:$0x3FAB] =	sst s6  }
0xf: {  	[smem:$0x3FAC] =	sst s7  }
0x10: {  	[smem:$0x3FAD] =	sst s8  }
0x11: {  	[smem:$0x3FAE] =	sst s9;
	s0 =	simm.s32 @!p0 $0x0  }
0x12: {  	s1 =	sld [smem:$0x3F94];
	s0 =	simm.s32 @p0 $0x1  }
0x13: {  	[smem:$0x3FAF] =	sst s0;
	s0 =	simm.s32 @!p1 $0x0  }
0x14: {  	s2 =	sld [smem:$0x3F93];
	s0 =	simm.s32 @p1 $0x1  }
0x15: {  	[smem:$0x3FB0] =	sst s0;
	s0 =	simm.s32 @!p2 $0x0  }
0x16: {  	s3 =	sld [smem:$0x3FDB];
	s0 =	simm.s32 @p2 $0x1  }
0x17: {  	s4 =	simm.s32 $0x1BF5;
	[smem:$0x3FB2] =	sst s0  }
0x18: {  	s0 =	sld [smem:$0x3F95];
	_ =	swait.ge [sflag:s4], $0x0  }
0x19: {  	s7 =	sld [smem:$0x3F96]  }
0x1a: {  	s8 =	sadd.s32 $0xFFFFE003, lr  }
0x1b: {  	s9 =	sadd.s32 $0xFFFFFEF7, lr;
	s5 =	simm.s32 $0xFFFFFFFF;
	p2 =	slt.u32 s8, $0xFFFFF086  }
0x1c: {  	p1 =	slt.u32 s9, $0xF7A;
	s5 =	simm.s32 @!p2 $0x0  }
0x1d: {  	s5 =	simm.s32 @p1 $0x1;
	p0 =	seq.s32 s7, s2  }
0x1e: {  	s7 =	smul.u32 @!p0 $0xF7A, s2;
	p2 =	seq.s32 @!p0 s5, $0x0  }
0x1f: {  	s9 =	smul.u32 $0xF7A, s1;
	s8 =	simm.s32 @!p0 $0x1BF5;
	p2 =	por !p2, p0  }
0x20: {  	[sflag:s8] =	ssyncset.s32 @!p0 $0xFFFFF086;
	s6 =	sadd.s32 @!p0 s3, s7;
	s7 =	simm.s32 @!p0 $0x108  }
0x21: {  	s3 =	sadd.s32 s3, s9;
	s6 =	sadd.s32 @!p0 $0x88, s6;
	s7 =	simm.s32 @p2 $0x1082  }
0x22: {  	[simem:s7], [sflag:s8] =	dma.local @!p0 [hbm:s6], $0xF7A  }
0x23: {  	s9 =	sor.u32 $0xD0000000, s2;
	s6 =	simm.s32 $0x108;
	_ =	swait.ge @!p0 [sflag:s8], $0x0  }
0x24: {  	s3 =	sadd.s32 $0x88, s3;
	s6 =	simm.s32 @!p1 $0x1082;
	[sflag:s4] =	ssyncset.s32 $0xFFFFF086  }
0x25: {  	[simem:s6], [sflag:s4] =	dma.local [hbm:s3], $0xF7A  }
0x26: {  	[smem:$0x3F96] =	sst s1;
	(tag) =	ssettag s2;
	_ =	strace s9  }
0x27: {  	s1 =	sld [smem:$0x3FA6]  }
0x28: {  	s2 =	sld [smem:$0x3FA7]  }
0x29: {  	s4 =	sld [smem:$0x3FA9]  }
0x2a: {  	p0 =	seq.s32 s5, $0x0;
	s5 =	sld [smem:$0x3FAA]  }
0x2b: {  	s6 =	sld [smem:$0x3FAB]  }
0x2c: {  	s7 =	sld [smem:$0x3FAC]  }
0x2d: {  	s3 =	simm.s32 $0x108;
	s8 =	sld [smem:$0x3FAD]  }
0x2e: {  	s3 =	simm.s32 @!p0 $0x1082;
	s9 =	sld [smem:$0x3FAE]  }
0x2f: {  	lr =	sadd.s32 s0, s3;
	s0 =	sld [smem:$0x3FA5]  }
0x30: {  	s3 =	sld [smem:$0x3FA8]  }
0x31: {  	[smem:$0x3FB1] =	sst s10  }
0x32: {  	s10 =	sld [smem:$0x3FAF];
	_ =	sdelay $0x3  }
0x33: {  	p0 =	seq.s32 s10, $0x1;
	s10 =	sld [smem:$0x3FB1];
	_ =	sdelay $0x3  }
0x34: {  	[smem:$0x3FB1] =	sst s10  }
0x35: {  	s10 =	sld [smem:$0x3FB0];
	_ =	sdelay $0x3  }
0x36: {  	p1 =	seq.s32 s10, $0x1;
	s10 =	sld [smem:$0x3FB1];
	_ =	sdelay $0x3  }
0x37: {  	[smem:$0x3FB1] =	sst s10  }
0x38: {  	s10 =	sld [smem:$0x3FB2]  }
0x39: {  	_ = 	snop;
	(pc) =	sbr.ind lr, $3  }
0x3a: {  	_ = 	snop  }
0x3b: {  	_ = 	snop  }
0x3c: {  	p2 =	seq.s32 s10, $0x1;
	s10 =	sld [smem:$0x3FB1]  }
0x3d: {  	_ =	shalt  }
0x3e: {  	_ =	shalt  }
0x3f: {  	_ =	shalt  }
0x40: {  	_ =	shalt  }
0x41: {  	_ =	shalt  }
0x42: {  	_ =	shalt  }
0x43: {  	_ =	shalt  }
0x44: {  	_ =	shalt  }
0x45: {  	_ =	shalt  }
0x46: {  	_ =	shalt  }
0x47: {  	_ =	shalt  }
0x48: {  	_ =	shalt  }
0x49: {  	_ =	shalt  }
0x4a: {  	_ =	shalt  }
0x4b: {  	_ =	shalt  }
0x4c: {  	_ =	shalt  }
0x4d: {  	_ =	shalt  }
0x4e: {  	_ =	shalt  }
0x4f: {  	_ =	shalt  }
0x50: {  	_ =	shalt  }
0x51: {  	_ =	shalt  }
0x52: {  	_ =	shalt  }
0x53: {  	_ =	shalt  }
0x54: {  	_ =	shalt  }
0x55: {  	_ =	shalt  }
0x56: {  	_ =	shalt  }
0x57: {  	_ =	shalt  }
0x58: {  	_ =	shalt  }
0x59: {  	_ =	shalt  }
0x5a: {  	_ =	shalt  }
0x5b: {  	_ =	shalt  }
0x5c: {  	_ =	shalt  }
0x5d: {  	_ =	shalt  }
0x5e: {  	_ =	shalt  }
0x5f: {  	_ =	shalt  }
0x60: {  	_ =	shalt  }
0x61: {  	_ =	shalt  }
0x62: {  	_ =	shalt  }
0x63: {  	_ =	shalt  }
0x64: {  	_ =	shalt  }
0x65: {  	_ =	shalt  }
0x66: {  	_ =	shalt  }
0x67: {  	_ =	shalt  }
0x68: {  	_ =	shalt  }
0x69: {  	_ =	shalt  }
0x6a: {  	_ =	shalt  }
0x6b: {  	_ =	shalt  }
0x6c: {  	_ =	shalt  }
0x6d: {  	_ =	shalt  }
0x6e: {  	_ =	shalt  }
0x6f: {  	_ =	shalt  }
0x70: {  	_ =	shalt  }
0x71: {  	_ =	shalt  }
0x72: {  	_ =	shalt  }
0x73: {  	_ =	shalt  }
0x74: {  	_ =	shalt  }
0x75: {  	_ =	shalt  }
0x76: {  	_ =	shalt  }
0x77: {  	_ =	shalt  }
0x78: {  	_ =	shalt  }
0x79: {  	_ =	shalt  }
0x7a: {  	_ =	shalt  }
0x7b: {  	_ =	shalt  }
0x7c: {  	_ =	shalt  }
0x7d: {  	_ =	shalt  }
0x7e: {  	_ =	shalt  }
0x7f: {  	_ =	shalt  }
0x80: {  	_ =	shalt  }
0x81: {  	_ =	shalt  }
0x82: {  	_ =	shalt  }
0x83: {  	_ =	shalt  }
0x84: {  	_ =	shalt  }
0x85: {  	_ =	shalt  }
0x86: {  	_ =	shalt  }
0x87: {  	_ =	shalt  }
.Lfunc_end0:
.L_simem_size_0:
called_computation_lowered:
.L_overlay_start_0:
0x88: {  	s2 =	sld [smem:$0x3FD9]  }
0x89: {  	s3 =	sld [smem:$0x3FFE];
	_ =	sdelay $0x1  }
0x8a: {  	s1 =	srdreg.scid  }
0x8b: {  	s0 =	sand.u32 $0x1, s1  }
0x8c: {  	s16 =	sshll.u32 s0, $0xA;
	s2 =	sadd.s32 s3, s2  }
0x8d: {  	s2 =	sadd.s32 s2, s16  }
0x8e: {  	[smem:$0x3FBD] =	sst s2  }
0x8f: {  	_ = 	snop  }
0x90: {  	(tm) =	ssettm $0x1  }
0x91: {  	s17 =	sld [smem:$0x3FFB];
	_ =	sdelay $0x3  }
0x92: {  	_ =	strace s17  }
0x93: {  	s2 =	sld [smem:$0x3FFC];
	_ =	sdelay $0x3  }
0x94: {  	_ =	strace s2  }
0x95: {  	s2 =	sld [smem:$0x3FFD];
	_ =	sdelay $0x3  }
0x96: {  	_ =	strace s2  }
0x97: {  	_ =	strace $0x8FFFFFFF  }
0x98: {  	s18 =	sld [smem:$0x3FDB];
	_ =	sdelay $0x1  }
0x99: {  	s19 =	simm.s32 $_scs_section_size  }
0x9a: {  	s4 =	simm.s32 $_size__tile_overlayer_lowered;
	s5 =	simm.s32 $_tile_overlayer_lowered  }
0x9b: {  	s22 =	simm.s32 $0x1BFF;
	s21 =	sshll.u32 s5, $0x1;
	s2 =	sadd.s32 s19, s18  }
0x9c: {  	s6 =	simm.s32 $0x0;
	s20 =	sshll.u32 s4, $0x1;
	s4 =	sadd.s32 s21, s2  }
0x9d: {  	[timem:s6], [sflag:s22] =	dma.local [hbm:s4], s20  }
0x9e: {  	_ =	swait.ge [sflag:s22], s20  }
0x9f: {  	s3 =	ssub.s32 $0x0, s20;
	[sflag:s22] =	ssyncset.done $0x0  }
0xa0: {  	[sflag:s22] =	ssyncadd.s32 s3;
	_ =	sdelay $0x1  }
0xa1: {  	s23 =	simm.s32 $0x1B8B  }
0xa2: {  	_ =	swait.ge [sflag:s23], $0x1  }
0xa3: {  	[sflag:s23] =	ssyncset.done $0x0  }
0xa4: {  	s25 =	simm.s32 $0x1B8E;
	s24 =	sld [smem:$0x3FFE];
	[sflag:s23] =	ssyncadd.s32 $0xFFFFFFFF  }
0xa5: {  	s26 =	simm.s32 $execute0_lowered;
	[smem:$0x3FD2] =	sst s25  }
0xa6: {  	s4 =	sshll.u32 s26, $0x1;
	_ =	strace $0x80000046;
	[dreg:$0x1] =	wrdreg $0xFFFFFFFF  }
0xa7: {  	s28 =	simm.s32 $_size_execute0_lowered;
	s2 =	sadd.s32 s2, s4;
	[dreg:$0x0] =	wrdreg $0x0  }
0xa8: {  	s4 =	sshll.u32 s28, $0x1;
	[dreg:$0x2] =	wrdreg s2  }
0xa9: {  	[dreg:$0x3] =	wrdreg s4  }
0xaa: {  	[dreg:$0x4] =	wrdreg $0xC0  }
0xab: {  	_ =	task [dreg:s6], $0x5FFFF  }
0xac: {  	[dreg:$0x1] =	wrdreg $0xFFFFFFFF  }
0xad: {  	[dreg:$0x0] =	wrdreg $0x60  }
0xae: {  	[dreg:$0x2] =	wrdreg s24  }
0xaf: {  	[dreg:$0x3] =	wrdreg $0x82000  }
0xb0: {  	[dreg:$0x4] =	wrdreg $0x9  }
0xb1: {  	_ =	task.clear_ibuf [dreg:s6], $0x5FFFF;
	_ =	strace $0x90000046  }
0xb2: {  	s29 =	simm.s32 $0x9;
	_ =	strace $0x80000048  }
0xb3: {  	_ =	swait.ge [sflag:s29], $0x1  }
0xb4: {  	[sflag:s29] =	ssyncadd.s32 $0xFFFFFFFF  }
0xb5: {  	_ =	strace $0x90000048  }
0xb6: {  	_ =	sfence  }
0xb7: {  	s30 =	sld [smem:$0x0];
	_ =	sdelay $0x2  }
0xb8: {  	s31 =	sshll.u32 s1, $0xD;
	s1 =	sshrl.u32 s1, $0x2  }
0xb9: {  	s3 =	sand.u32 $0x4000, s31;
	s1 =	sadd.s32 s1, s30  }
0xba: {  	s0 =	sor.u32 s3, s0;
	s1 =	sshll.u32 s1, $0x11  }
0xbb: {  	s0 =	sor.u32 s1, s0  }
0xbc: {  	s0 =	sadd.s32 $0x8F2B, s0  }
0xbd: {  	[sflag:s0] =	ssyncadd.remote.s32 $0x1  }
0xbe: {  	_ =	sfence.sel $0xFFFF  }
0xbf: {  	[dreg:$0x0] =	wrdreg $0xFFFFFFFF;
	(pc) =	sbr.abs _section_cstart, $3  }
0xc0: {  	[dreg:$0x1] =	wrdreg $0xFFFFFFFF  }
0xc1: {  	_ =	task.clear_ibuf [dreg:s6], $0x2FFFF;
	_ =	strace $0x9FFFFFFF  }
0xc2: {  	(tm) =	ssettm $0x7FFFFFFF  }
0xc3: {  	_ =	shalt  }
tec
execute0_lowered:
.L_overlay_start_1:
0x0: {  	(tag) =	ssettag $0x1  }
0x1: {  	s7 =	rddreg [dreg:$0x0]  }
0x2: {  	s1 =	rddreg [dreg:$0x1]  }
0x3: {  	s0 =	rddreg [dreg:$0x2];
	s3 =	simm.s32 $0x0;
	s2 =	srdreg.scid  }
0x4: {  	s17 =	simm.s32 $0x80;
	s18 =	simm.s32 $0x200;
	s19 =	simm.s32 $0x100  }
0x5: {  	s20 =	simm.s32 $0x4200;
	s21 =	simm.s32 $0x1;
	s8 =	sand.u32 $0x1, s2  }
0x6: {  	s22 =	simm.s32 $0x3;
	s2 =	stileid.u32;
	s9 =	smul.u32 $0x13C000, s8  }
0x7: {  	s23 =	simm.s32 $0x2;
	[smem:$0x7FF] =	sst s3;
	s10 =	smul.u32 $0x13C00, s2  }
0x8: {  	s4 =	sadd.s32 $0x17000, s7;
	s5 =	sadd.s32 $0x3400, s7;
	s11 =	smul.u32 $0x4F000, s8  }
0x9: {  	s6 =	sadd.s32 $0x3E200, s7;
	_ =	strace $0x80000047;
	s24 =	smul.u32 $0x4F00, s2  }
0xa: {  	s8 =	ssub.s32 $0x2, s8;
	s12 =	smul.u32 $0x4F000, s2;
	s29 =	sshll.u32 s2, $0x6  }
0xb: {  	s25 =	sshrl.u32 s8, $0x1;
	s9 =	sadd.s32 s10, s9;
	s14 =	sadd.s32 s24, s11  }
0xc: {  	s15 =	ssub.s32 s8, s25;
	s26 =	sshrl.u32 s12, $0x2;
	s8 =	sor.u32 $0x1C05, s29  }
0xd: {  	s24 =	simm.s32 $0x180;
	s25 =	simm.s32 $0x4;
	s9 =	sshrl.u32 s9, $0x3  }
0xe: {  	s28 =	sshrl.u32 s14, $0x3;
	s16 =	sadd.s32 s26, s1;
	s30 =	sadd.s32 $0x300, s14  }
0xf: {  	s12 =	smax.u32 s15, $0x1;
	s14 =	sadd.s32 $0x200, s14;
	s26 =	simm.s32 $0x0  }
0x10: {  	s13 =	sadd.s32 s9, s7;
	s7 =	sadd.s32 s5, s28;
	s31 =	sshrl.u32 s30, $0x3  }
0x11: {  	s15 =	sshrl.u32 s16, $0x3;
	s16 =	simm.s32 $0x5;
	s9 =	sadd.s32 $0x20, s7  }
0x12: {  	s10 =	sadd.s32 $0x9C0, s7;
	s11 =	sadd.s32 $0x40A00, s13;
	s13 =	sadd.s32 s31, s5  }
.LBB2_1:
0x13: {  	[spmem:s15], [sflag:s8] =	dma.local [hbm:s6], $0x2780  }
0x14: {  	_ =	swait.ge [sflag:s16], $0x2780  }
0x15: {  	[sflag:s16] =	ssyncset.done $0x0  }
0x16: {  	[sflag:s16] =	ssyncadd.s32 $0xFFFFD880  }
0x17: {  	[bflag:$0x0] =	sbarrier.arrive $0xFFFF  }
0x18: {  	[tilespmem:s3], [sflag:$0x5] =	stream.linear.gather [hbm4b:s7+s3], $0x100, $0x38;
	[tilespmem:$0x1BE00] =	vst v63  }
0x19: {  	_ =	swait.ge [sflag:s16], $0x100  }
0x1a: {  	[sflag:s16] =	ssyncset.done $0x0  }
0x1b: {  	[sflag:s16] =	ssyncadd.s32 $0xFFFFFF00  }
0x1c: {  	[tilespmem:s18], [sflag:$0x1] =	stream.indirect.gather [hbm4b:s4+s17], $0x80, s3, s17, $0xb8;
	[tilespmem:$0x1BE00] =	vst v63  }
0x1d: {  	_ = 	snop  }
0x1e: {  	[tilespmem:s19], [sflag:$0x5] =	stream.linear.gather [hbm4b:s9+s3], $0x100, $0x38;
	[tilespmem:$0x1BE00] =	vst v63  }
0x1f: {  	_ =	swait.ge [sflag:s16], $0x100  }
0x20: {  	[sflag:s16] =	ssyncset.done $0x0  }
0x21: {  	[sflag:s16] =	ssyncadd.s32 $0xFFFFFF00  }
0x22: {  	[tilespmem:s20], [sflag:$0x2] =	stream.indirect.gather [hbm4b:s4+s17], $0x80, s19, s17, $0xb8;
	[tilespmem:$0x1BE00] =	vst v63  }
0x23: {  	_ =	swait.ge [sflag:s21], $0x4000  }
0x24: {  	[sflag:s21] =	ssyncset.done $0x0  }
0x25: {  	s28 =	sshrl.u32 s14, $0x3;
	[sflag:s21] =	ssyncadd.s32 $0xFFFFC000  }
0x26: {  	[spmem:s1] =	stream.indirect.scatter.add.f32 [tilespmem:s18], [sflag:$0x3], $0x80, s17, s17, $0xb8;
	[tilespmem:$0x1BE00] =	vst v63  }
0x27: {  	s28 =	sadd.s32 s5, s28  }
0x28: {  	[tilespmem:s3], [sflag:$0x5] =	stream.linear.gather [hbm4b:s28+s3], $0x100, $0x38;
	[tilespmem:$0x1BE00] =	vst v63  }
0x29: {  	_ =	swait.ge [sflag:s16], $0x100  }
0x2a: {  	[sflag:s16] =	ssyncset.done $0x0  }
0x2b: {  	[sflag:s16] =	ssyncadd.s32 $0xFFFFFF00  }
0x2c: {  	_ =	swait.ge [sflag:s22], $0x4000  }
0x2d: {  	[sflag:s22] =	ssyncset.done $0x0  }
0x2e: {  	[sflag:s22] =	ssyncadd.s32 $0xFFFFC000  }
0x2f: {  	[tilespmem:s18], [sflag:$0x1] =	stream.indirect.gather [hbm4b:s4+s17], $0x80, s3, s17, $0xb8;
	[tilespmem:$0x1BE00] =	vst v63  }
0x30: {  	_ =	swait.ge [sflag:s23], $0x4000  }
0x31: {  	[sflag:s23] =	ssyncset.done $0x0  }
0x32: {  	[sflag:s23] =	ssyncadd.s32 $0xFFFFC000  }
0x33: {  	[spmem:s1] =	stream.indirect.scatter.add.f32 [tilespmem:s20], [sflag:$0x4], $0x80, s24, s17, $0xb8;
	[tilespmem:$0x1BE00] =	vst v63  }
0x34: {  	s28 =	sadd.s32 $0x0, s13  }
0x35: {  	[tilespmem:s19], [sflag:$0x5] =	stream.linear.gather [hbm4b:s28+s3], $0x100, $0x38;
	[tilespmem:$0x1BE00] =	vst v63  }
0x36: {  	_ =	swait.ge [sflag:s16], $0x100  }
0x37: {  	[sflag:s16] =	ssyncset.done $0x0  }
0x38: {  	[sflag:s16] =	ssyncadd.s32 $0xFFFFFF00  }
0x39: {  	_ =	swait.ge [sflag:s25], $0x4000  }
0x3a: {  	[sflag:s25] =	ssyncset.done $0x0  }
0x3b: {  	s29 =	sadd.s32 $0x200, s14;
	s28 =	simm.s32 $0x40;
	[sflag:s25] =	ssyncadd.s32 $0xFFFFC000  }
.LBB2_2:
0x3c: {  	[tilespmem:s20], [sflag:$0x2] =	stream.indirect.gather [hbm4b:s4+s17], $0x80, s19, s17, $0xb8;
	[tilespmem:$0x1BE00] =	vst v63  }
0x3d: {  	s30 =	smov.u32 s28  }
0x3e: {  	p0 =	sne.s32 s28, $0x940;
	s28 =	sadd.s32 $0x40, s28;
	_ =	swait.ge [sflag:s21], $0x4000  }
0x3f: {  	[sflag:s21] =	ssyncset.done $0x0  }
0x40: {  	s31 =	sshrl.u32 s29, $0x3;
	[sflag:s21] =	ssyncadd.s32 $0xFFFFC000  }
0x41: {  	[spmem:s1] =	stream.indirect.scatter.add.f32 [tilespmem:s18], [sflag:$0x3], $0x80, s17, s17, $0xb8;
	[tilespmem:$0x1BE00] =	vst v63  }
0x42: {  	s31 =	sadd.s32 s5, s31  }
0x43: {  	[tilespmem:s3], [sflag:$0x5] =	stream.linear.gather [hbm4b:s31+s3], $0x100, $0x38;
	[tilespmem:$0x1BE00] =	vst v63  }
0x44: {  	_ =	swait.ge [sflag:s16], $0x100  }
0x45: {  	[sflag:s16] =	ssyncset.done $0x0  }
0x46: {  	[sflag:s16] =	ssyncadd.s32 $0xFFFFFF00  }
0x47: {  	_ =	swait.ge [sflag:s22], $0x4000  }
0x48: {  	[sflag:s22] =	ssyncset.done $0x0  }
0x49: {  	[sflag:s22] =	ssyncadd.s32 $0xFFFFC000  }
0x4a: {  	[tilespmem:s18], [sflag:$0x1] =	stream.indirect.gather [hbm4b:s4+s17], $0x80, s3, s17, $0xb8;
	[tilespmem:$0x1BE00] =	vst v63  }
0x4b: {  	_ =	swait.ge [sflag:s23], $0x4000  }
0x4c: {  	[sflag:s23] =	ssyncset.done $0x0  }
0x4d: {  	[sflag:s23] =	ssyncadd.s32 $0xFFFFC000  }
0x4e: {  	[spmem:s1] =	stream.indirect.scatter.add.f32 [tilespmem:s20], [sflag:$0x4], $0x80, s24, s17, $0xb8;
	[tilespmem:$0x1BE00] =	vst v63  }
0x4f: {  	s30 =	sadd.s32 s30, s13  }
0x50: {  	[tilespmem:s19], [sflag:$0x5] =	stream.linear.gather [hbm4b:s30+s3], $0x100, $0x38;
	[tilespmem:$0x1BE00] =	vst v63  }
0x51: {  	_ =	swait.ge [sflag:s16], $0x100  }
.Ltmp0:
0x52: {  	[sflag:s16] =	ssyncset.done $0x0;
	(pc) =	sbr.rel @p0 .LBB2_2-.Ltmp0, $4  }
0x53: {  	[sflag:s16] =	ssyncadd.s32 $0xFFFFFF00  }
0x54: {  	_ =	swait.ge [sflag:s25], $0x4000  }
0x55: {  	[sflag:s25] =	ssyncset.done $0x0  }
0x56: {  	s29 =	sadd.s32 $0x200, s29;
	[sflag:s25] =	ssyncadd.s32 $0xFFFFC000  }
0x57: {  	[tilespmem:s20], [sflag:$0x2] =	stream.indirect.gather [hbm4b:s4+s17], $0x80, s19, s17, $0xb8;
	[tilespmem:$0x1BE00] =	vst v63  }
0x58: {  	_ =	swait.ge [sflag:s21], $0x4000  }
0x59: {  	[sflag:s21] =	ssyncset.done $0x0  }
0x5a: {  	[sflag:s21] =	ssyncadd.s32 $0xFFFFC000  }
0x5b: {  	[spmem:s1] =	stream.indirect.scatter.add.f32 [tilespmem:s18], [sflag:$0x5], $0x80, s17, s17, $0xb8;
	[tilespmem:$0x1BE00] =	vst v63  }
0x5c: {  	_ =	swait.ge [sflag:s16], $0x4000  }
0x5d: {  	[sflag:s16] =	ssyncset.done $0x0  }
0x5e: {  	[sflag:s16] =	ssyncadd.s32 $0xFFFFC000  }
0x5f: {  	[tilespmem:s3], [sflag:$0x5] =	stream.linear.gather [hbm4b:s10+s3], $0x100, $0x38;
	[tilespmem:$0x1BE00] =	vst v63  }
0x60: {  	_ =	swait.ge [sflag:s16], $0x100  }
0x61: {  	[sflag:s16] =	ssyncset.done $0x0  }
0x62: {  	[sflag:s16] =	ssyncadd.s32 $0xFFFFFF00  }
0x63: {  	[tilespmem:s18], [sflag:$0x1] =	stream.indirect.gather [hbm4b:s4+s17], $0x80, s3, s17, $0xb8;
	[tilespmem:$0x1BE00] =	vst v63  }
0x64: {  	_ =	swait.ge [sflag:s23], $0x4000  }
0x65: {  	[sflag:s23] =	ssyncset.done $0x0  }
0x66: {  	[sflag:s23] =	ssyncadd.s32 $0xFFFFC000  }
0x67: {  	[spmem:s1] =	stream.indirect.scatter.add.f32 [tilespmem:s20], [sflag:$0x5], $0x80, s24, s17, $0xb8;
	[tilespmem:$0x1BE00] =	vst v63  }
0x68: {  	_ =	swait.ge [sflag:s16], $0x4000  }
0x69: {  	[sflag:s16] =	ssyncset.done $0x0  }
0x6a: {  	[sflag:s16] =	ssyncadd.s32 $0xFFFFC000  }
0x6b: {  	_ =	swait.ge [sflag:s21], $0x4000  }
0x6c: {  	[sflag:s21] =	ssyncset.done $0x0  }
0x6d: {  	[sflag:s21] =	ssyncadd.s32 $0xFFFFC000  }
0x6e: {  	[spmem:s1] =	stream.indirect.scatter.add.f32 [tilespmem:s18], [sflag:$0x5], $0x80, s17, s17, $0xb8;
	[tilespmem:$0x1BE00] =	vst v63  }
0x6f: {  	_ =	swait.ge [sflag:s16], $0x4000  }
0x70: {  	s26 =	sadd.s32 $0x1, s26;
	[sflag:s16] =	ssyncset.done $0x0  }
0x71: {  	p0 =	sne.s32 s26, s12;
	[sflag:s16] =	ssyncadd.s32 $0xFFFFC000  }
.Ltmp1:
0x72: {  	[bflag:$0x0] =	sbarrier.arrive $0xFFFF;
	(pc) =	sbr.rel @p0 .LBB2_1-.Ltmp1, $4  }
0x73: {  	[hbm:s11], [sflag:s8] =	dma.local [spmem:s15], $0x2780  }
0x74: {  	_ =	swait.ge [sflag:s16], $0x2780  }
0x75: {  	[sflag:s16] =	ssyncset.done $0x0  }
0x76: {  	[sflag:s16] =	ssyncadd.s32 $0xFFFFD880  }
0x77: {  	_ =	sfence.sel $0x180000  }
0x78: {  	[bflag:$0x0] =	sbarrier.arrive $0xFFFF  }
0x79: {  	p0 =	sne.s32 s2, $0x0;
	_ =	strace $0x90000047  }
0x7a: {  	s0 =	sadd.s32 @!p0 $0x100000, s0;
	[bflag:$0x2] =	sbarrier.arrive $0xFFFF  }
0x7b: {  	[sflag:s0] =	ssyncadd.tile.s32 @!p0 $0x1;
	_ =	shalt  }
.Lfunc_end2:
_tile_overlayer_lowered:
.L_overlay_start_2:
0x7c: {  	(tag) =	ssettag $0x2  }
0x7d: {  	s0 =	rddreg [dreg:$0x0];
	s2 =	stileid.u32  }
0x7e: {  	s1 =	rddreg [dreg:$0x1];
	p0 =	sne.s32 s2, $0x0  }
0x7f: {  	s3 =	rddreg [dreg:$0x2];
	[bflag:$0x3] =	sbarrier.arrive $0xFFFF;
	s2 =	simm.s32 @!p0 $0x1C05  }
0x80: {  	[timem:s3], [sflag:s2] =	dma.local @!p0 [hbm:s0], s1  }
0x81: {  	s0 =	simm.s32 @!p0 $0x5  }
0x82: {  	_ =	swait.ge @!p0 [sflag:s0], s1  }
0x83: {  	s1 =	ssub.s32 @!p0 $0x0, s1;
	[sflag:s0] =	ssyncset.done @!p0 $0x0  }
0x84: {  	[sflag:s0] =	ssyncadd.s32 @!p0 s1  }
0x85: {  	[bflag:$0x3] =	sbarrier.arrive $0xFFFF  }
0x86: {  	_ =	shalt  }

// kernel: kernel.15.cloned.1.call-start
scs
__scs_entry_jumppad:
0x0: {  	(pc) =	sbr.rel $0x88, $3  }
0x1: {  	(tag) =	ssettag $0x0;
	lr =	simm.s32 $0x1  }
0x2: {  	[smem:$0x3F96] =	sst lr;
	_ =	strace $0xD0000000  }
0x3: {  	_ = 	snop  }
0x4: {  	_ = 	snop  }
0x5: {  	_ = 	snop  }
0x6: {  	_ = 	snop  }
0x7: {  	_ = 	snop  }
__scs_overlays_trampoline_lowered:
0x8: {  	[smem:$0x3FA5] =	sst s0  }
0x9: {  	[smem:$0x3FA6] =	sst s1  }
0xa: {  	[smem:$0x3FA7] =	sst s2  }
0xb: {  	[smem:$0x3FA8] =	sst s3  }
0xc: {  	[smem:$0x3FA9] =	sst s4  }
0xd: {  	[smem:$0x3FAA] =	sst s5  }
0xe: {  	[smem:$0x3FAB] =	sst s6  }
0xf: {  	[smem:$0x3FAC] =	sst s7  }
0x10: {  	[smem:$0x3FAD] =	sst s8  }
0x11: {  	[smem:$0x3FAE] =	sst s9;
	s0 =	simm.s32 @!p0 $0x0  }
0x12: {  	s1 =	sld [smem:$0x3F94];
	s0 =	simm.s32 @p0 $0x1  }
0x13: {  	[smem:$0x3FAF] =	sst s0;
	s0 =	simm.s32 @!p1 $0x0  }
0x14: {  	s2 =	sld [smem:$0x3F93];
	s0 =	simm.s32 @p1 $0x1  }
0x15: {  	[smem:$0x3FB0] =	sst s0;
	s0 =	simm.s32 @!p2 $0x0  }
0x16: {  	s3 =	sld [smem:$0x3FDB];
	s0 =	simm.s32 @p2 $0x1  }
0x17: {  	s4 =	simm.s32 $0x1BF5;
	[smem:$0x3FB2] =	sst s0  }
0x18: {  	s0 =	sld [smem:$0x3F95];
	_ =	swait.ge [sflag:s4], $0x0  }
0x19: {  	s7 =	sld [smem:$0x3F96]  }
0x1a: {  	s8 =	sadd.s32 $0xFFFFE003, lr  }
0x1b: {  	s9 =	sadd.s32 $0xFFFFFEF7, lr;
	s5 =	simm.s32 $0xFFFFFFFF;
	p2 =	slt.u32 s8, $0xFFFFF086  }
0x1c: {  	p1 =	slt.u32 s9, $0xF7A;
	s5 =	simm.s32 @!p2 $0x0  }
0x1d: {  	s5 =	simm.s32 @p1 $0x1;
	p0 =	seq.s32 s7, s2  }
0x1e: {  	s7 =	smul.u32 @!p0 $0xF7A, s2;
	p2 =	seq.s32 @!p0 s5, $0x0  }
0x1f: {  	s9 =	smul.u32 $0xF7A, s1;
	s8 =	simm.s32 @!p0 $0x1BF5;
	p2 =	por !p2, p0  }
0x20: {  	[sflag:s8] =	ssyncset.s32 @!p0 $0xFFFFF086;
	s6 =	sadd.s32 @!p0 s3, s7;
	s7 =	simm.s32 @!p0 $0x108  }
0x21: {  	s3 =	sadd.s32 s3, s9;
	s6 =	sadd.s32 @!p0 $0x88, s6;
	s7 =	simm.s32 @p2 $0x1082  }
0x22: {  	[simem:s7], [sflag:s8] =	dma.local @!p0 [hbm:s6], $0xF7A  }
0x23: {  	s9 =	sor.u32 $0xD0000000, s2;
	s6 =	simm.s32 $0x108;
	_ =	swait.ge @!p0 [sflag:s8], $0x0  }
0x24: {  	s3 =	sadd.s32 $0x88, s3;
	s6 =	simm.s32 @!p1 $0x1082;
	[sflag:s4] =	ssyncset.s32 $0xFFFFF086  }
0x25: {  	[simem:s6], [sflag:s4] =	dma.local [hbm:s3], $0xF7A  }
0x26: {  	[smem:$0x3F96] =	sst s1;
	(tag) =	ssettag s2;
	_ =	strace s9  }
0x27: {  	s1 =	sld [smem:$0x3FA6]  }
0x28: {  	s2 =	sld [smem:$0x3FA7]  }
0x29: {  	s4 =	sld [smem:$0x3FA9]  }
0x2a: {  	p0 =	seq.s32 s5, $0x0;
	s5 =	sld [smem:$0x3FAA]  }
0x2b: {  	s6 =	sld [smem:$0x3FAB]  }
0x2c: {  	s7 =	sld [smem:$0x3FAC]  }
0x2d: {  	s3 =	simm.s32 $0x108;
	s8 =	sld [smem:$0x3FAD]  }
0x2e: {  	s3 =	simm.s32 @!p0 $0x1082;
	s9 =	sld [smem:$0x3FAE]  }
0x2f: {  	lr =	sadd.s32 s0, s3;
	s0 =	sld [smem:$0x3FA5]  }
0x30: {  	s3 =	sld [smem:$0x3FA8]  }
0x31: {  	[smem:$0x3FB1] =	sst s10  }
0x32: {  	s10 =	sld [smem:$0x3FAF];
	_ =	sdelay $0x3  }
0x33: {  	p0 =	seq.s32 s10, $0x1;
	s10 =	sld [smem:$0x3FB1];
	_ =	sdelay $0x3  }
0x34: {  	[smem:$0x3FB1] =	sst s10  }
0x35: {  	s10 =	sld [smem:$0x3FB0];
	_ =	sdelay $0x3  }
0x36: {  	p1 =	seq.s32 s10, $0x1;
	s10 =	sld [smem:$0x3FB1];
	_ =	sdelay $0x3  }
0x37: {  	[smem:$0x3FB1] =	sst s10  }
0x38: {  	s10 =	sld [smem:$0x3FB2]  }
0x39: {  	_ = 	snop;
	(pc) =	sbr.ind lr, $3  }
0x3a: {  	_ = 	snop  }
0x3b: {  	_ = 	snop  }
0x3c: {  	p2 =	seq.s32 s10, $0x1;
	s10 =	sld [smem:$0x3FB1]  }
0x3d: {  	_ =	shalt  }
0x3e: {  	_ =	shalt  }
0x3f: {  	_ =	shalt  }
0x40: {  	_ =	shalt  }
0x41: {  	_ =	shalt  }
0x42: {  	_ =	shalt  }
0x43: {  	_ =	shalt  }
0x44: {  	_ =	shalt  }
0x45: {  	_ =	shalt  }
0x46: {  	_ =	shalt  }
0x47: {  	_ =	shalt  }
0x48: {  	_ =	shalt  }
0x49: {  	_ =	shalt  }
0x4a: {  	_ =	shalt  }
0x4b: {  	_ =	shalt  }
0x4c: {  	_ =	shalt  }
0x4d: {  	_ =	shalt  }
0x4e: {  	_ =	shalt  }
0x4f: {  	_ =	shalt  }
0x50: {  	_ =	shalt  }
0x51: {  	_ =	shalt  }
0x52: {  	_ =	shalt  }
0x53: {  	_ =	shalt  }
0x54: {  	_ =	shalt  }
0x55: {  	_ =	shalt  }
0x56: {  	_ =	shalt  }
0x57: {  	_ =	shalt  }
0x58: {  	_ =	shalt  }
0x59: {  	_ =	shalt  }
0x5a: {  	_ =	shalt  }
0x5b: {  	_ =	shalt  }
0x5c: {  	_ =	shalt  }
0x5d: {  	_ =	shalt  }
0x5e: {  	_ =	shalt  }
0x5f: {  	_ =	shalt  }
0x60: {  	_ =	shalt  }
0x61: {  	_ =	shalt  }
0x62: {  	_ =	shalt  }
0x63: {  	_ =	shalt  }
0x64: {  	_ =	shalt  }
0x65: {  	_ =	shalt  }
0x66: {  	_ =	shalt  }
0x67: {  	_ =	shalt  }
0x68: {  	_ =	shalt  }
0x69: {  	_ =	shalt  }
0x6a: {  	_ =	shalt  }
0x6b: {  	_ =	shalt  }
0x6c: {  	_ =	shalt  }
0x6d: {  	_ =	shalt  }
0x6e: {  	_ =	shalt  }
0x6f: {  	_ =	shalt  }
0x70: {  	_ =	shalt  }
0x71: {  	_ =	shalt  }
0x72: {  	_ =	shalt  }
0x73: {  	_ =	shalt  }
0x74: {  	_ =	shalt  }
0x75: {  	_ =	shalt  }
0x76: {  	_ =	shalt  }
0x77: {  	_ =	shalt  }
0x78: {  	_ =	shalt  }
0x79: {  	_ =	shalt  }
0x7a: {  	_ =	shalt  }
0x7b: {  	_ =	shalt  }
0x7c: {  	_ =	shalt  }
0x7d: {  	_ =	shalt  }
0x7e: {  	_ =	shalt  }
0x7f: {  	_ =	shalt  }
0x80: {  	_ =	shalt  }
0x81: {  	_ =	shalt  }
0x82: {  	_ =	shalt  }
0x83: {  	_ =	shalt  }
0x84: {  	_ =	shalt  }
0x85: {  	_ =	shalt  }
0x86: {  	_ =	shalt  }
0x87: {  	_ =	shalt  }
.Lfunc_end0:
.L_simem_size_0:
called_computation.1_lowered:
.L_overlay_start_0:
0x88: {  	s2 =	sld [smem:$0x3FD9]  }
0x89: {  	s3 =	sld [smem:$0x3FFE];
	_ =	sdelay $0x1  }
0x8a: {  	s1 =	srdreg.scid  }
0x8b: {  	s0 =	sand.u32 $0x1, s1  }
0x8c: {  	s16 =	sshll.u32 s0, $0xA;
	s2 =	sadd.s32 s3, s2  }
0x8d: {  	s2 =	sadd.s32 s2, s16  }
0x8e: {  	[smem:$0x3FBD] =	sst s2  }
0x8f: {  	_ = 	snop  }
0x90: {  	(tm) =	ssettm $0x1  }
0x91: {  	s17 =	sld [smem:$0x3FFB];
	_ =	sdelay $0x3  }
0x92: {  	_ =	strace s17  }
0x93: {  	s2 =	sld [smem:$0x3FFC];
	_ =	sdelay $0x3  }
0x94: {  	_ =	strace s2  }
0x95: {  	s2 =	sld [smem:$0x3FFD];
	_ =	sdelay $0x3  }
0x96: {  	_ =	strace s2  }
0x97: {  	_ =	strace $0x8FFFFFFF  }
0x98: {  	s18 =	sld [smem:$0x3FDB];
	_ =	sdelay $0x1  }
0x99: {  	s19 =	simm.s32 $_scs_section_size  }
0x9a: {  	s4 =	simm.s32 $_size__tile_overlayer_lowered;
	s5 =	simm.s32 $_tile_overlayer_lowered  }
0x9b: {  	s22 =	simm.s32 $0x1BFF;
	s21 =	sshll.u32 s5, $0x1;
	s2 =	sadd.s32 s19, s18  }
0x9c: {  	s6 =	simm.s32 $0x0;
	s20 =	sshll.u32 s4, $0x1;
	s4 =	sadd.s32 s21, s2  }
0x9d: {  	[timem:s6], [sflag:s22] =	dma.local [hbm:s4], s20  }
0x9e: {  	_ =	swait.ge [sflag:s22], s20  }
0x9f: {  	s3 =	ssub.s32 $0x0, s20;
	[sflag:s22] =	ssyncset.done $0x0  }
0xa0: {  	[sflag:s22] =	ssyncadd.s32 s3;
	_ =	sdelay $0x1  }
0xa1: {  	s23 =	simm.s32 $0x1B8B  }
0xa2: {  	_ =	swait.ge [sflag:s23], $0x1  }
0xa3: {  	[sflag:s23] =	ssyncset.done $0x0  }
0xa4: {  	s25 =	simm.s32 $0x1B8E;
	s24 =	sld [smem:$0x3FFE];
	[sflag:s23] =	ssyncadd.s32 $0xFFFFFFFF  }
0xa5: {  	s26 =	simm.s32 $execute0_lowered;
	[smem:$0x3FD2] =	sst s25  }
0xa6: {  	s4 =	sshll.u32 s26, $0x1;
	_ =	strace $0x80000049;
	[dreg:$0x1] =	wrdreg $0xFFFFFFFF  }
0xa7: {  	s28 =	simm.s32 $_size_execute0_lowered;
	s2 =	sadd.s32 s2, s4;
	[dreg:$0x0] =	wrdreg $0x0  }
0xa8: {  	s4 =	sshll.u32 s28, $0x1;
	[dreg:$0x2] =	wrdreg s2  }
0xa9: {  	[dreg:$0x3] =	wrdreg s4  }
0xaa: {  	[dreg:$0x4] =	wrdreg $0xC0  }
0xab: {  	_ =	task [dreg:s6], $0x5FFFF  }
0xac: {  	[dreg:$0x1] =	wrdreg $0xFFFFFFFF  }
0xad: {  	[dreg:$0x0] =	wrdreg $0x60  }
0xae: {  	[dreg:$0x2] =	wrdreg s24  }
0xaf: {  	[dreg:$0x3] =	wrdreg $0x82000  }
0xb0: {  	[dreg:$0x4] =	wrdreg $0x9  }
0xb1: {  	_ =	task.clear_ibuf [dreg:s6], $0x5FFFF;
	_ =	strace $0x90000049  }
0xb2: {  	s29 =	simm.s32 $0x9;
	_ =	strace $0x8000004B  }
0xb3: {  	_ =	swait.ge [sflag:s29], $0x1  }
0xb4: {  	[sflag:s29] =	ssyncadd.s32 $0xFFFFFFFF  }
0xb5: {  	_ =	strace $0x9000004B  }
0xb6: {  	_ =	sfence  }
0xb7: {  	s30 =	sld [smem:$0x0];
	_ =	sdelay $0x2  }
0xb8: {  	s31 =	sshll.u32 s1, $0xD;
	s1 =	sshrl.u32 s1, $0x2  }
0xb9: {  	s3 =	sand.u32 $0x4000, s31;
	s1 =	sadd.s32 s1, s30  }
0xba: {  	s0 =	sor.u32 s3, s0;
	s1 =	sshll.u32 s1, $0x11  }
0xbb: {  	s0 =	sor.u32 s1, s0  }
0xbc: {  	s0 =	sadd.s32 $0x8F2B, s0  }
0xbd: {  	[sflag:s0] =	ssyncadd.remote.s32 $0x1  }
0xbe: {  	_ =	sfence.sel $0xFFFF  }
0xbf: {  	[dreg:$0x0] =	wrdreg $0xFFFFFFFF;
	(pc) =	sbr.abs _section_cstart, $3  }
0xc0: {  	[dreg:$0x1] =	wrdreg $0xFFFFFFFF  }
0xc1: {  	_ =	task.clear_ibuf [dreg:s6], $0x2FFFF;
	_ =	strace $0x9FFFFFFF  }
0xc2: {  	(tm) =	ssettm $0x7FFFFFFF  }
0xc3: {  	_ =	shalt  }
tec
execute0_lowered:
.L_overlay_start_1:
0x0: {  	(tag) =	ssettag $0x1  }
0x1: {  	s7 =	rddreg [dreg:$0x0]  }
0x2: {  	s1 =	rddreg [dreg:$0x1]  }
0x3: {  	s0 =	rddreg [dreg:$0x2];
	s3 =	simm.s32 $0x0;
	s2 =	srdreg.scid  }
0x4: {  	s17 =	simm.s32 $0x80;
	s18 =	simm.s32 $0x200;
	s19 =	simm.s32 $0x100  }
0x5: {  	s20 =	simm.s32 $0x4200;
	s21 =	simm.s32 $0x1;
	s8 =	sand.u32 $0x1, s2  }
0x6: {  	s22 =	simm.s32 $0x3;
	s2 =	stileid.u32;
	s9 =	smul.u32 $0x13C000, s8  }
0x7: {  	s23 =	simm.s32 $0x2;
	[smem:$0x7FF] =	sst s3;
	s10 =	smul.u32 $0x13C00, s2  }
0x8: {  	s4 =	sadd.s32 $0x17000, s7;
	s5 =	sadd.s32 $0x3400, s7;
	s11 =	smul.u32 $0x4F000, s8  }
0x9: {  	s6 =	sadd.s32 $0x3E200, s7;
	_ =	strace $0x8000004A;
	s24 =	smul.u32 $0x4F00, s2  }
0xa: {  	s8 =	ssub.s32 $0x2, s8;
	s12 =	smul.u32 $0x4F000, s2;
	s29 =	sshll.u32 s2, $0x6  }
0xb: {  	s25 =	sshrl.u32 s8, $0x1;
	s9 =	sadd.s32 s10, s9;
	s14 =	sadd.s32 s24, s11  }
0xc: {  	s15 =	ssub.s32 s8, s25;
	s26 =	sshrl.u32 s12, $0x2;
	s8 =	sor.u32 $0x1C05, s29  }
0xd: {  	s24 =	simm.s32 $0x180;
	s25 =	simm.s32 $0x4;
	s9 =	sshrl.u32 s9, $0x3  }
0xe: {  	s28 =	sshrl.u32 s14, $0x3;
	s16 =	sadd.s32 s26, s1;
	s30 =	sadd.s32 $0x300, s14  }
0xf: {  	s12 =	smax.u32 s15, $0x1;
	s14 =	sadd.s32 $0x200, s14;
	s26 =	simm.s32 $0x0  }
0x10: {  	s13 =	sadd.s32 s9, s7;
	s7 =	sadd.s32 s5, s28;
	s31 =	sshrl.u32 s30, $0x3  }
0x11: {  	s15 =	sshrl.u32 s16, $0x3;
	s16 =	simm.s32 $0x5;
	s9 =	sadd.s32 $0x20, s7  }
0x12: {  	s10 =	sadd.s32 $0x9C0, s7;
	s11 =	sadd.s32 $0x40A00, s13;
	s13 =	sadd.s32 s31, s5  }
.LBB2_1:
0x13: {  	[spmem:s15], [sflag:s8] =	dma.local [hbm:s6], $0x2780  }
0x14: {  	_ =	swait.ge [sflag:s16], $0x2780  }
0x15: {  	[sflag:s16] =	ssyncset.done $0x0  }
0x16: {  	[sflag:s16] =	ssyncadd.s32 $0xFFFFD880  }
0x17: {  	[bflag:$0x0] =	sbarrier.arrive $0xFFFF  }
0x18: {  	[tilespmem:s3], [sflag:$0x5] =	stream.linear.gather [hbm4b:s7+s3], $0x100, $0x38;
	[tilespmem:$0x1BE00] =	vst v63  }
0x19: {  	_ =	swait.ge [sflag:s16], $0x100  }
0x1a: {  	[sflag:s16] =	ssyncset.done $0x0  }
0x1b: {  	[sflag:s16] =	ssyncadd.s32 $0xFFFFFF00  }
0x1c: {  	[tilespmem:s18], [sflag:$0x1] =	stream.indirect.gather [hbm4b:s4+s17], $0x80, s3, s17, $0xb8;
	[tilespmem:$0x1BE00] =	vst v63  }
0x1d: {  	_ = 	snop  }
0x1e: {  	[tilespmem:s19], [sflag:$0x5] =	stream.linear.gather [hbm4b:s9+s3], $0x100, $0x38;
	[tilespmem:$0x1BE00] =	vst v63  }
0x1f: {  	_ =	swait.ge [sflag:s16], $0x100  }
0x20: {  	[sflag:s16] =	ssyncset.done $0x0  }
0x21: {  	[sflag:s16] =	ssyncadd.s32 $0xFFFFFF00  }
0x22: {  	[tilespmem:s20], [sflag:$0x2] =	stream.indirect.gather [hbm4b:s4+s17], $0x80, s19, s17, $0xb8;
	[tilespmem:$0x1BE00] =	vst v63  }
0x23: {  	_ =	swait.ge [sflag:s21], $0x4000  }
0x24: {  	[sflag:s21] =	ssyncset.done $0x0  }
0x25: {  	s28 =	sshrl.u32 s14, $0x3;
	[sflag:s21] =	ssyncadd.s32 $0xFFFFC000  }
0x26: {  	[spmem:s1] =	stream.indirect.scatter.add.f32 [tilespmem:s18], [sflag:$0x3], $0x80, s17, s17, $0xb8;
	[tilespmem:$0x1BE00] =	vst v63  }
0x27: {  	s28 =	sadd.s32 s5, s28  }
0x28: {  	[tilespmem:s3], [sflag:$0x5] =	stream.linear.gather [hbm4b:s28+s3], $0x100, $0x38;
	[tilespmem:$0x1BE00] =	vst v63  }
0x29: {  	_ =	swait.ge [sflag:s16], $0x100  }
0x2a: {  	[sflag:s16] =	ssyncset.done $0x0  }
0x2b: {  	[sflag:s16] =	ssyncadd.s32 $0xFFFFFF00  }
0x2c: {  	_ =	swait.ge [sflag:s22], $0x4000  }
0x2d: {  	[sflag:s22] =	ssyncset.done $0x0  }
0x2e: {  	[sflag:s22] =	ssyncadd.s32 $0xFFFFC000  }
0x2f: {  	[tilespmem:s18], [sflag:$0x1] =	stream.indirect.gather [hbm4b:s4+s17], $0x80, s3, s17, $0xb8;
	[tilespmem:$0x1BE00] =	vst v63  }
0x30: {  	_ =	swait.ge [sflag:s23], $0x4000  }
0x31: {  	[sflag:s23] =	ssyncset.done $0x0  }
0x32: {  	[sflag:s23] =	ssyncadd.s32 $0xFFFFC000  }
0x33: {  	[spmem:s1] =	stream.indirect.scatter.add.f32 [tilespmem:s20], [sflag:$0x4], $0x80, s24, s17, $0xb8;
	[tilespmem:$0x1BE00] =	vst v63  }
0x34: {  	s28 =	sadd.s32 $0x0, s13  }
0x35: {  	[tilespmem:s19], [sflag:$0x5] =	stream.linear.gather [hbm4b:s28+s3], $0x100, $0x38;
	[tilespmem:$0x1BE00] =	vst v63  }
0x36: {  	_ =	swait.ge [sflag:s16], $0x100  }
0x37: {  	[sflag:s16] =	ssyncset.done $0x0  }
0x38: {  	[sflag:s16] =	ssyncadd.s32 $0xFFFFFF00  }
0x39: {  	_ =	swait.ge [sflag:s25], $0x4000  }
0x3a: {  	[sflag:s25] =	ssyncset.done $0x0  }
0x3b: {  	s29 =	sadd.s32 $0x200, s14;
	s28 =	simm.s32 $0x40;
	[sflag:s25] =	ssyncadd.s32 $0xFFFFC000  }
.LBB2_2:
0x3c: {  	[tilespmem:s20], [sflag:$0x2] =	stream.indirect.gather [hbm4b:s4+s17], $0x80, s19, s17, $0xb8;
	[tilespmem:$0x1BE00] =	vst v63  }
0x3d: {  	s30 =	smov.u32 s28  }
0x3e: {  	p0 =	sne.s32 s28, $0x940;
	s28 =	sadd.s32 $0x40, s28;
	_ =	swait.ge [sflag:s21], $0x4000  }
0x3f: {  	[sflag:s21] =	ssyncset.done $0x0  }
0x40: {  	s31 =	sshrl.u32 s29, $0x3;
	[sflag:s21] =	ssyncadd.s32 $0xFFFFC000  }
0x41: {  	[spmem:s1] =	stream.indirect.scatter.add.f32 [tilespmem:s18], [sflag:$0x3], $0x80, s17, s17, $0xb8;
	[tilespmem:$0x1BE00] =	vst v63  }
0x42: {  	s31 =	sadd.s32 s5, s31  }
0x43: {  	[tilespmem:s3], [sflag:$0x5] =	stream.linear.gather [hbm4b:s31+s3], $0x100, $0x38;
	[tilespmem:$0x1BE00] =	vst v63  }
0x44: {  	_ =	swait.ge [sflag:s16], $0x100  }
0x45: {  	[sflag:s16] =	ssyncset.done $0x0  }
0x46: {  	[sflag:s16] =	ssyncadd.s32 $0xFFFFFF00  }
0x47: {  	_ =	swait.ge [sflag:s22], $0x4000  }
0x48: {  	[sflag:s22] =	ssyncset.done $0x0  }
0x49: {  	[sflag:s22] =	ssyncadd.s32 $0xFFFFC000  }
0x4a: {  	[tilespmem:s18], [sflag:$0x1] =	stream.indirect.gather [hbm4b:s4+s17], $0x80, s3, s17, $0xb8;
	[tilespmem:$0x1BE00] =	vst v63  }
0x4b: {  	_ =	swait.ge [sflag:s23], $0x4000  }
0x4c: {  	[sflag:s23] =	ssyncset.done $0x0  }
0x4d: {  	[sflag:s23] =	ssyncadd.s32 $0xFFFFC000  }
0x4e: {  	[spmem:s1] =	stream.indirect.scatter.add.f32 [tilespmem:s20], [sflag:$0x4], $0x80, s24, s17, $0xb8;
	[tilespmem:$0x1BE00] =	vst v63  }
0x4f: {  	s30 =	sadd.s32 s30, s13  }
0x50: {  	[tilespmem:s19], [sflag:$0x5] =	stream.linear.gather [hbm4b:s30+s3], $0x100, $0x38;
	[tilespmem:$0x1BE00] =	vst v63  }
0x51: {  	_ =	swait.ge [sflag:s16], $0x100  }
.Ltmp0:
0x52: {  	[sflag:s16] =	ssyncset.done $0x0;
	(pc) =	sbr.rel @p0 .LBB2_2-.Ltmp0, $4  }
0x53: {  	[sflag:s16] =	ssyncadd.s32 $0xFFFFFF00  }
0x54: {  	_ =	swait.ge [sflag:s25], $0x4000  }
0x55: {  	[sflag:s25] =	ssyncset.done $0x0  }
0x56: {  	s29 =	sadd.s32 $0x200, s29;
	[sflag:s25] =	ssyncadd.s32 $0xFFFFC000  }
0x57: {  	[tilespmem:s20], [sflag:$0x2] =	stream.indirect.gather [hbm4b:s4+s17], $0x80, s19, s17, $0xb8;
	[tilespmem:$0x1BE00] =	vst v63  }
0x58: {  	_ =	swait.ge [sflag:s21], $0x4000  }
0x59: {  	[sflag:s21] =	ssyncset.done $0x0  }
0x5a: {  	[sflag:s21] =	ssyncadd.s32 $0xFFFFC000  }
0x5b: {  	[spmem:s1] =	stream.indirect.scatter.add.f32 [tilespmem:s18], [sflag:$0x5], $0x80, s17, s17, $0xb8;
	[tilespmem:$0x1BE00] =	vst v63  }
0x5c: {  	_ =	swait.ge [sflag:s16], $0x4000  }
0x5d: {  	[sflag:s16] =	ssyncset.done $0x0  }
0x5e: {  	[sflag:s16] =	ssyncadd.s32 $0xFFFFC000  }
0x5f: {  	[tilespmem:s3], [sflag:$0x5] =	stream.linear.gather [hbm4b:s10+s3], $0x100, $0x38;
	[tilespmem:$0x1BE00] =	vst v63  }
0x60: {  	_ =	swait.ge [sflag:s16], $0x100  }
0x61: {  	[sflag:s16] =	ssyncset.done $0x0  }
0x62: {  	[sflag:s16] =	ssyncadd.s32 $0xFFFFFF00  }
0x63: {  	[tilespmem:s18], [sflag:$0x1] =	stream.indirect.gather [hbm4b:s4+s17], $0x80, s3, s17, $0xb8;
	[tilespmem:$0x1BE00] =	vst v63  }
0x64: {  	_ =	swait.ge [sflag:s23], $0x4000  }
0x65: {  	[sflag:s23] =	ssyncset.done $0x0  }
0x66: {  	[sflag:s23] =	ssyncadd.s32 $0xFFFFC000  }
0x67: {  	[spmem:s1] =	stream.indirect.scatter.add.f32 [tilespmem:s20], [sflag:$0x5], $0x80, s24, s17, $0xb8;
	[tilespmem:$0x1BE00] =	vst v63  }
0x68: {  	_ =	swait.ge [sflag:s16], $0x4000  }
0x69: {  	[sflag:s16] =	ssyncset.done $0x0  }
0x6a: {  	[sflag:s16] =	ssyncadd.s32 $0xFFFFC000  }
0x6b: {  	_ =	swait.ge [sflag:s21], $0x4000  }
0x6c: {  	[sflag:s21] =	ssyncset.done $0x0  }
0x6d: {  	[sflag:s21] =	ssyncadd.s32 $0xFFFFC000  }
0x6e: {  	[spmem:s1] =	stream.indirect.scatter.add.f32 [tilespmem:s18], [sflag:$0x5], $0x80, s17, s17, $0xb8;
	[tilespmem:$0x1BE00] =	vst v63  }
0x6f: {  	_ =	swait.ge [sflag:s16], $0x4000  }
0x70: {  	s26 =	sadd.s32 $0x1, s26;
	[sflag:s16] =	ssyncset.done $0x0  }
0x71: {  	p0 =	sne.s32 s26, s12;
	[sflag:s16] =	ssyncadd.s32 $0xFFFFC000  }
.Ltmp1:
0x72: {  	[bflag:$0x0] =	sbarrier.arrive $0xFFFF;
	(pc) =	sbr.rel @p0 .LBB2_1-.Ltmp1, $4  }
0x73: {  	[hbm:s11], [sflag:s8] =	dma.local [spmem:s15], $0x2780  }
0x74: {  	_ =	swait.ge [sflag:s16], $0x2780  }
0x75: {  	[sflag:s16] =	ssyncset.done $0x0  }
0x76: {  	[sflag:s16] =	ssyncadd.s32 $0xFFFFD880  }
0x77: {  	_ =	sfence.sel $0x180000  }
0x78: {  	[bflag:$0x0] =	sbarrier.arrive $0xFFFF  }
0x79: {  	p0 =	sne.s32 s2, $0x0;
	_ =	strace $0x9000004A  }
0x7a: {  	s0 =	sadd.s32 @!p0 $0x100000, s0;
	[bflag:$0x2] =	sbarrier.arrive $0xFFFF  }
0x7b: {  	[sflag:s0] =	ssyncadd.tile.s32 @!p0 $0x1;
	_ =	shalt  }
.Lfunc_end2:
_tile_overlayer_lowered:
.L_overlay_start_2:
0x7c: {  	(tag) =	ssettag $0x2  }
0x7d: {  	s0 =	rddreg [dreg:$0x0];
	s2 =	stileid.u32  }
0x7e: {  	s1 =	rddreg [dreg:$0x1];
	p0 =	sne.s32 s2, $0x0  }
0x7f: {  	s3 =	rddreg [dreg:$0x2];
	[bflag:$0x3] =	sbarrier.arrive $0xFFFF;
	s2 =	simm.s32 @!p0 $0x1C05  }
0x80: {  	[timem:s3], [sflag:s2] =	dma.local @!p0 [hbm:s0], s1  }
0x81: {  	s0 =	simm.s32 @!p0 $0x5  }
0x82: {  	_ =	swait.ge @!p0 [sflag:s0], s1  }
0x83: {  	s1 =	ssub.s32 @!p0 $0x0, s1;
	[sflag:s0] =	ssyncset.done @!p0 $0x0  }
0x84: {  	[sflag:s0] =	ssyncadd.s32 @!p0 s1  }
0x85: {  	[bflag:$0x3] =	sbarrier.arrive $0xFFFF  }
0x86: {  	_ =	shalt  }

// kernel: kernel.18.cloned.1.call-start
scs
__scs_entry_jumppad:
0x0: {  	(pc) =	sbr.rel $0x88, $3  }
0x1: {  	(tag) =	ssettag $0x0;
	lr =	simm.s32 $0x1  }
0x2: {  	[smem:$0x3F96] =	sst lr;
	_ =	strace $0xD0000000  }
0x3: {  	_ = 	snop  }
0x4: {  	_ = 	snop  }
0x5: {  	_ = 	snop  }
0x6: {  	_ = 	snop  }
0x7: {  	_ = 	snop  }
__scs_overlays_trampoline_lowered:
0x8: {  	[smem:$0x3FA5] =	sst s0  }
0x9: {  	[smem:$0x3FA6] =	sst s1  }
0xa: {  	[smem:$0x3FA7] =	sst s2  }
0xb: {  	[smem:$0x3FA8] =	sst s3  }
0xc: {  	[smem:$0x3FA9] =	sst s4  }
0xd: {  	[smem:$0x3FAA] =	sst s5  }
0xe: {  	[smem:$0x3FAB] =	sst s6  }
0xf: {  	[smem:$0x3FAC] =	sst s7  }
0x10: {  	[smem:$0x3FAD] =	sst s8  }
0x11: {  	[smem:$0x3FAE] =	sst s9;
	s0 =	simm.s32 @!p0 $0x0  }
0x12: {  	s1 =	sld [smem:$0x3F94];
	s0 =	simm.s32 @p0 $0x1  }
0x13: {  	[smem:$0x3FAF] =	sst s0;
	s0 =	simm.s32 @!p1 $0x0  }
0x14: {  	s2 =	sld [smem:$0x3F93];
	s0 =	simm.s32 @p1 $0x1  }
0x15: {  	[smem:$0x3FB0] =	sst s0;
	s0 =	simm.s32 @!p2 $0x0  }
0x16: {  	s3 =	sld [smem:$0x3FDB];
	s0 =	simm.s32 @p2 $0x1  }
0x17: {  	s4 =	simm.s32 $0x1BF5;
	[smem:$0x3FB2] =	sst s0  }
0x18: {  	s0 =	sld [smem:$0x3F95];
	_ =	swait.ge [sflag:s4], $0x0  }
0x19: {  	s7 =	sld [smem:$0x3F96]  }
0x1a: {  	s8 =	sadd.s32 $0xFFFFE003, lr  }
0x1b: {  	s9 =	sadd.s32 $0xFFFFFEF7, lr;
	s5 =	simm.s32 $0xFFFFFFFF;
	p2 =	slt.u32 s8, $0xFFFFF086  }
0x1c: {  	p1 =	slt.u32 s9, $0xF7A;
	s5 =	simm.s32 @!p2 $0x0  }
0x1d: {  	s5 =	simm.s32 @p1 $0x1;
	p0 =	seq.s32 s7, s2  }
0x1e: {  	s7 =	smul.u32 @!p0 $0xF7A, s2;
	p2 =	seq.s32 @!p0 s5, $0x0  }
0x1f: {  	s9 =	smul.u32 $0xF7A, s1;
	s8 =	simm.s32 @!p0 $0x1BF5;
	p2 =	por !p2, p0  }
0x20: {  	[sflag:s8] =	ssyncset.s32 @!p0 $0xFFFFF086;
	s6 =	sadd.s32 @!p0 s3, s7;
	s7 =	simm.s32 @!p0 $0x108  }
0x21: {  	s3 =	sadd.s32 s3, s9;
	s6 =	sadd.s32 @!p0 $0x88, s6;
	s7 =	simm.s32 @p2 $0x1082  }
0x22: {  	[simem:s7], [sflag:s8] =	dma.local @!p0 [hbm:s6], $0xF7A  }
0x23: {  	s9 =	sor.u32 $0xD0000000, s2;
	s6 =	simm.s32 $0x108;
	_ =	swait.ge @!p0 [sflag:s8], $0x0  }
0x24: {  	s3 =	sadd.s32 $0x88, s3;
	s6 =	simm.s32 @!p1 $0x1082;
	[sflag:s4] =	ssyncset.s32 $0xFFFFF086  }
0x25: {  	[simem:s6], [sflag:s4] =	dma.local [hbm:s3], $0xF7A  }
0x26: {  	[smem:$0x3F96] =	sst s1;
	(tag) =	ssettag s2;
	_ =	strace s9  }
0x27: {  	s1 =	sld [smem:$0x3FA6]  }
0x28: {  	s2 =	sld [smem:$0x3FA7]  }
0x29: {  	s4 =	sld [smem:$0x3FA9]  }
0x2a: {  	p0 =	seq.s32 s5, $0x0;
	s5 =	sld [smem:$0x3FAA]  }
0x2b: {  	s6 =	sld [smem:$0x3FAB]  }
0x2c: {  	s7 =	sld [smem:$0x3FAC]  }
0x2d: {  	s3 =	simm.s32 $0x108;
	s8 =	sld [smem:$0x3FAD]  }
0x2e: {  	s3 =	simm.s32 @!p0 $0x1082;
	s9 =	sld [smem:$0x3FAE]  }
0x2f: {  	lr =	sadd.s32 s0, s3;
	s0 =	sld [smem:$0x3FA5]  }
0x30: {  	s3 =	sld [smem:$0x3FA8]  }
0x31: {  	[smem:$0x3FB1] =	sst s10  }
0x32: {  	s10 =	sld [smem:$0x3FAF];
	_ =	sdelay $0x3  }
0x33: {  	p0 =	seq.s32 s10, $0x1;
	s10 =	sld [smem:$0x3FB1];
	_ =	sdelay $0x3  }
0x34: {  	[smem:$0x3FB1] =	sst s10  }
0x35: {  	s10 =	sld [smem:$0x3FB0];
	_ =	sdelay $0x3  }
0x36: {  	p1 =	seq.s32 s10, $0x1;
	s10 =	sld [smem:$0x3FB1];
	_ =	sdelay $0x3  }
0x37: {  	[smem:$0x3FB1] =	sst s10  }
0x38: {  	s10 =	sld [smem:$0x3FB2]  }
0x39: {  	_ = 	snop;
	(pc) =	sbr.ind lr, $3  }
0x3a: {  	_ = 	snop  }
0x3b: {  	_ = 	snop  }
0x3c: {  	p2 =	seq.s32 s10, $0x1;
	s10 =	sld [smem:$0x3FB1]  }
0x3d: {  	_ =	shalt  }
0x3e: {  	_ =	shalt  }
0x3f: {  	_ =	shalt  }
0x40: {  	_ =	shalt  }
0x41: {  	_ =	shalt  }
0x42: {  	_ =	shalt  }
0x43: {  	_ =	shalt  }
0x44: {  	_ =	shalt  }
0x45: {  	_ =	shalt  }
0x46: {  	_ =	shalt  }
0x47: {  	_ =	shalt  }
0x48: {  	_ =	shalt  }
0x49: {  	_ =	shalt  }
0x4a: {  	_ =	shalt  }
0x4b: {  	_ =	shalt  }
0x4c: {  	_ =	shalt  }
0x4d: {  	_ =	shalt  }
0x4e: {  	_ =	shalt  }
0x4f: {  	_ =	shalt  }
0x50: {  	_ =	shalt  }
0x51: {  	_ =	shalt  }
0x52: {  	_ =	shalt  }
0x53: {  	_ =	shalt  }
0x54: {  	_ =	shalt  }
0x55: {  	_ =	shalt  }
0x56: {  	_ =	shalt  }
0x57: {  	_ =	shalt  }
0x58: {  	_ =	shalt  }
0x59: {  	_ =	shalt  }
0x5a: {  	_ =	shalt  }
0x5b: {  	_ =	shalt  }
0x5c: {  	_ =	shalt  }
0x5d: {  	_ =	shalt  }
0x5e: {  	_ =	shalt  }
0x5f: {  	_ =	shalt  }
0x60: {  	_ =	shalt  }
0x61: {  	_ =	shalt  }
0x62: {  	_ =	shalt  }
0x63: {  	_ =	shalt  }
0x64: {  	_ =	shalt  }
0x65: {  	_ =	shalt  }
0x66: {  	_ =	shalt  }
0x67: {  	_ =	shalt  }
0x68: {  	_ =	shalt  }
0x69: {  	_ =	shalt  }
0x6a: {  	_ =	shalt  }
0x6b: {  	_ =	shalt  }
0x6c: {  	_ =	shalt  }
0x6d: {  	_ =	shalt  }
0x6e: {  	_ =	shalt  }
0x6f: {  	_ =	shalt  }
0x70: {  	_ =	shalt  }
0x71: {  	_ =	shalt  }
0x72: {  	_ =	shalt  }
0x73: {  	_ =	shalt  }
0x74: {  	_ =	shalt  }
0x75: {  	_ =	shalt  }
0x76: {  	_ =	shalt  }
0x77: {  	_ =	shalt  }
0x78: {  	_ =	shalt  }
0x79: {  	_ =	shalt  }
0x7a: {  	_ =	shalt  }
0x7b: {  	_ =	shalt  }
0x7c: {  	_ =	shalt  }
0x7d: {  	_ =	shalt  }
0x7e: {  	_ =	shalt  }
0x7f: {  	_ =	shalt  }
0x80: {  	_ =	shalt  }
0x81: {  	_ =	shalt  }
0x82: {  	_ =	shalt  }
0x83: {  	_ =	shalt  }
0x84: {  	_ =	shalt  }
0x85: {  	_ =	shalt  }
0x86: {  	_ =	shalt  }
0x87: {  	_ =	shalt  }
.Lfunc_end0:
.L_simem_size_0:
called_computation.2_lowered:
.L_overlay_start_0:
0x88: {  	s2 =	sld [smem:$0x3FD9]  }
0x89: {  	s3 =	sld [smem:$0x3FFE];
	_ =	sdelay $0x1  }
0x8a: {  	s1 =	srdreg.scid  }
0x8b: {  	s0 =	sand.u32 $0x1, s1  }
0x8c: {  	s16 =	sshll.u32 s0, $0xA;
	s2 =	sadd.s32 s3, s2  }
0x8d: {  	s2 =	sadd.s32 s2, s16  }
0x8e: {  	[smem:$0x3FBD] =	sst s2  }
0x8f: {  	_ = 	snop  }
0x90: {  	(tm) =	ssettm $0x1  }
0x91: {  	s17 =	sld [smem:$0x3FFB];
	_ =	sdelay $0x3  }
0x92: {  	_ =	strace s17  }
0x93: {  	s2 =	sld [smem:$0x3FFC];
	_ =	sdelay $0x3  }
0x94: {  	_ =	strace s2  }
0x95: {  	s2 =	sld [smem:$0x3FFD];
	_ =	sdelay $0x3  }
0x96: {  	_ =	strace s2  }
0x97: {  	_ =	strace $0x8FFFFFFF  }
0x98: {  	s18 =	sld [smem:$0x3FDB];
	_ =	sdelay $0x1  }
0x99: {  	s19 =	simm.s32 $_scs_section_size  }
0x9a: {  	s4 =	simm.s32 $_size__tile_overlayer_lowered;
	s5 =	simm.s32 $_tile_overlayer_lowered  }
0x9b: {  	s22 =	simm.s32 $0x1BFF;
	s21 =	sshll.u32 s5, $0x1;
	s2 =	sadd.s32 s19, s18  }
0x9c: {  	s6 =	simm.s32 $0x0;
	s20 =	sshll.u32 s4, $0x1;
	s4 =	sadd.s32 s21, s2  }
0x9d: {  	[timem:s6], [sflag:s22] =	dma.local [hbm:s4], s20  }
0x9e: {  	_ =	swait.ge [sflag:s22], s20  }
0x9f: {  	s3 =	ssub.s32 $0x0, s20;
	[sflag:s22] =	ssyncset.done $0x0  }
0xa0: {  	[sflag:s22] =	ssyncadd.s32 s3;
	_ =	sdelay $0x1  }
0xa1: {  	s23 =	simm.s32 $0x1B8B  }
0xa2: {  	_ =	swait.ge [sflag:s23], $0x1  }
0xa3: {  	[sflag:s23] =	ssyncset.done $0x0  }
0xa4: {  	s25 =	simm.s32 $0x1B8E;
	s24 =	sld [smem:$0x3FFE];
	[sflag:s23] =	ssyncadd.s32 $0xFFFFFFFF  }
0xa5: {  	s26 =	simm.s32 $execute0_lowered;
	[smem:$0x3FD2] =	sst s25  }
0xa6: {  	s4 =	sshll.u32 s26, $0x1;
	_ =	strace $0x8000004C;
	[dreg:$0x1] =	wrdreg $0xFFFFFFFF  }
0xa7: {  	s28 =	simm.s32 $_size_execute0_lowered;
	s2 =	sadd.s32 s2, s4;
	[dreg:$0x0] =	wrdreg $0x0  }
0xa8: {  	s4 =	sshll.u32 s28, $0x1;
	[dreg:$0x2] =	wrdreg s2  }
0xa9: {  	[dreg:$0x3] =	wrdreg s4  }
0xaa: {  	[dreg:$0x4] =	wrdreg $0xC0  }
0xab: {  	_ =	task [dreg:s6], $0x5FFFF  }
0xac: {  	[dreg:$0x1] =	wrdreg $0xFFFFFFFF  }
0xad: {  	[dreg:$0x0] =	wrdreg $0x60  }
0xae: {  	[dreg:$0x2] =	wrdreg s24  }
0xaf: {  	[dreg:$0x3] =	wrdreg $0x82000  }
0xb0: {  	[dreg:$0x4] =	wrdreg $0x9  }
0xb1: {  	_ =	task.clear_ibuf [dreg:s6], $0x5FFFF;
	_ =	strace $0x9000004C  }
0xb2: {  	s29 =	simm.s32 $0x9;
	_ =	strace $0x8000004E  }
0xb3: {  	_ =	swait.ge [sflag:s29], $0x1  }
0xb4: {  	[sflag:s29] =	ssyncadd.s32 $0xFFFFFFFF  }
0xb5: {  	_ =	strace $0x9000004E  }
0xb6: {  	_ =	sfence  }
0xb7: {  	s30 =	sld [smem:$0x0];
	_ =	sdelay $0x2  }
0xb8: {  	s31 =	sshll.u32 s1, $0xD;
	s1 =	sshrl.u32 s1, $0x2  }
0xb9: {  	s3 =	sand.u32 $0x4000, s31;
	s1 =	sadd.s32 s1, s30  }
0xba: {  	s0 =	sor.u32 s3, s0;
	s1 =	sshll.u32 s1, $0x11  }
0xbb: {  	s0 =	sor.u32 s1, s0  }
0xbc: {  	s0 =	sadd.s32 $0x8F2B, s0  }
0xbd: {  	[sflag:s0] =	ssyncadd.remote.s32 $0x1  }
0xbe: {  	_ =	sfence.sel $0xFFFF  }
0xbf: {  	[dreg:$0x0] =	wrdreg $0xFFFFFFFF;
	(pc) =	sbr.abs _section_cstart, $3  }
0xc0: {  	[dreg:$0x1] =	wrdreg $0xFFFFFFFF  }
0xc1: {  	_ =	task.clear_ibuf [dreg:s6], $0x2FFFF;
	_ =	strace $0x9FFFFFFF  }
0xc2: {  	(tm) =	ssettm $0x7FFFFFFF  }
0xc3: {  	_ =	shalt  }
tec
execute0_lowered:
.L_overlay_start_1:
0x0: {  	(tag) =	ssettag $0x1  }
0x1: {  	s7 =	rddreg [dreg:$0x0]  }
0x2: {  	s1 =	rddreg [dreg:$0x1]  }
0x3: {  	s0 =	rddreg [dreg:$0x2];
	s3 =	simm.s32 $0x0;
	s2 =	srdreg.scid  }
0x4: {  	s17 =	simm.s32 $0x80;
	s18 =	simm.s32 $0x200;
	s19 =	simm.s32 $0x100  }
0x5: {  	s20 =	simm.s32 $0x4200;
	s21 =	simm.s32 $0x1;
	s8 =	sand.u32 $0x1, s2  }
0x6: {  	s22 =	simm.s32 $0x3;
	s2 =	stileid.u32;
	s9 =	smul.u32 $0x13C000, s8  }
0x7: {  	s23 =	simm.s32 $0x2;
	[smem:$0x7FF] =	sst s3;
	s10 =	smul.u32 $0x13C00, s2  }
0x8: {  	s4 =	sadd.s32 $0x17000, s7;
	s5 =	sadd.s32 $0x3400, s7;
	s11 =	smul.u32 $0x4F000, s8  }
0x9: {  	s6 =	sadd.s32 $0x3E200, s7;
	_ =	strace $0x8000004D;
	s24 =	smul.u32 $0x4F00, s2  }
0xa: {  	s8 =	ssub.s32 $0x2, s8;
	s12 =	smul.u32 $0x4F000, s2;
	s29 =	sshll.u32 s2, $0x6  }
0xb: {  	s25 =	sshrl.u32 s8, $0x1;
	s9 =	sadd.s32 s10, s9;
	s14 =	sadd.s32 s24, s11  }
0xc: {  	s15 =	ssub.s32 s8, s25;
	s26 =	sshrl.u32 s12, $0x2;
	s8 =	sor.u32 $0x1C05, s29  }
0xd: {  	s24 =	simm.s32 $0x180;
	s25 =	simm.s32 $0x4;
	s9 =	sshrl.u32 s9, $0x3  }
0xe: {  	s28 =	sshrl.u32 s14, $0x3;
	s16 =	sadd.s32 s26, s1;
	s30 =	sadd.s32 $0x300, s14  }
0xf: {  	s12 =	smax.u32 s15, $0x1;
	s14 =	sadd.s32 $0x200, s14;
	s26 =	simm.s32 $0x0  }
0x10: {  	s13 =	sadd.s32 s9, s7;
	s7 =	sadd.s32 s5, s28;
	s31 =	sshrl.u32 s30, $0x3  }
0x11: {  	s15 =	sshrl.u32 s16, $0x3;
	s16 =	simm.s32 $0x5;
	s9 =	sadd.s32 $0x20, s7  }
0x12: {  	s10 =	sadd.s32 $0x9C0, s7;
	s11 =	sadd.s32 $0x40A00, s13;
	s13 =	sadd.s32 s31, s5  }
.LBB2_1:
0x13: {  	[spmem:s15], [sflag:s8] =	dma.local [hbm:s6], $0x2780  }
0x14: {  	_ =	swait.ge [sflag:s16], $0x2780  }
0x15: {  	[sflag:s16] =	ssyncset.done $0x0  }
0x16: {  	[sflag:s16] =	ssyncadd.s32 $0xFFFFD880  }
0x17: {  	[bflag:$0x0] =	sbarrier.arrive $0xFFFF  }
0x18: {  	[tilespmem:s3], [sflag:$0x5] =	stream.linear.gather [hbm4b:s7+s3], $0x100, $0x38;
	[tilespmem:$0x1BE00] =	vst v63  }
0x19: {  	_ =	swait.ge [sflag:s16], $0x100  }
0x1a: {  	[sflag:s16] =	ssyncset.done $0x0  }
0x1b: {  	[sflag:s16] =	ssyncadd.s32 $0xFFFFFF00  }
0x1c: {  	[tilespmem:s18], [sflag:$0x1] =	stream.indirect.gather [hbm4b:s4+s17], $0x80, s3, s17, $0xb8;
	[tilespmem:$0x1BE00] =	vst v63  }
0x1d: {  	_ = 	snop  }
0x1e: {  	[tilespmem:s19], [sflag:$0x5] =	stream.linear.gather [hbm4b:s9+s3], $0x100, $0x38;
	[tilespmem:$0x1BE00] =	vst v63  }
0x1f: {  	_ =	swait.ge [sflag:s16], $0x100  }
0x20: {  	[sflag:s16] =	ssyncset.done $0x0  }
0x21: {  	[sflag:s16] =	ssyncadd.s32 $0xFFFFFF00  }
0x22: {  	[tilespmem:s20], [sflag:$0x2] =	stream.indirect.gather [hbm4b:s4+s17], $0x80, s19, s17, $0xb8;
	[tilespmem:$0x1BE00] =	vst v63  }
0x23: {  	_ =	swait.ge [sflag:s21], $0x4000  }
0x24: {  	[sflag:s21] =	ssyncset.done $0x0  }
0x25: {  	s28 =	sshrl.u32 s14, $0x3;
	[sflag:s21] =	ssyncadd.s32 $0xFFFFC000  }
0x26: {  	[spmem:s1] =	stream.indirect.scatter.add.f32 [tilespmem:s18], [sflag:$0x3], $0x80, s17, s17, $0xb8;
	[tilespmem:$0x1BE00] =	vst v63  }
0x27: {  	s28 =	sadd.s32 s5, s28  }
0x28: {  	[tilespmem:s3], [sflag:$0x5] =	stream.linear.gather [hbm4b:s28+s3], $0x100, $0x38;
	[tilespmem:$0x1BE00] =	vst v63  }
0x29: {  	_ =	swait.ge [sflag:s16], $0x100  }
0x2a: {  	[sflag:s16] =	ssyncset.done $0x0  }
0x2b: {  	[sflag:s16] =	ssyncadd.s32 $0xFFFFFF00  }
0x2c: {  	_ =	swait.ge [sflag:s22], $0x4000  }
0x2d: {  	[sflag:s22] =	ssyncset.done $0x0  }
0x2e: {  	[sflag:s22] =	ssyncadd.s32 $0xFFFFC000  }
0x2f: {  	[tilespmem:s18], [sflag:$0x1] =	stream.indirect.gather [hbm4b:s4+s17], $0x80, s3, s17, $0xb8;
	[tilespmem:$0x1BE00] =	vst v63  }
0x30: {  	_ =	swait.ge [sflag:s23], $0x4000  }
0x31: {  	[sflag:s23] =	ssyncset.done $0x0  }
0x32: {  	[sflag:s23] =	ssyncadd.s32 $0xFFFFC000  }
0x33: {  	[spmem:s1] =	stream.indirect.scatter.add.f32 [tilespmem:s20], [sflag:$0x4], $0x80, s24, s17, $0xb8;
	[tilespmem:$0x1BE00] =	vst v63  }
0x34: {  	s28 =	sadd.s32 $0x0, s13  }
0x35: {  	[tilespmem:s19], [sflag:$0x5] =	stream.linear.gather [hbm4b:s28+s3], $0x100, $0x38;
	[tilespmem:$0x1BE00] =	vst v63  }
0x36: {  	_ =	swait.ge [sflag:s16], $0x100  }
0x37: {  	[sflag:s16] =	ssyncset.done $0x0  }
0x38: {  	[sflag:s16] =	ssyncadd.s32 $0xFFFFFF00  }
0x39: {  	_ =	swait.ge [sflag:s25], $0x4000  }
0x3a: {  	[sflag:s25] =	ssyncset.done $0x0  }
0x3b: {  	s29 =	sadd.s32 $0x200, s14;
	s28 =	simm.s32 $0x40;
	[sflag:s25] =	ssyncadd.s32 $0xFFFFC000  }
.LBB2_2:
0x3c: {  	[tilespmem:s20], [sflag:$0x2] =	stream.indirect.gather [hbm4b:s4+s17], $0x80, s19, s17, $0xb8;
	[tilespmem:$0x1BE00] =	vst v63  }
0x3d: {  	s30 =	smov.u32 s28  }
0x3e: {  	p0 =	sne.s32 s28, $0x940;
	s28 =	sadd.s32 $0x40, s28;
	_ =	swait.ge [sflag:s21], $0x4000  }
0x3f: {  	[sflag:s21] =	ssyncset.done $0x0  }
0x40: {  	s31 =	sshrl.u32 s29, $0x3;
	[sflag:s21] =	ssyncadd.s32 $0xFFFFC000  }
0x41: {  	[spmem:s1] =	stream.indirect.scatter.add.f32 [tilespmem:s18], [sflag:$0x3], $0x80, s17, s17, $0xb8;
	[tilespmem:$0x1BE00] =	vst v63  }
0x42: {  	s31 =	sadd.s32 s5, s31  }
0x43: {  	[tilespmem:s3], [sflag:$0x5] =	stream.linear.gather [hbm4b:s31+s3], $0x100, $0x38;
	[tilespmem:$0x1BE00] =	vst v63  }
0x44: {  	_ =	swait.ge [sflag:s16], $0x100  }
0x45: {  	[sflag:s16] =	ssyncset.done $0x0  }
0x46: {  	[sflag:s16] =	ssyncadd.s32 $0xFFFFFF00  }
0x47: {  	_ =	swait.ge [sflag:s22], $0x4000  }
0x48: {  	[sflag:s22] =	ssyncset.done $0x0  }
0x49: {  	[sflag:s22] =	ssyncadd.s32 $0xFFFFC000  }
0x4a: {  	[tilespmem:s18], [sflag:$0x1] =	stream.indirect.gather [hbm4b:s4+s17], $0x80, s3, s17, $0xb8;
	[tilespmem:$0x1BE00] =	vst v63  }
0x4b: {  	_ =	swait.ge [sflag:s23], $0x4000  }
0x4c: {  	[sflag:s23] =	ssyncset.done $0x0  }
0x4d: {  	[sflag:s23] =	ssyncadd.s32 $0xFFFFC000  }
0x4e: {  	[spmem:s1] =	stream.indirect.scatter.add.f32 [tilespmem:s20], [sflag:$0x4], $0x80, s24, s17, $0xb8;
	[tilespmem:$0x1BE00] =	vst v63  }
0x4f: {  	s30 =	sadd.s32 s30, s13  }
0x50: {  	[tilespmem:s19], [sflag:$0x5] =	stream.linear.gather [hbm4b:s30+s3], $0x100, $0x38;
	[tilespmem:$0x1BE00] =	vst v63  }
0x51: {  	_ =	swait.ge [sflag:s16], $0x100  }
.Ltmp0:
0x52: {  	[sflag:s16] =	ssyncset.done $0x0;
	(pc) =	sbr.rel @p0 .LBB2_2-.Ltmp0, $4  }
0x53: {  	[sflag:s16] =	ssyncadd.s32 $0xFFFFFF00  }
0x54: {  	_ =	swait.ge [sflag:s25], $0x4000  }
0x55: {  	[sflag:s25] =	ssyncset.done $0x0  }
0x56: {  	s29 =	sadd.s32 $0x200, s29;
	[sflag:s25] =	ssyncadd.s32 $0xFFFFC000  }
0x57: {  	[tilespmem:s20], [sflag:$0x2] =	stream.indirect.gather [hbm4b:s4+s17], $0x80, s19, s17, $0xb8;
	[tilespmem:$0x1BE00] =	vst v63  }
0x58: {  	_ =	swait.ge [sflag:s21], $0x4000  }
0x59: {  	[sflag:s21] =	ssyncset.done $0x0  }
0x5a: {  	[sflag:s21] =	ssyncadd.s32 $0xFFFFC000  }
0x5b: {  	[spmem:s1] =	stream.indirect.scatter.add.f32 [tilespmem:s18], [sflag:$0x5], $0x80, s17, s17, $0xb8;
	[tilespmem:$0x1BE00] =	vst v63  }
0x5c: {  	_ =	swait.ge [sflag:s16], $0x4000  }
0x5d: {  	[sflag:s16] =	ssyncset.done $0x0  }
0x5e: {  	[sflag:s16] =	ssyncadd.s32 $0xFFFFC000  }
0x5f: {  	[tilespmem:s3], [sflag:$0x5] =	stream.linear.gather [hbm4b:s10+s3], $0x100, $0x38;
	[tilespmem:$0x1BE00] =	vst v63  }
0x60: {  	_ =	swait.ge [sflag:s16], $0x100  }
0x61: {  	[sflag:s16] =	ssyncset.done $0x0  }
0x62: {  	[sflag:s16] =	ssyncadd.s32 $0xFFFFFF00  }
0x63: {  	[tilespmem:s18], [sflag:$0x1] =	stream.indirect.gather [hbm4b:s4+s17], $0x80, s3, s17, $0xb8;
	[tilespmem:$0x1BE00] =	vst v63  }
0x64: {  	_ =	swait.ge [sflag:s23], $0x4000  }
0x65: {  	[sflag:s23] =	ssyncset.done $0x0  }
0x66: {  	[sflag:s23] =	ssyncadd.s32 $0xFFFFC000  }
0x67: {  	[spmem:s1] =	stream.indirect.scatter.add.f32 [tilespmem:s20], [sflag:$0x5], $0x80, s24, s17, $0xb8;
	[tilespmem:$0x1BE00] =	vst v63  }
0x68: {  	_ =	swait.ge [sflag:s16], $0x4000  }
0x69: {  	[sflag:s16] =	ssyncset.done $0x0  }
0x6a: {  	[sflag:s16] =	ssyncadd.s32 $0xFFFFC000  }
0x6b: {  	_ =	swait.ge [sflag:s21], $0x4000  }
0x6c: {  	[sflag:s21] =	ssyncset.done $0x0  }
0x6d: {  	[sflag:s21] =	ssyncadd.s32 $0xFFFFC000  }
0x6e: {  	[spmem:s1] =	stream.indirect.scatter.add.f32 [tilespmem:s18], [sflag:$0x5], $0x80, s17, s17, $0xb8;
	[tilespmem:$0x1BE00] =	vst v63  }
0x6f: {  	_ =	swait.ge [sflag:s16], $0x4000  }
0x70: {  	s26 =	sadd.s32 $0x1, s26;
	[sflag:s16] =	ssyncset.done $0x0  }
0x71: {  	p0 =	sne.s32 s26, s12;
	[sflag:s16] =	ssyncadd.s32 $0xFFFFC000  }
.Ltmp1:
0x72: {  	[bflag:$0x0] =	sbarrier.arrive $0xFFFF;
	(pc) =	sbr.rel @p0 .LBB2_1-.Ltmp1, $4  }
0x73: {  	[hbm:s11], [sflag:s8] =	dma.local [spmem:s15], $0x2780  }
0x74: {  	_ =	swait.ge [sflag:s16], $0x2780  }
0x75: {  	[sflag:s16] =	ssyncset.done $0x0  }
0x76: {  	[sflag:s16] =	ssyncadd.s32 $0xFFFFD880  }
0x77: {  	_ =	sfence.sel $0x180000  }
0x78: {  	[bflag:$0x0] =	sbarrier.arrive $0xFFFF  }
0x79: {  	p0 =	sne.s32 s2, $0x0;
	_ =	strace $0x9000004D  }
0x7a: {  	s0 =	sadd.s32 @!p0 $0x100000, s0;
	[bflag:$0x2] =	sbarrier.arrive $0xFFFF  }
0x7b: {  	[sflag:s0] =	ssyncadd.tile.s32 @!p0 $0x1;
	_ =	shalt  }
.Lfunc_end2:
_tile_overlayer_lowered:
.L_overlay_start_2:
0x7c: {  	(tag) =	ssettag $0x2  }
0x7d: {  	s0 =	rddreg [dreg:$0x0];
	s2 =	stileid.u32  }
0x7e: {  	s1 =	rddreg [dreg:$0x1];
	p0 =	sne.s32 s2, $0x0  }
0x7f: {  	s3 =	rddreg [dreg:$0x2];
	[bflag:$0x3] =	sbarrier.arrive $0xFFFF;
	s2 =	simm.s32 @!p0 $0x1C05  }
0x80: {  	[timem:s3], [sflag:s2] =	dma.local @!p0 [hbm:s0], s1  }
0x81: {  	s0 =	simm.s32 @!p0 $0x5  }
0x82: {  	_ =	swait.ge @!p0 [sflag:s0], s1  }
0x83: {  	s1 =	ssub.s32 @!p0 $0x0, s1;
	[sflag:s0] =	ssyncset.done @!p0 $0x0  }
0x84: {  	[sflag:s0] =	ssyncadd.s32 @!p0 s1  }
0x85: {  	[bflag:$0x3] =	sbarrier.arrive $0xFFFF  }
0x86: {  	_ =	shalt  }

// kernel: kernel.21.cloned.1.call-start
scs
__scs_entry_jumppad:
0x0: {  	(pc) =	sbr.rel $0x88, $3  }
0x1: {  	(tag) =	ssettag $0x0;
	lr =	simm.s32 $0x1  }
0x2: {  	[smem:$0x3F96] =	sst lr;
	_ =	strace $0xD0000000  }
0x3: {  	_ = 	snop  }
0x4: {  	_ = 	snop  }
0x5: {  	_ = 	snop  }
0x6: {  	_ = 	snop  }
0x7: {  	_ = 	snop  }
__scs_overlays_trampoline_lowered:
0x8: {  	[smem:$0x3FA5] =	sst s0  }
0x9: {  	[smem:$0x3FA6] =	sst s1  }
0xa: {  	[smem:$0x3FA7] =	sst s2  }
0xb: {  	[smem:$0x3FA8] =	sst s3  }
0xc: {  	[smem:$0x3FA9] =	sst s4  }
0xd: {  	[smem:$0x3FAA] =	sst s5  }
0xe: {  	[smem:$0x3FAB] =	sst s6  }
0xf: {  	[smem:$0x3FAC] =	sst s7  }
0x10: {  	[smem:$0x3FAD] =	sst s8  }
0x11: {  	[smem:$0x3FAE] =	sst s9;
	s0 =	simm.s32 @!p0 $0x0  }
0x12: {  	s1 =	sld [smem:$0x3F94];
	s0 =	simm.s32 @p0 $0x1  }
0x13: {  	[smem:$0x3FAF] =	sst s0;
	s0 =	simm.s32 @!p1 $0x0  }
0x14: {  	s2 =	sld [smem:$0x3F93];
	s0 =	simm.s32 @p1 $0x1  }
0x15: {  	[smem:$0x3FB0] =	sst s0;
	s0 =	simm.s32 @!p2 $0x0  }
0x16: {  	s3 =	sld [smem:$0x3FDB];
	s0 =	simm.s32 @p2 $0x1  }
0x17: {  	s4 =	simm.s32 $0x1BF5;
	[smem:$0x3FB2] =	sst s0  }
0x18: {  	s0 =	sld [smem:$0x3F95];
	_ =	swait.ge [sflag:s4], $0x0  }
0x19: {  	s7 =	sld [smem:$0x3F96]  }
0x1a: {  	s8 =	sadd.s32 $0xFFFFE003, lr  }
0x1b: {  	s9 =	sadd.s32 $0xFFFFFEF7, lr;
	s5 =	simm.s32 $0xFFFFFFFF;
	p2 =	slt.u32 s8, $0xFFFFF086  }
0x1c: {  	p1 =	slt.u32 s9, $0xF7A;
	s5 =	simm.s32 @!p2 $0x0  }
0x1d: {  	s5 =	simm.s32 @p1 $0x1;
	p0 =	seq.s32 s7, s2  }
0x1e: {  	s7 =	smul.u32 @!p0 $0xF7A, s2;
	p2 =	seq.s32 @!p0 s5, $0x0  }
0x1f: {  	s9 =	smul.u32 $0xF7A, s1;
	s8 =	simm.s32 @!p0 $0x1BF5;
	p2 =	por !p2, p0  }
0x20: {  	[sflag:s8] =	ssyncset.s32 @!p0 $0xFFFFF086;
	s6 =	sadd.s32 @!p0 s3, s7;
	s7 =	simm.s32 @!p0 $0x108  }
0x21: {  	s3 =	sadd.s32 s3, s9;
	s6 =	sadd.s32 @!p0 $0x88, s6;
	s7 =	simm.s32 @p2 $0x1082  }
0x22: {  	[simem:s7], [sflag:s8] =	dma.local @!p0 [hbm:s6], $0xF7A  }
0x23: {  	s9 =	sor.u32 $0xD0000000, s2;
	s6 =	simm.s32 $0x108;
	_ =	swait.ge @!p0 [sflag:s8], $0x0  }
0x24: {  	s3 =	sadd.s32 $0x88, s3;
	s6 =	simm.s32 @!p1 $0x1082;
	[sflag:s4] =	ssyncset.s32 $0xFFFFF086  }
0x25: {  	[simem:s6], [sflag:s4] =	dma.local [hbm:s3], $0xF7A  }
0x26: {  	[smem:$0x3F96] =	sst s1;
	(tag) =	ssettag s2;
	_ =	strace s9  }
0x27: {  	s1 =	sld [smem:$0x3FA6]  }
0x28: {  	s2 =	sld [smem:$0x3FA7]  }
0x29: {  	s4 =	sld [smem:$0x3FA9]  }
0x2a: {  	p0 =	seq.s32 s5, $0x0;
	s5 =	sld [smem:$0x3FAA]  }
0x2b: {  	s6 =	sld [smem:$0x3FAB]  }
0x2c: {  	s7 =	sld [smem:$0x3FAC]  }
0x2d: {  	s3 =	simm.s32 $0x108;
	s8 =	sld [smem:$0x3FAD]  }
0x2e: {  	s3 =	simm.s32 @!p0 $0x1082;
	s9 =	sld [smem:$0x3FAE]  }
0x2f: {  	lr =	sadd.s32 s0, s3;
	s0 =	sld [smem:$0x3FA5]  }
0x30: {  	s3 =	sld [smem:$0x3FA8]  }
0x31: {  	[smem:$0x3FB1] =	sst s10  }
0x32: {  	s10 =	sld [smem:$0x3FAF];
	_ =	sdelay $0x3  }
0x33: {  	p0 =	seq.s32 s10, $0x1;
	s10 =	sld [smem:$0x3FB1];
	_ =	sdelay $0x3  }
0x34: {  	[smem:$0x3FB1] =	sst s10  }
0x35: {  	s10 =	sld [smem:$0x3FB0];
	_ =	sdelay $0x3  }
0x36: {  	p1 =	seq.s32 s10, $0x1;
	s10 =	sld [smem:$0x3FB1];
	_ =	sdelay $0x3  }
0x37: {  	[smem:$0x3FB1] =	sst s10  }
0x38: {  	s10 =	sld [smem:$0x3FB2]  }
0x39: {  	_ = 	snop;
	(pc) =	sbr.ind lr, $3  }
0x3a: {  	_ = 	snop  }
0x3b: {  	_ = 	snop  }
0x3c: {  	p2 =	seq.s32 s10, $0x1;
	s10 =	sld [smem:$0x3FB1]  }
0x3d: {  	_ =	shalt  }
0x3e: {  	_ =	shalt  }
0x3f: {  	_ =	shalt  }
0x40: {  	_ =	shalt  }
0x41: {  	_ =	shalt  }
0x42: {  	_ =	shalt  }
0x43: {  	_ =	shalt  }
0x44: {  	_ =	shalt  }
0x45: {  	_ =	shalt  }
0x46: {  	_ =	shalt  }
0x47: {  	_ =	shalt  }
0x48: {  	_ =	shalt  }
0x49: {  	_ =	shalt  }
0x4a: {  	_ =	shalt  }
0x4b: {  	_ =	shalt  }
0x4c: {  	_ =	shalt  }
0x4d: {  	_ =	shalt  }
0x4e: {  	_ =	shalt  }
0x4f: {  	_ =	shalt  }
0x50: {  	_ =	shalt  }
0x51: {  	_ =	shalt  }
0x52: {  	_ =	shalt  }
0x53: {  	_ =	shalt  }
0x54: {  	_ =	shalt  }
0x55: {  	_ =	shalt  }
0x56: {  	_ =	shalt  }
0x57: {  	_ =	shalt  }
0x58: {  	_ =	shalt  }
0x59: {  	_ =	shalt  }
0x5a: {  	_ =	shalt  }
0x5b: {  	_ =	shalt  }
0x5c: {  	_ =	shalt  }
0x5d: {  	_ =	shalt  }
0x5e: {  	_ =	shalt  }
0x5f: {  	_ =	shalt  }
0x60: {  	_ =	shalt  }
0x61: {  	_ =	shalt  }
0x62: {  	_ =	shalt  }
0x63: {  	_ =	shalt  }
0x64: {  	_ =	shalt  }
0x65: {  	_ =	shalt  }
0x66: {  	_ =	shalt  }
0x67: {  	_ =	shalt  }
0x68: {  	_ =	shalt  }
0x69: {  	_ =	shalt  }
0x6a: {  	_ =	shalt  }
0x6b: {  	_ =	shalt  }
0x6c: {  	_ =	shalt  }
0x6d: {  	_ =	shalt  }
0x6e: {  	_ =	shalt  }
0x6f: {  	_ =	shalt  }
0x70: {  	_ =	shalt  }
0x71: {  	_ =	shalt  }
0x72: {  	_ =	shalt  }
0x73: {  	_ =	shalt  }
0x74: {  	_ =	shalt  }
0x75: {  	_ =	shalt  }
0x76: {  	_ =	shalt  }
0x77: {  	_ =	shalt  }
0x78: {  	_ =	shalt  }
0x79: {  	_ =	shalt  }
0x7a: {  	_ =	shalt  }
0x7b: {  	_ =	shalt  }
0x7c: {  	_ =	shalt  }
0x7d: {  	_ =	shalt  }
0x7e: {  	_ =	shalt  }
0x7f: {  	_ =	shalt  }
0x80: {  	_ =	shalt  }
0x81: {  	_ =	shalt  }
0x82: {  	_ =	shalt  }
0x83: {  	_ =	shalt  }
0x84: {  	_ =	shalt  }
0x85: {  	_ =	shalt  }
0x86: {  	_ =	shalt  }
0x87: {  	_ =	shalt  }
.Lfunc_end0:
.L_simem_size_0:
called_computation.3_lowered:
.L_overlay_start_0:
0x88: {  	s2 =	sld [smem:$0x3FD9]  }
0x89: {  	s3 =	sld [smem:$0x3FFE];
	_ =	sdelay $0x1  }
0x8a: {  	s1 =	srdreg.scid  }
0x8b: {  	s0 =	sand.u32 $0x1, s1  }
0x8c: {  	s16 =	sshll.u32 s0, $0xA;
	s2 =	sadd.s32 s3, s2  }
0x8d: {  	s2 =	sadd.s32 s2, s16  }
0x8e: {  	[smem:$0x3FBD] =	sst s2  }
0x8f: {  	_ = 	snop  }
0x90: {  	(tm) =	ssettm $0x1  }
0x91: {  	s17 =	sld [smem:$0x3FFB];
	_ =	sdelay $0x3  }
0x92: {  	_ =	strace s17  }
0x93: {  	s2 =	sld [smem:$0x3FFC];
	_ =	sdelay $0x3  }
0x94: {  	_ =	strace s2  }
0x95: {  	s2 =	sld [smem:$0x3FFD];
	_ =	sdelay $0x3  }
0x96: {  	_ =	strace s2  }
0x97: {  	_ =	strace $0x8FFFFFFF  }
0x98: {  	s18 =	sld [smem:$0x3FDB];
	_ =	sdelay $0x1  }
0x99: {  	s19 =	simm.s32 $_scs_section_size  }
0x9a: {  	s4 =	simm.s32 $_size__tile_overlayer_lowered;
	s5 =	simm.s32 $_tile_overlayer_lowered  }
0x9b: {  	s22 =	simm.s32 $0x1BFF;
	s21 =	sshll.u32 s5, $0x1;
	s2 =	sadd.s32 s19, s18  }
0x9c: {  	s6 =	simm.s32 $0x0;
	s20 =	sshll.u32 s4, $0x1;
	s4 =	sadd.s32 s21, s2  }
0x9d: {  	[timem:s6], [sflag:s22] =	dma.local [hbm:s4], s20  }
0x9e: {  	_ =	swait.ge [sflag:s22], s20  }
0x9f: {  	s3 =	ssub.s32 $0x0, s20;
	[sflag:s22] =	ssyncset.done $0x0  }
0xa0: {  	[sflag:s22] =	ssyncadd.s32 s3;
	_ =	sdelay $0x1  }
0xa1: {  	s23 =	simm.s32 $0x1B8B  }
0xa2: {  	_ =	swait.ge [sflag:s23], $0x1  }
0xa3: {  	[sflag:s23] =	ssyncset.done $0x0  }
0xa4: {  	s25 =	simm.s32 $0x1B8E;
	s24 =	sld [smem:$0x3FFE];
	[sflag:s23] =	ssyncadd.s32 $0xFFFFFFFF  }
0xa5: {  	s26 =	simm.s32 $execute0_lowered;
	[smem:$0x3FD2] =	sst s25  }
0xa6: {  	s4 =	sshll.u32 s26, $0x1;
	_ =	strace $0x8000004F;
	[dreg:$0x1] =	wrdreg $0xFFFFFFFF  }
0xa7: {  	s28 =	simm.s32 $_size_execute0_lowered;
	s2 =	sadd.s32 s2, s4;
	[dreg:$0x0] =	wrdreg $0x0  }
0xa8: {  	s4 =	sshll.u32 s28, $0x1;
	[dreg:$0x2] =	wrdreg s2  }
0xa9: {  	[dreg:$0x3] =	wrdreg s4  }
0xaa: {  	[dreg:$0x4] =	wrdreg $0xC0  }
0xab: {  	_ =	task [dreg:s6], $0x5FFFF  }
0xac: {  	[dreg:$0x1] =	wrdreg $0xFFFFFFFF  }
0xad: {  	[dreg:$0x0] =	wrdreg $0x60  }
0xae: {  	[dreg:$0x2] =	wrdreg s24  }
0xaf: {  	[dreg:$0x3] =	wrdreg $0x82000  }
0xb0: {  	[dreg:$0x4] =	wrdreg $0x9  }
0xb1: {  	_ =	task.clear_ibuf [dreg:s6], $0x5FFFF;
	_ =	strace $0x9000004F  }
0xb2: {  	s29 =	simm.s32 $0x9;
	_ =	strace $0x80000051  }
0xb3: {  	_ =	swait.ge [sflag:s29], $0x1  }
0xb4: {  	[sflag:s29] =	ssyncadd.s32 $0xFFFFFFFF  }
0xb5: {  	_ =	strace $0x90000051  }
0xb6: {  	_ =	sfence  }
0xb7: {  	s30 =	sld [smem:$0x0];
	_ =	sdelay $0x2  }
0xb8: {  	s31 =	sshll.u32 s1, $0xD;
	s1 =	sshrl.u32 s1, $0x2  }
0xb9: {  	s3 =	sand.u32 $0x4000, s31;
	s1 =	sadd.s32 s1, s30  }
0xba: {  	s0 =	sor.u32 s3, s0;
	s1 =	sshll.u32 s1, $0x11  }
0xbb: {  	s0 =	sor.u32 s1, s0  }
0xbc: {  	s0 =	sadd.s32 $0x8F2B, s0  }
0xbd: {  	[sflag:s0] =	ssyncadd.remote.s32 $0x1  }
0xbe: {  	_ =	sfence.sel $0xFFFF  }
0xbf: {  	[dreg:$0x0] =	wrdreg $0xFFFFFFFF;
	(pc) =	sbr.abs _section_cstart, $3  }
0xc0: {  	[dreg:$0x1] =	wrdreg $0xFFFFFFFF  }
0xc1: {  	_ =	task.clear_ibuf [dreg:s6], $0x2FFFF;
	_ =	strace $0x9FFFFFFF  }
0xc2: {  	(tm) =	ssettm $0x7FFFFFFF  }
0xc3: {  	_ =	shalt  }
tec
execute0_lowered:
.L_overlay_start_1:
0x0: {  	(tag) =	ssettag $0x1  }
0x1: {  	s7 =	rddreg [dreg:$0x0]  }
0x2: {  	s1 =	rddreg [dreg:$0x1]  }
0x3: {  	s0 =	rddreg [dreg:$0x2];
	s3 =	simm.s32 $0x0;
	s2 =	srdreg.scid  }
0x4: {  	s17 =	simm.s32 $0x80;
	s18 =	simm.s32 $0x200;
	s19 =	simm.s32 $0x100  }
0x5: {  	s20 =	simm.s32 $0x4200;
	s21 =	simm.s32 $0x1;
	s8 =	sand.u32 $0x1, s2  }
0x6: {  	s22 =	simm.s32 $0x3;
	s2 =	stileid.u32;
	s9 =	smul.u32 $0x13C000, s8  }
0x7: {  	s23 =	simm.s32 $0x2;
	[smem:$0x7FF] =	sst s3;
	s10 =	smul.u32 $0x13C00, s2  }
0x8: {  	s4 =	sadd.s32 $0x17000, s7;
	s5 =	sadd.s32 $0x3400, s7;
	s11 =	smul.u32 $0x4F000, s8  }
0x9: {  	s6 =	sadd.s32 $0x3E200, s7;
	_ =	strace $0x80000050;
	s24 =	smul.u32 $0x4F00, s2  }
0xa: {  	s8 =	ssub.s32 $0x2, s8;
	s12 =	smul.u32 $0x4F000, s2;
	s29 =	sshll.u32 s2, $0x6  }
0xb: {  	s25 =	sshrl.u32 s8, $0x1;
	s9 =	sadd.s32 s10, s9;
	s14 =	sadd.s32 s24, s11  }
0xc: {  	s15 =	ssub.s32 s8, s25;
	s26 =	sshrl.u32 s12, $0x2;
	s8 =	sor.u32 $0x1C05, s29  }
0xd: {  	s24 =	simm.s32 $0x180;
	s25 =	simm.s32 $0x4;
	s9 =	sshrl.u32 s9, $0x3  }
0xe: {  	s28 =	sshrl.u32 s14, $0x3;
	s16 =	sadd.s32 s26, s1;
	s30 =	sadd.s32 $0x300, s14  }
0xf: {  	s12 =	smax.u32 s15, $0x1;
	s14 =	sadd.s32 $0x200, s14;
	s26 =	simm.s32 $0x0  }
0x10: {  	s13 =	sadd.s32 s9, s7;
	s7 =	sadd.s32 s5, s28;
	s31 =	sshrl.u32 s30, $0x3  }
0x11: {  	s15 =	sshrl.u32 s16, $0x3;
	s16 =	simm.s32 $0x5;
	s9 =	sadd.s32 $0x20, s7  }
0x12: {  	s10 =	sadd.s32 $0x9C0, s7;
	s11 =	sadd.s32 $0x40A00, s13;
	s13 =	sadd.s32 s31, s5  }
.LBB2_1:
0x13: {  	[spmem:s15], [sflag:s8] =	dma.local [hbm:s6], $0x2780  }
0x14: {  	_ =	swait.ge [sflag:s16], $0x2780  }
0x15: {  	[sflag:s16] =	ssyncset.done $0x0  }
0x16: {  	[sflag:s16] =	ssyncadd.s32 $0xFFFFD880  }
0x17: {  	[bflag:$0x0] =	sbarrier.arrive $0xFFFF  }
0x18: {  	[tilespmem:s3], [sflag:$0x5] =	stream.linear.gather [hbm4b:s7+s3], $0x100, $0x38;
	[tilespmem:$0x1BE00] =	vst v63  }
0x19: {  	_ =	swait.ge [sflag:s16], $0x100  }
0x1a: {  	[sflag:s16] =	ssyncset.done $0x0  }
0x1b: {  	[sflag:s16] =	ssyncadd.s32 $0xFFFFFF00  }
0x1c: {  	[tilespmem:s18], [sflag:$0x1] =	stream.indirect.gather [hbm4b:s4+s17], $0x80, s3, s17, $0xb8;
	[tilespmem:$0x1BE00] =	vst v63  }
0x1d: {  	_ = 	snop  }
0x1e: {  	[tilespmem:s19], [sflag:$0x5] =	stream.linear.gather [hbm4b:s9+s3], $0x100, $0x38;
	[tilespmem:$0x1BE00] =	vst v63  }
0x1f: {  	_ =	swait.ge [sflag:s16], $0x100  }
0x20: {  	[sflag:s16] =	ssyncset.done $0x0  }
0x21: {  	[sflag:s16] =	ssyncadd.s32 $0xFFFFFF00  }
0x22: {  	[tilespmem:s20], [sflag:$0x2] =	stream.indirect.gather [hbm4b:s4+s17], $0x80, s19, s17, $0xb8;
	[tilespmem:$0x1BE00] =	vst v63  }
0x23: {  	_ =	swait.ge [sflag:s21], $0x4000  }
0x24: {  	[sflag:s21] =	ssyncset.done $0x0  }
0x25: {  	s28 =	sshrl.u32 s14, $0x3;
	[sflag:s21] =	ssyncadd.s32 $0xFFFFC000  }
0x26: {  	[spmem:s1] =	stream.indirect.scatter.add.f32 [tilespmem:s18], [sflag:$0x3], $0x80, s17, s17, $0xb8;
	[tilespmem:$0x1BE00] =	vst v63  }
0x27: {  	s28 =	sadd.s32 s5, s28  }
0x28: {  	[tilespmem:s3], [sflag:$0x5] =	stream.linear.gather [hbm4b:s28+s3], $0x100, $0x38;
	[tilespmem:$0x1BE00] =	vst v63  }
0x29: {  	_ =	swait.ge [sflag:s16], $0x100  }
0x2a: {  	[sflag:s16] =	ssyncset.done $0x0  }
0x2b: {  	[sflag:s16] =	ssyncadd.s32 $0xFFFFFF00  }
0x2c: {  	_ =	swait.ge [sflag:s22], $0x4000  }
0x2d: {  	[sflag:s22] =	ssyncset.done $0x0  }
0x2e: {  	[sflag:s22] =	ssyncadd.s32 $0xFFFFC000  }
0x2f: {  	[tilespmem:s18], [sflag:$0x1] =	stream.indirect.gather [hbm4b:s4+s17], $0x80, s3, s17, $0xb8;
	[tilespmem:$0x1BE00] =	vst v63  }
0x30: {  	_ =	swait.ge [sflag:s23], $0x4000  }
0x31: {  	[sflag:s23] =	ssyncset.done $0x0  }
0x32: {  	[sflag:s23] =	ssyncadd.s32 $0xFFFFC000  }
0x33: {  	[spmem:s1] =	stream.indirect.scatter.add.f32 [tilespmem:s20], [sflag:$0x4], $0x80, s24, s17, $0xb8;
	[tilespmem:$0x1BE00] =	vst v63  }
0x34: {  	s28 =	sadd.s32 $0x0, s13  }
0x35: {  	[tilespmem:s19], [sflag:$0x5] =	stream.linear.gather [hbm4b:s28+s3], $0x100, $0x38;
	[tilespmem:$0x1BE00] =	vst v63  }
0x36: {  	_ =	swait.ge [sflag:s16], $0x100  }
0x37: {  	[sflag:s16] =	ssyncset.done $0x0  }
0x38: {  	[sflag:s16] =	ssyncadd.s32 $0xFFFFFF00  }
0x39: {  	_ =	swait.ge [sflag:s25], $0x4000  }
0x3a: {  	[sflag:s25] =	ssyncset.done $0x0  }
0x3b: {  	s29 =	sadd.s32 $0x200, s14;
	s28 =	simm.s32 $0x40;
	[sflag:s25] =	ssyncadd.s32 $0xFFFFC000  }
.LBB2_2:
0x3c: {  	[tilespmem:s20], [sflag:$0x2] =	stream.indirect.gather [hbm4b:s4+s17], $0x80, s19, s17, $0xb8;
	[tilespmem:$0x1BE00] =	vst v63  }
0x3d: {  	s30 =	smov.u32 s28  }
0x3e: {  	p0 =	sne.s32 s28, $0x940;
	s28 =	sadd.s32 $0x40, s28;
	_ =	swait.ge [sflag:s21], $0x4000  }
0x3f: {  	[sflag:s21] =	ssyncset.done $0x0  }
0x40: {  	s31 =	sshrl.u32 s29, $0x3;
	[sflag:s21] =	ssyncadd.s32 $0xFFFFC000  }
0x41: {  	[spmem:s1] =	stream.indirect.scatter.add.f32 [tilespmem:s18], [sflag:$0x3], $0x80, s17, s17, $0xb8;
	[tilespmem:$0x1BE00] =	vst v63  }
0x42: {  	s31 =	sadd.s32 s5, s31  }
0x43: {  	[tilespmem:s3], [sflag:$0x5] =	stream.linear.gather [hbm4b:s31+s3], $0x100, $0x38;
	[tilespmem:$0x1BE00] =	vst v63  }
0x44: {  	_ =	swait.ge [sflag:s16], $0x100  }
0x45: {  	[sflag:s16] =	ssyncset.done $0x0  }
0x46: {  	[sflag:s16] =	ssyncadd.s32 $0xFFFFFF00  }
0x47: {  	_ =	swait.ge [sflag:s22], $0x4000  }
0x48: {  	[sflag:s22] =	ssyncset.done $0x0  }
0x49: {  	[sflag:s22] =	ssyncadd.s32 $0xFFFFC000  }
0x4a: {  	[tilespmem:s18], [sflag:$0x1] =	stream.indirect.gather [hbm4b:s4+s17], $0x80, s3, s17, $0xb8;
	[tilespmem:$0x1BE00] =	vst v63  }
0x4b: {  	_ =	swait.ge [sflag:s23], $0x4000  }
0x4c: {  	[sflag:s23] =	ssyncset.done $0x0  }
0x4d: {  	[sflag:s23] =	ssyncadd.s32 $0xFFFFC000  }
0x4e: {  	[spmem:s1] =	stream.indirect.scatter.add.f32 [tilespmem:s20], [sflag:$0x4], $0x80, s24, s17, $0xb8;
	[tilespmem:$0x1BE00] =	vst v63  }
0x4f: {  	s30 =	sadd.s32 s30, s13  }
0x50: {  	[tilespmem:s19], [sflag:$0x5] =	stream.linear.gather [hbm4b:s30+s3], $0x100, $0x38;
	[tilespmem:$0x1BE00] =	vst v63  }
0x51: {  	_ =	swait.ge [sflag:s16], $0x100  }
.Ltmp0:
0x52: {  	[sflag:s16] =	ssyncset.done $0x0;
	(pc) =	sbr.rel @p0 .LBB2_2-.Ltmp0, $4  }
0x53: {  	[sflag:s16] =	ssyncadd.s32 $0xFFFFFF00  }
0x54: {  	_ =	swait.ge [sflag:s25], $0x4000  }
0x55: {  	[sflag:s25] =	ssyncset.done $0x0  }
0x56: {  	s29 =	sadd.s32 $0x200, s29;
	[sflag:s25] =	ssyncadd.s32 $0xFFFFC000  }
0x57: {  	[tilespmem:s20], [sflag:$0x2] =	stream.indirect.gather [hbm4b:s4+s17], $0x80, s19, s17, $0xb8;
	[tilespmem:$0x1BE00] =	vst v63  }
0x58: {  	_ =	swait.ge [sflag:s21], $0x4000  }
0x59: {  	[sflag:s21] =	ssyncset.done $0x0  }
0x5a: {  	[sflag:s21] =	ssyncadd.s32 $0xFFFFC000  }
0x5b: {  	[spmem:s1] =	stream.indirect.scatter.add.f32 [tilespmem:s18], [sflag:$0x5], $0x80, s17, s17, $0xb8;
	[tilespmem:$0x1BE00] =	vst v63  }
0x5c: {  	_ =	swait.ge [sflag:s16], $0x4000  }
0x5d: {  	[sflag:s16] =	ssyncset.done $0x0  }
0x5e: {  	[sflag:s16] =	ssyncadd.s32 $0xFFFFC000  }
0x5f: {  	[tilespmem:s3], [sflag:$0x5] =	stream.linear.gather [hbm4b:s10+s3], $0x100, $0x38;
	[tilespmem:$0x1BE00] =	vst v63  }
0x60: {  	_ =	swait.ge [sflag:s16], $0x100  }
0x61: {  	[sflag:s16] =	ssyncset.done $0x0  }
0x62: {  	[sflag:s16] =	ssyncadd.s32 $0xFFFFFF00  }
0x63: {  	[tilespmem:s18], [sflag:$0x1] =	stream.indirect.gather [hbm4b:s4+s17], $0x80, s3, s17, $0xb8;
	[tilespmem:$0x1BE00] =	vst v63  }
0x64: {  	_ =	swait.ge [sflag:s23], $0x4000  }
0x65: {  	[sflag:s23] =	ssyncset.done $0x0  }
0x66: {  	[sflag:s23] =	ssyncadd.s32 $0xFFFFC000  }
0x67: {  	[spmem:s1] =	stream.indirect.scatter.add.f32 [tilespmem:s20], [sflag:$0x5], $0x80, s24, s17, $0xb8;
	[tilespmem:$0x1BE00] =	vst v63  }
0x68: {  	_ =	swait.ge [sflag:s16], $0x4000  }
0x69: {  	[sflag:s16] =	ssyncset.done $0x0  }
0x6a: {  	[sflag:s16] =	ssyncadd.s32 $0xFFFFC000  }
0x6b: {  	_ =	swait.ge [sflag:s21], $0x4000  }
0x6c: {  	[sflag:s21] =	ssyncset.done $0x0  }
0x6d: {  	[sflag:s21] =	ssyncadd.s32 $0xFFFFC000  }
0x6e: {  	[spmem:s1] =	stream.indirect.scatter.add.f32 [tilespmem:s18], [sflag:$0x5], $0x80, s17, s17, $0xb8;
	[tilespmem:$0x1BE00] =	vst v63  }
0x6f: {  	_ =	swait.ge [sflag:s16], $0x4000  }
0x70: {  	s26 =	sadd.s32 $0x1, s26;
	[sflag:s16] =	ssyncset.done $0x0  }
0x71: {  	p0 =	sne.s32 s26, s12;
	[sflag:s16] =	ssyncadd.s32 $0xFFFFC000  }
.Ltmp1:
0x72: {  	[bflag:$0x0] =	sbarrier.arrive $0xFFFF;
	(pc) =	sbr.rel @p0 .LBB2_1-.Ltmp1, $4  }
0x73: {  	[hbm:s11], [sflag:s8] =	dma.local [spmem:s15], $0x2780  }
0x74: {  	_ =	swait.ge [sflag:s16], $0x2780  }
0x75: {  	[sflag:s16] =	ssyncset.done $0x0  }
0x76: {  	[sflag:s16] =	ssyncadd.s32 $0xFFFFD880  }
0x77: {  	_ =	sfence.sel $0x180000  }
0x78: {  	[bflag:$0x0] =	sbarrier.arrive $0xFFFF  }
0x79: {  	p0 =	sne.s32 s2, $0x0;
	_ =	strace $0x90000050  }
0x7a: {  	s0 =	sadd.s32 @!p0 $0x100000, s0;
	[bflag:$0x2] =	sbarrier.arrive $0xFFFF  }
0x7b: {  	[sflag:s0] =	ssyncadd.tile.s32 @!p0 $0x1;
	_ =	shalt  }
.Lfunc_end2:
_tile_overlayer_lowered:
.L_overlay_start_2:
0x7c: {  	(tag) =	ssettag $0x2  }
0x7d: {  	s0 =	rddreg [dreg:$0x0];
	s2 =	stileid.u32  }
0x7e: {  	s1 =	rddreg [dreg:$0x1];
	p0 =	sne.s32 s2, $0x0  }
0x7f: {  	s3 =	rddreg [dreg:$0x2];
	[bflag:$0x3] =	sbarrier.arrive $0xFFFF;
	s2 =	simm.s32 @!p0 $0x1C05  }
0x80: {  	[timem:s3], [sflag:s2] =	dma.local @!p0 [hbm:s0], s1  }
0x81: {  	s0 =	simm.s32 @!p0 $0x5  }
0x82: {  	_ =	swait.ge @!p0 [sflag:s0], s1  }
0x83: {  	s1 =	ssub.s32 @!p0 $0x0, s1;
	[sflag:s0] =	ssyncset.done @!p0 $0x0  }
0x84: {  	[sflag:s0] =	ssyncadd.s32 @!p0 s1  }
0x85: {  	[bflag:$0x3] =	sbarrier.arrive $0xFFFF  }
0x86: {  	_ =	shalt  }

</sc_bundles>
